<compile_context>
chip_gen: v7x
topology: tpu7x:2x2x1
jax: 0.10.2.dev20260603
libtpu: 0.0.44.dev20260713+nightly
codegen_flags: <defaults>
</compile_context>

<pallas_src>
import functools

import jax
import jax.numpy as jnp
from jax import lax
from jax.experimental import pallas as pl
from jax.experimental.pallas import tpu as pltpu
from jax.experimental.pallas import tpu_sc as plsc

NC = 2
NS = 16
NW = NC * NS
K = 128
G = 64
PAD = 8
ALPHA = 0.92



def _sc_mesh():
    return plsc.VectorSubcoreMesh(
        core_axis_name="c", subcore_axis_name="s", num_cores=NC,
        num_subcores=NS)


def _tile_slab_copy(src, dst, sid, N):
    rpt = (N // NS) // 8 * 8
    tail = N - NS * rpt
    pltpu.sync_copy(src.at[pl.ds(sid * rpt, rpt)],
                    dst.at[pl.ds(sid * rpt, rpt)])
    if tail:
        @pl.when(sid == NS - 1)
        def _():
            pltpu.sync_copy(src.at[pl.ds(NS * rpt, tail)],
                            dst.at[pl.ds(NS * rpt, tail)])


def _make_deg_kernel(N, H, C0, C1):

    @functools.partial(
        pl.kernel,
        out_type=jax.ShapeDtypeStruct((NC, N, H), jnp.float32),
        mesh=_sc_mesh(),
        scratch_types=[
            pltpu.VMEM((1, K), jnp.int32),
            pltpu.VMEM((1, K), jnp.int32),
            pltpu.VMEM((K, H), jnp.float32),
            pltpu.VMEM_SHARED((N + PAD, H), jnp.float32),
            pltpu.SemaphoreType.DMA,
            pltpu.SemaphoreType.DMA,
        ],
    )
    def deg_kernel(dst_hbm, ones_hbm, zeros_hbm, out_hbm,
                   i0, i1, onesv, acc, semi0, semi1):
        cid = lax.axis_index("c")
        sid = lax.axis_index("s")
        wid = cid * NS + sid
        cw = jnp.where(cid == 0, C0, C1)
        my_dst = dst_hbm.at[wid]
        pltpu.sync_copy(ones_hbm, onesv)
        _tile_slab_copy(zeros_hbm, acc, sid, N + PAD)
        plsc.subcore_barrier()

        pltpu.async_copy(my_dst.at[0], i0, semi0)

        @pl.loop(0, cw // 2)
        def _(p):
            i = 2 * p
            pltpu.make_async_copy(my_dst.at[i], i0, semi0).wait()
            pltpu.async_copy(my_dst.at[i + 1], i1, semi1)
            pltpu.sync_copy(onesv, acc.at[i0.at[0]], add=True)
            pltpu.make_async_copy(my_dst.at[i + 1], i1, semi1).wait()

            @pl.when(i + 2 < cw)
            def _():
                pltpu.async_copy(my_dst.at[i + 2], i0, semi0)

            pltpu.sync_copy(onesv, acc.at[i1.at[0]], add=True)

        plsc.subcore_barrier()
        _tile_slab_copy(acc, out_hbm.at[cid], sid, N)

    return deg_kernel


def _make_agg_kernel(N, H, C0, C1):

    @functools.partial(
        pl.kernel,
        out_type=jax.ShapeDtypeStruct((NC, N, H), jnp.float32),
        mesh=_sc_mesh(),
        scratch_types=(
            [pltpu.VMEM((1, K), jnp.int32)] * 4 +
            [pltpu.VMEM((K, H), jnp.float32)] * 2 +
            [pltpu.VMEM_SHARED((N + PAD, H), jnp.float32)] +
            [pltpu.SemaphoreType.DMA] * 6
        ),
    )
    def agg_kernel(g_hbm, src_hbm, dst_hbm, zeros_hbm, out_hbm,
                   s0, s1, d0, d1, bufa, bufb, acc, *sems):
        ss0, ss1, ds0, ds1, ga, gb = sems
        cid = lax.axis_index("c")
        sid = lax.axis_index("s")
        wid = cid * NS + sid
        cw = jnp.where(cid == 0, C0, C1)
        my_src = src_hbm.at[wid]
        my_dst = dst_hbm.at[wid]
        _tile_slab_copy(zeros_hbm, acc, sid, N + PAD)
        plsc.subcore_barrier()

        pltpu.async_copy(my_src.at[0], s0, ss0)
        pltpu.async_copy(my_src.at[1], s1, ss1)
        pltpu.async_copy(my_dst.at[0], d0, ds0)
        pltpu.async_copy(my_dst.at[1], d1, ds1)
        pltpu.make_async_copy(my_src.at[0], s0, ss0).wait()
        pltpu.async_copy(g_hbm.at[s0.at[0]], bufa, ga)

        @pl.loop(0, cw // 2)
        def _(pr):
            i = 2 * pr
            pltpu.make_async_copy(my_src.at[i + 1], s1, ss1).wait()
            pltpu.async_copy(g_hbm.at[s1.at[0]], bufb, gb)
            pltpu.make_async_copy(g_hbm.at[s0.at[0]], bufa, ga).wait()

            @pl.when(i + 2 < cw)
            def _():
                pltpu.async_copy(my_src.at[i + 2], s0, ss0)

            pltpu.make_async_copy(my_dst.at[i], d0, ds0).wait()
            pltpu.sync_copy(bufa, acc.at[d0.at[0]], add=True)

            @pl.when(i + 2 < cw)
            def _():
                pltpu.async_copy(my_dst.at[i + 2], d0, ds0)
                pltpu.make_async_copy(my_src.at[i + 2], s0, ss0).wait()
                pltpu.async_copy(g_hbm.at[s0.at[0]], bufa, ga)

            pltpu.make_async_copy(g_hbm.at[s1.at[0]], bufb, gb).wait()

            @pl.when(i + 3 < cw)
            def _():
                pltpu.async_copy(my_src.at[i + 3], s1, ss1)

            pltpu.make_async_copy(my_dst.at[i + 1], d1, ds1).wait()
            pltpu.sync_copy(bufb, acc.at[d1.at[0]], add=True)

            @pl.when(i + 3 < cw)
            def _():
                pltpu.async_copy(my_dst.at[i + 3], d1, ds1)

        plsc.subcore_barrier()
        _tile_slab_copy(acc, out_hbm.at[cid], sid, N)

    return agg_kernel



def _prep_body(degp_ref, x_ref, w_ref, dinv_ref, g_ref):
    deg = degp_ref[0, :, 0:1] + degp_ref[1, :, 0:1] + 1.0
    dinv = lax.rsqrt(deg)
    dinv_ref[...] = dinv
    xw = jnp.dot(x_ref[...], w_ref[...], preferred_element_type=jnp.float32)
    g_ref[...] = xw * dinv


def _combine_body(agg_ref, g_ref, dinv_ref, b_ref, w_ref,
                  h_ref, r_ref, gn_ref):
    dinv = dinv_ref[...]
    s = agg_ref[0] + agg_ref[1] + g_ref[...]
    h = dinv * s + b_ref[...]
    h_ref[...] = h
    r = jnp.maximum(h, 0.0)
    r_ref[...] = r
    gn_ref[...] = dinv * jnp.dot(r, w_ref[...],
                                 preferred_element_type=jnp.float32)


def _make_combine3_body(nb):
    def body(agg_ref, g_ref, dinv_ref, b_ref, batch_ref,
             h4_ref, h5_ref, sm_ref, sums_acc, cnt_acc):
        i = pl.program_id(0)
        s = agg_ref[0] + agg_ref[1] + g_ref[...]
        h4 = dinv_ref[...] * s + b_ref[...]
        h4_ref[...] = h4

        bb = batch_ref[0]
        gid = lax.broadcasted_iota(jnp.int32, (G, bb.shape[1]), 0)
        p = (gid == bb).astype(jnp.float32)

        @pl.when(i == 0)
        def _():
            sums_acc[...] = jnp.zeros_like(sums_acc)
            cnt_acc[...] = jnp.zeros_like(cnt_acc)

        sums_acc[...] += jnp.dot(p, h4, preferred_element_type=jnp.float32)
        cnt_acc[...] += jnp.sum(p, axis=1, keepdims=True)

        @pl.when(i == nb - 1)
        def _():
            h5 = sums_acc[...] / jnp.maximum(cnt_acc[...], 1.0)
            h5_ref[...] = h5
            m = jnp.max(h5, axis=1, keepdims=True)
            e = jnp.exp(h5 - m)
            sm_ref[...] = e / jnp.sum(e, axis=1, keepdims=True)

    return body


def kernel(x, edge_index, batch, W1, b1, W2, b2, W3, b3):
    N, D = x.shape
    H = W1.shape[1]
    E = edge_index.shape[1]
    ct = -(-E // (NS * K))
    C0 = max(2, -(-int(ct * ALPHA) // 2) * 2)
    C1 = max(2, -(-(ct - C0) // 2) * 2)
    Ep = NS * K * (C0 + C1)
    pad = jnp.full((2, Ep - E), N, jnp.int32)
    eidx = jnp.concatenate([edge_index, pad], axis=1)
    cmax = max(C0, C1)
    a = eidx[:, :NS * C0 * K].reshape(2, NS, C0, 1, K)
    b = eidx[:, NS * C0 * K:].reshape(2, NS, C1, 1, K)
    if C1 < cmax:
        bpad = jnp.full((2, NS, cmax - C1, 1, K), N, jnp.int32)
        b = jnp.concatenate([b, bpad], axis=2)
    elif C0 < cmax:
        apad = jnp.full((2, NS, cmax - C0, 1, K), N, jnp.int32)
        a = jnp.concatenate([a, apad], axis=2)
    full = jnp.concatenate([a, b], axis=1)
    src_r = full[0]
    dst_r = full[1]
    zeros_nh = jnp.zeros((N + PAD, H), jnp.float32)
    ones_kh = jnp.ones((K, H), jnp.float32)

    deg_kernel = _make_deg_kernel(N, H, C0, C1)
    agg_kernel = _make_agg_kernel(N, H, C0, C1)

    degp = deg_kernel(dst_r, ones_kh, zeros_nh)

    B = 1000
    nb = N // B
    grid = (nb,)
    row_b = lambda i: (i, 0)
    full_b = lambda i: (0, 0)

    b1r = b1.reshape(1, H)
    b2r = b2.reshape(1, H)
    b3r = b3.reshape(1, H)
    batch_r = batch.reshape(nb, 1, B)

    dinv, g1 = pl.pallas_call(
        _prep_body,
        grid=grid,
        in_specs=[
            pl.BlockSpec((NC, B, H), lambda i: (0, i, 0)),
            pl.BlockSpec((B, D), row_b),
            pl.BlockSpec((D, H), full_b),
        ],
        out_specs=[
            pl.BlockSpec((B, 1), row_b),
            pl.BlockSpec((B, H), row_b),
        ],
        out_shape=[
            jax.ShapeDtypeStruct((N, 1), jnp.float32),
            jax.ShapeDtypeStruct((N + PAD, H), jnp.float32),
        ],
    )(degp, x, W1)

    def combine(agg, g, bias, w_next):
        return pl.pallas_call(
            _combine_body,
            grid=grid,
            in_specs=[
                pl.BlockSpec((NC, B, H), lambda i: (0, i, 0)),
                pl.BlockSpec((B, H), row_b),
                pl.BlockSpec((B, 1), row_b),
                pl.BlockSpec((1, H), full_b),
                pl.BlockSpec((H, H), full_b),
            ],
            out_specs=[
                pl.BlockSpec((B, H), row_b),
                pl.BlockSpec((B, H), row_b),
                pl.BlockSpec((B, H), row_b),
            ],
            out_shape=[
                jax.ShapeDtypeStruct((N, H), jnp.float32),
                jax.ShapeDtypeStruct((N, H), jnp.float32),
                jax.ShapeDtypeStruct((N + PAD, H), jnp.float32),
            ],
        )(agg, g, dinv, bias, w_next)

    agg1 = agg_kernel(g1, src_r, dst_r, zeros_nh)
    h, h1, g2 = combine(agg1, g1, b1r, W2)
    agg2 = agg_kernel(g2, src_r, dst_r, zeros_nh)
    h2, h3, g3 = combine(agg2, g2, b2r, W3)
    agg3 = agg_kernel(g3, src_r, dst_r, zeros_nh)

    h4, h5, out = pl.pallas_call(
        _make_combine3_body(nb),
        grid=grid,
        in_specs=[
            pl.BlockSpec((NC, B, H), lambda i: (0, i, 0)),
            pl.BlockSpec((B, H), row_b),
            pl.BlockSpec((B, 1), row_b),
            pl.BlockSpec((1, H), full_b),
            pl.BlockSpec((1, 1, B), lambda i: (i, 0, 0)),
        ],
        out_specs=[
            pl.BlockSpec((B, H), row_b),
            pl.BlockSpec((G, H), full_b),
            pl.BlockSpec((G, H), full_b),
        ],
        out_shape=[
            jax.ShapeDtypeStruct((N, H), jnp.float32),
            jax.ShapeDtypeStruct((G, H), jnp.float32),
            jax.ShapeDtypeStruct((G, H), jnp.float32),
        ],
        scratch_shapes=[
            pltpu.VMEM((G, H), jnp.float32),
            pltpu.VMEM((G, 1), jnp.float32),
        ],
    )(agg3, g3, dinv, b3r, batch_r)

    return (out, h, h1, h2, h3, h4, h5, h5)

# --- scband reference (transcript-rebuilt; emitter-appended) ---
"""Pipeline reference for scband-gcn-72851235275095 (READ-ONLY COPY).

The authoritative reference and input builder live on the scoring server;
editing this copy changes nothing except your own understanding.
"""

import jax, jax.numpy as jnp
import numpy as np

N = 10000
E = 320000
D = 128
H = 128
G = 64


def setup_inputs(seed: int = 0) -> dict:
    key = jax.random.key(seed)
    ks = jax.random.split(key, 10)
    x = jax.random.normal(ks[0], (N, D), dtype=jnp.float32)
    edge_index = jax.random.randint(ks[1], (2, E), 0, N, dtype=jnp.int32)
    batch = jnp.sort(jax.random.randint(ks[2], (N,), 0, G, dtype=jnp.int32))
    s = 0.05
    W1 = jax.random.normal(ks[3], (D, H), dtype=jnp.float32) * s
    b1 = jnp.zeros((H,), dtype=jnp.float32)
    W2 = jax.random.normal(ks[4], (H, H), dtype=jnp.float32) * s
    b2 = jnp.zeros((H,), dtype=jnp.float32)
    W3 = jax.random.normal(ks[5], (H, H), dtype=jnp.float32) * s
    b3 = jnp.zeros((H,), dtype=jnp.float32)
    return {"x": x, "edge_index": edge_index, "batch": batch,
            "W1": W1, "b1": b1, "W2": W2, "b2": b2, "W3": W3, "b3": b3}


def _gcn_conv(x, edge_index, W, b):
    num_nodes = x.shape[0]
    loop = jnp.arange(num_nodes, dtype=edge_index.dtype)
    src = jnp.concatenate([edge_index[0], loop])
    dst = jnp.concatenate([edge_index[1], loop])
    deg = jnp.zeros((num_nodes,), x.dtype).at[dst].add(1.0)
    dinv = jax.lax.rsqrt(deg)
    norm = dinv[src] * dinv[dst]
    h = x @ W
    msg = h[src] * norm[:, None]
    out = jnp.zeros((num_nodes, W.shape[1]), x.dtype).at[dst].add(msg)
    return out + b


def reference(x, edge_index, batch, W1, b1, W2, b2, W3, b3):
    h = _gcn_conv(x, edge_index, W1, b1)
    h1 = jax.nn.relu(h)
    h2 = _gcn_conv(h1, edge_index, W2, b2)
    h3 = jax.nn.relu(h2)
    h4 = _gcn_conv(h3, edge_index, W3, b3)
    sums = jax.ops.segment_sum(h4, batch, num_segments=G)
    cnt = jax.ops.segment_sum(jnp.ones((x.shape[0], 1), x.dtype), batch, num_segments=G)
    h5 = sums / jnp.maximum(cnt, 1.0)
    h6 = h5  # dropout is identity in eval mode
    out = jax.nn.softmax(h6, axis=1)
    return (out, h, h1, h2, h3, h4, h5, h6)

if __name__ == "__main__":
    import jax
    _d = setup_inputs()
    print(jax.jit(kernel)(*tuple(_d.values())))

</pallas_src>

<mosaic_0001>
#map = affine_map<(d0, d1) -> (0, 0)>
#map1 = affine_map<(d0, d1) -> (0, 0, 0, 0)>
#map2 = affine_map<(d0, d1) -> (0, 0, 0)>
module attributes {stable_mosaic.version = 14 : i64} {
  func.func @agg_kernel(%arg0: i32, %arg1: i32, %arg2: memref<10008x128xf32, #tpu.memory_space<hbm>>, %arg3: memref<32x144x1x128xi32, #tpu.memory_space<hbm>>, %arg4: memref<32x144x1x128xi32, #tpu.memory_space<hbm>>, %arg5: memref<10008x128xf32, #tpu.memory_space<hbm>>, %arg6: memref<2x10000x128xf32, #tpu.memory_space<hbm>>, %arg7: memref<1x128xi32, #tpu.memory_space<vmem>>, %arg8: memref<1x128xi32, #tpu.memory_space<vmem>>, %arg9: memref<1x128xi32, #tpu.memory_space<vmem>>, %arg10: memref<1x128xi32, #tpu.memory_space<vmem>>, %arg11: memref<128x128xf32, #tpu.memory_space<vmem>>, %arg12: memref<128x128xf32, #tpu.memory_space<vmem>>, %arg13: memref<10008x128xf32, #tpu.memory_space<vmem_shared>>, %arg14: memref<!tpu.dma_semaphore, #tpu.memory_space<semaphore_mem>>, %arg15: memref<!tpu.dma_semaphore, #tpu.memory_space<semaphore_mem>>, %arg16: memref<!tpu.dma_semaphore, #tpu.memory_space<semaphore_mem>>, %arg17: memref<!tpu.dma_semaphore, #tpu.memory_space<semaphore_mem>>, %arg18: memref<!tpu.dma_semaphore, #tpu.memory_space<semaphore_mem>>, %arg19: memref<!tpu.dma_semaphore, #tpu.memory_space<semaphore_mem>>) attributes {dimension_semantics = [#tpu.dimension_semantics<core_parallel>, #tpu.dimension_semantics<subcore_parallel>], iteration_bounds = array<i64: 2, 16>, scalar_prefetch = 0 : i64, scratch_operands = 13 : i64, tpu.core_type = #tpu.core_type<sc_vector_subcore>, window_params = [{transform_indices = #map}, {transform_indices = #map1}, {transform_indices = #map1}, {transform_indices = #map}, {transform_indices = #map2}]} {
    %mul3A = arith.constant 16 : i32
    %mul3A_0 = arith.muli %arg0, %mul3A : i32
    %add3A = arith.addi %mul3A_0, %arg1 : i32
    %eq3A = arith.constant 0 : i32
    %eq3A_1 = arith.cmpi eq, %arg0, %eq3A : i32
    %jit3A = arith.constant 144 : i32
    %jit3A_2 = arith.constant 14 : i32
    %select_n3A = arith.select %eq3A_1, %jit3A, %jit3A_2 : i32
    %mul3A_3 = arith.constant 624 : i32
    %mul3A_4 = arith.muli %arg1, %mul3A_3 : i32
    %mul3A_5 = arith.constant 624 : i32
    %mul3A_6 = arith.muli %arg1, %mul3A_5 : i32
    "tpu.region"() ({
      %run_scoped3A = tpu.sem_alloc : memref<!tpu.dma_semaphore, #tpu.memory_space<semaphore_mem>>
      %dma_start3A_156 = arith.constant 0 : i32
      %dma_start3A_157 = tpu.memref_slice %arg13[%mul3A_6, %dma_start3A_156] : memref<10008x128xf32, #tpu.memory_space<vmem_shared>> -> memref<624x128xf32, #tpu.memory_space<vmem_shared>>
      %dma_start3A_158 = arith.constant 0 : i32
      %dma_start3A_159 = tpu.memref_slice %arg5[%mul3A_4, %dma_start3A_158] : memref<10008x128xf32, #tpu.memory_space<hbm>> -> memref<624x128xf32, #tpu.memory_space<hbm>>
      tpu.enqueue_dma source(%dma_start3A_159 : memref<624x128xf32, #tpu.memory_space<hbm>>) target(%dma_start3A_157 : memref<624x128xf32, #tpu.memory_space<vmem_shared>>) target_semaphore(%run_scoped3A : memref<!tpu.dma_semaphore, #tpu.memory_space<semaphore_mem>>)
      %dma_wait3A_160 = arith.constant 0 : i32
      %dma_wait3A_161 = tpu.memref_slice %arg13[%mul3A_6, %dma_wait3A_160] : memref<10008x128xf32, #tpu.memory_space<vmem_shared>> -> memref<624x128xf32, #tpu.memory_space<vmem_shared>>
      %dma_wait3A_162 = arith.constant 0 : i32
      %dma_wait3A_163 = tpu.memref_slice %arg5[%mul3A_4, %dma_wait3A_162] : memref<10008x128xf32, #tpu.memory_space<hbm>> -> memref<624x128xf32, #tpu.memory_space<hbm>>
      tpu.wait_dma2 semaphore(%run_scoped3A : memref<!tpu.dma_semaphore, #tpu.memory_space<semaphore_mem>>) src(%dma_wait3A_163 : memref<624x128xf32, #tpu.memory_space<hbm>>) dst(%dma_wait3A_161 : memref<624x128xf32, #tpu.memory_space<vmem_shared>>)
      tpu.yield
    }) : () -> ()
    %eq3A_7 = arith.constant 15 : i32
    %eq3A_8 = arith.cmpi eq, %arg1, %eq3A_7 : i32
    %convert_element_type3A = arith.extui %eq3A_8 : i1 to i32
    %cond3A = arith.constant 0 : i32
    %cond3A_9 = arith.cmpi ne, %convert_element_type3A, %cond3A : i32
    scf.if %cond3A_9 {
      "tpu.region"() ({
        %run_scoped3A = tpu.sem_alloc : memref<!tpu.dma_semaphore, #tpu.memory_space<semaphore_mem>>
        %dma_start3A_156 = arith.constant 9984 : i32
        %dma_start3A_157 = arith.constant 0 : i32
        %dma_start3A_158 = tpu.memref_slice %arg13[%dma_start3A_156, %dma_start3A_157] : memref<10008x128xf32, #tpu.memory_space<vmem_shared>> -> memref<24x128xf32, #tpu.memory_space<vmem_shared>>
        %dma_start3A_159 = arith.constant 9984 : i32
        %dma_start3A_160 = arith.constant 0 : i32
        %dma_start3A_161 = tpu.memref_slice %arg5[%dma_start3A_159, %dma_start3A_160] : memref<10008x128xf32, #tpu.memory_space<hbm>> -> memref<24x128xf32, #tpu.memory_space<hbm>>
        tpu.enqueue_dma source(%dma_start3A_161 : memref<24x128xf32, #tpu.memory_space<hbm>>) target(%dma_start3A_158 : memref<24x128xf32, #tpu.memory_space<vmem_shared>>) target_semaphore(%run_scoped3A : memref<!tpu.dma_semaphore, #tpu.memory_space<semaphore_mem>>)
        %dma_wait3A_162 = arith.constant 9984 : i32
        %dma_wait3A_163 = arith.constant 0 : i32
        %dma_wait3A_164 = tpu.memref_slice %arg13[%dma_wait3A_162, %dma_wait3A_163] : memref<10008x128xf32, #tpu.memory_space<vmem_shared>> -> memref<24x128xf32, #tpu.memory_space<vmem_shared>>
        %dma_wait3A_165 = arith.constant 9984 : i32
        %dma_wait3A_166 = arith.constant 0 : i32
        %dma_wait3A_167 = tpu.memref_slice %arg5[%dma_wait3A_165, %dma_wait3A_166] : memref<10008x128xf32, #tpu.memory_space<hbm>> -> memref<24x128xf32, #tpu.memory_space<hbm>>
        tpu.wait_dma2 semaphore(%run_scoped3A : memref<!tpu.dma_semaphore, #tpu.memory_space<semaphore_mem>>) src(%dma_wait3A_167 : memref<24x128xf32, #tpu.memory_space<hbm>>) dst(%dma_wait3A_164 : memref<24x128xf32, #tpu.memory_space<vmem_shared>>)
        tpu.yield
      }) : () -> ()
    } else {
    }
    %barrier3A = arith.constant 0 : index
    tpu.barrier barrier_id(%barrier3A)
    %dma_start3A = arith.constant 0 : i32
    %dma_start3A_10 = arith.constant 0 : i32
    %dma_start3A_11 = arith.constant 0 : i32
    %dma_start3A_12 = arith.constant 0 : i32
    %dma_start3A_13 = tpu.memref_slice %arg3[%add3A, %dma_start3A_10, %dma_start3A_11, %dma_start3A_12] : memref<32x144x1x128xi32, #tpu.memory_space<hbm>> -> memref<1x144x1x128xi32, #tpu.memory_space<hbm>>
    %dma_start3A_14 = tpu.memref_squeeze %dma_start3A_13 : memref<1x144x1x128xi32, #tpu.memory_space<hbm>> -> memref<144x1x128xi32, #tpu.memory_space<hbm>>
    %dma_start3A_15 = arith.constant 0 : i32
    %dma_start3A_16 = arith.constant 0 : i32
    %dma_start3A_17 = tpu.memref_slice %dma_start3A_14[%dma_start3A, %dma_start3A_15, %dma_start3A_16] : memref<144x1x128xi32, #tpu.memory_space<hbm>> -> memref<1x1x128xi32, #tpu.memory_space<hbm>>
    %dma_start3A_18 = tpu.memref_squeeze %dma_start3A_17 : memref<1x1x128xi32, #tpu.memory_space<hbm>> -> memref<1x128xi32, #tpu.memory_space<hbm>>
    %dma_start3A_19 = arith.constant 0 : i32
    %dma_start3A_20 = arith.constant 0 : i32
    %dma_start3A_21 = arith.constant 0 : i32
    %dma_start3A_22 = tpu.memref_slice %arg3[%add3A, %dma_start3A_19, %dma_start3A_20, %dma_start3A_21] : memref<32x144x1x128xi32, #tpu.memory_space<hbm>> -> memref<1x144x1x128xi32, #tpu.memory_space<hbm>>
    %dma_start3A_23 = tpu.memref_squeeze %dma_start3A_22 : memref<1x144x1x128xi32, #tpu.memory_space<hbm>> -> memref<144x1x128xi32, #tpu.memory_space<hbm>>
    %dma_start3A_24 = arith.constant 0 : i32
    %dma_start3A_25 = arith.constant 0 : i32
    %dma_start3A_26 = tpu.memref_slice %dma_start3A_23[%dma_start3A, %dma_start3A_24, %dma_start3A_25] : memref<144x1x128xi32, #tpu.memory_space<hbm>> -> memref<1x1x128xi32, #tpu.memory_space<hbm>>
    %dma_start3A_27 = tpu.memref_squeeze %dma_start3A_26 : memref<1x1x128xi32, #tpu.memory_space<hbm>> -> memref<1x128xi32, #tpu.memory_space<hbm>>
    tpu.enqueue_dma source(%dma_start3A_27 : memref<1x128xi32, #tpu.memory_space<hbm>>) target(%arg7 : memref<1x128xi32, #tpu.memory_space<vmem>>) target_semaphore(%arg14 : memref<!tpu.dma_semaphore, #tpu.memory_space<semaphore_mem>>)
    %dma_start3A_28 = arith.constant 1 : i32
    %dma_start3A_29 = arith.constant 0 : i32
    %dma_start3A_30 = arith.constant 0 : i32
    %dma_start3A_31 = arith.constant 0 : i32
    %dma_start3A_32 = tpu.memref_slice %arg3[%add3A, %dma_start3A_29, %dma_start3A_30, %dma_start3A_31] : memref<32x144x1x128xi32, #tpu.memory_space<hbm>> -> memref<1x144x1x128xi32, #tpu.memory_space<hbm>>
    %dma_start3A_33 = tpu.memref_squeeze %dma_start3A_32 : memref<1x144x1x128xi32, #tpu.memory_space<hbm>> -> memref<144x1x128xi32, #tpu.memory_space<hbm>>
    %dma_start3A_34 = arith.constant 0 : i32
    %dma_start3A_35 = arith.constant 0 : i32
    %dma_start3A_36 = tpu.memref_slice %dma_start3A_33[%dma_start3A_28, %dma_start3A_34, %dma_start3A_35] : memref<144x1x128xi32, #tpu.memory_space<hbm>> -> memref<1x1x128xi32, #tpu.memory_space<hbm>>
    %dma_start3A_37 = tpu.memref_squeeze %dma_start3A_36 : memref<1x1x128xi32, #tpu.memory_space<hbm>> -> memref<1x128xi32, #tpu.memory_space<hbm>>
    %dma_start3A_38 = arith.constant 0 : i32
    %dma_start3A_39 = arith.constant 0 : i32
    %dma_start3A_40 = arith.constant 0 : i32
    %dma_start3A_41 = tpu.memref_slice %arg3[%add3A, %dma_start3A_38, %dma_start3A_39, %dma_start3A_40] : memref<32x144x1x128xi32, #tpu.memory_space<hbm>> -> memref<1x144x1x128xi32, #tpu.memory_space<hbm>>
    %dma_start3A_42 = tpu.memref_squeeze %dma_start3A_41 : memref<1x144x1x128xi32, #tpu.memory_space<hbm>> -> memref<144x1x128xi32, #tpu.memory_space<hbm>>
    %dma_start3A_43 = arith.constant 0 : i32
    %dma_start3A_44 = arith.constant 0 : i32
    %dma_start3A_45 = tpu.memref_slice %dma_start3A_42[%dma_start3A_28, %dma_start3A_43, %dma_start3A_44] : memref<144x1x128xi32, #tpu.memory_space<hbm>> -> memref<1x1x128xi32, #tpu.memory_space<hbm>>
    %dma_start3A_46 = tpu.memref_squeeze %dma_start3A_45 : memref<1x1x128xi32, #tpu.memory_space<hbm>> -> memref<1x128xi32, #tpu.memory_space<hbm>>
    tpu.enqueue_dma source(%dma_start3A_46 : memref<1x128xi32, #tpu.memory_space<hbm>>) target(%arg8 : memref<1x128xi32, #tpu.memory_space<vmem>>) target_semaphore(%arg15 : memref<!tpu.dma_semaphore, #tpu.memory_space<semaphore_mem>>)
    %dma_start3A_47 = arith.constant 0 : i32
    %dma_start3A_48 = arith.constant 0 : i32
    %dma_start3A_49 = arith.constant 0 : i32
    %dma_start3A_50 = arith.constant 0 : i32
    %dma_start3A_51 = tpu.memref_slice %arg4[%add3A, %dma_start3A_48, %dma_start3A_49, %dma_start3A_50] : memref<32x144x1x128xi32, #tpu.memory_space<hbm>> -> memref<1x144x1x128xi32, #tpu.memory_space<hbm>>
    %dma_start3A_52 = tpu.memref_squeeze %dma_start3A_51 : memref<1x144x1x128xi32, #tpu.memory_space<hbm>> -> memref<144x1x128xi32, #tpu.memory_space<hbm>>
    %dma_start3A_53 = arith.constant 0 : i32
    %dma_start3A_54 = arith.constant 0 : i32
    %dma_start3A_55 = tpu.memref_slice %dma_start3A_52[%dma_start3A_47, %dma_start3A_53, %dma_start3A_54] : memref<144x1x128xi32, #tpu.memory_space<hbm>> -> memref<1x1x128xi32, #tpu.memory_space<hbm>>
    %dma_start3A_56 = tpu.memref_squeeze %dma_start3A_55 : memref<1x1x128xi32, #tpu.memory_space<hbm>> -> memref<1x128xi32, #tpu.memory_space<hbm>>
    %dma_start3A_57 = arith.constant 0 : i32
    %dma_start3A_58 = arith.constant 0 : i32
    %dma_start3A_59 = arith.constant 0 : i32
    %dma_start3A_60 = tpu.memref_slice %arg4[%add3A, %dma_start3A_57, %dma_start3A_58, %dma_start3A_59] : memref<32x144x1x128xi32, #tpu.memory_space<hbm>> -> memref<1x144x1x128xi32, #tpu.memory_space<hbm>>
    %dma_start3A_61 = tpu.memref_squeeze %dma_start3A_60 : memref<1x144x1x128xi32, #tpu.memory_space<hbm>> -> memref<144x1x128xi32, #tpu.memory_space<hbm>>
    %dma_start3A_62 = arith.constant 0 : i32
    %dma_start3A_63 = arith.constant 0 : i32
    %dma_start3A_64 = tpu.memref_slice %dma_start3A_61[%dma_start3A_47, %dma_start3A_62, %dma_start3A_63] : memref<144x1x128xi32, #tpu.memory_space<hbm>> -> memref<1x1x128xi32, #tpu.memory_space<hbm>>
    %dma_start3A_65 = tpu.memref_squeeze %dma_start3A_64 : memref<1x1x128xi32, #tpu.memory_space<hbm>> -> memref<1x128xi32, #tpu.memory_space<hbm>>
    tpu.enqueue_dma source(%dma_start3A_65 : memref<1x128xi32, #tpu.memory_space<hbm>>) target(%arg9 : memref<1x128xi32, #tpu.memory_space<vmem>>) target_semaphore(%arg16 : memref<!tpu.dma_semaphore, #tpu.memory_space<semaphore_mem>>)
    %dma_start3A_66 = arith.constant 1 : i32
    %dma_start3A_67 = arith.constant 0 : i32
    %dma_start3A_68 = arith.constant 0 : i32
    %dma_start3A_69 = arith.constant 0 : i32
    %dma_start3A_70 = tpu.memref_slice %arg4[%add3A, %dma_start3A_67, %dma_start3A_68, %dma_start3A_69] : memref<32x144x1x128xi32, #tpu.memory_space<hbm>> -> memref<1x144x1x128xi32, #tpu.memory_space<hbm>>
    %dma_start3A_71 = tpu.memref_squeeze %dma_start3A_70 : memref<1x144x1x128xi32, #tpu.memory_space<hbm>> -> memref<144x1x128xi32, #tpu.memory_space<hbm>>
    %dma_start3A_72 = arith.constant 0 : i32
    %dma_start3A_73 = arith.constant 0 : i32
    %dma_start3A_74 = tpu.memref_slice %dma_start3A_71[%dma_start3A_66, %dma_start3A_72, %dma_start3A_73] : memref<144x1x128xi32, #tpu.memory_space<hbm>> -> memref<1x1x128xi32, #tpu.memory_space<hbm>>
    %dma_start3A_75 = tpu.memref_squeeze %dma_start3A_74 : memref<1x1x128xi32, #tpu.memory_space<hbm>> -> memref<1x128xi32, #tpu.memory_space<hbm>>
    %dma_start3A_76 = arith.constant 0 : i32
    %dma_start3A_77 = arith.constant 0 : i32
    %dma_start3A_78 = arith.constant 0 : i32
    %dma_start3A_79 = tpu.memref_slice %arg4[%add3A, %dma_start3A_76, %dma_start3A_77, %dma_start3A_78] : memref<32x144x1x128xi32, #tpu.memory_space<hbm>> -> memref<1x144x1x128xi32, #tpu.memory_space<hbm>>
    %dma_start3A_80 = tpu.memref_squeeze %dma_start3A_79 : memref<1x144x1x128xi32, #tpu.memory_space<hbm>> -> memref<144x1x128xi32, #tpu.memory_space<hbm>>
    %dma_start3A_81 = arith.constant 0 : i32
    %dma_start3A_82 = arith.constant 0 : i32
    %dma_start3A_83 = tpu.memref_slice %dma_start3A_80[%dma_start3A_66, %dma_start3A_81, %dma_start3A_82] : memref<144x1x128xi32, #tpu.memory_space<hbm>> -> memref<1x1x128xi32, #tpu.memory_space<hbm>>
    %dma_start3A_84 = tpu.memref_squeeze %dma_start3A_83 : memref<1x1x128xi32, #tpu.memory_space<hbm>> -> memref<1x128xi32, #tpu.memory_space<hbm>>
    tpu.enqueue_dma source(%dma_start3A_84 : memref<1x128xi32, #tpu.memory_space<hbm>>) target(%arg10 : memref<1x128xi32, #tpu.memory_space<vmem>>) target_semaphore(%arg17 : memref<!tpu.dma_semaphore, #tpu.memory_space<semaphore_mem>>)
    %dma_wait3A = arith.constant 0 : i32
    %dma_wait3A_85 = arith.constant 0 : i32
    %dma_wait3A_86 = arith.constant 0 : i32
    %dma_wait3A_87 = arith.constant 0 : i32
    %dma_wait3A_88 = tpu.memref_slice %arg3[%add3A, %dma_wait3A_85, %dma_wait3A_86, %dma_wait3A_87] : memref<32x144x1x128xi32, #tpu.memory_space<hbm>> -> memref<1x144x1x128xi32, #tpu.memory_space<hbm>>
    %dma_wait3A_89 = tpu.memref_squeeze %dma_wait3A_88 : memref<1x144x1x128xi32, #tpu.memory_space<hbm>> -> memref<144x1x128xi32, #tpu.memory_space<hbm>>
    %dma_wait3A_90 = arith.constant 0 : i32
    %dma_wait3A_91 = arith.constant 0 : i32
    %dma_wait3A_92 = tpu.memref_slice %dma_wait3A_89[%dma_wait3A, %dma_wait3A_90, %dma_wait3A_91] : memref<144x1x128xi32, #tpu.memory_space<hbm>> -> memref<1x1x128xi32, #tpu.memory_space<hbm>>
    %dma_wait3A_93 = tpu.memref_squeeze %dma_wait3A_92 : memref<1x1x128xi32, #tpu.memory_space<hbm>> -> memref<1x128xi32, #tpu.memory_space<hbm>>
    %dma_wait3A_94 = arith.constant 0 : i32
    %dma_wait3A_95 = arith.constant 0 : i32
    %dma_wait3A_96 = arith.constant 0 : i32
    %dma_wait3A_97 = tpu.memref_slice %arg3[%add3A, %dma_wait3A_94, %dma_wait3A_95, %dma_wait3A_96] : memref<32x144x1x128xi32, #tpu.memory_space<hbm>> -> memref<1x144x1x128xi32, #tpu.memory_space<hbm>>
    %dma_wait3A_98 = tpu.memref_squeeze %dma_wait3A_97 : memref<1x144x1x128xi32, #tpu.memory_space<hbm>> -> memref<144x1x128xi32, #tpu.memory_space<hbm>>
    %dma_wait3A_99 = arith.constant 0 : i32
    %dma_wait3A_100 = arith.constant 0 : i32
    %dma_wait3A_101 = tpu.memref_slice %dma_wait3A_98[%dma_wait3A, %dma_wait3A_99, %dma_wait3A_100] : memref<144x1x128xi32, #tpu.memory_space<hbm>> -> memref<1x1x128xi32, #tpu.memory_space<hbm>>
    %dma_wait3A_102 = tpu.memref_squeeze %dma_wait3A_101 : memref<1x1x128xi32, #tpu.memory_space<hbm>> -> memref<1x128xi32, #tpu.memory_space<hbm>>
    tpu.wait_dma2 semaphore(%arg14 : memref<!tpu.dma_semaphore, #tpu.memory_space<semaphore_mem>>) src(%dma_wait3A_102 : memref<1x128xi32, #tpu.memory_space<hbm>>) dst(%arg7 : memref<1x128xi32, #tpu.memory_space<vmem>>)
    %dma_start3A_103 = arith.constant 0 : i32
    %dma_start3A_104 = arith.constant 0 : i32
    %dma_start3A_105 = tpu.memref_slice %arg7[%dma_start3A_103, %dma_start3A_104] : memref<1x128xi32, #tpu.memory_space<vmem>> -> memref<1x128xi32, #tpu.memory_space<vmem>>
    %dma_start3A_106 = tpu.memref_squeeze %dma_start3A_105 : memref<1x128xi32, #tpu.memory_space<vmem>> -> memref<128xi32, #tpu.memory_space<vmem>>
    %dma_start3A_107 = arith.constant 0 : i32
    %dma_start3A_108 = arith.constant 0 : i32
    %dma_start3A_109 = tpu.memref_slice %arg2[%dma_start3A_107, %dma_start3A_108] : memref<10008x128xf32, #tpu.memory_space<hbm>> -> memref<10008x128xf32, #tpu.memory_space<hbm>>
    tpu.enqueue_indirect_dma source(%dma_start3A_109 : memref<10008x128xf32, #tpu.memory_space<hbm>>) target(%arg11 : memref<128x128xf32, #tpu.memory_space<vmem>>) offsets(%dma_start3A_106 : memref<128xi32, #tpu.memory_space<vmem>>) semaphore(%arg18 : memref<!tpu.dma_semaphore, #tpu.memory_space<semaphore_mem>>)
    %jit3A_110 = arith.constant 2 : i32
    %div3A = arith.divsi %select_n3A, %jit3A_110 : i32
    %sign3A = arith.constant 0 : i32
    %sign3A_111 = arith.cmpi sgt, %select_n3A, %sign3A : i32
    %sign3A_112 = arith.extui %sign3A_111 : i1 to i32
    %sign3A_113 = arith.constant 0 : i32
    %sign3A_114 = arith.cmpi slt, %select_n3A, %sign3A_113 : i32
    %sign3A_115 = arith.extui %sign3A_114 : i1 to i32
    %sign3A_116 = arith.subi %sign3A_112, %sign3A_115 : i32
    %sign3A_117 = arith.constant 0 : i32
    %sign3A_118 = arith.cmpi sgt, %jit3A_110, %sign3A_117 : i32
    %sign3A_119 = arith.extui %sign3A_118 : i1 to i32
    %sign3A_120 = arith.constant 0 : i32
    %sign3A_121 = arith.cmpi slt, %jit3A_110, %sign3A_120 : i32
    %sign3A_122 = arith.extui %sign3A_121 : i1 to i32
    %sign3A_123 = arith.subi %sign3A_119, %sign3A_122 : i32
    %ne3A = arith.cmpi ne, %sign3A_116, %sign3A_123 : i32
    %rem3A = arith.remsi %select_n3A, %jit3A_110 : i32
    %ne3A_124 = arith.constant 0 : i32
    %ne3A_125 = arith.cmpi ne, %rem3A, %ne3A_124 : i32
    %and3A = arith.andi %ne3A, %ne3A_125 : i1
    %sub3A = arith.constant 1 : i32
    %sub3A_126 = arith.subi %div3A, %sub3A : i32
    %select_n3A_127 = arith.select %and3A, %sub3A_126, %div3A : i32
    %sub3A_128 = arith.constant 0 : i32
    %sub3A_129 = arith.subi %select_n3A_127, %sub3A_128 : i32
    %sub3A_130 = arith.constant 1 : i32
    %sub3A_131 = arith.constant 1 : i32
    %sub3A_132 = arith.subi %sub3A_130, %sub3A_131 : i32
    %add3A_133 = arith.addi %sub3A_129, %sub3A_132 : i32
    %div3A_134 = arith.constant 1 : i32
    %div3A_135 = arith.divsi %add3A_133, %div3A_134 : i32
    %while3A = arith.constant 1 : i32
    %while3A_136 = arith.constant 0 : i32
    %while3A_137 = arith.constant 0 : i32
    %while3A_138 = arith.subi %div3A_135, %while3A_137 : i32
    %while3A_139 = arith.addi %while3A_137, %while3A_138 : i32
    %while3A_140 = arith.constant 1 : i32
    %while3A_141 = arith.divsi %while3A_138, %while3A_140 : i32
    %while3A_142 = arith.muli %while3A_141, %while3A_140 : i32
    %while3A_143 = arith.addi %while3A_137, %while3A_142 : i32
    %while3A_144 = arith.constant 1 : i32
    scf.for %while3A_156 = %while3A_137 to %while3A_143 step %while3A_144  : i32 {
      %mul3A_157 = arith.muli %while3A_156, %while3A : i32
      %add3A_158 = arith.addi %while3A_136, %mul3A_157 : i32
      %mul3A_159 = arith.constant 2 : i32
      %mul3A_160 = arith.muli %mul3A_159, %add3A_158 : i32
      %add3A_161 = arith.constant 1 : i32
      %add3A_162 = arith.addi %mul3A_160, %add3A_161 : i32
      %dma_wait3A_163 = arith.constant 0 : i32
      %dma_wait3A_164 = arith.constant 0 : i32
      %dma_wait3A_165 = arith.constant 0 : i32
      %dma_wait3A_166 = tpu.memref_slice %arg3[%add3A, %dma_wait3A_163, %dma_wait3A_164, %dma_wait3A_165] : memref<32x144x1x128xi32, #tpu.memory_space<hbm>> -> memref<1x144x1x128xi32, #tpu.memory_space<hbm>>
      %dma_wait3A_167 = tpu.memref_squeeze %dma_wait3A_166 : memref<1x144x1x128xi32, #tpu.memory_space<hbm>> -> memref<144x1x128xi32, #tpu.memory_space<hbm>>
      %dma_wait3A_168 = arith.constant 0 : i32
      %dma_wait3A_169 = arith.constant 0 : i32
      %dma_wait3A_170 = tpu.memref_slice %dma_wait3A_167[%add3A_162, %dma_wait3A_168, %dma_wait3A_169] : memref<144x1x128xi32, #tpu.memory_space<hbm>> -> memref<1x1x128xi32, #tpu.memory_space<hbm>>
      %dma_wait3A_171 = tpu.memref_squeeze %dma_wait3A_170 : memref<1x1x128xi32, #tpu.memory_space<hbm>> -> memref<1x128xi32, #tpu.memory_space<hbm>>
      %dma_wait3A_172 = arith.constant 0 : i32
      %dma_wait3A_173 = arith.constant 0 : i32
      %dma_wait3A_174 = arith.constant 0 : i32
      %dma_wait3A_175 = tpu.memref_slice %arg3[%add3A, %dma_wait3A_172, %dma_wait3A_173, %dma_wait3A_174] : memref<32x144x1x128xi32, #tpu.memory_space<hbm>> -> memref<1x144x1x128xi32, #tpu.memory_space<hbm>>
      %dma_wait3A_176 = tpu.memref_squeeze %dma_wait3A_175 : memref<1x144x1x128xi32, #tpu.memory_space<hbm>> -> memref<144x1x128xi32, #tpu.memory_space<hbm>>
      %dma_wait3A_177 = arith.constant 0 : i32
      %dma_wait3A_178 = arith.constant 0 : i32
      %dma_wait3A_179 = tpu.memref_slice %dma_wait3A_176[%add3A_162, %dma_wait3A_177, %dma_wait3A_178] : memref<144x1x128xi32, #tpu.memory_space<hbm>> -> memref<1x1x128xi32, #tpu.memory_space<hbm>>
      %dma_wait3A_180 = tpu.memref_squeeze %dma_wait3A_179 : memref<1x1x128xi32, #tpu.memory_space<hbm>> -> memref<1x128xi32, #tpu.memory_space<hbm>>
      tpu.wait_dma2 semaphore(%arg15 : memref<!tpu.dma_semaphore, #tpu.memory_space<semaphore_mem>>) src(%dma_wait3A_180 : memref<1x128xi32, #tpu.memory_space<hbm>>) dst(%arg8 : memref<1x128xi32, #tpu.memory_space<vmem>>)
      %dma_start3A_181 = arith.constant 0 : i32
      %dma_start3A_182 = arith.constant 0 : i32
      %dma_start3A_183 = tpu.memref_slice %arg8[%dma_start3A_181, %dma_start3A_182] : memref<1x128xi32, #tpu.memory_space<vmem>> -> memref<1x128xi32, #tpu.memory_space<vmem>>
      %dma_start3A_184 = tpu.memref_squeeze %dma_start3A_183 : memref<1x128xi32, #tpu.memory_space<vmem>> -> memref<128xi32, #tpu.memory_space<vmem>>
      %dma_start3A_185 = arith.constant 0 : i32
      %dma_start3A_186 = arith.constant 0 : i32
      %dma_start3A_187 = tpu.memref_slice %arg2[%dma_start3A_185, %dma_start3A_186] : memref<10008x128xf32, #tpu.memory_space<hbm>> -> memref<10008x128xf32, #tpu.memory_space<hbm>>
      tpu.enqueue_indirect_dma source(%dma_start3A_187 : memref<10008x128xf32, #tpu.memory_space<hbm>>) target(%arg12 : memref<128x128xf32, #tpu.memory_space<vmem>>) offsets(%dma_start3A_184 : memref<128xi32, #tpu.memory_space<vmem>>) semaphore(%arg19 : memref<!tpu.dma_semaphore, #tpu.memory_space<semaphore_mem>>)
      %dma_wait3A_188 = arith.constant 0 : i32
      %dma_wait3A_189 = arith.constant 0 : i32
      %dma_wait3A_190 = tpu.memref_slice %arg7[%dma_wait3A_188, %dma_wait3A_189] : memref<1x128xi32, #tpu.memory_space<vmem>> -> memref<1x128xi32, #tpu.memory_space<vmem>>
      %dma_wait3A_191 = tpu.memref_squeeze %dma_wait3A_190 : memref<1x128xi32, #tpu.memory_space<vmem>> -> memref<128xi32, #tpu.memory_space<vmem>>
      %dma_wait3A_192 = arith.constant 0 : i32
      %dma_wait3A_193 = arith.constant 0 : i32
      %dma_wait3A_194 = tpu.memref_slice %arg2[%dma_wait3A_192, %dma_wait3A_193] : memref<10008x128xf32, #tpu.memory_space<hbm>> -> memref<10008x128xf32, #tpu.memory_space<hbm>>
      tpu.wait_indirect_dma semaphore(%arg18 : memref<!tpu.dma_semaphore, #tpu.memory_space<semaphore_mem>>) src(%dma_wait3A_194 : memref<10008x128xf32, #tpu.memory_space<hbm>>) dst(%arg11 : memref<128x128xf32, #tpu.memory_space<vmem>>)
      %add3A_195 = arith.constant 2 : i32
      %add3A_196 = arith.addi %mul3A_160, %add3A_195 : i32
      %lt3A = arith.cmpi slt, %add3A_196, %select_n3A : i32
      %convert_element_type3A_197 = arith.extui %lt3A : i1 to i32
      %cond3A_198 = arith.constant 0 : i32
      %cond3A_199 = arith.cmpi ne, %convert_element_type3A_197, %cond3A_198 : i32
      scf.if %cond3A_199 {
        %add3A_264 = arith.constant 2 : i32
        %add3A_265 = arith.addi %mul3A_160, %add3A_264 : i32
        %dma_start3A_266 = arith.constant 0 : i32
        %dma_start3A_267 = arith.constant 0 : i32
        %dma_start3A_268 = arith.constant 0 : i32
        %dma_start3A_269 = tpu.memref_slice %arg3[%add3A, %dma_start3A_266, %dma_start3A_267, %dma_start3A_268] : memref<32x144x1x128xi32, #tpu.memory_space<hbm>> -> memref<1x144x1x128xi32, #tpu.memory_space<hbm>>
        %dma_start3A_270 = tpu.memref_squeeze %dma_start3A_269 : memref<1x144x1x128xi32, #tpu.memory_space<hbm>> -> memref<144x1x128xi32, #tpu.memory_space<hbm>>
        %dma_start3A_271 = arith.constant 0 : i32
        %dma_start3A_272 = arith.constant 0 : i32
        %dma_start3A_273 = tpu.memref_slice %dma_start3A_270[%add3A_265, %dma_start3A_271, %dma_start3A_272] : memref<144x1x128xi32, #tpu.memory_space<hbm>> -> memref<1x1x128xi32, #tpu.memory_space<hbm>>
        %dma_start3A_274 = tpu.memref_squeeze %dma_start3A_273 : memref<1x1x128xi32, #tpu.memory_space<hbm>> -> memref<1x128xi32, #tpu.memory_space<hbm>>
        %dma_start3A_275 = arith.constant 0 : i32
        %dma_start3A_276 = arith.constant 0 : i32
        %dma_start3A_277 = arith.constant 0 : i32
        %dma_start3A_278 = tpu.memref_slice %arg3[%add3A, %dma_start3A_275, %dma_start3A_276, %dma_start3A_277] : memref<32x144x1x128xi32, #tpu.memory_space<hbm>> -> memref<1x144x1x128xi32, #tpu.memory_space<hbm>>
        %dma_start3A_279 = tpu.memref_squeeze %dma_start3A_278 : memref<1x144x1x128xi32, #tpu.memory_space<hbm>> -> memref<144x1x128xi32, #tpu.memory_space<hbm>>
        %dma_start3A_280 = arith.constant 0 : i32
        %dma_start3A_281 = arith.constant 0 : i32
        %dma_start3A_282 = tpu.memref_slice %dma_start3A_279[%add3A_265, %dma_start3A_280, %dma_start3A_281] : memref<144x1x128xi32, #tpu.memory_space<hbm>> -> memref<1x1x128xi32, #tpu.memory_space<hbm>>
        %dma_start3A_283 = tpu.memref_squeeze %dma_start3A_282 : memref<1x1x128xi32, #tpu.memory_space<hbm>> -> memref<1x128xi32, #tpu.memory_space<hbm>>
        tpu.enqueue_dma source(%dma_start3A_283 : memref<1x128xi32, #tpu.memory_space<hbm>>) target(%arg7 : memref<1x128xi32, #tpu.memory_space<vmem>>) target_semaphore(%arg14 : memref<!tpu.dma_semaphore, #tpu.memory_space<semaphore_mem>>)
      } else {
      }
      %dma_wait3A_200 = arith.constant 0 : i32
      %dma_wait3A_201 = arith.constant 0 : i32
      %dma_wait3A_202 = arith.constant 0 : i32
      %dma_wait3A_203 = tpu.memref_slice %arg4[%add3A, %dma_wait3A_200, %dma_wait3A_201, %dma_wait3A_202] : memref<32x144x1x128xi32, #tpu.memory_space<hbm>> -> memref<1x144x1x128xi32, #tpu.memory_space<hbm>>
      %dma_wait3A_204 = tpu.memref_squeeze %dma_wait3A_203 : memref<1x144x1x128xi32, #tpu.memory_space<hbm>> -> memref<144x1x128xi32, #tpu.memory_space<hbm>>
      %dma_wait3A_205 = arith.constant 0 : i32
      %dma_wait3A_206 = arith.constant 0 : i32
      %dma_wait3A_207 = tpu.memref_slice %dma_wait3A_204[%mul3A_160, %dma_wait3A_205, %dma_wait3A_206] : memref<144x1x128xi32, #tpu.memory_space<hbm>> -> memref<1x1x128xi32, #tpu.memory_space<hbm>>
      %dma_wait3A_208 = tpu.memref_squeeze %dma_wait3A_207 : memref<1x1x128xi32, #tpu.memory_space<hbm>> -> memref<1x128xi32, #tpu.memory_space<hbm>>
      %dma_wait3A_209 = arith.constant 0 : i32
      %dma_wait3A_210 = arith.constant 0 : i32
      %dma_wait3A_211 = arith.constant 0 : i32
      %dma_wait3A_212 = tpu.memref_slice %arg4[%add3A, %dma_wait3A_209, %dma_wait3A_210, %dma_wait3A_211] : memref<32x144x1x128xi32, #tpu.memory_space<hbm>> -> memref<1x144x1x128xi32, #tpu.memory_space<hbm>>
      %dma_wait3A_213 = tpu.memref_squeeze %dma_wait3A_212 : memref<1x144x1x128xi32, #tpu.memory_space<hbm>> -> memref<144x1x128xi32, #tpu.memory_space<hbm>>
      %dma_wait3A_214 = arith.constant 0 : i32
      %dma_wait3A_215 = arith.constant 0 : i32
      %dma_wait3A_216 = tpu.memref_slice %dma_wait3A_213[%mul3A_160, %dma_wait3A_214, %dma_wait3A_215] : memref<144x1x128xi32, #tpu.memory_space<hbm>> -> memref<1x1x128xi32, #tpu.memory_space<hbm>>
      %dma_wait3A_217 = tpu.memref_squeeze %dma_wait3A_216 : memref<1x1x128xi32, #tpu.memory_space<hbm>> -> memref<1x128xi32, #tpu.memory_space<hbm>>
      tpu.wait_dma2 semaphore(%arg16 : memref<!tpu.dma_semaphore, #tpu.memory_space<semaphore_mem>>) src(%dma_wait3A_217 : memref<1x128xi32, #tpu.memory_space<hbm>>) dst(%arg9 : memref<1x128xi32, #tpu.memory_space<vmem>>)
      %run_scoped3A = arith.constant 0 : i32
      "tpu.region"() ({
        %run_scoped3A_264 = tpu.sem_alloc : memref<!tpu.dma_semaphore, #tpu.memory_space<semaphore_mem>>
        %dma_start3A_265 = arith.constant 0 : i32
        %dma_start3A_266 = tpu.memref_slice %arg9[%run_scoped3A, %dma_start3A_265] : memref<1x128xi32, #tpu.memory_space<vmem>> -> memref<1x128xi32, #tpu.memory_space<vmem>>
        %dma_start3A_267 = tpu.memref_squeeze %dma_start3A_266 : memref<1x128xi32, #tpu.memory_space<vmem>> -> memref<128xi32, #tpu.memory_space<vmem>>
        %dma_start3A_268 = arith.constant 0 : i32
        %dma_start3A_269 = arith.constant 0 : i32
        %dma_start3A_270 = tpu.memref_slice %arg13[%dma_start3A_268, %dma_start3A_269] : memref<10008x128xf32, #tpu.memory_space<vmem_shared>> -> memref<10008x128xf32, #tpu.memory_space<vmem_shared>>
        tpu.enqueue_indirect_dma source(%arg11 : memref<128x128xf32, #tpu.memory_space<vmem>>) target(%dma_start3A_270 : memref<10008x128xf32, #tpu.memory_space<vmem_shared>>) offsets(%dma_start3A_267 : memref<128xi32, #tpu.memory_space<vmem>>) semaphore(%run_scoped3A_264 : memref<!tpu.dma_semaphore, #tpu.memory_space<semaphore_mem>>) {add = true}
        %dma_wait3A_271 = arith.constant 0 : i32
        %dma_wait3A_272 = tpu.memref_slice %arg9[%run_scoped3A, %dma_wait3A_271] : memref<1x128xi32, #tpu.memory_space<vmem>> -> memref<1x128xi32, #tpu.memory_space<vmem>>
        %dma_wait3A_273 = tpu.memref_squeeze %dma_wait3A_272 : memref<1x128xi32, #tpu.memory_space<vmem>> -> memref<128xi32, #tpu.memory_space<vmem>>
        %dma_wait3A_274 = arith.constant 0 : i32
        %dma_wait3A_275 = arith.constant 0 : i32
        %dma_wait3A_276 = tpu.memref_slice %arg13[%dma_wait3A_274, %dma_wait3A_275] : memref<10008x128xf32, #tpu.memory_space<vmem_shared>> -> memref<10008x128xf32, #tpu.memory_space<vmem_shared>>
        tpu.wait_indirect_dma semaphore(%run_scoped3A_264 : memref<!tpu.dma_semaphore, #tpu.memory_space<semaphore_mem>>) src(%arg11 : memref<128x128xf32, #tpu.memory_space<vmem>>) dst(%dma_wait3A_276 : memref<10008x128xf32, #tpu.memory_space<vmem_shared>>)
        tpu.yield
      }) : () -> ()
      %add3A_218 = arith.constant 2 : i32
      %add3A_219 = arith.addi %mul3A_160, %add3A_218 : i32
      %lt3A_220 = arith.cmpi slt, %add3A_219, %select_n3A : i32
      %convert_element_type3A_221 = arith.extui %lt3A_220 : i1 to i32
      %cond3A_222 = arith.constant 0 : i32
      %cond3A_223 = arith.cmpi ne, %convert_element_type3A_221, %cond3A_222 : i32
      scf.if %cond3A_223 {
        %add3A_264 = arith.constant 2 : i32
        %add3A_265 = arith.addi %mul3A_160, %add3A_264 : i32
        %dma_start3A_266 = arith.constant 0 : i32
        %dma_start3A_267 = arith.constant 0 : i32
        %dma_start3A_268 = arith.constant 0 : i32
        %dma_start3A_269 = tpu.memref_slice %arg4[%add3A, %dma_start3A_266, %dma_start3A_267, %dma_start3A_268] : memref<32x144x1x128xi32, #tpu.memory_space<hbm>> -> memref<1x144x1x128xi32, #tpu.memory_space<hbm>>
        %dma_start3A_270 = tpu.memref_squeeze %dma_start3A_269 : memref<1x144x1x128xi32, #tpu.memory_space<hbm>> -> memref<144x1x128xi32, #tpu.memory_space<hbm>>
        %dma_start3A_271 = arith.constant 0 : i32
        %dma_start3A_272 = arith.constant 0 : i32
        %dma_start3A_273 = tpu.memref_slice %dma_start3A_270[%add3A_265, %dma_start3A_271, %dma_start3A_272] : memref<144x1x128xi32, #tpu.memory_space<hbm>> -> memref<1x1x128xi32, #tpu.memory_space<hbm>>
        %dma_start3A_274 = tpu.memref_squeeze %dma_start3A_273 : memref<1x1x128xi32, #tpu.memory_space<hbm>> -> memref<1x128xi32, #tpu.memory_space<hbm>>
        %dma_start3A_275 = arith.constant 0 : i32
        %dma_start3A_276 = arith.constant 0 : i32
        %dma_start3A_277 = arith.constant 0 : i32
        %dma_start3A_278 = tpu.memref_slice %arg4[%add3A, %dma_start3A_275, %dma_start3A_276, %dma_start3A_277] : memref<32x144x1x128xi32, #tpu.memory_space<hbm>> -> memref<1x144x1x128xi32, #tpu.memory_space<hbm>>
        %dma_start3A_279 = tpu.memref_squeeze %dma_start3A_278 : memref<1x144x1x128xi32, #tpu.memory_space<hbm>> -> memref<144x1x128xi32, #tpu.memory_space<hbm>>
        %dma_start3A_280 = arith.constant 0 : i32
        %dma_start3A_281 = arith.constant 0 : i32
        %dma_start3A_282 = tpu.memref_slice %dma_start3A_279[%add3A_265, %dma_start3A_280, %dma_start3A_281] : memref<144x1x128xi32, #tpu.memory_space<hbm>> -> memref<1x1x128xi32, #tpu.memory_space<hbm>>
        %dma_start3A_283 = tpu.memref_squeeze %dma_start3A_282 : memref<1x1x128xi32, #tpu.memory_space<hbm>> -> memref<1x128xi32, #tpu.memory_space<hbm>>
        tpu.enqueue_dma source(%dma_start3A_283 : memref<1x128xi32, #tpu.memory_space<hbm>>) target(%arg9 : memref<1x128xi32, #tpu.memory_space<vmem>>) target_semaphore(%arg16 : memref<!tpu.dma_semaphore, #tpu.memory_space<semaphore_mem>>)
        %add3A_284 = arith.constant 2 : i32
        %add3A_285 = arith.addi %mul3A_160, %add3A_284 : i32
        %dma_wait3A_286 = arith.constant 0 : i32
        %dma_wait3A_287 = arith.constant 0 : i32
        %dma_wait3A_288 = arith.constant 0 : i32
        %dma_wait3A_289 = tpu.memref_slice %arg3[%add3A, %dma_wait3A_286, %dma_wait3A_287, %dma_wait3A_288] : memref<32x144x1x128xi32, #tpu.memory_space<hbm>> -> memref<1x144x1x128xi32, #tpu.memory_space<hbm>>
        %dma_wait3A_290 = tpu.memref_squeeze %dma_wait3A_289 : memref<1x144x1x128xi32, #tpu.memory_space<hbm>> -> memref<144x1x128xi32, #tpu.memory_space<hbm>>
        %dma_wait3A_291 = arith.constant 0 : i32
        %dma_wait3A_292 = arith.constant 0 : i32
        %dma_wait3A_293 = tpu.memref_slice %dma_wait3A_290[%add3A_285, %dma_wait3A_291, %dma_wait3A_292] : memref<144x1x128xi32, #tpu.memory_space<hbm>> -> memref<1x1x128xi32, #tpu.memory_space<hbm>>
        %dma_wait3A_294 = tpu.memref_squeeze %dma_wait3A_293 : memref<1x1x128xi32, #tpu.memory_space<hbm>> -> memref<1x128xi32, #tpu.memory_space<hbm>>
        %dma_wait3A_295 = arith.constant 0 : i32
        %dma_wait3A_296 = arith.constant 0 : i32
        %dma_wait3A_297 = arith.constant 0 : i32
        %dma_wait3A_298 = tpu.memref_slice %arg3[%add3A, %dma_wait3A_295, %dma_wait3A_296, %dma_wait3A_297] : memref<32x144x1x128xi32, #tpu.memory_space<hbm>> -> memref<1x144x1x128xi32, #tpu.memory_space<hbm>>
        %dma_wait3A_299 = tpu.memref_squeeze %dma_wait3A_298 : memref<1x144x1x128xi32, #tpu.memory_space<hbm>> -> memref<144x1x128xi32, #tpu.memory_space<hbm>>
        %dma_wait3A_300 = arith.constant 0 : i32
        %dma_wait3A_301 = arith.constant 0 : i32
        %dma_wait3A_302 = tpu.memref_slice %dma_wait3A_299[%add3A_285, %dma_wait3A_300, %dma_wait3A_301] : memref<144x1x128xi32, #tpu.memory_space<hbm>> -> memref<1x1x128xi32, #tpu.memory_space<hbm>>
        %dma_wait3A_303 = tpu.memref_squeeze %dma_wait3A_302 : memref<1x1x128xi32, #tpu.memory_space<hbm>> -> memref<1x128xi32, #tpu.memory_space<hbm>>
        tpu.wait_dma2 semaphore(%arg14 : memref<!tpu.dma_semaphore, #tpu.memory_space<semaphore_mem>>) src(%dma_wait3A_303 : memref<1x128xi32, #tpu.memory_space<hbm>>) dst(%arg7 : memref<1x128xi32, #tpu.memory_space<vmem>>)
        %dma_start3A_304 = arith.constant 0 : i32
        %dma_start3A_305 = arith.constant 0 : i32
        %dma_start3A_306 = tpu.memref_slice %arg7[%dma_start3A_304, %dma_start3A_305] : memref<1x128xi32, #tpu.memory_space<vmem>> -> memref<1x128xi32, #tpu.memory_space<vmem>>
        %dma_start3A_307 = tpu.memref_squeeze %dma_start3A_306 : memref<1x128xi32, #tpu.memory_space<vmem>> -> memref<128xi32, #tpu.memory_space<vmem>>
        %dma_start3A_308 = arith.constant 0 : i32
        %dma_start3A_309 = arith.constant 0 : i32
        %dma_start3A_310 = tpu.memref_slice %arg2[%dma_start3A_308, %dma_start3A_309] : memref<10008x128xf32, #tpu.memory_space<hbm>> -> memref<10008x128xf32, #tpu.memory_space<hbm>>
        tpu.enqueue_indirect_dma source(%dma_start3A_310 : memref<10008x128xf32, #tpu.memory_space<hbm>>) target(%arg11 : memref<128x128xf32, #tpu.memory_space<vmem>>) offsets(%dma_start3A_307 : memref<128xi32, #tpu.memory_space<vmem>>) semaphore(%arg18 : memref<!tpu.dma_semaphore, #tpu.memory_space<semaphore_mem>>)
      } else {
      }
      %dma_wait3A_224 = arith.constant 0 : i32
      %dma_wait3A_225 = arith.constant 0 : i32
      %dma_wait3A_226 = tpu.memref_slice %arg8[%dma_wait3A_224, %dma_wait3A_225] : memref<1x128xi32, #tpu.memory_space<vmem>> -> memref<1x128xi32, #tpu.memory_space<vmem>>
      %dma_wait3A_227 = tpu.memref_squeeze %dma_wait3A_226 : memref<1x128xi32, #tpu.memory_space<vmem>> -> memref<128xi32, #tpu.memory_space<vmem>>
      %dma_wait3A_228 = arith.constant 0 : i32
      %dma_wait3A_229 = arith.constant 0 : i32
      %dma_wait3A_230 = tpu.memref_slice %arg2[%dma_wait3A_228, %dma_wait3A_229] : memref<10008x128xf32, #tpu.memory_space<hbm>> -> memref<10008x128xf32, #tpu.memory_space<hbm>>
      tpu.wait_indirect_dma semaphore(%arg19 : memref<!tpu.dma_semaphore, #tpu.memory_space<semaphore_mem>>) src(%dma_wait3A_230 : memref<10008x128xf32, #tpu.memory_space<hbm>>) dst(%arg12 : memref<128x128xf32, #tpu.memory_space<vmem>>)
      %add3A_231 = arith.constant 3 : i32
      %add3A_232 = arith.addi %mul3A_160, %add3A_231 : i32
      %lt3A_233 = arith.cmpi slt, %add3A_232, %select_n3A : i32
      %convert_element_type3A_234 = arith.extui %lt3A_233 : i1 to i32
      %cond3A_235 = arith.constant 0 : i32
      %cond3A_236 = arith.cmpi ne, %convert_element_type3A_234, %cond3A_235 : i32
      scf.if %cond3A_236 {
        %add3A_264 = arith.constant 3 : i32
        %add3A_265 = arith.addi %mul3A_160, %add3A_264 : i32
        %dma_start3A_266 = arith.constant 0 : i32
        %dma_start3A_267 = arith.constant 0 : i32
        %dma_start3A_268 = arith.constant 0 : i32
        %dma_start3A_269 = tpu.memref_slice %arg3[%add3A, %dma_start3A_266, %dma_start3A_267, %dma_start3A_268] : memref<32x144x1x128xi32, #tpu.memory_space<hbm>> -> memref<1x144x1x128xi32, #tpu.memory_space<hbm>>
        %dma_start3A_270 = tpu.memref_squeeze %dma_start3A_269 : memref<1x144x1x128xi32, #tpu.memory_space<hbm>> -> memref<144x1x128xi32, #tpu.memory_space<hbm>>
        %dma_start3A_271 = arith.constant 0 : i32
        %dma_start3A_272 = arith.constant 0 : i32
        %dma_start3A_273 = tpu.memref_slice %dma_start3A_270[%add3A_265, %dma_start3A_271, %dma_start3A_272] : memref<144x1x128xi32, #tpu.memory_space<hbm>> -> memref<1x1x128xi32, #tpu.memory_space<hbm>>
        %dma_start3A_274 = tpu.memref_squeeze %dma_start3A_273 : memref<1x1x128xi32, #tpu.memory_space<hbm>> -> memref<1x128xi32, #tpu.memory_space<hbm>>
        %dma_start3A_275 = arith.constant 0 : i32
        %dma_start3A_276 = arith.constant 0 : i32
        %dma_start3A_277 = arith.constant 0 : i32
        %dma_start3A_278 = tpu.memref_slice %arg3[%add3A, %dma_start3A_275, %dma_start3A_276, %dma_start3A_277] : memref<32x144x1x128xi32, #tpu.memory_space<hbm>> -> memref<1x144x1x128xi32, #tpu.memory_space<hbm>>
        %dma_start3A_279 = tpu.memref_squeeze %dma_start3A_278 : memref<1x144x1x128xi32, #tpu.memory_space<hbm>> -> memref<144x1x128xi32, #tpu.memory_space<hbm>>
        %dma_start3A_280 = arith.constant 0 : i32
        %dma_start3A_281 = arith.constant 0 : i32
        %dma_start3A_282 = tpu.memref_slice %dma_start3A_279[%add3A_265, %dma_start3A_280, %dma_start3A_281] : memref<144x1x128xi32, #tpu.memory_space<hbm>> -> memref<1x1x128xi32, #tpu.memory_space<hbm>>
        %dma_start3A_283 = tpu.memref_squeeze %dma_start3A_282 : memref<1x1x128xi32, #tpu.memory_space<hbm>> -> memref<1x128xi32, #tpu.memory_space<hbm>>
        tpu.enqueue_dma source(%dma_start3A_283 : memref<1x128xi32, #tpu.memory_space<hbm>>) target(%arg8 : memref<1x128xi32, #tpu.memory_space<vmem>>) target_semaphore(%arg15 : memref<!tpu.dma_semaphore, #tpu.memory_space<semaphore_mem>>)
      } else {
      }
      %add3A_237 = arith.constant 1 : i32
      %add3A_238 = arith.addi %mul3A_160, %add3A_237 : i32
      %dma_wait3A_239 = arith.constant 0 : i32
      %dma_wait3A_240 = arith.constant 0 : i32
      %dma_wait3A_241 = arith.constant 0 : i32
      %dma_wait3A_242 = tpu.memref_slice %arg4[%add3A, %dma_wait3A_239, %dma_wait3A_240, %dma_wait3A_241] : memref<32x144x1x128xi32, #tpu.memory_space<hbm>> -> memref<1x144x1x128xi32, #tpu.memory_space<hbm>>
      %dma_wait3A_243 = tpu.memref_squeeze %dma_wait3A_242 : memref<1x144x1x128xi32, #tpu.memory_space<hbm>> -> memref<144x1x128xi32, #tpu.memory_space<hbm>>
      %dma_wait3A_244 = arith.constant 0 : i32
      %dma_wait3A_245 = arith.constant 0 : i32
      %dma_wait3A_246 = tpu.memref_slice %dma_wait3A_243[%add3A_238, %dma_wait3A_244, %dma_wait3A_245] : memref<144x1x128xi32, #tpu.memory_space<hbm>> -> memref<1x1x128xi32, #tpu.memory_space<hbm>>
      %dma_wait3A_247 = tpu.memref_squeeze %dma_wait3A_246 : memref<1x1x128xi32, #tpu.memory_space<hbm>> -> memref<1x128xi32, #tpu.memory_space<hbm>>
      %dma_wait3A_248 = arith.constant 0 : i32
      %dma_wait3A_249 = arith.constant 0 : i32
      %dma_wait3A_250 = arith.constant 0 : i32
      %dma_wait3A_251 = tpu.memref_slice %arg4[%add3A, %dma_wait3A_248, %dma_wait3A_249, %dma_wait3A_250] : memref<32x144x1x128xi32, #tpu.memory_space<hbm>> -> memref<1x144x1x128xi32, #tpu.memory_space<hbm>>
      %dma_wait3A_252 = tpu.memref_squeeze %dma_wait3A_251 : memref<1x144x1x128xi32, #tpu.memory_space<hbm>> -> memref<144x1x128xi32, #tpu.memory_space<hbm>>
      %dma_wait3A_253 = arith.constant 0 : i32
      %dma_wait3A_254 = arith.constant 0 : i32
      %dma_wait3A_255 = tpu.memref_slice %dma_wait3A_252[%add3A_238, %dma_wait3A_253, %dma_wait3A_254] : memref<144x1x128xi32, #tpu.memory_space<hbm>> -> memref<1x1x128xi32, #tpu.memory_space<hbm>>
      %dma_wait3A_256 = tpu.memref_squeeze %dma_wait3A_255 : memref<1x1x128xi32, #tpu.memory_space<hbm>> -> memref<1x128xi32, #tpu.memory_space<hbm>>
      tpu.wait_dma2 semaphore(%arg17 : memref<!tpu.dma_semaphore, #tpu.memory_space<semaphore_mem>>) src(%dma_wait3A_256 : memref<1x128xi32, #tpu.memory_space<hbm>>) dst(%arg10 : memref<1x128xi32, #tpu.memory_space<vmem>>)
      %run_scoped3A_257 = arith.constant 0 : i32
      "tpu.region"() ({
        %run_scoped3A_264 = tpu.sem_alloc : memref<!tpu.dma_semaphore, #tpu.memory_space<semaphore_mem>>
        %dma_start3A_265 = arith.constant 0 : i32
        %dma_start3A_266 = tpu.memref_slice %arg10[%run_scoped3A_257, %dma_start3A_265] : memref<1x128xi32, #tpu.memory_space<vmem>> -> memref<1x128xi32, #tpu.memory_space<vmem>>
        %dma_start3A_267 = tpu.memref_squeeze %dma_start3A_266 : memref<1x128xi32, #tpu.memory_space<vmem>> -> memref<128xi32, #tpu.memory_space<vmem>>
        %dma_start3A_268 = arith.constant 0 : i32
        %dma_start3A_269 = arith.constant 0 : i32
        %dma_start3A_270 = tpu.memref_slice %arg13[%dma_start3A_268, %dma_start3A_269] : memref<10008x128xf32, #tpu.memory_space<vmem_shared>> -> memref<10008x128xf32, #tpu.memory_space<vmem_shared>>
        tpu.enqueue_indirect_dma source(%arg12 : memref<128x128xf32, #tpu.memory_space<vmem>>) target(%dma_start3A_270 : memref<10008x128xf32, #tpu.memory_space<vmem_shared>>) offsets(%dma_start3A_267 : memref<128xi32, #tpu.memory_space<vmem>>) semaphore(%run_scoped3A_264 : memref<!tpu.dma_semaphore, #tpu.memory_space<semaphore_mem>>) {add = true}
        %dma_wait3A_271 = arith.constant 0 : i32
        %dma_wait3A_272 = tpu.memref_slice %arg10[%run_scoped3A_257, %dma_wait3A_271] : memref<1x128xi32, #tpu.memory_space<vmem>> -> memref<1x128xi32, #tpu.memory_space<vmem>>
        %dma_wait3A_273 = tpu.memref_squeeze %dma_wait3A_272 : memref<1x128xi32, #tpu.memory_space<vmem>> -> memref<128xi32, #tpu.memory_space<vmem>>
        %dma_wait3A_274 = arith.constant 0 : i32
        %dma_wait3A_275 = arith.constant 0 : i32
        %dma_wait3A_276 = tpu.memref_slice %arg13[%dma_wait3A_274, %dma_wait3A_275] : memref<10008x128xf32, #tpu.memory_space<vmem_shared>> -> memref<10008x128xf32, #tpu.memory_space<vmem_shared>>
        tpu.wait_indirect_dma semaphore(%run_scoped3A_264 : memref<!tpu.dma_semaphore, #tpu.memory_space<semaphore_mem>>) src(%arg12 : memref<128x128xf32, #tpu.memory_space<vmem>>) dst(%dma_wait3A_276 : memref<10008x128xf32, #tpu.memory_space<vmem_shared>>)
        tpu.yield
      }) : () -> ()
      %add3A_258 = arith.constant 3 : i32
      %add3A_259 = arith.addi %mul3A_160, %add3A_258 : i32
      %lt3A_260 = arith.cmpi slt, %add3A_259, %select_n3A : i32
      %convert_element_type3A_261 = arith.extui %lt3A_260 : i1 to i32
      %cond3A_262 = arith.constant 0 : i32
      %cond3A_263 = arith.cmpi ne, %convert_element_type3A_261, %cond3A_262 : i32
      scf.if %cond3A_263 {
        %add3A_264 = arith.constant 3 : i32
        %add3A_265 = arith.addi %mul3A_160, %add3A_264 : i32
        %dma_start3A_266 = arith.constant 0 : i32
        %dma_start3A_267 = arith.constant 0 : i32
        %dma_start3A_268 = arith.constant 0 : i32
        %dma_start3A_269 = tpu.memref_slice %arg4[%add3A, %dma_start3A_266, %dma_start3A_267, %dma_start3A_268] : memref<32x144x1x128xi32, #tpu.memory_space<hbm>> -> memref<1x144x1x128xi32, #tpu.memory_space<hbm>>
        %dma_start3A_270 = tpu.memref_squeeze %dma_start3A_269 : memref<1x144x1x128xi32, #tpu.memory_space<hbm>> -> memref<144x1x128xi32, #tpu.memory_space<hbm>>
        %dma_start3A_271 = arith.constant 0 : i32
        %dma_start3A_272 = arith.constant 0 : i32
        %dma_start3A_273 = tpu.memref_slice %dma_start3A_270[%add3A_265, %dma_start3A_271, %dma_start3A_272] : memref<144x1x128xi32, #tpu.memory_space<hbm>> -> memref<1x1x128xi32, #tpu.memory_space<hbm>>
        %dma_start3A_274 = tpu.memref_squeeze %dma_start3A_273 : memref<1x1x128xi32, #tpu.memory_space<hbm>> -> memref<1x128xi32, #tpu.memory_space<hbm>>
        %dma_start3A_275 = arith.constant 0 : i32
        %dma_start3A_276 = arith.constant 0 : i32
        %dma_start3A_277 = arith.constant 0 : i32
        %dma_start3A_278 = tpu.memref_slice %arg4[%add3A, %dma_start3A_275, %dma_start3A_276, %dma_start3A_277] : memref<32x144x1x128xi32, #tpu.memory_space<hbm>> -> memref<1x144x1x128xi32, #tpu.memory_space<hbm>>
        %dma_start3A_279 = tpu.memref_squeeze %dma_start3A_278 : memref<1x144x1x128xi32, #tpu.memory_space<hbm>> -> memref<144x1x128xi32, #tpu.memory_space<hbm>>
        %dma_start3A_280 = arith.constant 0 : i32
        %dma_start3A_281 = arith.constant 0 : i32
        %dma_start3A_282 = tpu.memref_slice %dma_start3A_279[%add3A_265, %dma_start3A_280, %dma_start3A_281] : memref<144x1x128xi32, #tpu.memory_space<hbm>> -> memref<1x1x128xi32, #tpu.memory_space<hbm>>
        %dma_start3A_283 = tpu.memref_squeeze %dma_start3A_282 : memref<1x1x128xi32, #tpu.memory_space<hbm>> -> memref<1x128xi32, #tpu.memory_space<hbm>>
        tpu.enqueue_dma source(%dma_start3A_283 : memref<1x128xi32, #tpu.memory_space<hbm>>) target(%arg10 : memref<1x128xi32, #tpu.memory_space<vmem>>) target_semaphore(%arg17 : memref<!tpu.dma_semaphore, #tpu.memory_space<semaphore_mem>>)
      } else {
      }
    }
    %while3A_145 = arith.constant 1 : i32
    scf.for %while3A_156 = %while3A_143 to %while3A_139 step %while3A_145  : i32 {
      %mul3A_157 = arith.muli %while3A_156, %while3A : i32
      %add3A_158 = arith.addi %while3A_136, %mul3A_157 : i32
      %mul3A_159 = arith.constant 2 : i32
      %mul3A_160 = arith.muli %mul3A_159, %add3A_158 : i32
      %add3A_161 = arith.constant 1 : i32
      %add3A_162 = arith.addi %mul3A_160, %add3A_161 : i32
      %dma_wait3A_163 = arith.constant 0 : i32
      %dma_wait3A_164 = arith.constant 0 : i32
      %dma_wait3A_165 = arith.constant 0 : i32
      %dma_wait3A_166 = tpu.memref_slice %arg3[%add3A, %dma_wait3A_163, %dma_wait3A_164, %dma_wait3A_165] : memref<32x144x1x128xi32, #tpu.memory_space<hbm>> -> memref<1x144x1x128xi32, #tpu.memory_space<hbm>>
      %dma_wait3A_167 = tpu.memref_squeeze %dma_wait3A_166 : memref<1x144x1x128xi32, #tpu.memory_space<hbm>> -> memref<144x1x128xi32, #tpu.memory_space<hbm>>
      %dma_wait3A_168 = arith.constant 0 : i32
      %dma_wait3A_169 = arith.constant 0 : i32
      %dma_wait3A_170 = tpu.memref_slice %dma_wait3A_167[%add3A_162, %dma_wait3A_168, %dma_wait3A_169] : memref<144x1x128xi32, #tpu.memory_space<hbm>> -> memref<1x1x128xi32, #tpu.memory_space<hbm>>
      %dma_wait3A_171 = tpu.memref_squeeze %dma_wait3A_170 : memref<1x1x128xi32, #tpu.memory_space<hbm>> -> memref<1x128xi32, #tpu.memory_space<hbm>>
      %dma_wait3A_172 = arith.constant 0 : i32
      %dma_wait3A_173 = arith.constant 0 : i32
      %dma_wait3A_174 = arith.constant 0 : i32
      %dma_wait3A_175 = tpu.memref_slice %arg3[%add3A, %dma_wait3A_172, %dma_wait3A_173, %dma_wait3A_174] : memref<32x144x1x128xi32, #tpu.memory_space<hbm>> -> memref<1x144x1x128xi32, #tpu.memory_space<hbm>>
      %dma_wait3A_176 = tpu.memref_squeeze %dma_wait3A_175 : memref<1x144x1x128xi32, #tpu.memory_space<hbm>> -> memref<144x1x128xi32, #tpu.memory_space<hbm>>
      %dma_wait3A_177 = arith.constant 0 : i32
      %dma_wait3A_178 = arith.constant 0 : i32
      %dma_wait3A_179 = tpu.memref_slice %dma_wait3A_176[%add3A_162, %dma_wait3A_177, %dma_wait3A_178] : memref<144x1x128xi32, #tpu.memory_space<hbm>> -> memref<1x1x128xi32, #tpu.memory_space<hbm>>
      %dma_wait3A_180 = tpu.memref_squeeze %dma_wait3A_179 : memref<1x1x128xi32, #tpu.memory_space<hbm>> -> memref<1x128xi32, #tpu.memory_space<hbm>>
      tpu.wait_dma2 semaphore(%arg15 : memref<!tpu.dma_semaphore, #tpu.memory_space<semaphore_mem>>) src(%dma_wait3A_180 : memref<1x128xi32, #tpu.memory_space<hbm>>) dst(%arg8 : memref<1x128xi32, #tpu.memory_space<vmem>>)
      %dma_start3A_181 = arith.constant 0 : i32
      %dma_start3A_182 = arith.constant 0 : i32
      %dma_start3A_183 = tpu.memref_slice %arg8[%dma_start3A_181, %dma_start3A_182] : memref<1x128xi32, #tpu.memory_space<vmem>> -> memref<1x128xi32, #tpu.memory_space<vmem>>
      %dma_start3A_184 = tpu.memref_squeeze %dma_start3A_183 : memref<1x128xi32, #tpu.memory_space<vmem>> -> memref<128xi32, #tpu.memory_space<vmem>>
      %dma_start3A_185 = arith.constant 0 : i32
      %dma_start3A_186 = arith.constant 0 : i32
      %dma_start3A_187 = tpu.memref_slice %arg2[%dma_start3A_185, %dma_start3A_186] : memref<10008x128xf32, #tpu.memory_space<hbm>> -> memref<10008x128xf32, #tpu.memory_space<hbm>>
      tpu.enqueue_indirect_dma source(%dma_start3A_187 : memref<10008x128xf32, #tpu.memory_space<hbm>>) target(%arg12 : memref<128x128xf32, #tpu.memory_space<vmem>>) offsets(%dma_start3A_184 : memref<128xi32, #tpu.memory_space<vmem>>) semaphore(%arg19 : memref<!tpu.dma_semaphore, #tpu.memory_space<semaphore_mem>>)
      %dma_wait3A_188 = arith.constant 0 : i32
      %dma_wait3A_189 = arith.constant 0 : i32
      %dma_wait3A_190 = tpu.memref_slice %arg7[%dma_wait3A_188, %dma_wait3A_189] : memref<1x128xi32, #tpu.memory_space<vmem>> -> memref<1x128xi32, #tpu.memory_space<vmem>>
      %dma_wait3A_191 = tpu.memref_squeeze %dma_wait3A_190 : memref<1x128xi32, #tpu.memory_space<vmem>> -> memref<128xi32, #tpu.memory_space<vmem>>
      %dma_wait3A_192 = arith.constant 0 : i32
      %dma_wait3A_193 = arith.constant 0 : i32
      %dma_wait3A_194 = tpu.memref_slice %arg2[%dma_wait3A_192, %dma_wait3A_193] : memref<10008x128xf32, #tpu.memory_space<hbm>> -> memref<10008x128xf32, #tpu.memory_space<hbm>>
      tpu.wait_indirect_dma semaphore(%arg18 : memref<!tpu.dma_semaphore, #tpu.memory_space<semaphore_mem>>) src(%dma_wait3A_194 : memref<10008x128xf32, #tpu.memory_space<hbm>>) dst(%arg11 : memref<128x128xf32, #tpu.memory_space<vmem>>)
      %add3A_195 = arith.constant 2 : i32
      %add3A_196 = arith.addi %mul3A_160, %add3A_195 : i32
      %lt3A = arith.cmpi slt, %add3A_196, %select_n3A : i32
      %convert_element_type3A_197 = arith.extui %lt3A : i1 to i32
      %cond3A_198 = arith.constant 0 : i32
      %cond3A_199 = arith.cmpi ne, %convert_element_type3A_197, %cond3A_198 : i32
      scf.if %cond3A_199 {
        %add3A_264 = arith.constant 2 : i32
        %add3A_265 = arith.addi %mul3A_160, %add3A_264 : i32
        %dma_start3A_266 = arith.constant 0 : i32
        %dma_start3A_267 = arith.constant 0 : i32
        %dma_start3A_268 = arith.constant 0 : i32
        %dma_start3A_269 = tpu.memref_slice %arg3[%add3A, %dma_start3A_266, %dma_start3A_267, %dma_start3A_268] : memref<32x144x1x128xi32, #tpu.memory_space<hbm>> -> memref<1x144x1x128xi32, #tpu.memory_space<hbm>>
        %dma_start3A_270 = tpu.memref_squeeze %dma_start3A_269 : memref<1x144x1x128xi32, #tpu.memory_space<hbm>> -> memref<144x1x128xi32, #tpu.memory_space<hbm>>
        %dma_start3A_271 = arith.constant 0 : i32
        %dma_start3A_272 = arith.constant 0 : i32
        %dma_start3A_273 = tpu.memref_slice %dma_start3A_270[%add3A_265, %dma_start3A_271, %dma_start3A_272] : memref<144x1x128xi32, #tpu.memory_space<hbm>> -> memref<1x1x128xi32, #tpu.memory_space<hbm>>
        %dma_start3A_274 = tpu.memref_squeeze %dma_start3A_273 : memref<1x1x128xi32, #tpu.memory_space<hbm>> -> memref<1x128xi32, #tpu.memory_space<hbm>>
        %dma_start3A_275 = arith.constant 0 : i32
        %dma_start3A_276 = arith.constant 0 : i32
        %dma_start3A_277 = arith.constant 0 : i32
        %dma_start3A_278 = tpu.memref_slice %arg3[%add3A, %dma_start3A_275, %dma_start3A_276, %dma_start3A_277] : memref<32x144x1x128xi32, #tpu.memory_space<hbm>> -> memref<1x144x1x128xi32, #tpu.memory_space<hbm>>
        %dma_start3A_279 = tpu.memref_squeeze %dma_start3A_278 : memref<1x144x1x128xi32, #tpu.memory_space<hbm>> -> memref<144x1x128xi32, #tpu.memory_space<hbm>>
        %dma_start3A_280 = arith.constant 0 : i32
        %dma_start3A_281 = arith.constant 0 : i32
        %dma_start3A_282 = tpu.memref_slice %dma_start3A_279[%add3A_265, %dma_start3A_280, %dma_start3A_281] : memref<144x1x128xi32, #tpu.memory_space<hbm>> -> memref<1x1x128xi32, #tpu.memory_space<hbm>>
        %dma_start3A_283 = tpu.memref_squeeze %dma_start3A_282 : memref<1x1x128xi32, #tpu.memory_space<hbm>> -> memref<1x128xi32, #tpu.memory_space<hbm>>
        tpu.enqueue_dma source(%dma_start3A_283 : memref<1x128xi32, #tpu.memory_space<hbm>>) target(%arg7 : memref<1x128xi32, #tpu.memory_space<vmem>>) target_semaphore(%arg14 : memref<!tpu.dma_semaphore, #tpu.memory_space<semaphore_mem>>)
      } else {
      }
      %dma_wait3A_200 = arith.constant 0 : i32
      %dma_wait3A_201 = arith.constant 0 : i32
      %dma_wait3A_202 = arith.constant 0 : i32
      %dma_wait3A_203 = tpu.memref_slice %arg4[%add3A, %dma_wait3A_200, %dma_wait3A_201, %dma_wait3A_202] : memref<32x144x1x128xi32, #tpu.memory_space<hbm>> -> memref<1x144x1x128xi32, #tpu.memory_space<hbm>>
      %dma_wait3A_204 = tpu.memref_squeeze %dma_wait3A_203 : memref<1x144x1x128xi32, #tpu.memory_space<hbm>> -> memref<144x1x128xi32, #tpu.memory_space<hbm>>
      %dma_wait3A_205 = arith.constant 0 : i32
      %dma_wait3A_206 = arith.constant 0 : i32
      %dma_wait3A_207 = tpu.memref_slice %dma_wait3A_204[%mul3A_160, %dma_wait3A_205, %dma_wait3A_206] : memref<144x1x128xi32, #tpu.memory_space<hbm>> -> memref<1x1x128xi32, #tpu.memory_space<hbm>>
      %dma_wait3A_208 = tpu.memref_squeeze %dma_wait3A_207 : memref<1x1x128xi32, #tpu.memory_space<hbm>> -> memref<1x128xi32, #tpu.memory_space<hbm>>
      %dma_wait3A_209 = arith.constant 0 : i32
      %dma_wait3A_210 = arith.constant 0 : i32
      %dma_wait3A_211 = arith.constant 0 : i32
      %dma_wait3A_212 = tpu.memref_slice %arg4[%add3A, %dma_wait3A_209, %dma_wait3A_210, %dma_wait3A_211] : memref<32x144x1x128xi32, #tpu.memory_space<hbm>> -> memref<1x144x1x128xi32, #tpu.memory_space<hbm>>
      %dma_wait3A_213 = tpu.memref_squeeze %dma_wait3A_212 : memref<1x144x1x128xi32, #tpu.memory_space<hbm>> -> memref<144x1x128xi32, #tpu.memory_space<hbm>>
      %dma_wait3A_214 = arith.constant 0 : i32
      %dma_wait3A_215 = arith.constant 0 : i32
      %dma_wait3A_216 = tpu.memref_slice %dma_wait3A_213[%mul3A_160, %dma_wait3A_214, %dma_wait3A_215] : memref<144x1x128xi32, #tpu.memory_space<hbm>> -> memref<1x1x128xi32, #tpu.memory_space<hbm>>
      %dma_wait3A_217 = tpu.memref_squeeze %dma_wait3A_216 : memref<1x1x128xi32, #tpu.memory_space<hbm>> -> memref<1x128xi32, #tpu.memory_space<hbm>>
      tpu.wait_dma2 semaphore(%arg16 : memref<!tpu.dma_semaphore, #tpu.memory_space<semaphore_mem>>) src(%dma_wait3A_217 : memref<1x128xi32, #tpu.memory_space<hbm>>) dst(%arg9 : memref<1x128xi32, #tpu.memory_space<vmem>>)
      %run_scoped3A = arith.constant 0 : i32
      "tpu.region"() ({
        %run_scoped3A_264 = tpu.sem_alloc : memref<!tpu.dma_semaphore, #tpu.memory_space<semaphore_mem>>
        %dma_start3A_265 = arith.constant 0 : i32
        %dma_start3A_266 = tpu.memref_slice %arg9[%run_scoped3A, %dma_start3A_265] : memref<1x128xi32, #tpu.memory_space<vmem>> -> memref<1x128xi32, #tpu.memory_space<vmem>>
        %dma_start3A_267 = tpu.memref_squeeze %dma_start3A_266 : memref<1x128xi32, #tpu.memory_space<vmem>> -> memref<128xi32, #tpu.memory_space<vmem>>
        %dma_start3A_268 = arith.constant 0 : i32
        %dma_start3A_269 = arith.constant 0 : i32
        %dma_start3A_270 = tpu.memref_slice %arg13[%dma_start3A_268, %dma_start3A_269] : memref<10008x128xf32, #tpu.memory_space<vmem_shared>> -> memref<10008x128xf32, #tpu.memory_space<vmem_shared>>
        tpu.enqueue_indirect_dma source(%arg11 : memref<128x128xf32, #tpu.memory_space<vmem>>) target(%dma_start3A_270 : memref<10008x128xf32, #tpu.memory_space<vmem_shared>>) offsets(%dma_start3A_267 : memref<128xi32, #tpu.memory_space<vmem>>) semaphore(%run_scoped3A_264 : memref<!tpu.dma_semaphore, #tpu.memory_space<semaphore_mem>>) {add = true}
        %dma_wait3A_271 = arith.constant 0 : i32
        %dma_wait3A_272 = tpu.memref_slice %arg9[%run_scoped3A, %dma_wait3A_271] : memref<1x128xi32, #tpu.memory_space<vmem>> -> memref<1x128xi32, #tpu.memory_space<vmem>>
        %dma_wait3A_273 = tpu.memref_squeeze %dma_wait3A_272 : memref<1x128xi32, #tpu.memory_space<vmem>> -> memref<128xi32, #tpu.memory_space<vmem>>
        %dma_wait3A_274 = arith.constant 0 : i32
        %dma_wait3A_275 = arith.constant 0 : i32
        %dma_wait3A_276 = tpu.memref_slice %arg13[%dma_wait3A_274, %dma_wait3A_275] : memref<10008x128xf32, #tpu.memory_space<vmem_shared>> -> memref<10008x128xf32, #tpu.memory_space<vmem_shared>>
        tpu.wait_indirect_dma semaphore(%run_scoped3A_264 : memref<!tpu.dma_semaphore, #tpu.memory_space<semaphore_mem>>) src(%arg11 : memref<128x128xf32, #tpu.memory_space<vmem>>) dst(%dma_wait3A_276 : memref<10008x128xf32, #tpu.memory_space<vmem_shared>>)
        tpu.yield
      }) : () -> ()
      %add3A_218 = arith.constant 2 : i32
      %add3A_219 = arith.addi %mul3A_160, %add3A_218 : i32
      %lt3A_220 = arith.cmpi slt, %add3A_219, %select_n3A : i32
      %convert_element_type3A_221 = arith.extui %lt3A_220 : i1 to i32
      %cond3A_222 = arith.constant 0 : i32
      %cond3A_223 = arith.cmpi ne, %convert_element_type3A_221, %cond3A_222 : i32
      scf.if %cond3A_223 {
        %add3A_264 = arith.constant 2 : i32
        %add3A_265 = arith.addi %mul3A_160, %add3A_264 : i32
        %dma_start3A_266 = arith.constant 0 : i32
        %dma_start3A_267 = arith.constant 0 : i32
        %dma_start3A_268 = arith.constant 0 : i32
        %dma_start3A_269 = tpu.memref_slice %arg4[%add3A, %dma_start3A_266, %dma_start3A_267, %dma_start3A_268] : memref<32x144x1x128xi32, #tpu.memory_space<hbm>> -> memref<1x144x1x128xi32, #tpu.memory_space<hbm>>
        %dma_start3A_270 = tpu.memref_squeeze %dma_start3A_269 : memref<1x144x1x128xi32, #tpu.memory_space<hbm>> -> memref<144x1x128xi32, #tpu.memory_space<hbm>>
        %dma_start3A_271 = arith.constant 0 : i32
        %dma_start3A_272 = arith.constant 0 : i32
        %dma_start3A_273 = tpu.memref_slice %dma_start3A_270[%add3A_265, %dma_start3A_271, %dma_start3A_272] : memref<144x1x128xi32, #tpu.memory_space<hbm>> -> memref<1x1x128xi32, #tpu.memory_space<hbm>>
        %dma_start3A_274 = tpu.memref_squeeze %dma_start3A_273 : memref<1x1x128xi32, #tpu.memory_space<hbm>> -> memref<1x128xi32, #tpu.memory_space<hbm>>
        %dma_start3A_275 = arith.constant 0 : i32
        %dma_start3A_276 = arith.constant 0 : i32
        %dma_start3A_277 = arith.constant 0 : i32
        %dma_start3A_278 = tpu.memref_slice %arg4[%add3A, %dma_start3A_275, %dma_start3A_276, %dma_start3A_277] : memref<32x144x1x128xi32, #tpu.memory_space<hbm>> -> memref<1x144x1x128xi32, #tpu.memory_space<hbm>>
        %dma_start3A_279 = tpu.memref_squeeze %dma_start3A_278 : memref<1x144x1x128xi32, #tpu.memory_space<hbm>> -> memref<144x1x128xi32, #tpu.memory_space<hbm>>
        %dma_start3A_280 = arith.constant 0 : i32
        %dma_start3A_281 = arith.constant 0 : i32
        %dma_start3A_282 = tpu.memref_slice %dma_start3A_279[%add3A_265, %dma_start3A_280, %dma_start3A_281] : memref<144x1x128xi32, #tpu.memory_space<hbm>> -> memref<1x1x128xi32, #tpu.memory_space<hbm>>
        %dma_start3A_283 = tpu.memref_squeeze %dma_start3A_282 : memref<1x1x128xi32, #tpu.memory_space<hbm>> -> memref<1x128xi32, #tpu.memory_space<hbm>>
        tpu.enqueue_dma source(%dma_start3A_283 : memref<1x128xi32, #tpu.memory_space<hbm>>) target(%arg9 : memref<1x128xi32, #tpu.memory_space<vmem>>) target_semaphore(%arg16 : memref<!tpu.dma_semaphore, #tpu.memory_space<semaphore_mem>>)
        %add3A_284 = arith.constant 2 : i32
        %add3A_285 = arith.addi %mul3A_160, %add3A_284 : i32
        %dma_wait3A_286 = arith.constant 0 : i32
        %dma_wait3A_287 = arith.constant 0 : i32
        %dma_wait3A_288 = arith.constant 0 : i32
        %dma_wait3A_289 = tpu.memref_slice %arg3[%add3A, %dma_wait3A_286, %dma_wait3A_287, %dma_wait3A_288] : memref<32x144x1x128xi32, #tpu.memory_space<hbm>> -> memref<1x144x1x128xi32, #tpu.memory_space<hbm>>
        %dma_wait3A_290 = tpu.memref_squeeze %dma_wait3A_289 : memref<1x144x1x128xi32, #tpu.memory_space<hbm>> -> memref<144x1x128xi32, #tpu.memory_space<hbm>>
        %dma_wait3A_291 = arith.constant 0 : i32
        %dma_wait3A_292 = arith.constant 0 : i32
        %dma_wait3A_293 = tpu.memref_slice %dma_wait3A_290[%add3A_285, %dma_wait3A_291, %dma_wait3A_292] : memref<144x1x128xi32, #tpu.memory_space<hbm>> -> memref<1x1x128xi32, #tpu.memory_space<hbm>>
        %dma_wait3A_294 = tpu.memref_squeeze %dma_wait3A_293 : memref<1x1x128xi32, #tpu.memory_space<hbm>> -> memref<1x128xi32, #tpu.memory_space<hbm>>
        %dma_wait3A_295 = arith.constant 0 : i32
        %dma_wait3A_296 = arith.constant 0 : i32
        %dma_wait3A_297 = arith.constant 0 : i32
        %dma_wait3A_298 = tpu.memref_slice %arg3[%add3A, %dma_wait3A_295, %dma_wait3A_296, %dma_wait3A_297] : memref<32x144x1x128xi32, #tpu.memory_space<hbm>> -> memref<1x144x1x128xi32, #tpu.memory_space<hbm>>
        %dma_wait3A_299 = tpu.memref_squeeze %dma_wait3A_298 : memref<1x144x1x128xi32, #tpu.memory_space<hbm>> -> memref<144x1x128xi32, #tpu.memory_space<hbm>>
        %dma_wait3A_300 = arith.constant 0 : i32
        %dma_wait3A_301 = arith.constant 0 : i32
        %dma_wait3A_302 = tpu.memref_slice %dma_wait3A_299[%add3A_285, %dma_wait3A_300, %dma_wait3A_301] : memref<144x1x128xi32, #tpu.memory_space<hbm>> -> memref<1x1x128xi32, #tpu.memory_space<hbm>>
        %dma_wait3A_303 = tpu.memref_squeeze %dma_wait3A_302 : memref<1x1x128xi32, #tpu.memory_space<hbm>> -> memref<1x128xi32, #tpu.memory_space<hbm>>
        tpu.wait_dma2 semaphore(%arg14 : memref<!tpu.dma_semaphore, #tpu.memory_space<semaphore_mem>>) src(%dma_wait3A_303 : memref<1x128xi32, #tpu.memory_space<hbm>>) dst(%arg7 : memref<1x128xi32, #tpu.memory_space<vmem>>)
        %dma_start3A_304 = arith.constant 0 : i32
        %dma_start3A_305 = arith.constant 0 : i32
        %dma_start3A_306 = tpu.memref_slice %arg7[%dma_start3A_304, %dma_start3A_305] : memref<1x128xi32, #tpu.memory_space<vmem>> -> memref<1x128xi32, #tpu.memory_space<vmem>>
        %dma_start3A_307 = tpu.memref_squeeze %dma_start3A_306 : memref<1x128xi32, #tpu.memory_space<vmem>> -> memref<128xi32, #tpu.memory_space<vmem>>
        %dma_start3A_308 = arith.constant 0 : i32
        %dma_start3A_309 = arith.constant 0 : i32
        %dma_start3A_310 = tpu.memref_slice %arg2[%dma_start3A_308, %dma_start3A_309] : memref<10008x128xf32, #tpu.memory_space<hbm>> -> memref<10008x128xf32, #tpu.memory_space<hbm>>
        tpu.enqueue_indirect_dma source(%dma_start3A_310 : memref<10008x128xf32, #tpu.memory_space<hbm>>) target(%arg11 : memref<128x128xf32, #tpu.memory_space<vmem>>) offsets(%dma_start3A_307 : memref<128xi32, #tpu.memory_space<vmem>>) semaphore(%arg18 : memref<!tpu.dma_semaphore, #tpu.memory_space<semaphore_mem>>)
      } else {
      }
      %dma_wait3A_224 = arith.constant 0 : i32
      %dma_wait3A_225 = arith.constant 0 : i32
      %dma_wait3A_226 = tpu.memref_slice %arg8[%dma_wait3A_224, %dma_wait3A_225] : memref<1x128xi32, #tpu.memory_space<vmem>> -> memref<1x128xi32, #tpu.memory_space<vmem>>
      %dma_wait3A_227 = tpu.memref_squeeze %dma_wait3A_226 : memref<1x128xi32, #tpu.memory_space<vmem>> -> memref<128xi32, #tpu.memory_space<vmem>>
      %dma_wait3A_228 = arith.constant 0 : i32
      %dma_wait3A_229 = arith.constant 0 : i32
      %dma_wait3A_230 = tpu.memref_slice %arg2[%dma_wait3A_228, %dma_wait3A_229] : memref<10008x128xf32, #tpu.memory_space<hbm>> -> memref<10008x128xf32, #tpu.memory_space<hbm>>
      tpu.wait_indirect_dma semaphore(%arg19 : memref<!tpu.dma_semaphore, #tpu.memory_space<semaphore_mem>>) src(%dma_wait3A_230 : memref<10008x128xf32, #tpu.memory_space<hbm>>) dst(%arg12 : memref<128x128xf32, #tpu.memory_space<vmem>>)
      %add3A_231 = arith.constant 3 : i32
      %add3A_232 = arith.addi %mul3A_160, %add3A_231 : i32
      %lt3A_233 = arith.cmpi slt, %add3A_232, %select_n3A : i32
      %convert_element_type3A_234 = arith.extui %lt3A_233 : i1 to i32
      %cond3A_235 = arith.constant 0 : i32
      %cond3A_236 = arith.cmpi ne, %convert_element_type3A_234, %cond3A_235 : i32
      scf.if %cond3A_236 {
        %add3A_264 = arith.constant 3 : i32
        %add3A_265 = arith.addi %mul3A_160, %add3A_264 : i32
        %dma_start3A_266 = arith.constant 0 : i32
        %dma_start3A_267 = arith.constant 0 : i32
        %dma_start3A_268 = arith.constant 0 : i32
        %dma_start3A_269 = tpu.memref_slice %arg3[%add3A, %dma_start3A_266, %dma_start3A_267, %dma_start3A_268] : memref<32x144x1x128xi32, #tpu.memory_space<hbm>> -> memref<1x144x1x128xi32, #tpu.memory_space<hbm>>
        %dma_start3A_270 = tpu.memref_squeeze %dma_start3A_269 : memref<1x144x1x128xi32, #tpu.memory_space<hbm>> -> memref<144x1x128xi32, #tpu.memory_space<hbm>>
        %dma_start3A_271 = arith.constant 0 : i32
        %dma_start3A_272 = arith.constant 0 : i32
        %dma_start3A_273 = tpu.memref_slice %dma_start3A_270[%add3A_265, %dma_start3A_271, %dma_start3A_272] : memref<144x1x128xi32, #tpu.memory_space<hbm>> -> memref<1x1x128xi32, #tpu.memory_space<hbm>>
        %dma_start3A_274 = tpu.memref_squeeze %dma_start3A_273 : memref<1x1x128xi32, #tpu.memory_space<hbm>> -> memref<1x128xi32, #tpu.memory_space<hbm>>
        %dma_start3A_275 = arith.constant 0 : i32
        %dma_start3A_276 = arith.constant 0 : i32
        %dma_start3A_277 = arith.constant 0 : i32
        %dma_start3A_278 = tpu.memref_slice %arg3[%add3A, %dma_start3A_275, %dma_start3A_276, %dma_start3A_277] : memref<32x144x1x128xi32, #tpu.memory_space<hbm>> -> memref<1x144x1x128xi32, #tpu.memory_space<hbm>>
        %dma_start3A_279 = tpu.memref_squeeze %dma_start3A_278 : memref<1x144x1x128xi32, #tpu.memory_space<hbm>> -> memref<144x1x128xi32, #tpu.memory_space<hbm>>
        %dma_start3A_280 = arith.constant 0 : i32
        %dma_start3A_281 = arith.constant 0 : i32
        %dma_start3A_282 = tpu.memref_slice %dma_start3A_279[%add3A_265, %dma_start3A_280, %dma_start3A_281] : memref<144x1x128xi32, #tpu.memory_space<hbm>> -> memref<1x1x128xi32, #tpu.memory_space<hbm>>
        %dma_start3A_283 = tpu.memref_squeeze %dma_start3A_282 : memref<1x1x128xi32, #tpu.memory_space<hbm>> -> memref<1x128xi32, #tpu.memory_space<hbm>>
        tpu.enqueue_dma source(%dma_start3A_283 : memref<1x128xi32, #tpu.memory_space<hbm>>) target(%arg8 : memref<1x128xi32, #tpu.memory_space<vmem>>) target_semaphore(%arg15 : memref<!tpu.dma_semaphore, #tpu.memory_space<semaphore_mem>>)
      } else {
      }
      %add3A_237 = arith.constant 1 : i32
      %add3A_238 = arith.addi %mul3A_160, %add3A_237 : i32
      %dma_wait3A_239 = arith.constant 0 : i32
      %dma_wait3A_240 = arith.constant 0 : i32
      %dma_wait3A_241 = arith.constant 0 : i32
      %dma_wait3A_242 = tpu.memref_slice %arg4[%add3A, %dma_wait3A_239, %dma_wait3A_240, %dma_wait3A_241] : memref<32x144x1x128xi32, #tpu.memory_space<hbm>> -> memref<1x144x1x128xi32, #tpu.memory_space<hbm>>
      %dma_wait3A_243 = tpu.memref_squeeze %dma_wait3A_242 : memref<1x144x1x128xi32, #tpu.memory_space<hbm>> -> memref<144x1x128xi32, #tpu.memory_space<hbm>>
      %dma_wait3A_244 = arith.constant 0 : i32
      %dma_wait3A_245 = arith.constant 0 : i32
      %dma_wait3A_246 = tpu.memref_slice %dma_wait3A_243[%add3A_238, %dma_wait3A_244, %dma_wait3A_245] : memref<144x1x128xi32, #tpu.memory_space<hbm>> -> memref<1x1x128xi32, #tpu.memory_space<hbm>>
      %dma_wait3A_247 = tpu.memref_squeeze %dma_wait3A_246 : memref<1x1x128xi32, #tpu.memory_space<hbm>> -> memref<1x128xi32, #tpu.memory_space<hbm>>
      %dma_wait3A_248 = arith.constant 0 : i32
      %dma_wait3A_249 = arith.constant 0 : i32
      %dma_wait3A_250 = arith.constant 0 : i32
      %dma_wait3A_251 = tpu.memref_slice %arg4[%add3A, %dma_wait3A_248, %dma_wait3A_249, %dma_wait3A_250] : memref<32x144x1x128xi32, #tpu.memory_space<hbm>> -> memref<1x144x1x128xi32, #tpu.memory_space<hbm>>
      %dma_wait3A_252 = tpu.memref_squeeze %dma_wait3A_251 : memref<1x144x1x128xi32, #tpu.memory_space<hbm>> -> memref<144x1x128xi32, #tpu.memory_space<hbm>>
      %dma_wait3A_253 = arith.constant 0 : i32
      %dma_wait3A_254 = arith.constant 0 : i32
      %dma_wait3A_255 = tpu.memref_slice %dma_wait3A_252[%add3A_238, %dma_wait3A_253, %dma_wait3A_254] : memref<144x1x128xi32, #tpu.memory_space<hbm>> -> memref<1x1x128xi32, #tpu.memory_space<hbm>>
      %dma_wait3A_256 = tpu.memref_squeeze %dma_wait3A_255 : memref<1x1x128xi32, #tpu.memory_space<hbm>> -> memref<1x128xi32, #tpu.memory_space<hbm>>
      tpu.wait_dma2 semaphore(%arg17 : memref<!tpu.dma_semaphore, #tpu.memory_space<semaphore_mem>>) src(%dma_wait3A_256 : memref<1x128xi32, #tpu.memory_space<hbm>>) dst(%arg10 : memref<1x128xi32, #tpu.memory_space<vmem>>)
      %run_scoped3A_257 = arith.constant 0 : i32
      "tpu.region"() ({
        %run_scoped3A_264 = tpu.sem_alloc : memref<!tpu.dma_semaphore, #tpu.memory_space<semaphore_mem>>
        %dma_start3A_265 = arith.constant 0 : i32
        %dma_start3A_266 = tpu.memref_slice %arg10[%run_scoped3A_257, %dma_start3A_265] : memref<1x128xi32, #tpu.memory_space<vmem>> -> memref<1x128xi32, #tpu.memory_space<vmem>>
        %dma_start3A_267 = tpu.memref_squeeze %dma_start3A_266 : memref<1x128xi32, #tpu.memory_space<vmem>> -> memref<128xi32, #tpu.memory_space<vmem>>
        %dma_start3A_268 = arith.constant 0 : i32
        %dma_start3A_269 = arith.constant 0 : i32
        %dma_start3A_270 = tpu.memref_slice %arg13[%dma_start3A_268, %dma_start3A_269] : memref<10008x128xf32, #tpu.memory_space<vmem_shared>> -> memref<10008x128xf32, #tpu.memory_space<vmem_shared>>
        tpu.enqueue_indirect_dma source(%arg12 : memref<128x128xf32, #tpu.memory_space<vmem>>) target(%dma_start3A_270 : memref<10008x128xf32, #tpu.memory_space<vmem_shared>>) offsets(%dma_start3A_267 : memref<128xi32, #tpu.memory_space<vmem>>) semaphore(%run_scoped3A_264 : memref<!tpu.dma_semaphore, #tpu.memory_space<semaphore_mem>>) {add = true}
        %dma_wait3A_271 = arith.constant 0 : i32
        %dma_wait3A_272 = tpu.memref_slice %arg10[%run_scoped3A_257, %dma_wait3A_271] : memref<1x128xi32, #tpu.memory_space<vmem>> -> memref<1x128xi32, #tpu.memory_space<vmem>>
        %dma_wait3A_273 = tpu.memref_squeeze %dma_wait3A_272 : memref<1x128xi32, #tpu.memory_space<vmem>> -> memref<128xi32, #tpu.memory_space<vmem>>
        %dma_wait3A_274 = arith.constant 0 : i32
        %dma_wait3A_275 = arith.constant 0 : i32
        %dma_wait3A_276 = tpu.memref_slice %arg13[%dma_wait3A_274, %dma_wait3A_275] : memref<10008x128xf32, #tpu.memory_space<vmem_shared>> -> memref<10008x128xf32, #tpu.memory_space<vmem_shared>>
        tpu.wait_indirect_dma semaphore(%run_scoped3A_264 : memref<!tpu.dma_semaphore, #tpu.memory_space<semaphore_mem>>) src(%arg12 : memref<128x128xf32, #tpu.memory_space<vmem>>) dst(%dma_wait3A_276 : memref<10008x128xf32, #tpu.memory_space<vmem_shared>>)
        tpu.yield
      }) : () -> ()
      %add3A_258 = arith.constant 3 : i32
      %add3A_259 = arith.addi %mul3A_160, %add3A_258 : i32
      %lt3A_260 = arith.cmpi slt, %add3A_259, %select_n3A : i32
      %convert_element_type3A_261 = arith.extui %lt3A_260 : i1 to i32
      %cond3A_262 = arith.constant 0 : i32
      %cond3A_263 = arith.cmpi ne, %convert_element_type3A_261, %cond3A_262 : i32
      scf.if %cond3A_263 {
        %add3A_264 = arith.constant 3 : i32
        %add3A_265 = arith.addi %mul3A_160, %add3A_264 : i32
        %dma_start3A_266 = arith.constant 0 : i32
        %dma_start3A_267 = arith.constant 0 : i32
        %dma_start3A_268 = arith.constant 0 : i32
        %dma_start3A_269 = tpu.memref_slice %arg4[%add3A, %dma_start3A_266, %dma_start3A_267, %dma_start3A_268] : memref<32x144x1x128xi32, #tpu.memory_space<hbm>> -> memref<1x144x1x128xi32, #tpu.memory_space<hbm>>
        %dma_start3A_270 = tpu.memref_squeeze %dma_start3A_269 : memref<1x144x1x128xi32, #tpu.memory_space<hbm>> -> memref<144x1x128xi32, #tpu.memory_space<hbm>>
        %dma_start3A_271 = arith.constant 0 : i32
        %dma_start3A_272 = arith.constant 0 : i32
        %dma_start3A_273 = tpu.memref_slice %dma_start3A_270[%add3A_265, %dma_start3A_271, %dma_start3A_272] : memref<144x1x128xi32, #tpu.memory_space<hbm>> -> memref<1x1x128xi32, #tpu.memory_space<hbm>>
        %dma_start3A_274 = tpu.memref_squeeze %dma_start3A_273 : memref<1x1x128xi32, #tpu.memory_space<hbm>> -> memref<1x128xi32, #tpu.memory_space<hbm>>
        %dma_start3A_275 = arith.constant 0 : i32
        %dma_start3A_276 = arith.constant 0 : i32
        %dma_start3A_277 = arith.constant 0 : i32
        %dma_start3A_278 = tpu.memref_slice %arg4[%add3A, %dma_start3A_275, %dma_start3A_276, %dma_start3A_277] : memref<32x144x1x128xi32, #tpu.memory_space<hbm>> -> memref<1x144x1x128xi32, #tpu.memory_space<hbm>>
        %dma_start3A_279 = tpu.memref_squeeze %dma_start3A_278 : memref<1x144x1x128xi32, #tpu.memory_space<hbm>> -> memref<144x1x128xi32, #tpu.memory_space<hbm>>
        %dma_start3A_280 = arith.constant 0 : i32
        %dma_start3A_281 = arith.constant 0 : i32
        %dma_start3A_282 = tpu.memref_slice %dma_start3A_279[%add3A_265, %dma_start3A_280, %dma_start3A_281] : memref<144x1x128xi32, #tpu.memory_space<hbm>> -> memref<1x1x128xi32, #tpu.memory_space<hbm>>
        %dma_start3A_283 = tpu.memref_squeeze %dma_start3A_282 : memref<1x1x128xi32, #tpu.memory_space<hbm>> -> memref<1x128xi32, #tpu.memory_space<hbm>>
        tpu.enqueue_dma source(%dma_start3A_283 : memref<1x128xi32, #tpu.memory_space<hbm>>) target(%arg10 : memref<1x128xi32, #tpu.memory_space<vmem>>) target_semaphore(%arg17 : memref<!tpu.dma_semaphore, #tpu.memory_space<semaphore_mem>>)
      } else {
      }
    }
    %barrier3A_146 = arith.constant 0 : index
    tpu.barrier barrier_id(%barrier3A_146)
    %mul3A_147 = arith.constant 624 : i32
    %mul3A_148 = arith.muli %arg1, %mul3A_147 : i32
    %mul3A_149 = arith.constant 624 : i32
    %mul3A_150 = arith.muli %arg1, %mul3A_149 : i32
    "tpu.region"() ({
      %run_scoped3A = tpu.sem_alloc : memref<!tpu.dma_semaphore, #tpu.memory_space<semaphore_mem>>
      %dma_start3A_156 = arith.constant 0 : i32
      %dma_start3A_157 = arith.constant 0 : i32
      %dma_start3A_158 = tpu.memref_slice %arg6[%arg0, %dma_start3A_156, %dma_start3A_157] : memref<2x10000x128xf32, #tpu.memory_space<hbm>> -> memref<1x10000x128xf32, #tpu.memory_space<hbm>>
      %dma_start3A_159 = tpu.memref_squeeze %dma_start3A_158 : memref<1x10000x128xf32, #tpu.memory_space<hbm>> -> memref<10000x128xf32, #tpu.memory_space<hbm>>
      %dma_start3A_160 = arith.constant 0 : i32
      %dma_start3A_161 = tpu.memref_slice %dma_start3A_159[%mul3A_150, %dma_start3A_160] : memref<10000x128xf32, #tpu.memory_space<hbm>> -> memref<624x128xf32, #tpu.memory_space<hbm>>
      %dma_start3A_162 = arith.constant 0 : i32
      %dma_start3A_163 = tpu.memref_slice %arg13[%mul3A_148, %dma_start3A_162] : memref<10008x128xf32, #tpu.memory_space<vmem_shared>> -> memref<624x128xf32, #tpu.memory_space<vmem_shared>>
      tpu.enqueue_dma source(%dma_start3A_163 : memref<624x128xf32, #tpu.memory_space<vmem_shared>>) target(%dma_start3A_161 : memref<624x128xf32, #tpu.memory_space<hbm>>) target_semaphore(%run_scoped3A : memref<!tpu.dma_semaphore, #tpu.memory_space<semaphore_mem>>)
      %dma_wait3A_164 = arith.constant 0 : i32
      %dma_wait3A_165 = arith.constant 0 : i32
      %dma_wait3A_166 = tpu.memref_slice %arg6[%arg0, %dma_wait3A_164, %dma_wait3A_165] : memref<2x10000x128xf32, #tpu.memory_space<hbm>> -> memref<1x10000x128xf32, #tpu.memory_space<hbm>>
      %dma_wait3A_167 = tpu.memref_squeeze %dma_wait3A_166 : memref<1x10000x128xf32, #tpu.memory_space<hbm>> -> memref<10000x128xf32, #tpu.memory_space<hbm>>
      %dma_wait3A_168 = arith.constant 0 : i32
      %dma_wait3A_169 = tpu.memref_slice %dma_wait3A_167[%mul3A_150, %dma_wait3A_168] : memref<10000x128xf32, #tpu.memory_space<hbm>> -> memref<624x128xf32, #tpu.memory_space<hbm>>
      %dma_wait3A_170 = arith.constant 0 : i32
      %dma_wait3A_171 = tpu.memref_slice %arg13[%mul3A_148, %dma_wait3A_170] : memref<10008x128xf32, #tpu.memory_space<vmem_shared>> -> memref<624x128xf32, #tpu.memory_space<vmem_shared>>
      tpu.wait_dma2 semaphore(%run_scoped3A : memref<!tpu.dma_semaphore, #tpu.memory_space<semaphore_mem>>) src(%dma_wait3A_171 : memref<624x128xf32, #tpu.memory_space<vmem_shared>>) dst(%dma_wait3A_169 : memref<624x128xf32, #tpu.memory_space<hbm>>)
      tpu.yield
    }) : () -> ()
    %eq3A_151 = arith.constant 15 : i32
    %eq3A_152 = arith.cmpi eq, %arg1, %eq3A_151 : i32
    %convert_element_type3A_153 = arith.extui %eq3A_152 : i1 to i32
    %cond3A_154 = arith.constant 0 : i32
    %cond3A_155 = arith.cmpi ne, %convert_element_type3A_153, %cond3A_154 : i32
    scf.if %cond3A_155 {
      "tpu.region"() ({
        %run_scoped3A = tpu.sem_alloc : memref<!tpu.dma_semaphore, #tpu.memory_space<semaphore_mem>>
        %dma_start3A_156 = arith.constant 0 : i32
        %dma_start3A_157 = arith.constant 0 : i32
        %dma_start3A_158 = tpu.memref_slice %arg6[%arg0, %dma_start3A_156, %dma_start3A_157] : memref<2x10000x128xf32, #tpu.memory_space<hbm>> -> memref<1x10000x128xf32, #tpu.memory_space<hbm>>
        %dma_start3A_159 = tpu.memref_squeeze %dma_start3A_158 : memref<1x10000x128xf32, #tpu.memory_space<hbm>> -> memref<10000x128xf32, #tpu.memory_space<hbm>>
        %dma_start3A_160 = arith.constant 9984 : i32
        %dma_start3A_161 = arith.constant 0 : i32
        %dma_start3A_162 = tpu.memref_slice %dma_start3A_159[%dma_start3A_160, %dma_start3A_161] : memref<10000x128xf32, #tpu.memory_space<hbm>> -> memref<16x128xf32, #tpu.memory_space<hbm>>
        %dma_start3A_163 = arith.constant 9984 : i32
        %dma_start3A_164 = arith.constant 0 : i32
        %dma_start3A_165 = tpu.memref_slice %arg13[%dma_start3A_163, %dma_start3A_164] : memref<10008x128xf32, #tpu.memory_space<vmem_shared>> -> memref<16x128xf32, #tpu.memory_space<vmem_shared>>
        tpu.enqueue_dma source(%dma_start3A_165 : memref<16x128xf32, #tpu.memory_space<vmem_shared>>) target(%dma_start3A_162 : memref<16x128xf32, #tpu.memory_space<hbm>>) target_semaphore(%run_scoped3A : memref<!tpu.dma_semaphore, #tpu.memory_space<semaphore_mem>>)
        %dma_wait3A_166 = arith.constant 0 : i32
        %dma_wait3A_167 = arith.constant 0 : i32
        %dma_wait3A_168 = tpu.memref_slice %arg6[%arg0, %dma_wait3A_166, %dma_wait3A_167] : memref<2x10000x128xf32, #tpu.memory_space<hbm>> -> memref<1x10000x128xf32, #tpu.memory_space<hbm>>
        %dma_wait3A_169 = tpu.memref_squeeze %dma_wait3A_168 : memref<1x10000x128xf32, #tpu.memory_space<hbm>> -> memref<10000x128xf32, #tpu.memory_space<hbm>>
        %dma_wait3A_170 = arith.constant 9984 : i32
        %dma_wait3A_171 = arith.constant 0 : i32
        %dma_wait3A_172 = tpu.memref_slice %dma_wait3A_169[%dma_wait3A_170, %dma_wait3A_171] : memref<10000x128xf32, #tpu.memory_space<hbm>> -> memref<16x128xf32, #tpu.memory_space<hbm>>
        %dma_wait3A_173 = arith.constant 9984 : i32
        %dma_wait3A_174 = arith.constant 0 : i32
        %dma_wait3A_175 = tpu.memref_slice %arg13[%dma_wait3A_173, %dma_wait3A_174] : memref<10008x128xf32, #tpu.memory_space<vmem_shared>> -> memref<16x128xf32, #tpu.memory_space<vmem_shared>>
        tpu.wait_dma2 semaphore(%run_scoped3A : memref<!tpu.dma_semaphore, #tpu.memory_space<semaphore_mem>>) src(%dma_wait3A_175 : memref<16x128xf32, #tpu.memory_space<vmem_shared>>) dst(%dma_wait3A_172 : memref<16x128xf32, #tpu.memory_space<hbm>>)
        tpu.yield
      }) : () -> ()
    } else {
    }
    return
  }
}

#map = affine_map<(d0, d1) -> (0, 0)>
#map1 = affine_map<(d0, d1) -> (0, 0, 0, 0)>
#map2 = affine_map<(d0, d1) -> (0, 0, 0)>
module attributes {stable_mosaic.version = 14 : i64} {
  func.func @agg_kernel(%arg0: i32, %arg1: i32, %arg2: memref<10008x128xf32, #tpu.memory_space<hbm>>, %arg3: memref<32x144x1x128xi32, #tpu.memory_space<hbm>>, %arg4: memref<32x144x1x128xi32, #tpu.memory_space<hbm>>, %arg5: memref<10008x128xf32, #tpu.memory_space<hbm>>, %arg6: memref<2x10000x128xf32, #tpu.memory_space<hbm>>, %arg7: memref<1x128xi32, #tpu.memory_space<vmem>>, %arg8: memref<1x128xi32, #tpu.memory_space<vmem>>, %arg9: memref<1x128xi32, #tpu.memory_space<vmem>>, %arg10: memref<1x128xi32, #tpu.memory_space<vmem>>, %arg11: memref<128x128xf32, #tpu.memory_space<vmem>>, %arg12: memref<128x128xf32, #tpu.memory_space<vmem>>, %arg13: memref<10008x128xf32, #tpu.memory_space<vmem_shared>>, %arg14: memref<!tpu.dma_semaphore, #tpu.memory_space<semaphore_mem>>, %arg15: memref<!tpu.dma_semaphore, #tpu.memory_space<semaphore_mem>>, %arg16: memref<!tpu.dma_semaphore, #tpu.memory_space<semaphore_mem>>, %arg17: memref<!tpu.dma_semaphore, #tpu.memory_space<semaphore_mem>>, %arg18: memref<!tpu.dma_semaphore, #tpu.memory_space<semaphore_mem>>, %arg19: memref<!tpu.dma_semaphore, #tpu.memory_space<semaphore_mem>>) attributes {dimension_semantics = [#tpu.dimension_semantics<core_parallel>, #tpu.dimension_semantics<subcore_parallel>], iteration_bounds = array<i64: 2, 16>, scalar_prefetch = 0 : i64, scratch_operands = 13 : i64, tpu.core_type = #tpu.core_type<sc_vector_subcore>, window_params = [{transform_indices = #map}, {transform_indices = #map1}, {transform_indices = #map1}, {transform_indices = #map}, {transform_indices = #map2}]} {
    %mul3A = arith.constant 16 : i32
    %mul3A_0 = arith.muli %arg0, %mul3A : i32
    %add3A = arith.addi %mul3A_0, %arg1 : i32
    %eq3A = arith.constant 0 : i32
    %eq3A_1 = arith.cmpi eq, %arg0, %eq3A : i32
    %jit3A = arith.constant 144 : i32
    %jit3A_2 = arith.constant 14 : i32
    %select_n3A = arith.select %eq3A_1, %jit3A, %jit3A_2 : i32
    %mul3A_3 = arith.constant 624 : i32
    %mul3A_4 = arith.muli %arg1, %mul3A_3 : i32
    %mul3A_5 = arith.constant 624 : i32
    %mul3A_6 = arith.muli %arg1, %mul3A_5 : i32
    "tpu.region"() ({
      %run_scoped3A = tpu.sem_alloc : memref<!tpu.dma_semaphore, #tpu.memory_space<semaphore_mem>>
      %dma_start3A_156 = arith.constant 0 : i32
      %dma_start3A_157 = tpu.memref_slice %arg13[%mul3A_6, %dma_start3A_156] : memref<10008x128xf32, #tpu.memory_space<vmem_shared>> -> memref<624x128xf32, #tpu.memory_space<vmem_shared>>
      %dma_start3A_158 = arith.constant 0 : i32
      %dma_start3A_159 = tpu.memref_slice %arg5[%mul3A_4, %dma_start3A_158] : memref<10008x128xf32, #tpu.memory_space<hbm>> -> memref<624x128xf32, #tpu.memory_space<hbm>>
      tpu.enqueue_dma source(%dma_start3A_159 : memref<624x128xf32, #tpu.memory_space<hbm>>) target(%dma_start3A_157 : memref<624x128xf32, #tpu.memory_space<vmem_shared>>) target_semaphore(%run_scoped3A : memref<!tpu.dma_semaphore, #tpu.memory_space<semaphore_mem>>)
      %dma_wait3A_160 = arith.constant 0 : i32
      %dma_wait3A_161 = tpu.memref_slice %arg13[%mul3A_6, %dma_wait3A_160] : memref<10008x128xf32, #tpu.memory_space<vmem_shared>> -> memref<624x128xf32, #tpu.memory_space<vmem_shared>>
      %dma_wait3A_162 = arith.constant 0 : i32
      %dma_wait3A_163 = tpu.memref_slice %arg5[%mul3A_4, %dma_wait3A_162] : memref<10008x128xf32, #tpu.memory_space<hbm>> -> memref<624x128xf32, #tpu.memory_space<hbm>>
      tpu.wait_dma2 semaphore(%run_scoped3A : memref<!tpu.dma_semaphore, #tpu.memory_space<semaphore_mem>>) src(%dma_wait3A_163 : memref<624x128xf32, #tpu.memory_space<hbm>>) dst(%dma_wait3A_161 : memref<624x128xf32, #tpu.memory_space<vmem_shared>>)
      tpu.yield
    }) : () -> ()
    %eq3A_7 = arith.constant 15 : i32
    %eq3A_8 = arith.cmpi eq, %arg1, %eq3A_7 : i32
    %convert_element_type3A = arith.extui %eq3A_8 : i1 to i32
    %cond3A = arith.constant 0 : i32
    %cond3A_9 = arith.cmpi ne, %convert_element_type3A, %cond3A : i32
    scf.if %cond3A_9 {
      "tpu.region"() ({
        %run_scoped3A = tpu.sem_alloc : memref<!tpu.dma_semaphore, #tpu.memory_space<semaphore_mem>>
        %dma_start3A_156 = arith.constant 9984 : i32
        %dma_start3A_157 = arith.constant 0 : i32
        %dma_start3A_158 = tpu.memref_slice %arg13[%dma_start3A_156, %dma_start3A_157] : memref<10008x128xf32, #tpu.memory_space<vmem_shared>> -> memref<24x128xf32, #tpu.memory_space<vmem_shared>>
        %dma_start3A_159 = arith.constant 9984 : i32
        %dma_start3A_160 = arith.constant 0 : i32
        %dma_start3A_161 = tpu.memref_slice %arg5[%dma_start3A_159, %dma_start3A_160] : memref<10008x128xf32, #tpu.memory_space<hbm>> -> memref<24x128xf32, #tpu.memory_space<hbm>>
        tpu.enqueue_dma source(%dma_start3A_161 : memref<24x128xf32, #tpu.memory_space<hbm>>) target(%dma_start3A_158 : memref<24x128xf32, #tpu.memory_space<vmem_shared>>) target_semaphore(%run_scoped3A : memref<!tpu.dma_semaphore, #tpu.memory_space<semaphore_mem>>)
        %dma_wait3A_162 = arith.constant 9984 : i32
        %dma_wait3A_163 = arith.constant 0 : i32
        %dma_wait3A_164 = tpu.memref_slice %arg13[%dma_wait3A_162, %dma_wait3A_163] : memref<10008x128xf32, #tpu.memory_space<vmem_shared>> -> memref<24x128xf32, #tpu.memory_space<vmem_shared>>
        %dma_wait3A_165 = arith.constant 9984 : i32
        %dma_wait3A_166 = arith.constant 0 : i32
        %dma_wait3A_167 = tpu.memref_slice %arg5[%dma_wait3A_165, %dma_wait3A_166] : memref<10008x128xf32, #tpu.memory_space<hbm>> -> memref<24x128xf32, #tpu.memory_space<hbm>>
        tpu.wait_dma2 semaphore(%run_scoped3A : memref<!tpu.dma_semaphore, #tpu.memory_space<semaphore_mem>>) src(%dma_wait3A_167 : memref<24x128xf32, #tpu.memory_space<hbm>>) dst(%dma_wait3A_164 : memref<24x128xf32, #tpu.memory_space<vmem_shared>>)
        tpu.yield
      }) : () -> ()
    } else {
    }
    %barrier3A = arith.constant 0 : index
    tpu.barrier barrier_id(%barrier3A)
    %dma_start3A = arith.constant 0 : i32
    %dma_start3A_10 = arith.constant 0 : i32
    %dma_start3A_11 = arith.constant 0 : i32
    %dma_start3A_12 = arith.constant 0 : i32
    %dma_start3A_13 = tpu.memref_slice %arg3[%add3A, %dma_start3A_10, %dma_start3A_11, %dma_start3A_12] : memref<32x144x1x128xi32, #tpu.memory_space<hbm>> -> memref<1x144x1x128xi32, #tpu.memory_space<hbm>>
    %dma_start3A_14 = tpu.memref_squeeze %dma_start3A_13 : memref<1x144x1x128xi32, #tpu.memory_space<hbm>> -> memref<144x1x128xi32, #tpu.memory_space<hbm>>
    %dma_start3A_15 = arith.constant 0 : i32
    %dma_start3A_16 = arith.constant 0 : i32
    %dma_start3A_17 = tpu.memref_slice %dma_start3A_14[%dma_start3A, %dma_start3A_15, %dma_start3A_16] : memref<144x1x128xi32, #tpu.memory_space<hbm>> -> memref<1x1x128xi32, #tpu.memory_space<hbm>>
    %dma_start3A_18 = tpu.memref_squeeze %dma_start3A_17 : memref<1x1x128xi32, #tpu.memory_space<hbm>> -> memref<1x128xi32, #tpu.memory_space<hbm>>
    %dma_start3A_19 = arith.constant 0 : i32
    %dma_start3A_20 = arith.constant 0 : i32
    %dma_start3A_21 = arith.constant 0 : i32
    %dma_start3A_22 = tpu.memref_slice %arg3[%add3A, %dma_start3A_19, %dma_start3A_20, %dma_start3A_21] : memref<32x144x1x128xi32, #tpu.memory_space<hbm>> -> memref<1x144x1x128xi32, #tpu.memory_space<hbm>>
    %dma_start3A_23 = tpu.memref_squeeze %dma_start3A_22 : memref<1x144x1x128xi32, #tpu.memory_space<hbm>> -> memref<144x1x128xi32, #tpu.memory_space<hbm>>
    %dma_start3A_24 = arith.constant 0 : i32
    %dma_start3A_25 = arith.constant 0 : i32
    %dma_start3A_26 = tpu.memref_slice %dma_start3A_23[%dma_start3A, %dma_start3A_24, %dma_start3A_25] : memref<144x1x128xi32, #tpu.memory_space<hbm>> -> memref<1x1x128xi32, #tpu.memory_space<hbm>>
    %dma_start3A_27 = tpu.memref_squeeze %dma_start3A_26 : memref<1x1x128xi32, #tpu.memory_space<hbm>> -> memref<1x128xi32, #tpu.memory_space<hbm>>
    tpu.enqueue_dma source(%dma_start3A_27 : memref<1x128xi32, #tpu.memory_space<hbm>>) target(%arg7 : memref<1x128xi32, #tpu.memory_space<vmem>>) target_semaphore(%arg14 : memref<!tpu.dma_semaphore, #tpu.memory_space<semaphore_mem>>)
    %dma_start3A_28 = arith.constant 1 : i32
    %dma_start3A_29 = arith.constant 0 : i32
    %dma_start3A_30 = arith.constant 0 : i32
    %dma_start3A_31 = arith.constant 0 : i32
    %dma_start3A_32 = tpu.memref_slice %arg3[%add3A, %dma_start3A_29, %dma_start3A_30, %dma_start3A_31] : memref<32x144x1x128xi32, #tpu.memory_space<hbm>> -> memref<1x144x1x128xi32, #tpu.memory_space<hbm>>
    %dma_start3A_33 = tpu.memref_squeeze %dma_start3A_32 : memref<1x144x1x128xi32, #tpu.memory_space<hbm>> -> memref<144x1x128xi32, #tpu.memory_space<hbm>>
    %dma_start3A_34 = arith.constant 0 : i32
    %dma_start3A_35 = arith.constant 0 : i32
    %dma_start3A_36 = tpu.memref_slice %dma_start3A_33[%dma_start3A_28, %dma_start3A_34, %dma_start3A_35] : memref<144x1x128xi32, #tpu.memory_space<hbm>> -> memref<1x1x128xi32, #tpu.memory_space<hbm>>
    %dma_start3A_37 = tpu.memref_squeeze %dma_start3A_36 : memref<1x1x128xi32, #tpu.memory_space<hbm>> -> memref<1x128xi32, #tpu.memory_space<hbm>>
    %dma_start3A_38 = arith.constant 0 : i32
    %dma_start3A_39 = arith.constant 0 : i32
    %dma_start3A_40 = arith.constant 0 : i32
    %dma_start3A_41 = tpu.memref_slice %arg3[%add3A, %dma_start3A_38, %dma_start3A_39, %dma_start3A_40] : memref<32x144x1x128xi32, #tpu.memory_space<hbm>> -> memref<1x144x1x128xi32, #tpu.memory_space<hbm>>
    %dma_start3A_42 = tpu.memref_squeeze %dma_start3A_41 : memref<1x144x1x128xi32, #tpu.memory_space<hbm>> -> memref<144x1x128xi32, #tpu.memory_space<hbm>>
    %dma_start3A_43 = arith.constant 0 : i32
    %dma_start3A_44 = arith.constant 0 : i32
    %dma_start3A_45 = tpu.memref_slice %dma_start3A_42[%dma_start3A_28, %dma_start3A_43, %dma_start3A_44] : memref<144x1x128xi32, #tpu.memory_space<hbm>> -> memref<1x1x128xi32, #tpu.memory_space<hbm>>
    %dma_start3A_46 = tpu.memref_squeeze %dma_start3A_45 : memref<1x1x128xi32, #tpu.memory_space<hbm>> -> memref<1x128xi32, #tpu.memory_space<hbm>>
    tpu.enqueue_dma source(%dma_start3A_46 : memref<1x128xi32, #tpu.memory_space<hbm>>) target(%arg8 : memref<1x128xi32, #tpu.memory_space<vmem>>) target_semaphore(%arg15 : memref<!tpu.dma_semaphore, #tpu.memory_space<semaphore_mem>>)
    %dma_start3A_47 = arith.constant 0 : i32
    %dma_start3A_48 = arith.constant 0 : i32
    %dma_start3A_49 = arith.constant 0 : i32
    %dma_start3A_50 = arith.constant 0 : i32
    %dma_start3A_51 = tpu.memref_slice %arg4[%add3A, %dma_start3A_48, %dma_start3A_49, %dma_start3A_50] : memref<32x144x1x128xi32, #tpu.memory_space<hbm>> -> memref<1x144x1x128xi32, #tpu.memory_space<hbm>>
    %dma_start3A_52 = tpu.memref_squeeze %dma_start3A_51 : memref<1x144x1x128xi32, #tpu.memory_space<hbm>> -> memref<144x1x128xi32, #tpu.memory_space<hbm>>
    %dma_start3A_53 = arith.constant 0 : i32
    %dma_start3A_54 = arith.constant 0 : i32
    %dma_start3A_55 = tpu.memref_slice %dma_start3A_52[%dma_start3A_47, %dma_start3A_53, %dma_start3A_54] : memref<144x1x128xi32, #tpu.memory_space<hbm>> -> memref<1x1x128xi32, #tpu.memory_space<hbm>>
    %dma_start3A_56 = tpu.memref_squeeze %dma_start3A_55 : memref<1x1x128xi32, #tpu.memory_space<hbm>> -> memref<1x128xi32, #tpu.memory_space<hbm>>
    %dma_start3A_57 = arith.constant 0 : i32
    %dma_start3A_58 = arith.constant 0 : i32
    %dma_start3A_59 = arith.constant 0 : i32
    %dma_start3A_60 = tpu.memref_slice %arg4[%add3A, %dma_start3A_57, %dma_start3A_58, %dma_start3A_59] : memref<32x144x1x128xi32, #tpu.memory_space<hbm>> -> memref<1x144x1x128xi32, #tpu.memory_space<hbm>>
    %dma_start3A_61 = tpu.memref_squeeze %dma_start3A_60 : memref<1x144x1x128xi32, #tpu.memory_space<hbm>> -> memref<144x1x128xi32, #tpu.memory_space<hbm>>
    %dma_start3A_62 = arith.constant 0 : i32
    %dma_start3A_63 = arith.constant 0 : i32
    %dma_start3A_64 = tpu.memref_slice %dma_start3A_61[%dma_start3A_47, %dma_start3A_62, %dma_start3A_63] : memref<144x1x128xi32, #tpu.memory_space<hbm>> -> memref<1x1x128xi32, #tpu.memory_space<hbm>>
    %dma_start3A_65 = tpu.memref_squeeze %dma_start3A_64 : memref<1x1x128xi32, #tpu.memory_space<hbm>> -> memref<1x128xi32, #tpu.memory_space<hbm>>
    tpu.enqueue_dma source(%dma_start3A_65 : memref<1x128xi32, #tpu.memory_space<hbm>>) target(%arg9 : memref<1x128xi32, #tpu.memory_space<vmem>>) target_semaphore(%arg16 : memref<!tpu.dma_semaphore, #tpu.memory_space<semaphore_mem>>)
    %dma_start3A_66 = arith.constant 1 : i32
    %dma_start3A_67 = arith.constant 0 : i32
    %dma_start3A_68 = arith.constant 0 : i32
    %dma_start3A_69 = arith.constant 0 : i32
    %dma_start3A_70 = tpu.memref_slice %arg4[%add3A, %dma_start3A_67, %dma_start3A_68, %dma_start3A_69] : memref<32x144x1x128xi32, #tpu.memory_space<hbm>> -> memref<1x144x1x128xi32, #tpu.memory_space<hbm>>
    %dma_start3A_71 = tpu.memref_squeeze %dma_start3A_70 : memref<1x144x1x128xi32, #tpu.memory_space<hbm>> -> memref<144x1x128xi32, #tpu.memory_space<hbm>>
    %dma_start3A_72 = arith.constant 0 : i32
    %dma_start3A_73 = arith.constant 0 : i32
    %dma_start3A_74 = tpu.memref_slice %dma_start3A_71[%dma_start3A_66, %dma_start3A_72, %dma_start3A_73] : memref<144x1x128xi32, #tpu.memory_space<hbm>> -> memref<1x1x128xi32, #tpu.memory_space<hbm>>
    %dma_start3A_75 = tpu.memref_squeeze %dma_start3A_74 : memref<1x1x128xi32, #tpu.memory_space<hbm>> -> memref<1x128xi32, #tpu.memory_space<hbm>>
    %dma_start3A_76 = arith.constant 0 : i32
    %dma_start3A_77 = arith.constant 0 : i32
    %dma_start3A_78 = arith.constant 0 : i32
    %dma_start3A_79 = tpu.memref_slice %arg4[%add3A, %dma_start3A_76, %dma_start3A_77, %dma_start3A_78] : memref<32x144x1x128xi32, #tpu.memory_space<hbm>> -> memref<1x144x1x128xi32, #tpu.memory_space<hbm>>
    %dma_start3A_80 = tpu.memref_squeeze %dma_start3A_79 : memref<1x144x1x128xi32, #tpu.memory_space<hbm>> -> memref<144x1x128xi32, #tpu.memory_space<hbm>>
    %dma_start3A_81 = arith.constant 0 : i32
    %dma_start3A_82 = arith.constant 0 : i32
    %dma_start3A_83 = tpu.memref_slice %dma_start3A_80[%dma_start3A_66, %dma_start3A_81, %dma_start3A_82] : memref<144x1x128xi32, #tpu.memory_space<hbm>> -> memref<1x1x128xi32, #tpu.memory_space<hbm>>
    %dma_start3A_84 = tpu.memref_squeeze %dma_start3A_83 : memref<1x1x128xi32, #tpu.memory_space<hbm>> -> memref<1x128xi32, #tpu.memory_space<hbm>>
    tpu.enqueue_dma source(%dma_start3A_84 : memref<1x128xi32, #tpu.memory_space<hbm>>) target(%arg10 : memref<1x128xi32, #tpu.memory_space<vmem>>) target_semaphore(%arg17 : memref<!tpu.dma_semaphore, #tpu.memory_space<semaphore_mem>>)
    %dma_wait3A = arith.constant 0 : i32
    %dma_wait3A_85 = arith.constant 0 : i32
    %dma_wait3A_86 = arith.constant 0 : i32
    %dma_wait3A_87 = arith.constant 0 : i32
    %dma_wait3A_88 = tpu.memref_slice %arg3[%add3A, %dma_wait3A_85, %dma_wait3A_86, %dma_wait3A_87] : memref<32x144x1x128xi32, #tpu.memory_space<hbm>> -> memref<1x144x1x128xi32, #tpu.memory_space<hbm>>
    %dma_wait3A_89 = tpu.memref_squeeze %dma_wait3A_88 : memref<1x144x1x128xi32, #tpu.memory_space<hbm>> -> memref<144x1x128xi32, #tpu.memory_space<hbm>>
    %dma_wait3A_90 = arith.constant 0 : i32
    %dma_wait3A_91 = arith.constant 0 : i32
    %dma_wait3A_92 = tpu.memref_slice %dma_wait3A_89[%dma_wait3A, %dma_wait3A_90, %dma_wait3A_91] : memref<144x1x128xi32, #tpu.memory_space<hbm>> -> memref<1x1x128xi32, #tpu.memory_space<hbm>>
    %dma_wait3A_93 = tpu.memref_squeeze %dma_wait3A_92 : memref<1x1x128xi32, #tpu.memory_space<hbm>> -> memref<1x128xi32, #tpu.memory_space<hbm>>
    %dma_wait3A_94 = arith.constant 0 : i32
    %dma_wait3A_95 = arith.constant 0 : i32
    %dma_wait3A_96 = arith.constant 0 : i32
    %dma_wait3A_97 = tpu.memref_slice %arg3[%add3A, %dma_wait3A_94, %dma_wait3A_95, %dma_wait3A_96] : memref<32x144x1x128xi32, #tpu.memory_space<hbm>> -> memref<1x144x1x128xi32, #tpu.memory_space<hbm>>
    %dma_wait3A_98 = tpu.memref_squeeze %dma_wait3A_97 : memref<1x144x1x128xi32, #tpu.memory_space<hbm>> -> memref<144x1x128xi32, #tpu.memory_space<hbm>>
    %dma_wait3A_99 = arith.constant 0 : i32
    %dma_wait3A_100 = arith.constant 0 : i32
    %dma_wait3A_101 = tpu.memref_slice %dma_wait3A_98[%dma_wait3A, %dma_wait3A_99, %dma_wait3A_100] : memref<144x1x128xi32, #tpu.memory_space<hbm>> -> memref<1x1x128xi32, #tpu.memory_space<hbm>>
    %dma_wait3A_102 = tpu.memref_squeeze %dma_wait3A_101 : memref<1x1x128xi32, #tpu.memory_space<hbm>> -> memref<1x128xi32, #tpu.memory_space<hbm>>
    tpu.wait_dma2 semaphore(%arg14 : memref<!tpu.dma_semaphore, #tpu.memory_space<semaphore_mem>>) src(%dma_wait3A_102 : memref<1x128xi32, #tpu.memory_space<hbm>>) dst(%arg7 : memref<1x128xi32, #tpu.memory_space<vmem>>)
    %dma_start3A_103 = arith.constant 0 : i32
    %dma_start3A_104 = arith.constant 0 : i32
    %dma_start3A_105 = tpu.memref_slice %arg7[%dma_start3A_103, %dma_start3A_104] : memref<1x128xi32, #tpu.memory_space<vmem>> -> memref<1x128xi32, #tpu.memory_space<vmem>>
    %dma_start3A_106 = tpu.memref_squeeze %dma_start3A_105 : memref<1x128xi32, #tpu.memory_space<vmem>> -> memref<128xi32, #tpu.memory_space<vmem>>
    %dma_start3A_107 = arith.constant 0 : i32
    %dma_start3A_108 = arith.constant 0 : i32
    %dma_start3A_109 = tpu.memref_slice %arg2[%dma_start3A_107, %dma_start3A_108] : memref<10008x128xf32, #tpu.memory_space<hbm>> -> memref<10008x128xf32, #tpu.memory_space<hbm>>
    tpu.enqueue_indirect_dma source(%dma_start3A_109 : memref<10008x128xf32, #tpu.memory_space<hbm>>) target(%arg11 : memref<128x128xf32, #tpu.memory_space<vmem>>) offsets(%dma_start3A_106 : memref<128xi32, #tpu.memory_space<vmem>>) semaphore(%arg18 : memref<!tpu.dma_semaphore, #tpu.memory_space<semaphore_mem>>)
    %jit3A_110 = arith.constant 2 : i32
    %div3A = arith.divsi %select_n3A, %jit3A_110 : i32
    %sign3A = arith.constant 0 : i32
    %sign3A_111 = arith.cmpi sgt, %select_n3A, %sign3A : i32
    %sign3A_112 = arith.extui %sign3A_111 : i1 to i32
    %sign3A_113 = arith.constant 0 : i32
    %sign3A_114 = arith.cmpi slt, %select_n3A, %sign3A_113 : i32
    %sign3A_115 = arith.extui %sign3A_114 : i1 to i32
    %sign3A_116 = arith.subi %sign3A_112, %sign3A_115 : i32
    %sign3A_117 = arith.constant 0 : i32
    %sign3A_118 = arith.cmpi sgt, %jit3A_110, %sign3A_117 : i32
    %sign3A_119 = arith.extui %sign3A_118 : i1 to i32
    %sign3A_120 = arith.constant 0 : i32
    %sign3A_121 = arith.cmpi slt, %jit3A_110, %sign3A_120 : i32
    %sign3A_122 = arith.extui %sign3A_121 : i1 to i32
    %sign3A_123 = arith.subi %sign3A_119, %sign3A_122 : i32
    %ne3A = arith.cmpi ne, %sign3A_116, %sign3A_123 : i32
    %rem3A = arith.remsi %select_n3A, %jit3A_110 : i32
    %ne3A_124 = arith.constant 0 : i32
    %ne3A_125 = arith.cmpi ne, %rem3A, %ne3A_124 : i32
    %and3A = arith.andi %ne3A, %ne3A_125 : i1
    %sub3A = arith.constant 1 : i32
    %sub3A_126 = arith.subi %div3A, %sub3A : i32
    %select_n3A_127 = arith.select %and3A, %sub3A_126, %div3A : i32
    %sub3A_128 = arith.constant 0 : i32
    %sub3A_129 = arith.subi %select_n3A_127, %sub3A_128 : i32
    %sub3A_130 = arith.constant 1 : i32
    %sub3A_131 = arith.constant 1 : i32
    %sub3A_132 = arith.subi %sub3A_130, %sub3A_131 : i32
    %add3A_133 = arith.addi %sub3A_129, %sub3A_132 : i32
    %div3A_134 = arith.constant 1 : i32
    %div3A_135 = arith.divsi %add3A_133, %div3A_134 : i32
    %while3A = arith.constant 1 : i32
    %while3A_136 = arith.constant 0 : i32
    %while3A_137 = arith.constant 0 : i32
    %while3A_138 = arith.subi %div3A_135, %while3A_137 : i32
    %while3A_139 = arith.addi %while3A_137, %while3A_138 : i32
    %while3A_140 = arith.constant 1 : i32
    %while3A_141 = arith.divsi %while3A_138, %while3A_140 : i32
    %while3A_142 = arith.muli %while3A_141, %while3A_140 : i32
    %while3A_143 = arith.addi %while3A_137, %while3A_142 : i32
    %while3A_144 = arith.constant 1 : i32
    scf.for %while3A_156 = %while3A_137 to %while3A_143 step %while3A_144  : i32 {
      %mul3A_157 = arith.muli %while3A_156, %while3A : i32
      %add3A_158 = arith.addi %while3A_136, %mul3A_157 : i32
      %mul3A_159 = arith.constant 2 : i32
      %mul3A_160 = arith.muli %mul3A_159, %add3A_158 : i32
      %add3A_161 = arith.constant 1 : i32
      %add3A_162 = arith.addi %mul3A_160, %add3A_161 : i32
      %dma_wait3A_163 = arith.constant 0 : i32
      %dma_wait3A_164 = arith.constant 0 : i32
      %dma_wait3A_165 = arith.constant 0 : i32
      %dma_wait3A_166 = tpu.memref_slice %arg3[%add3A, %dma_wait3A_163, %dma_wait3A_164, %dma_wait3A_165] : memref<32x144x1x128xi32, #tpu.memory_space<hbm>> -> memref<1x144x1x128xi32, #tpu.memory_space<hbm>>
      %dma_wait3A_167 = tpu.memref_squeeze %dma_wait3A_166 : memref<1x144x1x128xi32, #tpu.memory_space<hbm>> -> memref<144x1x128xi32, #tpu.memory_space<hbm>>
      %dma_wait3A_168 = arith.constant 0 : i32
      %dma_wait3A_169 = arith.constant 0 : i32
      %dma_wait3A_170 = tpu.memref_slice %dma_wait3A_167[%add3A_162, %dma_wait3A_168, %dma_wait3A_169] : memref<144x1x128xi32, #tpu.memory_space<hbm>> -> memref<1x1x128xi32, #tpu.memory_space<hbm>>
      %dma_wait3A_171 = tpu.memref_squeeze %dma_wait3A_170 : memref<1x1x128xi32, #tpu.memory_space<hbm>> -> memref<1x128xi32, #tpu.memory_space<hbm>>
      %dma_wait3A_172 = arith.constant 0 : i32
      %dma_wait3A_173 = arith.constant 0 : i32
      %dma_wait3A_174 = arith.constant 0 : i32
      %dma_wait3A_175 = tpu.memref_slice %arg3[%add3A, %dma_wait3A_172, %dma_wait3A_173, %dma_wait3A_174] : memref<32x144x1x128xi32, #tpu.memory_space<hbm>> -> memref<1x144x1x128xi32, #tpu.memory_space<hbm>>
      %dma_wait3A_176 = tpu.memref_squeeze %dma_wait3A_175 : memref<1x144x1x128xi32, #tpu.memory_space<hbm>> -> memref<144x1x128xi32, #tpu.memory_space<hbm>>
      %dma_wait3A_177 = arith.constant 0 : i32
      %dma_wait3A_178 = arith.constant 0 : i32
      %dma_wait3A_179 = tpu.memref_slice %dma_wait3A_176[%add3A_162, %dma_wait3A_177, %dma_wait3A_178] : memref<144x1x128xi32, #tpu.memory_space<hbm>> -> memref<1x1x128xi32, #tpu.memory_space<hbm>>
      %dma_wait3A_180 = tpu.memref_squeeze %dma_wait3A_179 : memref<1x1x128xi32, #tpu.memory_space<hbm>> -> memref<1x128xi32, #tpu.memory_space<hbm>>
      tpu.wait_dma2 semaphore(%arg15 : memref<!tpu.dma_semaphore, #tpu.memory_space<semaphore_mem>>) src(%dma_wait3A_180 : memref<1x128xi32, #tpu.memory_space<hbm>>) dst(%arg8 : memref<1x128xi32, #tpu.memory_space<vmem>>)
      %dma_start3A_181 = arith.constant 0 : i32
      %dma_start3A_182 = arith.constant 0 : i32
      %dma_start3A_183 = tpu.memref_slice %arg8[%dma_start3A_181, %dma_start3A_182] : memref<1x128xi32, #tpu.memory_space<vmem>> -> memref<1x128xi32, #tpu.memory_space<vmem>>
      %dma_start3A_184 = tpu.memref_squeeze %dma_start3A_183 : memref<1x128xi32, #tpu.memory_space<vmem>> -> memref<128xi32, #tpu.memory_space<vmem>>
      %dma_start3A_185 = arith.constant 0 : i32
      %dma_start3A_186 = arith.constant 0 : i32
      %dma_start3A_187 = tpu.memref_slice %arg2[%dma_start3A_185, %dma_start3A_186] : memref<10008x128xf32, #tpu.memory_space<hbm>> -> memref<10008x128xf32, #tpu.memory_space<hbm>>
      tpu.enqueue_indirect_dma source(%dma_start3A_187 : memref<10008x128xf32, #tpu.memory_space<hbm>>) target(%arg12 : memref<128x128xf32, #tpu.memory_space<vmem>>) offsets(%dma_start3A_184 : memref<128xi32, #tpu.memory_space<vmem>>) semaphore(%arg19 : memref<!tpu.dma_semaphore, #tpu.memory_space<semaphore_mem>>)
      %dma_wait3A_188 = arith.constant 0 : i32
      %dma_wait3A_189 = arith.constant 0 : i32
      %dma_wait3A_190 = tpu.memref_slice %arg7[%dma_wait3A_188, %dma_wait3A_189] : memref<1x128xi32, #tpu.memory_space<vmem>> -> memref<1x128xi32, #tpu.memory_space<vmem>>
      %dma_wait3A_191 = tpu.memref_squeeze %dma_wait3A_190 : memref<1x128xi32, #tpu.memory_space<vmem>> -> memref<128xi32, #tpu.memory_space<vmem>>
      %dma_wait3A_192 = arith.constant 0 : i32
      %dma_wait3A_193 = arith.constant 0 : i32
      %dma_wait3A_194 = tpu.memref_slice %arg2[%dma_wait3A_192, %dma_wait3A_193] : memref<10008x128xf32, #tpu.memory_space<hbm>> -> memref<10008x128xf32, #tpu.memory_space<hbm>>
      tpu.wait_indirect_dma semaphore(%arg18 : memref<!tpu.dma_semaphore, #tpu.memory_space<semaphore_mem>>) src(%dma_wait3A_194 : memref<10008x128xf32, #tpu.memory_space<hbm>>) dst(%arg11 : memref<128x128xf32, #tpu.memory_space<vmem>>)
      %add3A_195 = arith.constant 2 : i32
      %add3A_196 = arith.addi %mul3A_160, %add3A_195 : i32
      %lt3A = arith.cmpi slt, %add3A_196, %select_n3A : i32
      %convert_element_type3A_197 = arith.extui %lt3A : i1 to i32
      %cond3A_198 = arith.constant 0 : i32
      %cond3A_199 = arith.cmpi ne, %convert_element_type3A_197, %cond3A_198 : i32
      scf.if %cond3A_199 {
        %add3A_264 = arith.constant 2 : i32
        %add3A_265 = arith.addi %mul3A_160, %add3A_264 : i32
        %dma_start3A_266 = arith.constant 0 : i32
        %dma_start3A_267 = arith.constant 0 : i32
        %dma_start3A_268 = arith.constant 0 : i32
        %dma_start3A_269 = tpu.memref_slice %arg3[%add3A, %dma_start3A_266, %dma_start3A_267, %dma_start3A_268] : memref<32x144x1x128xi32, #tpu.memory_space<hbm>> -> memref<1x144x1x128xi32, #tpu.memory_space<hbm>>
        %dma_start3A_270 = tpu.memref_squeeze %dma_start3A_269 : memref<1x144x1x128xi32, #tpu.memory_space<hbm>> -> memref<144x1x128xi32, #tpu.memory_space<hbm>>
        %dma_start3A_271 = arith.constant 0 : i32
        %dma_start3A_272 = arith.constant 0 : i32
        %dma_start3A_273 = tpu.memref_slice %dma_start3A_270[%add3A_265, %dma_start3A_271, %dma_start3A_272] : memref<144x1x128xi32, #tpu.memory_space<hbm>> -> memref<1x1x128xi32, #tpu.memory_space<hbm>>
        %dma_start3A_274 = tpu.memref_squeeze %dma_start3A_273 : memref<1x1x128xi32, #tpu.memory_space<hbm>> -> memref<1x128xi32, #tpu.memory_space<hbm>>
        %dma_start3A_275 = arith.constant 0 : i32
        %dma_start3A_276 = arith.constant 0 : i32
        %dma_start3A_277 = arith.constant 0 : i32
        %dma_start3A_278 = tpu.memref_slice %arg3[%add3A, %dma_start3A_275, %dma_start3A_276, %dma_start3A_277] : memref<32x144x1x128xi32, #tpu.memory_space<hbm>> -> memref<1x144x1x128xi32, #tpu.memory_space<hbm>>
        %dma_start3A_279 = tpu.memref_squeeze %dma_start3A_278 : memref<1x144x1x128xi32, #tpu.memory_space<hbm>> -> memref<144x1x128xi32, #tpu.memory_space<hbm>>
        %dma_start3A_280 = arith.constant 0 : i32
        %dma_start3A_281 = arith.constant 0 : i32
        %dma_start3A_282 = tpu.memref_slice %dma_start3A_279[%add3A_265, %dma_start3A_280, %dma_start3A_281] : memref<144x1x128xi32, #tpu.memory_space<hbm>> -> memref<1x1x128xi32, #tpu.memory_space<hbm>>
        %dma_start3A_283 = tpu.memref_squeeze %dma_start3A_282 : memref<1x1x128xi32, #tpu.memory_space<hbm>> -> memref<1x128xi32, #tpu.memory_space<hbm>>
        tpu.enqueue_dma source(%dma_start3A_283 : memref<1x128xi32, #tpu.memory_space<hbm>>) target(%arg7 : memref<1x128xi32, #tpu.memory_space<vmem>>) target_semaphore(%arg14 : memref<!tpu.dma_semaphore, #tpu.memory_space<semaphore_mem>>)
      } else {
      }
      %dma_wait3A_200 = arith.constant 0 : i32
      %dma_wait3A_201 = arith.constant 0 : i32
      %dma_wait3A_202 = arith.constant 0 : i32
      %dma_wait3A_203 = tpu.memref_slice %arg4[%add3A, %dma_wait3A_200, %dma_wait3A_201, %dma_wait3A_202] : memref<32x144x1x128xi32, #tpu.memory_space<hbm>> -> memref<1x144x1x128xi32, #tpu.memory_space<hbm>>
      %dma_wait3A_204 = tpu.memref_squeeze %dma_wait3A_203 : memref<1x144x1x128xi32, #tpu.memory_space<hbm>> -> memref<144x1x128xi32, #tpu.memory_space<hbm>>
      %dma_wait3A_205 = arith.constant 0 : i32
      %dma_wait3A_206 = arith.constant 0 : i32
      %dma_wait3A_207 = tpu.memref_slice %dma_wait3A_204[%mul3A_160, %dma_wait3A_205, %dma_wait3A_206] : memref<144x1x128xi32, #tpu.memory_space<hbm>> -> memref<1x1x128xi32, #tpu.memory_space<hbm>>
      %dma_wait3A_208 = tpu.memref_squeeze %dma_wait3A_207 : memref<1x1x128xi32, #tpu.memory_space<hbm>> -> memref<1x128xi32, #tpu.memory_space<hbm>>
      %dma_wait3A_209 = arith.constant 0 : i32
      %dma_wait3A_210 = arith.constant 0 : i32
      %dma_wait3A_211 = arith.constant 0 : i32
      %dma_wait3A_212 = tpu.memref_slice %arg4[%add3A, %dma_wait3A_209, %dma_wait3A_210, %dma_wait3A_211] : memref<32x144x1x128xi32, #tpu.memory_space<hbm>> -> memref<1x144x1x128xi32, #tpu.memory_space<hbm>>
      %dma_wait3A_213 = tpu.memref_squeeze %dma_wait3A_212 : memref<1x144x1x128xi32, #tpu.memory_space<hbm>> -> memref<144x1x128xi32, #tpu.memory_space<hbm>>
      %dma_wait3A_214 = arith.constant 0 : i32
      %dma_wait3A_215 = arith.constant 0 : i32
      %dma_wait3A_216 = tpu.memref_slice %dma_wait3A_213[%mul3A_160, %dma_wait3A_214, %dma_wait3A_215] : memref<144x1x128xi32, #tpu.memory_space<hbm>> -> memref<1x1x128xi32, #tpu.memory_space<hbm>>
      %dma_wait3A_217 = tpu.memref_squeeze %dma_wait3A_216 : memref<1x1x128xi32, #tpu.memory_space<hbm>> -> memref<1x128xi32, #tpu.memory_space<hbm>>
      tpu.wait_dma2 semaphore(%arg16 : memref<!tpu.dma_semaphore, #tpu.memory_space<semaphore_mem>>) src(%dma_wait3A_217 : memref<1x128xi32, #tpu.memory_space<hbm>>) dst(%arg9 : memref<1x128xi32, #tpu.memory_space<vmem>>)
      %run_scoped3A = arith.constant 0 : i32
      "tpu.region"() ({
        %run_scoped3A_264 = tpu.sem_alloc : memref<!tpu.dma_semaphore, #tpu.memory_space<semaphore_mem>>
        %dma_start3A_265 = arith.constant 0 : i32
        %dma_start3A_266 = tpu.memref_slice %arg9[%run_scoped3A, %dma_start3A_265] : memref<1x128xi32, #tpu.memory_space<vmem>> -> memref<1x128xi32, #tpu.memory_space<vmem>>
        %dma_start3A_267 = tpu.memref_squeeze %dma_start3A_266 : memref<1x128xi32, #tpu.memory_space<vmem>> -> memref<128xi32, #tpu.memory_space<vmem>>
        %dma_start3A_268 = arith.constant 0 : i32
        %dma_start3A_269 = arith.constant 0 : i32
        %dma_start3A_270 = tpu.memref_slice %arg13[%dma_start3A_268, %dma_start3A_269] : memref<10008x128xf32, #tpu.memory_space<vmem_shared>> -> memref<10008x128xf32, #tpu.memory_space<vmem_shared>>
        tpu.enqueue_indirect_dma source(%arg11 : memref<128x128xf32, #tpu.memory_space<vmem>>) target(%dma_start3A_270 : memref<10008x128xf32, #tpu.memory_space<vmem_shared>>) offsets(%dma_start3A_267 : memref<128xi32, #tpu.memory_space<vmem>>) semaphore(%run_scoped3A_264 : memref<!tpu.dma_semaphore, #tpu.memory_space<semaphore_mem>>) {add = true}
        %dma_wait3A_271 = arith.constant 0 : i32
        %dma_wait3A_272 = tpu.memref_slice %arg9[%run_scoped3A, %dma_wait3A_271] : memref<1x128xi32, #tpu.memory_space<vmem>> -> memref<1x128xi32, #tpu.memory_space<vmem>>
        %dma_wait3A_273 = tpu.memref_squeeze %dma_wait3A_272 : memref<1x128xi32, #tpu.memory_space<vmem>> -> memref<128xi32, #tpu.memory_space<vmem>>
        %dma_wait3A_274 = arith.constant 0 : i32
        %dma_wait3A_275 = arith.constant 0 : i32
        %dma_wait3A_276 = tpu.memref_slice %arg13[%dma_wait3A_274, %dma_wait3A_275] : memref<10008x128xf32, #tpu.memory_space<vmem_shared>> -> memref<10008x128xf32, #tpu.memory_space<vmem_shared>>
        tpu.wait_indirect_dma semaphore(%run_scoped3A_264 : memref<!tpu.dma_semaphore, #tpu.memory_space<semaphore_mem>>) src(%arg11 : memref<128x128xf32, #tpu.memory_space<vmem>>) dst(%dma_wait3A_276 : memref<10008x128xf32, #tpu.memory_space<vmem_shared>>)
        tpu.yield
      }) : () -> ()
      %add3A_218 = arith.constant 2 : i32
      %add3A_219 = arith.addi %mul3A_160, %add3A_218 : i32
      %lt3A_220 = arith.cmpi slt, %add3A_219, %select_n3A : i32
      %convert_element_type3A_221 = arith.extui %lt3A_220 : i1 to i32
      %cond3A_222 = arith.constant 0 : i32
      %cond3A_223 = arith.cmpi ne, %convert_element_type3A_221, %cond3A_222 : i32
      scf.if %cond3A_223 {
        %add3A_264 = arith.constant 2 : i32
        %add3A_265 = arith.addi %mul3A_160, %add3A_264 : i32
        %dma_start3A_266 = arith.constant 0 : i32
        %dma_start3A_267 = arith.constant 0 : i32
        %dma_start3A_268 = arith.constant 0 : i32
        %dma_start3A_269 = tpu.memref_slice %arg4[%add3A, %dma_start3A_266, %dma_start3A_267, %dma_start3A_268] : memref<32x144x1x128xi32, #tpu.memory_space<hbm>> -> memref<1x144x1x128xi32, #tpu.memory_space<hbm>>
        %dma_start3A_270 = tpu.memref_squeeze %dma_start3A_269 : memref<1x144x1x128xi32, #tpu.memory_space<hbm>> -> memref<144x1x128xi32, #tpu.memory_space<hbm>>
        %dma_start3A_271 = arith.constant 0 : i32
        %dma_start3A_272 = arith.constant 0 : i32
        %dma_start3A_273 = tpu.memref_slice %dma_start3A_270[%add3A_265, %dma_start3A_271, %dma_start3A_272] : memref<144x1x128xi32, #tpu.memory_space<hbm>> -> memref<1x1x128xi32, #tpu.memory_space<hbm>>
        %dma_start3A_274 = tpu.memref_squeeze %dma_start3A_273 : memref<1x1x128xi32, #tpu.memory_space<hbm>> -> memref<1x128xi32, #tpu.memory_space<hbm>>
        %dma_start3A_275 = arith.constant 0 : i32
        %dma_start3A_276 = arith.constant 0 : i32
        %dma_start3A_277 = arith.constant 0 : i32
        %dma_start3A_278 = tpu.memref_slice %arg4[%add3A, %dma_start3A_275, %dma_start3A_276, %dma_start3A_277] : memref<32x144x1x128xi32, #tpu.memory_space<hbm>> -> memref<1x144x1x128xi32, #tpu.memory_space<hbm>>
        %dma_start3A_279 = tpu.memref_squeeze %dma_start3A_278 : memref<1x144x1x128xi32, #tpu.memory_space<hbm>> -> memref<144x1x128xi32, #tpu.memory_space<hbm>>
        %dma_start3A_280 = arith.constant 0 : i32
        %dma_start3A_281 = arith.constant 0 : i32
        %dma_start3A_282 = tpu.memref_slice %dma_start3A_279[%add3A_265, %dma_start3A_280, %dma_start3A_281] : memref<144x1x128xi32, #tpu.memory_space<hbm>> -> memref<1x1x128xi32, #tpu.memory_space<hbm>>
        %dma_start3A_283 = tpu.memref_squeeze %dma_start3A_282 : memref<1x1x128xi32, #tpu.memory_space<hbm>> -> memref<1x128xi32, #tpu.memory_space<hbm>>
        tpu.enqueue_dma source(%dma_start3A_283 : memref<1x128xi32, #tpu.memory_space<hbm>>) target(%arg9 : memref<1x128xi32, #tpu.memory_space<vmem>>) target_semaphore(%arg16 : memref<!tpu.dma_semaphore, #tpu.memory_space<semaphore_mem>>)
        %add3A_284 = arith.constant 2 : i32
        %add3A_285 = arith.addi %mul3A_160, %add3A_284 : i32
        %dma_wait3A_286 = arith.constant 0 : i32
        %dma_wait3A_287 = arith.constant 0 : i32
        %dma_wait3A_288 = arith.constant 0 : i32
        %dma_wait3A_289 = tpu.memref_slice %arg3[%add3A, %dma_wait3A_286, %dma_wait3A_287, %dma_wait3A_288] : memref<32x144x1x128xi32, #tpu.memory_space<hbm>> -> memref<1x144x1x128xi32, #tpu.memory_space<hbm>>
        %dma_wait3A_290 = tpu.memref_squeeze %dma_wait3A_289 : memref<1x144x1x128xi32, #tpu.memory_space<hbm>> -> memref<144x1x128xi32, #tpu.memory_space<hbm>>
        %dma_wait3A_291 = arith.constant 0 : i32
        %dma_wait3A_292 = arith.constant 0 : i32
        %dma_wait3A_293 = tpu.memref_slice %dma_wait3A_290[%add3A_285, %dma_wait3A_291, %dma_wait3A_292] : memref<144x1x128xi32, #tpu.memory_space<hbm>> -> memref<1x1x128xi32, #tpu.memory_space<hbm>>
        %dma_wait3A_294 = tpu.memref_squeeze %dma_wait3A_293 : memref<1x1x128xi32, #tpu.memory_space<hbm>> -> memref<1x128xi32, #tpu.memory_space<hbm>>
        %dma_wait3A_295 = arith.constant 0 : i32
        %dma_wait3A_296 = arith.constant 0 : i32
        %dma_wait3A_297 = arith.constant 0 : i32
        %dma_wait3A_298 = tpu.memref_slice %arg3[%add3A, %dma_wait3A_295, %dma_wait3A_296, %dma_wait3A_297] : memref<32x144x1x128xi32, #tpu.memory_space<hbm>> -> memref<1x144x1x128xi32, #tpu.memory_space<hbm>>
        %dma_wait3A_299 = tpu.memref_squeeze %dma_wait3A_298 : memref<1x144x1x128xi32, #tpu.memory_space<hbm>> -> memref<144x1x128xi32, #tpu.memory_space<hbm>>
        %dma_wait3A_300 = arith.constant 0 : i32
        %dma_wait3A_301 = arith.constant 0 : i32
        %dma_wait3A_302 = tpu.memref_slice %dma_wait3A_299[%add3A_285, %dma_wait3A_300, %dma_wait3A_301] : memref<144x1x128xi32, #tpu.memory_space<hbm>> -> memref<1x1x128xi32, #tpu.memory_space<hbm>>
        %dma_wait3A_303 = tpu.memref_squeeze %dma_wait3A_302 : memref<1x1x128xi32, #tpu.memory_space<hbm>> -> memref<1x128xi32, #tpu.memory_space<hbm>>
        tpu.wait_dma2 semaphore(%arg14 : memref<!tpu.dma_semaphore, #tpu.memory_space<semaphore_mem>>) src(%dma_wait3A_303 : memref<1x128xi32, #tpu.memory_space<hbm>>) dst(%arg7 : memref<1x128xi32, #tpu.memory_space<vmem>>)
        %dma_start3A_304 = arith.constant 0 : i32
        %dma_start3A_305 = arith.constant 0 : i32
        %dma_start3A_306 = tpu.memref_slice %arg7[%dma_start3A_304, %dma_start3A_305] : memref<1x128xi32, #tpu.memory_space<vmem>> -> memref<1x128xi32, #tpu.memory_space<vmem>>
        %dma_start3A_307 = tpu.memref_squeeze %dma_start3A_306 : memref<1x128xi32, #tpu.memory_space<vmem>> -> memref<128xi32, #tpu.memory_space<vmem>>
        %dma_start3A_308 = arith.constant 0 : i32
        %dma_start3A_309 = arith.constant 0 : i32
        %dma_start3A_310 = tpu.memref_slice %arg2[%dma_start3A_308, %dma_start3A_309] : memref<10008x128xf32, #tpu.memory_space<hbm>> -> memref<10008x128xf32, #tpu.memory_space<hbm>>
        tpu.enqueue_indirect_dma source(%dma_start3A_310 : memref<10008x128xf32, #tpu.memory_space<hbm>>) target(%arg11 : memref<128x128xf32, #tpu.memory_space<vmem>>) offsets(%dma_start3A_307 : memref<128xi32, #tpu.memory_space<vmem>>) semaphore(%arg18 : memref<!tpu.dma_semaphore, #tpu.memory_space<semaphore_mem>>)
      } else {
      }
      %dma_wait3A_224 = arith.constant 0 : i32
      %dma_wait3A_225 = arith.constant 0 : i32
      %dma_wait3A_226 = tpu.memref_slice %arg8[%dma_wait3A_224, %dma_wait3A_225] : memref<1x128xi32, #tpu.memory_space<vmem>> -> memref<1x128xi32, #tpu.memory_space<vmem>>
      %dma_wait3A_227 = tpu.memref_squeeze %dma_wait3A_226 : memref<1x128xi32, #tpu.memory_space<vmem>> -> memref<128xi32, #tpu.memory_space<vmem>>
      %dma_wait3A_228 = arith.constant 0 : i32
      %dma_wait3A_229 = arith.constant 0 : i32
      %dma_wait3A_230 = tpu.memref_slice %arg2[%dma_wait3A_228, %dma_wait3A_229] : memref<10008x128xf32, #tpu.memory_space<hbm>> -> memref<10008x128xf32, #tpu.memory_space<hbm>>
      tpu.wait_indirect_dma semaphore(%arg19 : memref<!tpu.dma_semaphore, #tpu.memory_space<semaphore_mem>>) src(%dma_wait3A_230 : memref<10008x128xf32, #tpu.memory_space<hbm>>) dst(%arg12 : memref<128x128xf32, #tpu.memory_space<vmem>>)
      %add3A_231 = arith.constant 3 : i32
      %add3A_232 = arith.addi %mul3A_160, %add3A_231 : i32
      %lt3A_233 = arith.cmpi slt, %add3A_232, %select_n3A : i32
      %convert_element_type3A_234 = arith.extui %lt3A_233 : i1 to i32
      %cond3A_235 = arith.constant 0 : i32
      %cond3A_236 = arith.cmpi ne, %convert_element_type3A_234, %cond3A_235 : i32
      scf.if %cond3A_236 {
        %add3A_264 = arith.constant 3 : i32
        %add3A_265 = arith.addi %mul3A_160, %add3A_264 : i32
        %dma_start3A_266 = arith.constant 0 : i32
        %dma_start3A_267 = arith.constant 0 : i32
        %dma_start3A_268 = arith.constant 0 : i32
        %dma_start3A_269 = tpu.memref_slice %arg3[%add3A, %dma_start3A_266, %dma_start3A_267, %dma_start3A_268] : memref<32x144x1x128xi32, #tpu.memory_space<hbm>> -> memref<1x144x1x128xi32, #tpu.memory_space<hbm>>
        %dma_start3A_270 = tpu.memref_squeeze %dma_start3A_269 : memref<1x144x1x128xi32, #tpu.memory_space<hbm>> -> memref<144x1x128xi32, #tpu.memory_space<hbm>>
        %dma_start3A_271 = arith.constant 0 : i32
        %dma_start3A_272 = arith.constant 0 : i32
        %dma_start3A_273 = tpu.memref_slice %dma_start3A_270[%add3A_265, %dma_start3A_271, %dma_start3A_272] : memref<144x1x128xi32, #tpu.memory_space<hbm>> -> memref<1x1x128xi32, #tpu.memory_space<hbm>>
        %dma_start3A_274 = tpu.memref_squeeze %dma_start3A_273 : memref<1x1x128xi32, #tpu.memory_space<hbm>> -> memref<1x128xi32, #tpu.memory_space<hbm>>
        %dma_start3A_275 = arith.constant 0 : i32
        %dma_start3A_276 = arith.constant 0 : i32
        %dma_start3A_277 = arith.constant 0 : i32
        %dma_start3A_278 = tpu.memref_slice %arg3[%add3A, %dma_start3A_275, %dma_start3A_276, %dma_start3A_277] : memref<32x144x1x128xi32, #tpu.memory_space<hbm>> -> memref<1x144x1x128xi32, #tpu.memory_space<hbm>>
        %dma_start3A_279 = tpu.memref_squeeze %dma_start3A_278 : memref<1x144x1x128xi32, #tpu.memory_space<hbm>> -> memref<144x1x128xi32, #tpu.memory_space<hbm>>
        %dma_start3A_280 = arith.constant 0 : i32
        %dma_start3A_281 = arith.constant 0 : i32
        %dma_start3A_282 = tpu.memref_slice %dma_start3A_279[%add3A_265, %dma_start3A_280, %dma_start3A_281] : memref<144x1x128xi32, #tpu.memory_space<hbm>> -> memref<1x1x128xi32, #tpu.memory_space<hbm>>
        %dma_start3A_283 = tpu.memref_squeeze %dma_start3A_282 : memref<1x1x128xi32, #tpu.memory_space<hbm>> -> memref<1x128xi32, #tpu.memory_space<hbm>>
        tpu.enqueue_dma source(%dma_start3A_283 : memref<1x128xi32, #tpu.memory_space<hbm>>) target(%arg8 : memref<1x128xi32, #tpu.memory_space<vmem>>) target_semaphore(%arg15 : memref<!tpu.dma_semaphore, #tpu.memory_space<semaphore_mem>>)
      } else {
      }
      %add3A_237 = arith.constant 1 : i32
      %add3A_238 = arith.addi %mul3A_160, %add3A_237 : i32
      %dma_wait3A_239 = arith.constant 0 : i32
      %dma_wait3A_240 = arith.constant 0 : i32
      %dma_wait3A_241 = arith.constant 0 : i32
      %dma_wait3A_242 = tpu.memref_slice %arg4[%add3A, %dma_wait3A_239, %dma_wait3A_240, %dma_wait3A_241] : memref<32x144x1x128xi32, #tpu.memory_space<hbm>> -> memref<1x144x1x128xi32, #tpu.memory_space<hbm>>
      %dma_wait3A_243 = tpu.memref_squeeze %dma_wait3A_242 : memref<1x144x1x128xi32, #tpu.memory_space<hbm>> -> memref<144x1x128xi32, #tpu.memory_space<hbm>>
      %dma_wait3A_244 = arith.constant 0 : i32
      %dma_wait3A_245 = arith.constant 0 : i32
      %dma_wait3A_246 = tpu.memref_slice %dma_wait3A_243[%add3A_238, %dma_wait3A_244, %dma_wait3A_245] : memref<144x1x128xi32, #tpu.memory_space<hbm>> -> memref<1x1x128xi32, #tpu.memory_space<hbm>>
      %dma_wait3A_247 = tpu.memref_squeeze %dma_wait3A_246 : memref<1x1x128xi32, #tpu.memory_space<hbm>> -> memref<1x128xi32, #tpu.memory_space<hbm>>
      %dma_wait3A_248 = arith.constant 0 : i32
      %dma_wait3A_249 = arith.constant 0 : i32
      %dma_wait3A_250 = arith.constant 0 : i32
      %dma_wait3A_251 = tpu.memref_slice %arg4[%add3A, %dma_wait3A_248, %dma_wait3A_249, %dma_wait3A_250] : memref<32x144x1x128xi32, #tpu.memory_space<hbm>> -> memref<1x144x1x128xi32, #tpu.memory_space<hbm>>
      %dma_wait3A_252 = tpu.memref_squeeze %dma_wait3A_251 : memref<1x144x1x128xi32, #tpu.memory_space<hbm>> -> memref<144x1x128xi32, #tpu.memory_space<hbm>>
      %dma_wait3A_253 = arith.constant 0 : i32
      %dma_wait3A_254 = arith.constant 0 : i32
      %dma_wait3A_255 = tpu.memref_slice %dma_wait3A_252[%add3A_238, %dma_wait3A_253, %dma_wait3A_254] : memref<144x1x128xi32, #tpu.memory_space<hbm>> -> memref<1x1x128xi32, #tpu.memory_space<hbm>>
      %dma_wait3A_256 = tpu.memref_squeeze %dma_wait3A_255 : memref<1x1x128xi32, #tpu.memory_space<hbm>> -> memref<1x128xi32, #tpu.memory_space<hbm>>
      tpu.wait_dma2 semaphore(%arg17 : memref<!tpu.dma_semaphore, #tpu.memory_space<semaphore_mem>>) src(%dma_wait3A_256 : memref<1x128xi32, #tpu.memory_space<hbm>>) dst(%arg10 : memref<1x128xi32, #tpu.memory_space<vmem>>)
      %run_scoped3A_257 = arith.constant 0 : i32
      "tpu.region"() ({
        %run_scoped3A_264 = tpu.sem_alloc : memref<!tpu.dma_semaphore, #tpu.memory_space<semaphore_mem>>
        %dma_start3A_265 = arith.constant 0 : i32
        %dma_start3A_266 = tpu.memref_slice %arg10[%run_scoped3A_257, %dma_start3A_265] : memref<1x128xi32, #tpu.memory_space<vmem>> -> memref<1x128xi32, #tpu.memory_space<vmem>>
        %dma_start3A_267 = tpu.memref_squeeze %dma_start3A_266 : memref<1x128xi32, #tpu.memory_space<vmem>> -> memref<128xi32, #tpu.memory_space<vmem>>
        %dma_start3A_268 = arith.constant 0 : i32
        %dma_start3A_269 = arith.constant 0 : i32
        %dma_start3A_270 = tpu.memref_slice %arg13[%dma_start3A_268, %dma_start3A_269] : memref<10008x128xf32, #tpu.memory_space<vmem_shared>> -> memref<10008x128xf32, #tpu.memory_space<vmem_shared>>
        tpu.enqueue_indirect_dma source(%arg12 : memref<128x128xf32, #tpu.memory_space<vmem>>) target(%dma_start3A_270 : memref<10008x128xf32, #tpu.memory_space<vmem_shared>>) offsets(%dma_start3A_267 : memref<128xi32, #tpu.memory_space<vmem>>) semaphore(%run_scoped3A_264 : memref<!tpu.dma_semaphore, #tpu.memory_space<semaphore_mem>>) {add = true}
        %dma_wait3A_271 = arith.constant 0 : i32
        %dma_wait3A_272 = tpu.memref_slice %arg10[%run_scoped3A_257, %dma_wait3A_271] : memref<1x128xi32, #tpu.memory_space<vmem>> -> memref<1x128xi32, #tpu.memory_space<vmem>>
        %dma_wait3A_273 = tpu.memref_squeeze %dma_wait3A_272 : memref<1x128xi32, #tpu.memory_space<vmem>> -> memref<128xi32, #tpu.memory_space<vmem>>
        %dma_wait3A_274 = arith.constant 0 : i32
        %dma_wait3A_275 = arith.constant 0 : i32
        %dma_wait3A_276 = tpu.memref_slice %arg13[%dma_wait3A_274, %dma_wait3A_275] : memref<10008x128xf32, #tpu.memory_space<vmem_shared>> -> memref<10008x128xf32, #tpu.memory_space<vmem_shared>>
        tpu.wait_indirect_dma semaphore(%run_scoped3A_264 : memref<!tpu.dma_semaphore, #tpu.memory_space<semaphore_mem>>) src(%arg12 : memref<128x128xf32, #tpu.memory_space<vmem>>) dst(%dma_wait3A_276 : memref<10008x128xf32, #tpu.memory_space<vmem_shared>>)
        tpu.yield
      }) : () -> ()
      %add3A_258 = arith.constant 3 : i32
      %add3A_259 = arith.addi %mul3A_160, %add3A_258 : i32
      %lt3A_260 = arith.cmpi slt, %add3A_259, %select_n3A : i32
      %convert_element_type3A_261 = arith.extui %lt3A_260 : i1 to i32
      %cond3A_262 = arith.constant 0 : i32
      %cond3A_263 = arith.cmpi ne, %convert_element_type3A_261, %cond3A_262 : i32
      scf.if %cond3A_263 {
        %add3A_264 = arith.constant 3 : i32
        %add3A_265 = arith.addi %mul3A_160, %add3A_264 : i32
        %dma_start3A_266 = arith.constant 0 : i32
        %dma_start3A_267 = arith.constant 0 : i32
        %dma_start3A_268 = arith.constant 0 : i32
        %dma_start3A_269 = tpu.memref_slice %arg4[%add3A, %dma_start3A_266, %dma_start3A_267, %dma_start3A_268] : memref<32x144x1x128xi32, #tpu.memory_space<hbm>> -> memref<1x144x1x128xi32, #tpu.memory_space<hbm>>
        %dma_start3A_270 = tpu.memref_squeeze %dma_start3A_269 : memref<1x144x1x128xi32, #tpu.memory_space<hbm>> -> memref<144x1x128xi32, #tpu.memory_space<hbm>>
        %dma_start3A_271 = arith.constant 0 : i32
        %dma_start3A_272 = arith.constant 0 : i32
        %dma_start3A_273 = tpu.memref_slice %dma_start3A_270[%add3A_265, %dma_start3A_271, %dma_start3A_272] : memref<144x1x128xi32, #tpu.memory_space<hbm>> -> memref<1x1x128xi32, #tpu.memory_space<hbm>>
        %dma_start3A_274 = tpu.memref_squeeze %dma_start3A_273 : memref<1x1x128xi32, #tpu.memory_space<hbm>> -> memref<1x128xi32, #tpu.memory_space<hbm>>
        %dma_start3A_275 = arith.constant 0 : i32
        %dma_start3A_276 = arith.constant 0 : i32
        %dma_start3A_277 = arith.constant 0 : i32
        %dma_start3A_278 = tpu.memref_slice %arg4[%add3A, %dma_start3A_275, %dma_start3A_276, %dma_start3A_277] : memref<32x144x1x128xi32, #tpu.memory_space<hbm>> -> memref<1x144x1x128xi32, #tpu.memory_space<hbm>>
        %dma_start3A_279 = tpu.memref_squeeze %dma_start3A_278 : memref<1x144x1x128xi32, #tpu.memory_space<hbm>> -> memref<144x1x128xi32, #tpu.memory_space<hbm>>
        %dma_start3A_280 = arith.constant 0 : i32
        %dma_start3A_281 = arith.constant 0 : i32
        %dma_start3A_282 = tpu.memref_slice %dma_start3A_279[%add3A_265, %dma_start3A_280, %dma_start3A_281] : memref<144x1x128xi32, #tpu.memory_space<hbm>> -> memref<1x1x128xi32, #tpu.memory_space<hbm>>
        %dma_start3A_283 = tpu.memref_squeeze %dma_start3A_282 : memref<1x1x128xi32, #tpu.memory_space<hbm>> -> memref<1x128xi32, #tpu.memory_space<hbm>>
        tpu.enqueue_dma source(%dma_start3A_283 : memref<1x128xi32, #tpu.memory_space<hbm>>) target(%arg10 : memref<1x128xi32, #tpu.memory_space<vmem>>) target_semaphore(%arg17 : memref<!tpu.dma_semaphore, #tpu.memory_space<semaphore_mem>>)
      } else {
      }
    }
    %while3A_145 = arith.constant 1 : i32
    scf.for %while3A_156 = %while3A_143 to %while3A_139 step %while3A_145  : i32 {
      %mul3A_157 = arith.muli %while3A_156, %while3A : i32
      %add3A_158 = arith.addi %while3A_136, %mul3A_157 : i32
      %mul3A_159 = arith.constant 2 : i32
      %mul3A_160 = arith.muli %mul3A_159, %add3A_158 : i32
      %add3A_161 = arith.constant 1 : i32
      %add3A_162 = arith.addi %mul3A_160, %add3A_161 : i32
      %dma_wait3A_163 = arith.constant 0 : i32
      %dma_wait3A_164 = arith.constant 0 : i32
      %dma_wait3A_165 = arith.constant 0 : i32
      %dma_wait3A_166 = tpu.memref_slice %arg3[%add3A, %dma_wait3A_163, %dma_wait3A_164, %dma_wait3A_165] : memref<32x144x1x128xi32, #tpu.memory_space<hbm>> -> memref<1x144x1x128xi32, #tpu.memory_space<hbm>>
      %dma_wait3A_167 = tpu.memref_squeeze %dma_wait3A_166 : memref<1x144x1x128xi32, #tpu.memory_space<hbm>> -> memref<144x1x128xi32, #tpu.memory_space<hbm>>
      %dma_wait3A_168 = arith.constant 0 : i32
      %dma_wait3A_169 = arith.constant 0 : i32
      %dma_wait3A_170 = tpu.memref_slice %dma_wait3A_167[%add3A_162, %dma_wait3A_168, %dma_wait3A_169] : memref<144x1x128xi32, #tpu.memory_space<hbm>> -> memref<1x1x128xi32, #tpu.memory_space<hbm>>
      %dma_wait3A_171 = tpu.memref_squeeze %dma_wait3A_170 : memref<1x1x128xi32, #tpu.memory_space<hbm>> -> memref<1x128xi32, #tpu.memory_space<hbm>>
      %dma_wait3A_172 = arith.constant 0 : i32
      %dma_wait3A_173 = arith.constant 0 : i32
      %dma_wait3A_174 = arith.constant 0 : i32
      %dma_wait3A_175 = tpu.memref_slice %arg3[%add3A, %dma_wait3A_172, %dma_wait3A_173, %dma_wait3A_174] : memref<32x144x1x128xi32, #tpu.memory_space<hbm>> -> memref<1x144x1x128xi32, #tpu.memory_space<hbm>>
      %dma_wait3A_176 = tpu.memref_squeeze %dma_wait3A_175 : memref<1x144x1x128xi32, #tpu.memory_space<hbm>> -> memref<144x1x128xi32, #tpu.memory_space<hbm>>
      %dma_wait3A_177 = arith.constant 0 : i32
      %dma_wait3A_178 = arith.constant 0 : i32
      %dma_wait3A_179 = tpu.memref_slice %dma_wait3A_176[%add3A_162, %dma_wait3A_177, %dma_wait3A_178] : memref<144x1x128xi32, #tpu.memory_space<hbm>> -> memref<1x1x128xi32, #tpu.memory_space<hbm>>
      %dma_wait3A_180 = tpu.memref_squeeze %dma_wait3A_179 : memref<1x1x128xi32, #tpu.memory_space<hbm>> -> memref<1x128xi32, #tpu.memory_space<hbm>>
      tpu.wait_dma2 semaphore(%arg15 : memref<!tpu.dma_semaphore, #tpu.memory_space<semaphore_mem>>) src(%dma_wait3A_180 : memref<1x128xi32, #tpu.memory_space<hbm>>) dst(%arg8 : memref<1x128xi32, #tpu.memory_space<vmem>>)
      %dma_start3A_181 = arith.constant 0 : i32
      %dma_start3A_182 = arith.constant 0 : i32
      %dma_start3A_183 = tpu.memref_slice %arg8[%dma_start3A_181, %dma_start3A_182] : memref<1x128xi32, #tpu.memory_space<vmem>> -> memref<1x128xi32, #tpu.memory_space<vmem>>
      %dma_start3A_184 = tpu.memref_squeeze %dma_start3A_183 : memref<1x128xi32, #tpu.memory_space<vmem>> -> memref<128xi32, #tpu.memory_space<vmem>>
      %dma_start3A_185 = arith.constant 0 : i32
      %dma_start3A_186 = arith.constant 0 : i32
      %dma_start3A_187 = tpu.memref_slice %arg2[%dma_start3A_185, %dma_start3A_186] : memref<10008x128xf32, #tpu.memory_space<hbm>> -> memref<10008x128xf32, #tpu.memory_space<hbm>>
      tpu.enqueue_indirect_dma source(%dma_start3A_187 : memref<10008x128xf32, #tpu.memory_space<hbm>>) target(%arg12 : memref<128x128xf32, #tpu.memory_space<vmem>>) offsets(%dma_start3A_184 : memref<128xi32, #tpu.memory_space<vmem>>) semaphore(%arg19 : memref<!tpu.dma_semaphore, #tpu.memory_space<semaphore_mem>>)
      %dma_wait3A_188 = arith.constant 0 : i32
      %dma_wait3A_189 = arith.constant 0 : i32
      %dma_wait3A_190 = tpu.memref_slice %arg7[%dma_wait3A_188, %dma_wait3A_189] : memref<1x128xi32, #tpu.memory_space<vmem>> -> memref<1x128xi32, #tpu.memory_space<vmem>>
      %dma_wait3A_191 = tpu.memref_squeeze %dma_wait3A_190 : memref<1x128xi32, #tpu.memory_space<vmem>> -> memref<128xi32, #tpu.memory_space<vmem>>
      %dma_wait3A_192 = arith.constant 0 : i32
      %dma_wait3A_193 = arith.constant 0 : i32
      %dma_wait3A_194 = tpu.memref_slice %arg2[%dma_wait3A_192, %dma_wait3A_193] : memref<10008x128xf32, #tpu.memory_space<hbm>> -> memref<10008x128xf32, #tpu.memory_space<hbm>>
      tpu.wait_indirect_dma semaphore(%arg18 : memref<!tpu.dma_semaphore, #tpu.memory_space<semaphore_mem>>) src(%dma_wait3A_194 : memref<10008x128xf32, #tpu.memory_space<hbm>>) dst(%arg11 : memref<128x128xf32, #tpu.memory_space<vmem>>)
      %add3A_195 = arith.constant 2 : i32
      %add3A_196 = arith.addi %mul3A_160, %add3A_195 : i32
      %lt3A = arith.cmpi slt, %add3A_196, %select_n3A : i32
      %convert_element_type3A_197 = arith.extui %lt3A : i1 to i32
      %cond3A_198 = arith.constant 0 : i32
      %cond3A_199 = arith.cmpi ne, %convert_element_type3A_197, %cond3A_198 : i32
      scf.if %cond3A_199 {
        %add3A_264 = arith.constant 2 : i32
        %add3A_265 = arith.addi %mul3A_160, %add3A_264 : i32
        %dma_start3A_266 = arith.constant 0 : i32
        %dma_start3A_267 = arith.constant 0 : i32
        %dma_start3A_268 = arith.constant 0 : i32
        %dma_start3A_269 = tpu.memref_slice %arg3[%add3A, %dma_start3A_266, %dma_start3A_267, %dma_start3A_268] : memref<32x144x1x128xi32, #tpu.memory_space<hbm>> -> memref<1x144x1x128xi32, #tpu.memory_space<hbm>>
        %dma_start3A_270 = tpu.memref_squeeze %dma_start3A_269 : memref<1x144x1x128xi32, #tpu.memory_space<hbm>> -> memref<144x1x128xi32, #tpu.memory_space<hbm>>
        %dma_start3A_271 = arith.constant 0 : i32
        %dma_start3A_272 = arith.constant 0 : i32
        %dma_start3A_273 = tpu.memref_slice %dma_start3A_270[%add3A_265, %dma_start3A_271, %dma_start3A_272] : memref<144x1x128xi32, #tpu.memory_space<hbm>> -> memref<1x1x128xi32, #tpu.memory_space<hbm>>
        %dma_start3A_274 = tpu.memref_squeeze %dma_start3A_273 : memref<1x1x128xi32, #tpu.memory_space<hbm>> -> memref<1x128xi32, #tpu.memory_space<hbm>>
        %dma_start3A_275 = arith.constant 0 : i32
        %dma_start3A_276 = arith.constant 0 : i32
        %dma_start3A_277 = arith.constant 0 : i32
        %dma_start3A_278 = tpu.memref_slice %arg3[%add3A, %dma_start3A_275, %dma_start3A_276, %dma_start3A_277] : memref<32x144x1x128xi32, #tpu.memory_space<hbm>> -> memref<1x144x1x128xi32, #tpu.memory_space<hbm>>
        %dma_start3A_279 = tpu.memref_squeeze %dma_start3A_278 : memref<1x144x1x128xi32, #tpu.memory_space<hbm>> -> memref<144x1x128xi32, #tpu.memory_space<hbm>>
        %dma_start3A_280 = arith.constant 0 : i32
        %dma_start3A_281 = arith.constant 0 : i32
        %dma_start3A_282 = tpu.memref_slice %dma_start3A_279[%add3A_265, %dma_start3A_280, %dma_start3A_281] : memref<144x1x128xi32, #tpu.memory_space<hbm>> -> memref<1x1x128xi32, #tpu.memory_space<hbm>>
        %dma_start3A_283 = tpu.memref_squeeze %dma_start3A_282 : memref<1x1x128xi32, #tpu.memory_space<hbm>> -> memref<1x128xi32, #tpu.memory_space<hbm>>
        tpu.enqueue_dma source(%dma_start3A_283 : memref<1x128xi32, #tpu.memory_space<hbm>>) target(%arg7 : memref<1x128xi32, #tpu.memory_space<vmem>>) target_semaphore(%arg14 : memref<!tpu.dma_semaphore, #tpu.memory_space<semaphore_mem>>)
      } else {
      }
      %dma_wait3A_200 = arith.constant 0 : i32
      %dma_wait3A_201 = arith.constant 0 : i32
      %dma_wait3A_202 = arith.constant 0 : i32
      %dma_wait3A_203 = tpu.memref_slice %arg4[%add3A, %dma_wait3A_200, %dma_wait3A_201, %dma_wait3A_202] : memref<32x144x1x128xi32, #tpu.memory_space<hbm>> -> memref<1x144x1x128xi32, #tpu.memory_space<hbm>>
      %dma_wait3A_204 = tpu.memref_squeeze %dma_wait3A_203 : memref<1x144x1x128xi32, #tpu.memory_space<hbm>> -> memref<144x1x128xi32, #tpu.memory_space<hbm>>
      %dma_wait3A_205 = arith.constant 0 : i32
      %dma_wait3A_206 = arith.constant 0 : i32
      %dma_wait3A_207 = tpu.memref_slice %dma_wait3A_204[%mul3A_160, %dma_wait3A_205, %dma_wait3A_206] : memref<144x1x128xi32, #tpu.memory_space<hbm>> -> memref<1x1x128xi32, #tpu.memory_space<hbm>>
      %dma_wait3A_208 = tpu.memref_squeeze %dma_wait3A_207 : memref<1x1x128xi32, #tpu.memory_space<hbm>> -> memref<1x128xi32, #tpu.memory_space<hbm>>
      %dma_wait3A_209 = arith.constant 0 : i32
      %dma_wait3A_210 = arith.constant 0 : i32
      %dma_wait3A_211 = arith.constant 0 : i32
      %dma_wait3A_212 = tpu.memref_slice %arg4[%add3A, %dma_wait3A_209, %dma_wait3A_210, %dma_wait3A_211] : memref<32x144x1x128xi32, #tpu.memory_space<hbm>> -> memref<1x144x1x128xi32, #tpu.memory_space<hbm>>
      %dma_wait3A_213 = tpu.memref_squeeze %dma_wait3A_212 : memref<1x144x1x128xi32, #tpu.memory_space<hbm>> -> memref<144x1x128xi32, #tpu.memory_space<hbm>>
      %dma_wait3A_214 = arith.constant 0 : i32
      %dma_wait3A_215 = arith.constant 0 : i32
      %dma_wait3A_216 = tpu.memref_slice %dma_wait3A_213[%mul3A_160, %dma_wait3A_214, %dma_wait3A_215] : memref<144x1x128xi32, #tpu.memory_space<hbm>> -> memref<1x1x128xi32, #tpu.memory_space<hbm>>
      %dma_wait3A_217 = tpu.memref_squeeze %dma_wait3A_216 : memref<1x1x128xi32, #tpu.memory_space<hbm>> -> memref<1x128xi32, #tpu.memory_space<hbm>>
      tpu.wait_dma2 semaphore(%arg16 : memref<!tpu.dma_semaphore, #tpu.memory_space<semaphore_mem>>) src(%dma_wait3A_217 : memref<1x128xi32, #tpu.memory_space<hbm>>) dst(%arg9 : memref<1x128xi32, #tpu.memory_space<vmem>>)
      %run_scoped3A = arith.constant 0 : i32
      "tpu.region"() ({
        %run_scoped3A_264 = tpu.sem_alloc : memref<!tpu.dma_semaphore, #tpu.memory_space<semaphore_mem>>
        %dma_start3A_265 = arith.constant 0 : i32
        %dma_start3A_266 = tpu.memref_slice %arg9[%run_scoped3A, %dma_start3A_265] : memref<1x128xi32, #tpu.memory_space<vmem>> -> memref<1x128xi32, #tpu.memory_space<vmem>>
        %dma_start3A_267 = tpu.memref_squeeze %dma_start3A_266 : memref<1x128xi32, #tpu.memory_space<vmem>> -> memref<128xi32, #tpu.memory_space<vmem>>
        %dma_start3A_268 = arith.constant 0 : i32
        %dma_start3A_269 = arith.constant 0 : i32
        %dma_start3A_270 = tpu.memref_slice %arg13[%dma_start3A_268, %dma_start3A_269] : memref<10008x128xf32, #tpu.memory_space<vmem_shared>> -> memref<10008x128xf32, #tpu.memory_space<vmem_shared>>
        tpu.enqueue_indirect_dma source(%arg11 : memref<128x128xf32, #tpu.memory_space<vmem>>) target(%dma_start3A_270 : memref<10008x128xf32, #tpu.memory_space<vmem_shared>>) offsets(%dma_start3A_267 : memref<128xi32, #tpu.memory_space<vmem>>) semaphore(%run_scoped3A_264 : memref<!tpu.dma_semaphore, #tpu.memory_space<semaphore_mem>>) {add = true}
        %dma_wait3A_271 = arith.constant 0 : i32
        %dma_wait3A_272 = tpu.memref_slice %arg9[%run_scoped3A, %dma_wait3A_271] : memref<1x128xi32, #tpu.memory_space<vmem>> -> memref<1x128xi32, #tpu.memory_space<vmem>>
        %dma_wait3A_273 = tpu.memref_squeeze %dma_wait3A_272 : memref<1x128xi32, #tpu.memory_space<vmem>> -> memref<128xi32, #tpu.memory_space<vmem>>
        %dma_wait3A_274 = arith.constant 0 : i32
        %dma_wait3A_275 = arith.constant 0 : i32
        %dma_wait3A_276 = tpu.memref_slice %arg13[%dma_wait3A_274, %dma_wait3A_275] : memref<10008x128xf32, #tpu.memory_space<vmem_shared>> -> memref<10008x128xf32, #tpu.memory_space<vmem_shared>>
        tpu.wait_indirect_dma semaphore(%run_scoped3A_264 : memref<!tpu.dma_semaphore, #tpu.memory_space<semaphore_mem>>) src(%arg11 : memref<128x128xf32, #tpu.memory_space<vmem>>) dst(%dma_wait3A_276 : memref<10008x128xf32, #tpu.memory_space<vmem_shared>>)
        tpu.yield
      }) : () -> ()
      %add3A_218 = arith.constant 2 : i32
      %add3A_219 = arith.addi %mul3A_160, %add3A_218 : i32
      %lt3A_220 = arith.cmpi slt, %add3A_219, %select_n3A : i32
      %convert_element_type3A_221 = arith.extui %lt3A_220 : i1 to i32
      %cond3A_222 = arith.constant 0 : i32
      %cond3A_223 = arith.cmpi ne, %convert_element_type3A_221, %cond3A_222 : i32
      scf.if %cond3A_223 {
        %add3A_264 = arith.constant 2 : i32
        %add3A_265 = arith.addi %mul3A_160, %add3A_264 : i32
        %dma_start3A_266 = arith.constant 0 : i32
        %dma_start3A_267 = arith.constant 0 : i32
        %dma_start3A_268 = arith.constant 0 : i32
        %dma_start3A_269 = tpu.memref_slice %arg4[%add3A, %dma_start3A_266, %dma_start3A_267, %dma_start3A_268] : memref<32x144x1x128xi32, #tpu.memory_space<hbm>> -> memref<1x144x1x128xi32, #tpu.memory_space<hbm>>
        %dma_start3A_270 = tpu.memref_squeeze %dma_start3A_269 : memref<1x144x1x128xi32, #tpu.memory_space<hbm>> -> memref<144x1x128xi32, #tpu.memory_space<hbm>>
        %dma_start3A_271 = arith.constant 0 : i32
        %dma_start3A_272 = arith.constant 0 : i32
        %dma_start3A_273 = tpu.memref_slice %dma_start3A_270[%add3A_265, %dma_start3A_271, %dma_start3A_272] : memref<144x1x128xi32, #tpu.memory_space<hbm>> -> memref<1x1x128xi32, #tpu.memory_space<hbm>>
        %dma_start3A_274 = tpu.memref_squeeze %dma_start3A_273 : memref<1x1x128xi32, #tpu.memory_space<hbm>> -> memref<1x128xi32, #tpu.memory_space<hbm>>
        %dma_start3A_275 = arith.constant 0 : i32
        %dma_start3A_276 = arith.constant 0 : i32
        %dma_start3A_277 = arith.constant 0 : i32
        %dma_start3A_278 = tpu.memref_slice %arg4[%add3A, %dma_start3A_275, %dma_start3A_276, %dma_start3A_277] : memref<32x144x1x128xi32, #tpu.memory_space<hbm>> -> memref<1x144x1x128xi32, #tpu.memory_space<hbm>>
        %dma_start3A_279 = tpu.memref_squeeze %dma_start3A_278 : memref<1x144x1x128xi32, #tpu.memory_space<hbm>> -> memref<144x1x128xi32, #tpu.memory_space<hbm>>
        %dma_start3A_280 = arith.constant 0 : i32
        %dma_start3A_281 = arith.constant 0 : i32
        %dma_start3A_282 = tpu.memref_slice %dma_start3A_279[%add3A_265, %dma_start3A_280, %dma_start3A_281] : memref<144x1x128xi32, #tpu.memory_space<hbm>> -> memref<1x1x128xi32, #tpu.memory_space<hbm>>
        %dma_start3A_283 = tpu.memref_squeeze %dma_start3A_282 : memref<1x1x128xi32, #tpu.memory_space<hbm>> -> memref<1x128xi32, #tpu.memory_space<hbm>>
        tpu.enqueue_dma source(%dma_start3A_283 : memref<1x128xi32, #tpu.memory_space<hbm>>) target(%arg9 : memref<1x128xi32, #tpu.memory_space<vmem>>) target_semaphore(%arg16 : memref<!tpu.dma_semaphore, #tpu.memory_space<semaphore_mem>>)
        %add3A_284 = arith.constant 2 : i32
        %add3A_285 = arith.addi %mul3A_160, %add3A_284 : i32
        %dma_wait3A_286 = arith.constant 0 : i32
        %dma_wait3A_287 = arith.constant 0 : i32
        %dma_wait3A_288 = arith.constant 0 : i32
        %dma_wait3A_289 = tpu.memref_slice %arg3[%add3A, %dma_wait3A_286, %dma_wait3A_287, %dma_wait3A_288] : memref<32x144x1x128xi32, #tpu.memory_space<hbm>> -> memref<1x144x1x128xi32, #tpu.memory_space<hbm>>
        %dma_wait3A_290 = tpu.memref_squeeze %dma_wait3A_289 : memref<1x144x1x128xi32, #tpu.memory_space<hbm>> -> memref<144x1x128xi32, #tpu.memory_space<hbm>>
        %dma_wait3A_291 = arith.constant 0 : i32
        %dma_wait3A_292 = arith.constant 0 : i32
        %dma_wait3A_293 = tpu.memref_slice %dma_wait3A_290[%add3A_285, %dma_wait3A_291, %dma_wait3A_292] : memref<144x1x128xi32, #tpu.memory_space<hbm>> -> memref<1x1x128xi32, #tpu.memory_space<hbm>>
        %dma_wait3A_294 = tpu.memref_squeeze %dma_wait3A_293 : memref<1x1x128xi32, #tpu.memory_space<hbm>> -> memref<1x128xi32, #tpu.memory_space<hbm>>
        %dma_wait3A_295 = arith.constant 0 : i32
        %dma_wait3A_296 = arith.constant 0 : i32
        %dma_wait3A_297 = arith.constant 0 : i32
        %dma_wait3A_298 = tpu.memref_slice %arg3[%add3A, %dma_wait3A_295, %dma_wait3A_296, %dma_wait3A_297] : memref<32x144x1x128xi32, #tpu.memory_space<hbm>> -> memref<1x144x1x128xi32, #tpu.memory_space<hbm>>
        %dma_wait3A_299 = tpu.memref_squeeze %dma_wait3A_298 : memref<1x144x1x128xi32, #tpu.memory_space<hbm>> -> memref<144x1x128xi32, #tpu.memory_space<hbm>>
        %dma_wait3A_300 = arith.constant 0 : i32
        %dma_wait3A_301 = arith.constant 0 : i32
        %dma_wait3A_302 = tpu.memref_slice %dma_wait3A_299[%add3A_285, %dma_wait3A_300, %dma_wait3A_301] : memref<144x1x128xi32, #tpu.memory_space<hbm>> -> memref<1x1x128xi32, #tpu.memory_space<hbm>>
        %dma_wait3A_303 = tpu.memref_squeeze %dma_wait3A_302 : memref<1x1x128xi32, #tpu.memory_space<hbm>> -> memref<1x128xi32, #tpu.memory_space<hbm>>
        tpu.wait_dma2 semaphore(%arg14 : memref<!tpu.dma_semaphore, #tpu.memory_space<semaphore_mem>>) src(%dma_wait3A_303 : memref<1x128xi32, #tpu.memory_space<hbm>>) dst(%arg7 : memref<1x128xi32, #tpu.memory_space<vmem>>)
        %dma_start3A_304 = arith.constant 0 : i32
        %dma_start3A_305 = arith.constant 0 : i32
        %dma_start3A_306 = tpu.memref_slice %arg7[%dma_start3A_304, %dma_start3A_305] : memref<1x128xi32, #tpu.memory_space<vmem>> -> memref<1x128xi32, #tpu.memory_space<vmem>>
        %dma_start3A_307 = tpu.memref_squeeze %dma_start3A_306 : memref<1x128xi32, #tpu.memory_space<vmem>> -> memref<128xi32, #tpu.memory_space<vmem>>
        %dma_start3A_308 = arith.constant 0 : i32
        %dma_start3A_309 = arith.constant 0 : i32
        %dma_start3A_310 = tpu.memref_slice %arg2[%dma_start3A_308, %dma_start3A_309] : memref<10008x128xf32, #tpu.memory_space<hbm>> -> memref<10008x128xf32, #tpu.memory_space<hbm>>
        tpu.enqueue_indirect_dma source(%dma_start3A_310 : memref<10008x128xf32, #tpu.memory_space<hbm>>) target(%arg11 : memref<128x128xf32, #tpu.memory_space<vmem>>) offsets(%dma_start3A_307 : memref<128xi32, #tpu.memory_space<vmem>>) semaphore(%arg18 : memref<!tpu.dma_semaphore, #tpu.memory_space<semaphore_mem>>)
      } else {
      }
      %dma_wait3A_224 = arith.constant 0 : i32
      %dma_wait3A_225 = arith.constant 0 : i32
      %dma_wait3A_226 = tpu.memref_slice %arg8[%dma_wait3A_224, %dma_wait3A_225] : memref<1x128xi32, #tpu.memory_space<vmem>> -> memref<1x128xi32, #tpu.memory_space<vmem>>
      %dma_wait3A_227 = tpu.memref_squeeze %dma_wait3A_226 : memref<1x128xi32, #tpu.memory_space<vmem>> -> memref<128xi32, #tpu.memory_space<vmem>>
      %dma_wait3A_228 = arith.constant 0 : i32
      %dma_wait3A_229 = arith.constant 0 : i32
      %dma_wait3A_230 = tpu.memref_slice %arg2[%dma_wait3A_228, %dma_wait3A_229] : memref<10008x128xf32, #tpu.memory_space<hbm>> -> memref<10008x128xf32, #tpu.memory_space<hbm>>
      tpu.wait_indirect_dma semaphore(%arg19 : memref<!tpu.dma_semaphore, #tpu.memory_space<semaphore_mem>>) src(%dma_wait3A_230 : memref<10008x128xf32, #tpu.memory_space<hbm>>) dst(%arg12 : memref<128x128xf32, #tpu.memory_space<vmem>>)
      %add3A_231 = arith.constant 3 : i32
      %add3A_232 = arith.addi %mul3A_160, %add3A_231 : i32
      %lt3A_233 = arith.cmpi slt, %add3A_232, %select_n3A : i32
      %convert_element_type3A_234 = arith.extui %lt3A_233 : i1 to i32
      %cond3A_235 = arith.constant 0 : i32
      %cond3A_236 = arith.cmpi ne, %convert_element_type3A_234, %cond3A_235 : i32
      scf.if %cond3A_236 {
        %add3A_264 = arith.constant 3 : i32
        %add3A_265 = arith.addi %mul3A_160, %add3A_264 : i32
        %dma_start3A_266 = arith.constant 0 : i32
        %dma_start3A_267 = arith.constant 0 : i32
        %dma_start3A_268 = arith.constant 0 : i32
        %dma_start3A_269 = tpu.memref_slice %arg3[%add3A, %dma_start3A_266, %dma_start3A_267, %dma_start3A_268] : memref<32x144x1x128xi32, #tpu.memory_space<hbm>> -> memref<1x144x1x128xi32, #tpu.memory_space<hbm>>
        %dma_start3A_270 = tpu.memref_squeeze %dma_start3A_269 : memref<1x144x1x128xi32, #tpu.memory_space<hbm>> -> memref<144x1x128xi32, #tpu.memory_space<hbm>>
        %dma_start3A_271 = arith.constant 0 : i32
        %dma_start3A_272 = arith.constant 0 : i32
        %dma_start3A_273 = tpu.memref_slice %dma_start3A_270[%add3A_265, %dma_start3A_271, %dma_start3A_272] : memref<144x1x128xi32, #tpu.memory_space<hbm>> -> memref<1x1x128xi32, #tpu.memory_space<hbm>>
        %dma_start3A_274 = tpu.memref_squeeze %dma_start3A_273 : memref<1x1x128xi32, #tpu.memory_space<hbm>> -> memref<1x128xi32, #tpu.memory_space<hbm>>
        %dma_start3A_275 = arith.constant 0 : i32
        %dma_start3A_276 = arith.constant 0 : i32
        %dma_start3A_277 = arith.constant 0 : i32
        %dma_start3A_278 = tpu.memref_slice %arg3[%add3A, %dma_start3A_275, %dma_start3A_276, %dma_start3A_277] : memref<32x144x1x128xi32, #tpu.memory_space<hbm>> -> memref<1x144x1x128xi32, #tpu.memory_space<hbm>>
        %dma_start3A_279 = tpu.memref_squeeze %dma_start3A_278 : memref<1x144x1x128xi32, #tpu.memory_space<hbm>> -> memref<144x1x128xi32, #tpu.memory_space<hbm>>
        %dma_start3A_280 = arith.constant 0 : i32
        %dma_start3A_281 = arith.constant 0 : i32
        %dma_start3A_282 = tpu.memref_slice %dma_start3A_279[%add3A_265, %dma_start3A_280, %dma_start3A_281] : memref<144x1x128xi32, #tpu.memory_space<hbm>> -> memref<1x1x128xi32, #tpu.memory_space<hbm>>
        %dma_start3A_283 = tpu.memref_squeeze %dma_start3A_282 : memref<1x1x128xi32, #tpu.memory_space<hbm>> -> memref<1x128xi32, #tpu.memory_space<hbm>>
        tpu.enqueue_dma source(%dma_start3A_283 : memref<1x128xi32, #tpu.memory_space<hbm>>) target(%arg8 : memref<1x128xi32, #tpu.memory_space<vmem>>) target_semaphore(%arg15 : memref<!tpu.dma_semaphore, #tpu.memory_space<semaphore_mem>>)
      } else {
      }
      %add3A_237 = arith.constant 1 : i32
      %add3A_238 = arith.addi %mul3A_160, %add3A_237 : i32
      %dma_wait3A_239 = arith.constant 0 : i32
      %dma_wait3A_240 = arith.constant 0 : i32
      %dma_wait3A_241 = arith.constant 0 : i32
      %dma_wait3A_242 = tpu.memref_slice %arg4[%add3A, %dma_wait3A_239, %dma_wait3A_240, %dma_wait3A_241] : memref<32x144x1x128xi32, #tpu.memory_space<hbm>> -> memref<1x144x1x128xi32, #tpu.memory_space<hbm>>
      %dma_wait3A_243 = tpu.memref_squeeze %dma_wait3A_242 : memref<1x144x1x128xi32, #tpu.memory_space<hbm>> -> memref<144x1x128xi32, #tpu.memory_space<hbm>>
      %dma_wait3A_244 = arith.constant 0 : i32
      %dma_wait3A_245 = arith.constant 0 : i32
      %dma_wait3A_246 = tpu.memref_slice %dma_wait3A_243[%add3A_238, %dma_wait3A_244, %dma_wait3A_245] : memref<144x1x128xi32, #tpu.memory_space<hbm>> -> memref<1x1x128xi32, #tpu.memory_space<hbm>>
      %dma_wait3A_247 = tpu.memref_squeeze %dma_wait3A_246 : memref<1x1x128xi32, #tpu.memory_space<hbm>> -> memref<1x128xi32, #tpu.memory_space<hbm>>
      %dma_wait3A_248 = arith.constant 0 : i32
      %dma_wait3A_249 = arith.constant 0 : i32
      %dma_wait3A_250 = arith.constant 0 : i32
      %dma_wait3A_251 = tpu.memref_slice %arg4[%add3A, %dma_wait3A_248, %dma_wait3A_249, %dma_wait3A_250] : memref<32x144x1x128xi32, #tpu.memory_space<hbm>> -> memref<1x144x1x128xi32, #tpu.memory_space<hbm>>
      %dma_wait3A_252 = tpu.memref_squeeze %dma_wait3A_251 : memref<1x144x1x128xi32, #tpu.memory_space<hbm>> -> memref<144x1x128xi32, #tpu.memory_space<hbm>>
      %dma_wait3A_253 = arith.constant 0 : i32
      %dma_wait3A_254 = arith.constant 0 : i32
      %dma_wait3A_255 = tpu.memref_slice %dma_wait3A_252[%add3A_238, %dma_wait3A_253, %dma_wait3A_254] : memref<144x1x128xi32, #tpu.memory_space<hbm>> -> memref<1x1x128xi32, #tpu.memory_space<hbm>>
      %dma_wait3A_256 = tpu.memref_squeeze %dma_wait3A_255 : memref<1x1x128xi32, #tpu.memory_space<hbm>> -> memref<1x128xi32, #tpu.memory_space<hbm>>
      tpu.wait_dma2 semaphore(%arg17 : memref<!tpu.dma_semaphore, #tpu.memory_space<semaphore_mem>>) src(%dma_wait3A_256 : memref<1x128xi32, #tpu.memory_space<hbm>>) dst(%arg10 : memref<1x128xi32, #tpu.memory_space<vmem>>)
      %run_scoped3A_257 = arith.constant 0 : i32
      "tpu.region"() ({
        %run_scoped3A_264 = tpu.sem_alloc : memref<!tpu.dma_semaphore, #tpu.memory_space<semaphore_mem>>
        %dma_start3A_265 = arith.constant 0 : i32
        %dma_start3A_266 = tpu.memref_slice %arg10[%run_scoped3A_257, %dma_start3A_265] : memref<1x128xi32, #tpu.memory_space<vmem>> -> memref<1x128xi32, #tpu.memory_space<vmem>>
        %dma_start3A_267 = tpu.memref_squeeze %dma_start3A_266 : memref<1x128xi32, #tpu.memory_space<vmem>> -> memref<128xi32, #tpu.memory_space<vmem>>
        %dma_start3A_268 = arith.constant 0 : i32
        %dma_start3A_269 = arith.constant 0 : i32
        %dma_start3A_270 = tpu.memref_slice %arg13[%dma_start3A_268, %dma_start3A_269] : memref<10008x128xf32, #tpu.memory_space<vmem_shared>> -> memref<10008x128xf32, #tpu.memory_space<vmem_shared>>
        tpu.enqueue_indirect_dma source(%arg12 : memref<128x128xf32, #tpu.memory_space<vmem>>) target(%dma_start3A_270 : memref<10008x128xf32, #tpu.memory_space<vmem_shared>>) offsets(%dma_start3A_267 : memref<128xi32, #tpu.memory_space<vmem>>) semaphore(%run_scoped3A_264 : memref<!tpu.dma_semaphore, #tpu.memory_space<semaphore_mem>>) {add = true}
        %dma_wait3A_271 = arith.constant 0 : i32
        %dma_wait3A_272 = tpu.memref_slice %arg10[%run_scoped3A_257, %dma_wait3A_271] : memref<1x128xi32, #tpu.memory_space<vmem>> -> memref<1x128xi32, #tpu.memory_space<vmem>>
        %dma_wait3A_273 = tpu.memref_squeeze %dma_wait3A_272 : memref<1x128xi32, #tpu.memory_space<vmem>> -> memref<128xi32, #tpu.memory_space<vmem>>
        %dma_wait3A_274 = arith.constant 0 : i32
        %dma_wait3A_275 = arith.constant 0 : i32
        %dma_wait3A_276 = tpu.memref_slice %arg13[%dma_wait3A_274, %dma_wait3A_275] : memref<10008x128xf32, #tpu.memory_space<vmem_shared>> -> memref<10008x128xf32, #tpu.memory_space<vmem_shared>>
        tpu.wait_indirect_dma semaphore(%run_scoped3A_264 : memref<!tpu.dma_semaphore, #tpu.memory_space<semaphore_mem>>) src(%arg12 : memref<128x128xf32, #tpu.memory_space<vmem>>) dst(%dma_wait3A_276 : memref<10008x128xf32, #tpu.memory_space<vmem_shared>>)
        tpu.yield
      }) : () -> ()
      %add3A_258 = arith.constant 3 : i32
      %add3A_259 = arith.addi %mul3A_160, %add3A_258 : i32
      %lt3A_260 = arith.cmpi slt, %add3A_259, %select_n3A : i32
      %convert_element_type3A_261 = arith.extui %lt3A_260 : i1 to i32
      %cond3A_262 = arith.constant 0 : i32
      %cond3A_263 = arith.cmpi ne, %convert_element_type3A_261, %cond3A_262 : i32
      scf.if %cond3A_263 {
        %add3A_264 = arith.constant 3 : i32
        %add3A_265 = arith.addi %mul3A_160, %add3A_264 : i32
        %dma_start3A_266 = arith.constant 0 : i32
        %dma_start3A_267 = arith.constant 0 : i32
        %dma_start3A_268 = arith.constant 0 : i32
        %dma_start3A_269 = tpu.memref_slice %arg4[%add3A, %dma_start3A_266, %dma_start3A_267, %dma_start3A_268] : memref<32x144x1x128xi32, #tpu.memory_space<hbm>> -> memref<1x144x1x128xi32, #tpu.memory_space<hbm>>
        %dma_start3A_270 = tpu.memref_squeeze %dma_start3A_269 : memref<1x144x1x128xi32, #tpu.memory_space<hbm>> -> memref<144x1x128xi32, #tpu.memory_space<hbm>>
        %dma_start3A_271 = arith.constant 0 : i32
        %dma_start3A_272 = arith.constant 0 : i32
        %dma_start3A_273 = tpu.memref_slice %dma_start3A_270[%add3A_265, %dma_start3A_271, %dma_start3A_272] : memref<144x1x128xi32, #tpu.memory_space<hbm>> -> memref<1x1x128xi32, #tpu.memory_space<hbm>>
        %dma_start3A_274 = tpu.memref_squeeze %dma_start3A_273 : memref<1x1x128xi32, #tpu.memory_space<hbm>> -> memref<1x128xi32, #tpu.memory_space<hbm>>
        %dma_start3A_275 = arith.constant 0 : i32
        %dma_start3A_276 = arith.constant 0 : i32
        %dma_start3A_277 = arith.constant 0 : i32
        %dma_start3A_278 = tpu.memref_slice %arg4[%add3A, %dma_start3A_275, %dma_start3A_276, %dma_start3A_277] : memref<32x144x1x128xi32, #tpu.memory_space<hbm>> -> memref<1x144x1x128xi32, #tpu.memory_space<hbm>>
        %dma_start3A_279 = tpu.memref_squeeze %dma_start3A_278 : memref<1x144x1x128xi32, #tpu.memory_space<hbm>> -> memref<144x1x128xi32, #tpu.memory_space<hbm>>
        %dma_start3A_280 = arith.constant 0 : i32
        %dma_start3A_281 = arith.constant 0 : i32
        %dma_start3A_282 = tpu.memref_slice %dma_start3A_279[%add3A_265, %dma_start3A_280, %dma_start3A_281] : memref<144x1x128xi32, #tpu.memory_space<hbm>> -> memref<1x1x128xi32, #tpu.memory_space<hbm>>
        %dma_start3A_283 = tpu.memref_squeeze %dma_start3A_282 : memref<1x1x128xi32, #tpu.memory_space<hbm>> -> memref<1x128xi32, #tpu.memory_space<hbm>>
        tpu.enqueue_dma source(%dma_start3A_283 : memref<1x128xi32, #tpu.memory_space<hbm>>) target(%arg10 : memref<1x128xi32, #tpu.memory_space<vmem>>) target_semaphore(%arg17 : memref<!tpu.dma_semaphore, #tpu.memory_space<semaphore_mem>>)
      } else {
      }
    }
    %barrier3A_146 = arith.constant 0 : index
    tpu.barrier barrier_id(%barrier3A_146)
    %mul3A_147 = arith.constant 624 : i32
    %mul3A_148 = arith.muli %arg1, %mul3A_147 : i32
    %mul3A_149 = arith.constant 624 : i32
    %mul3A_150 = arith.muli %arg1, %mul3A_149 : i32
    "tpu.region"() ({
      %run_scoped3A = tpu.sem_alloc : memref<!tpu.dma_semaphore, #tpu.memory_space<semaphore_mem>>
      %dma_start3A_156 = arith.constant 0 : i32
      %dma_start3A_157 = arith.constant 0 : i32
      %dma_start3A_158 = tpu.memref_slice %arg6[%arg0, %dma_start3A_156, %dma_start3A_157] : memref<2x10000x128xf32, #tpu.memory_space<hbm>> -> memref<1x10000x128xf32, #tpu.memory_space<hbm>>
      %dma_start3A_159 = tpu.memref_squeeze %dma_start3A_158 : memref<1x10000x128xf32, #tpu.memory_space<hbm>> -> memref<10000x128xf32, #tpu.memory_space<hbm>>
      %dma_start3A_160 = arith.constant 0 : i32
      %dma_start3A_161 = tpu.memref_slice %dma_start3A_159[%mul3A_150, %dma_start3A_160] : memref<10000x128xf32, #tpu.memory_space<hbm>> -> memref<624x128xf32, #tpu.memory_space<hbm>>
      %dma_start3A_162 = arith.constant 0 : i32
      %dma_start3A_163 = tpu.memref_slice %arg13[%mul3A_148, %dma_start3A_162] : memref<10008x128xf32, #tpu.memory_space<vmem_shared>> -> memref<624x128xf32, #tpu.memory_space<vmem_shared>>
      tpu.enqueue_dma source(%dma_start3A_163 : memref<624x128xf32, #tpu.memory_space<vmem_shared>>) target(%dma_start3A_161 : memref<624x128xf32, #tpu.memory_space<hbm>>) target_semaphore(%run_scoped3A : memref<!tpu.dma_semaphore, #tpu.memory_space<semaphore_mem>>)
      %dma_wait3A_164 = arith.constant 0 : i32
      %dma_wait3A_165 = arith.constant 0 : i32
      %dma_wait3A_166 = tpu.memref_slice %arg6[%arg0, %dma_wait3A_164, %dma_wait3A_165] : memref<2x10000x128xf32, #tpu.memory_space<hbm>> -> memref<1x10000x128xf32, #tpu.memory_space<hbm>>
      %dma_wait3A_167 = tpu.memref_squeeze %dma_wait3A_166 : memref<1x10000x128xf32, #tpu.memory_space<hbm>> -> memref<10000x128xf32, #tpu.memory_space<hbm>>
      %dma_wait3A_168 = arith.constant 0 : i32
      %dma_wait3A_169 = tpu.memref_slice %dma_wait3A_167[%mul3A_150, %dma_wait3A_168] : memref<10000x128xf32, #tpu.memory_space<hbm>> -> memref<624x128xf32, #tpu.memory_space<hbm>>
      %dma_wait3A_170 = arith.constant 0 : i32
      %dma_wait3A_171 = tpu.memref_slice %arg13[%mul3A_148, %dma_wait3A_170] : memref<10008x128xf32, #tpu.memory_space<vmem_shared>> -> memref<624x128xf32, #tpu.memory_space<vmem_shared>>
      tpu.wait_dma2 semaphore(%run_scoped3A : memref<!tpu.dma_semaphore, #tpu.memory_space<semaphore_mem>>) src(%dma_wait3A_171 : memref<624x128xf32, #tpu.memory_space<vmem_shared>>) dst(%dma_wait3A_169 : memref<624x128xf32, #tpu.memory_space<hbm>>)
      tpu.yield
    }) : () -> ()
    %eq3A_151 = arith.constant 15 : i32
    %eq3A_152 = arith.cmpi eq, %arg1, %eq3A_151 : i32
    %convert_element_type3A_153 = arith.extui %eq3A_152 : i1 to i32
    %cond3A_154 = arith.constant 0 : i32
    %cond3A_155 = arith.cmpi ne, %convert_element_type3A_153, %cond3A_154 : i32
    scf.if %cond3A_155 {
      "tpu.region"() ({
        %run_scoped3A = tpu.sem_alloc : memref<!tpu.dma_semaphore, #tpu.memory_space<semaphore_mem>>
        %dma_start3A_156 = arith.constant 0 : i32
        %dma_start3A_157 = arith.constant 0 : i32
        %dma_start3A_158 = tpu.memref_slice %arg6[%arg0, %dma_start3A_156, %dma_start3A_157] : memref<2x10000x128xf32, #tpu.memory_space<hbm>> -> memref<1x10000x128xf32, #tpu.memory_space<hbm>>
        %dma_start3A_159 = tpu.memref_squeeze %dma_start3A_158 : memref<1x10000x128xf32, #tpu.memory_space<hbm>> -> memref<10000x128xf32, #tpu.memory_space<hbm>>
        %dma_start3A_160 = arith.constant 9984 : i32
        %dma_start3A_161 = arith.constant 0 : i32
        %dma_start3A_162 = tpu.memref_slice %dma_start3A_159[%dma_start3A_160, %dma_start3A_161] : memref<10000x128xf32, #tpu.memory_space<hbm>> -> memref<16x128xf32, #tpu.memory_space<hbm>>
        %dma_start3A_163 = arith.constant 9984 : i32
        %dma_start3A_164 = arith.constant 0 : i32
        %dma_start3A_165 = tpu.memref_slice %arg13[%dma_start3A_163, %dma_start3A_164] : memref<10008x128xf32, #tpu.memory_space<vmem_shared>> -> memref<16x128xf32, #tpu.memory_space<vmem_shared>>
        tpu.enqueue_dma source(%dma_start3A_165 : memref<16x128xf32, #tpu.memory_space<vmem_shared>>) target(%dma_start3A_162 : memref<16x128xf32, #tpu.memory_space<hbm>>) target_semaphore(%run_scoped3A : memref<!tpu.dma_semaphore, #tpu.memory_space<semaphore_mem>>)
        %dma_wait3A_166 = arith.constant 0 : i32
        %dma_wait3A_167 = arith.constant 0 : i32
        %dma_wait3A_168 = tpu.memref_slice %arg6[%arg0, %dma_wait3A_166, %dma_wait3A_167] : memref<2x10000x128xf32, #tpu.memory_space<hbm>> -> memref<1x10000x128xf32, #tpu.memory_space<hbm>>
        %dma_wait3A_169 = tpu.memref_squeeze %dma_wait3A_168 : memref<1x10000x128xf32, #tpu.memory_space<hbm>> -> memref<10000x128xf32, #tpu.memory_space<hbm>>
        %dma_wait3A_170 = arith.constant 9984 : i32
        %dma_wait3A_171 = arith.constant 0 : i32
        %dma_wait3A_172 = tpu.memref_slice %dma_wait3A_169[%dma_wait3A_170, %dma_wait3A_171] : memref<10000x128xf32, #tpu.memory_space<hbm>> -> memref<16x128xf32, #tpu.memory_space<hbm>>
        %dma_wait3A_173 = arith.constant 9984 : i32
        %dma_wait3A_174 = arith.constant 0 : i32
        %dma_wait3A_175 = tpu.memref_slice %arg13[%dma_wait3A_173, %dma_wait3A_174] : memref<10008x128xf32, #tpu.memory_space<vmem_shared>> -> memref<16x128xf32, #tpu.memory_space<vmem_shared>>
        tpu.wait_dma2 semaphore(%run_scoped3A : memref<!tpu.dma_semaphore, #tpu.memory_space<semaphore_mem>>) src(%dma_wait3A_175 : memref<16x128xf32, #tpu.memory_space<vmem_shared>>) dst(%dma_wait3A_172 : memref<16x128xf32, #tpu.memory_space<hbm>>)
        tpu.yield
      }) : () -> ()
    } else {
    }
    return
  }
}

#map = affine_map<(d0, d1) -> (0, 0, 0, 0)>
#map1 = affine_map<(d0, d1) -> (0, 0)>
#map2 = affine_map<(d0, d1) -> (0, 0, 0)>
module attributes {stable_mosaic.version = 14 : i64} {
  func.func @deg_kernel(%arg0: i32, %arg1: i32, %arg2: memref<32x144x1x128xi32, #tpu.memory_space<hbm>>, %arg3: memref<128x128xf32, #tpu.memory_space<hbm>>, %arg4: memref<10008x128xf32, #tpu.memory_space<hbm>>, %arg5: memref<2x10000x128xf32, #tpu.memory_space<hbm>>, %arg6: memref<1x128xi32, #tpu.memory_space<vmem>>, %arg7: memref<1x128xi32, #tpu.memory_space<vmem>>, %arg8: memref<128x128xf32, #tpu.memory_space<vmem>>, %arg9: memref<10008x128xf32, #tpu.memory_space<vmem_shared>>, %arg10: memref<!tpu.dma_semaphore, #tpu.memory_space<semaphore_mem>>, %arg11: memref<!tpu.dma_semaphore, #tpu.memory_space<semaphore_mem>>) attributes {dimension_semantics = [#tpu.dimension_semantics<core_parallel>, #tpu.dimension_semantics<subcore_parallel>], iteration_bounds = array<i64: 2, 16>, scalar_prefetch = 0 : i64, scratch_operands = 6 : i64, tpu.core_type = #tpu.core_type<sc_vector_subcore>, window_params = [{transform_indices = #map}, {transform_indices = #map1}, {transform_indices = #map1}, {transform_indices = #map2}]} {
    %mul3A = arith.constant 16 : i32
    %mul3A_0 = arith.muli %arg0, %mul3A : i32
    %add3A = arith.addi %mul3A_0, %arg1 : i32
    %eq3A = arith.constant 0 : i32
    %eq3A_1 = arith.cmpi eq, %arg0, %eq3A : i32
    %jit3A = arith.constant 144 : i32
    %jit3A_2 = arith.constant 14 : i32
    %select_n3A = arith.select %eq3A_1, %jit3A, %jit3A_2 : i32
    "tpu.region"() ({
      %run_scoped3A = tpu.sem_alloc : memref<!tpu.dma_semaphore, #tpu.memory_space<semaphore_mem>>
      tpu.enqueue_dma source(%arg3 : memref<128x128xf32, #tpu.memory_space<hbm>>) target(%arg8 : memref<128x128xf32, #tpu.memory_space<vmem>>) target_semaphore(%run_scoped3A : memref<!tpu.dma_semaphore, #tpu.memory_space<semaphore_mem>>)
      tpu.wait_dma2 semaphore(%run_scoped3A : memref<!tpu.dma_semaphore, #tpu.memory_space<semaphore_mem>>) src(%arg3 : memref<128x128xf32, #tpu.memory_space<hbm>>) dst(%arg8 : memref<128x128xf32, #tpu.memory_space<vmem>>)
      tpu.yield
    }) : () -> ()
    %mul3A_3 = arith.constant 624 : i32
    %mul3A_4 = arith.muli %arg1, %mul3A_3 : i32
    %mul3A_5 = arith.constant 624 : i32
    %mul3A_6 = arith.muli %arg1, %mul3A_5 : i32
    "tpu.region"() ({
      %run_scoped3A = tpu.sem_alloc : memref<!tpu.dma_semaphore, #tpu.memory_space<semaphore_mem>>
      %dma_start3A_74 = arith.constant 0 : i32
      %dma_start3A_75 = tpu.memref_slice %arg9[%mul3A_6, %dma_start3A_74] : memref<10008x128xf32, #tpu.memory_space<vmem_shared>> -> memref<624x128xf32, #tpu.memory_space<vmem_shared>>
      %dma_start3A_76 = arith.constant 0 : i32
      %dma_start3A_77 = tpu.memref_slice %arg4[%mul3A_4, %dma_start3A_76] : memref<10008x128xf32, #tpu.memory_space<hbm>> -> memref<624x128xf32, #tpu.memory_space<hbm>>
      tpu.enqueue_dma source(%dma_start3A_77 : memref<624x128xf32, #tpu.memory_space<hbm>>) target(%dma_start3A_75 : memref<624x128xf32, #tpu.memory_space<vmem_shared>>) target_semaphore(%run_scoped3A : memref<!tpu.dma_semaphore, #tpu.memory_space<semaphore_mem>>)
      %dma_wait3A = arith.constant 0 : i32
      %dma_wait3A_78 = tpu.memref_slice %arg9[%mul3A_6, %dma_wait3A] : memref<10008x128xf32, #tpu.memory_space<vmem_shared>> -> memref<624x128xf32, #tpu.memory_space<vmem_shared>>
      %dma_wait3A_79 = arith.constant 0 : i32
      %dma_wait3A_80 = tpu.memref_slice %arg4[%mul3A_4, %dma_wait3A_79] : memref<10008x128xf32, #tpu.memory_space<hbm>> -> memref<624x128xf32, #tpu.memory_space<hbm>>
      tpu.wait_dma2 semaphore(%run_scoped3A : memref<!tpu.dma_semaphore, #tpu.memory_space<semaphore_mem>>) src(%dma_wait3A_80 : memref<624x128xf32, #tpu.memory_space<hbm>>) dst(%dma_wait3A_78 : memref<624x128xf32, #tpu.memory_space<vmem_shared>>)
      tpu.yield
    }) : () -> ()
    %eq3A_7 = arith.constant 15 : i32
    %eq3A_8 = arith.cmpi eq, %arg1, %eq3A_7 : i32
    %convert_element_type3A = arith.extui %eq3A_8 : i1 to i32
    %cond3A = arith.constant 0 : i32
    %cond3A_9 = arith.cmpi ne, %convert_element_type3A, %cond3A : i32
    scf.if %cond3A_9 {
      "tpu.region"() ({
        %run_scoped3A = tpu.sem_alloc : memref<!tpu.dma_semaphore, #tpu.memory_space<semaphore_mem>>
        %dma_start3A_74 = arith.constant 9984 : i32
        %dma_start3A_75 = arith.constant 0 : i32
        %dma_start3A_76 = tpu.memref_slice %arg9[%dma_start3A_74, %dma_start3A_75] : memref<10008x128xf32, #tpu.memory_space<vmem_shared>> -> memref<24x128xf32, #tpu.memory_space<vmem_shared>>
        %dma_start3A_77 = arith.constant 9984 : i32
        %dma_start3A_78 = arith.constant 0 : i32
        %dma_start3A_79 = tpu.memref_slice %arg4[%dma_start3A_77, %dma_start3A_78] : memref<10008x128xf32, #tpu.memory_space<hbm>> -> memref<24x128xf32, #tpu.memory_space<hbm>>
        tpu.enqueue_dma source(%dma_start3A_79 : memref<24x128xf32, #tpu.memory_space<hbm>>) target(%dma_start3A_76 : memref<24x128xf32, #tpu.memory_space<vmem_shared>>) target_semaphore(%run_scoped3A : memref<!tpu.dma_semaphore, #tpu.memory_space<semaphore_mem>>)
        %dma_wait3A = arith.constant 9984 : i32
        %dma_wait3A_80 = arith.constant 0 : i32
        %dma_wait3A_81 = tpu.memref_slice %arg9[%dma_wait3A, %dma_wait3A_80] : memref<10008x128xf32, #tpu.memory_space<vmem_shared>> -> memref<24x128xf32, #tpu.memory_space<vmem_shared>>
        %dma_wait3A_82 = arith.constant 9984 : i32
        %dma_wait3A_83 = arith.constant 0 : i32
        %dma_wait3A_84 = tpu.memref_slice %arg4[%dma_wait3A_82, %dma_wait3A_83] : memref<10008x128xf32, #tpu.memory_space<hbm>> -> memref<24x128xf32, #tpu.memory_space<hbm>>
        tpu.wait_dma2 semaphore(%run_scoped3A : memref<!tpu.dma_semaphore, #tpu.memory_space<semaphore_mem>>) src(%dma_wait3A_84 : memref<24x128xf32, #tpu.memory_space<hbm>>) dst(%dma_wait3A_81 : memref<24x128xf32, #tpu.memory_space<vmem_shared>>)
        tpu.yield
      }) : () -> ()
    } else {
    }
    %barrier3A = arith.constant 0 : index
    tpu.barrier barrier_id(%barrier3A)
    %dma_start3A = arith.constant 0 : i32
    %dma_start3A_10 = arith.constant 0 : i32
    %dma_start3A_11 = arith.constant 0 : i32
    %dma_start3A_12 = arith.constant 0 : i32
    %dma_start3A_13 = tpu.memref_slice %arg2[%add3A, %dma_start3A_10, %dma_start3A_11, %dma_start3A_12] : memref<32x144x1x128xi32, #tpu.memory_space<hbm>> -> memref<1x144x1x128xi32, #tpu.memory_space<hbm>>
    %dma_start3A_14 = tpu.memref_squeeze %dma_start3A_13 : memref<1x144x1x128xi32, #tpu.memory_space<hbm>> -> memref<144x1x128xi32, #tpu.memory_space<hbm>>
    %dma_start3A_15 = arith.constant 0 : i32
    %dma_start3A_16 = arith.constant 0 : i32
    %dma_start3A_17 = tpu.memref_slice %dma_start3A_14[%dma_start3A, %dma_start3A_15, %dma_start3A_16] : memref<144x1x128xi32, #tpu.memory_space<hbm>> -> memref<1x1x128xi32, #tpu.memory_space<hbm>>
    %dma_start3A_18 = tpu.memref_squeeze %dma_start3A_17 : memref<1x1x128xi32, #tpu.memory_space<hbm>> -> memref<1x128xi32, #tpu.memory_space<hbm>>
    %dma_start3A_19 = arith.constant 0 : i32
    %dma_start3A_20 = arith.constant 0 : i32
    %dma_start3A_21 = arith.constant 0 : i32
    %dma_start3A_22 = tpu.memref_slice %arg2[%add3A, %dma_start3A_19, %dma_start3A_20, %dma_start3A_21] : memref<32x144x1x128xi32, #tpu.memory_space<hbm>> -> memref<1x144x1x128xi32, #tpu.memory_space<hbm>>
    %dma_start3A_23 = tpu.memref_squeeze %dma_start3A_22 : memref<1x144x1x128xi32, #tpu.memory_space<hbm>> -> memref<144x1x128xi32, #tpu.memory_space<hbm>>
    %dma_start3A_24 = arith.constant 0 : i32
    %dma_start3A_25 = arith.constant 0 : i32
    %dma_start3A_26 = tpu.memref_slice %dma_start3A_23[%dma_start3A, %dma_start3A_24, %dma_start3A_25] : memref<144x1x128xi32, #tpu.memory_space<hbm>> -> memref<1x1x128xi32, #tpu.memory_space<hbm>>
    %dma_start3A_27 = tpu.memref_squeeze %dma_start3A_26 : memref<1x1x128xi32, #tpu.memory_space<hbm>> -> memref<1x128xi32, #tpu.memory_space<hbm>>
    tpu.enqueue_dma source(%dma_start3A_27 : memref<1x128xi32, #tpu.memory_space<hbm>>) target(%arg6 : memref<1x128xi32, #tpu.memory_space<vmem>>) target_semaphore(%arg10 : memref<!tpu.dma_semaphore, #tpu.memory_space<semaphore_mem>>)
    %jit3A_28 = arith.constant 2 : i32
    %div3A = arith.divsi %select_n3A, %jit3A_28 : i32
    %sign3A = arith.constant 0 : i32
    %sign3A_29 = arith.cmpi sgt, %select_n3A, %sign3A : i32
    %sign3A_30 = arith.extui %sign3A_29 : i1 to i32
    %sign3A_31 = arith.constant 0 : i32
    %sign3A_32 = arith.cmpi slt, %select_n3A, %sign3A_31 : i32
    %sign3A_33 = arith.extui %sign3A_32 : i1 to i32
    %sign3A_34 = arith.subi %sign3A_30, %sign3A_33 : i32
    %sign3A_35 = arith.constant 0 : i32
    %sign3A_36 = arith.cmpi sgt, %jit3A_28, %sign3A_35 : i32
    %sign3A_37 = arith.extui %sign3A_36 : i1 to i32
    %sign3A_38 = arith.constant 0 : i32
    %sign3A_39 = arith.cmpi slt, %jit3A_28, %sign3A_38 : i32
    %sign3A_40 = arith.extui %sign3A_39 : i1 to i32
    %sign3A_41 = arith.subi %sign3A_37, %sign3A_40 : i32
    %ne3A = arith.cmpi ne, %sign3A_34, %sign3A_41 : i32
    %rem3A = arith.remsi %select_n3A, %jit3A_28 : i32
    %ne3A_42 = arith.constant 0 : i32
    %ne3A_43 = arith.cmpi ne, %rem3A, %ne3A_42 : i32
    %and3A = arith.andi %ne3A, %ne3A_43 : i1
    %sub3A = arith.constant 1 : i32
    %sub3A_44 = arith.subi %div3A, %sub3A : i32
    %select_n3A_45 = arith.select %and3A, %sub3A_44, %div3A : i32
    %sub3A_46 = arith.constant 0 : i32
    %sub3A_47 = arith.subi %select_n3A_45, %sub3A_46 : i32
    %sub3A_48 = arith.constant 1 : i32
    %sub3A_49 = arith.constant 1 : i32
    %sub3A_50 = arith.subi %sub3A_48, %sub3A_49 : i32
    %add3A_51 = arith.addi %sub3A_47, %sub3A_50 : i32
    %div3A_52 = arith.constant 1 : i32
    %div3A_53 = arith.divsi %add3A_51, %div3A_52 : i32
    %while3A = arith.constant 1 : i32
    %while3A_54 = arith.constant 0 : i32
    %while3A_55 = arith.constant 0 : i32
    %while3A_56 = arith.subi %div3A_53, %while3A_55 : i32
    %while3A_57 = arith.addi %while3A_55, %while3A_56 : i32
    %while3A_58 = arith.constant 1 : i32
    %while3A_59 = arith.divsi %while3A_56, %while3A_58 : i32
    %while3A_60 = arith.muli %while3A_59, %while3A_58 : i32
    %while3A_61 = arith.addi %while3A_55, %while3A_60 : i32
    %while3A_62 = arith.constant 1 : i32
    scf.for %while3A_74 = %while3A_55 to %while3A_61 step %while3A_62  : i32 {
      %mul3A_75 = arith.muli %while3A_74, %while3A : i32
      %add3A_76 = arith.addi %while3A_54, %mul3A_75 : i32
      %mul3A_77 = arith.constant 2 : i32
      %mul3A_78 = arith.muli %mul3A_77, %add3A_76 : i32
      %dma_wait3A = arith.constant 0 : i32
      %dma_wait3A_79 = arith.constant 0 : i32
      %dma_wait3A_80 = arith.constant 0 : i32
      %dma_wait3A_81 = tpu.memref_slice %arg2[%add3A, %dma_wait3A, %dma_wait3A_79, %dma_wait3A_80] : memref<32x144x1x128xi32, #tpu.memory_space<hbm>> -> memref<1x144x1x128xi32, #tpu.memory_space<hbm>>
      %dma_wait3A_82 = tpu.memref_squeeze %dma_wait3A_81 : memref<1x144x1x128xi32, #tpu.memory_space<hbm>> -> memref<144x1x128xi32, #tpu.memory_space<hbm>>
      %dma_wait3A_83 = arith.constant 0 : i32
      %dma_wait3A_84 = arith.constant 0 : i32
      %dma_wait3A_85 = tpu.memref_slice %dma_wait3A_82[%mul3A_78, %dma_wait3A_83, %dma_wait3A_84] : memref<144x1x128xi32, #tpu.memory_space<hbm>> -> memref<1x1x128xi32, #tpu.memory_space<hbm>>
      %dma_wait3A_86 = tpu.memref_squeeze %dma_wait3A_85 : memref<1x1x128xi32, #tpu.memory_space<hbm>> -> memref<1x128xi32, #tpu.memory_space<hbm>>
      %dma_wait3A_87 = arith.constant 0 : i32
      %dma_wait3A_88 = arith.constant 0 : i32
      %dma_wait3A_89 = arith.constant 0 : i32
      %dma_wait3A_90 = tpu.memref_slice %arg2[%add3A, %dma_wait3A_87, %dma_wait3A_88, %dma_wait3A_89] : memref<32x144x1x128xi32, #tpu.memory_space<hbm>> -> memref<1x144x1x128xi32, #tpu.memory_space<hbm>>
      %dma_wait3A_91 = tpu.memref_squeeze %dma_wait3A_90 : memref<1x144x1x128xi32, #tpu.memory_space<hbm>> -> memref<144x1x128xi32, #tpu.memory_space<hbm>>
      %dma_wait3A_92 = arith.constant 0 : i32
      %dma_wait3A_93 = arith.constant 0 : i32
      %dma_wait3A_94 = tpu.memref_slice %dma_wait3A_91[%mul3A_78, %dma_wait3A_92, %dma_wait3A_93] : memref<144x1x128xi32, #tpu.memory_space<hbm>> -> memref<1x1x128xi32, #tpu.memory_space<hbm>>
      %dma_wait3A_95 = tpu.memref_squeeze %dma_wait3A_94 : memref<1x1x128xi32, #tpu.memory_space<hbm>> -> memref<1x128xi32, #tpu.memory_space<hbm>>
      tpu.wait_dma2 semaphore(%arg10 : memref<!tpu.dma_semaphore, #tpu.memory_space<semaphore_mem>>) src(%dma_wait3A_95 : memref<1x128xi32, #tpu.memory_space<hbm>>) dst(%arg6 : memref<1x128xi32, #tpu.memory_space<vmem>>)
      %add3A_96 = arith.constant 1 : i32
      %add3A_97 = arith.addi %mul3A_78, %add3A_96 : i32
      %dma_start3A_98 = arith.constant 0 : i32
      %dma_start3A_99 = arith.constant 0 : i32
      %dma_start3A_100 = arith.constant 0 : i32
      %dma_start3A_101 = tpu.memref_slice %arg2[%add3A, %dma_start3A_98, %dma_start3A_99, %dma_start3A_100] : memref<32x144x1x128xi32, #tpu.memory_space<hbm>> -> memref<1x144x1x128xi32, #tpu.memory_space<hbm>>
      %dma_start3A_102 = tpu.memref_squeeze %dma_start3A_101 : memref<1x144x1x128xi32, #tpu.memory_space<hbm>> -> memref<144x1x128xi32, #tpu.memory_space<hbm>>
      %dma_start3A_103 = arith.constant 0 : i32
      %dma_start3A_104 = arith.constant 0 : i32
      %dma_start3A_105 = tpu.memref_slice %dma_start3A_102[%add3A_97, %dma_start3A_103, %dma_start3A_104] : memref<144x1x128xi32, #tpu.memory_space<hbm>> -> memref<1x1x128xi32, #tpu.memory_space<hbm>>
      %dma_start3A_106 = tpu.memref_squeeze %dma_start3A_105 : memref<1x1x128xi32, #tpu.memory_space<hbm>> -> memref<1x128xi32, #tpu.memory_space<hbm>>
      %dma_start3A_107 = arith.constant 0 : i32
      %dma_start3A_108 = arith.constant 0 : i32
      %dma_start3A_109 = arith.constant 0 : i32
      %dma_start3A_110 = tpu.memref_slice %arg2[%add3A, %dma_start3A_107, %dma_start3A_108, %dma_start3A_109] : memref<32x144x1x128xi32, #tpu.memory_space<hbm>> -> memref<1x144x1x128xi32, #tpu.memory_space<hbm>>
      %dma_start3A_111 = tpu.memref_squeeze %dma_start3A_110 : memref<1x144x1x128xi32, #tpu.memory_space<hbm>> -> memref<144x1x128xi32, #tpu.memory_space<hbm>>
      %dma_start3A_112 = arith.constant 0 : i32
      %dma_start3A_113 = arith.constant 0 : i32
      %dma_start3A_114 = tpu.memref_slice %dma_start3A_111[%add3A_97, %dma_start3A_112, %dma_start3A_113] : memref<144x1x128xi32, #tpu.memory_space<hbm>> -> memref<1x1x128xi32, #tpu.memory_space<hbm>>
      %dma_start3A_115 = tpu.memref_squeeze %dma_start3A_114 : memref<1x1x128xi32, #tpu.memory_space<hbm>> -> memref<1x128xi32, #tpu.memory_space<hbm>>
      tpu.enqueue_dma source(%dma_start3A_115 : memref<1x128xi32, #tpu.memory_space<hbm>>) target(%arg7 : memref<1x128xi32, #tpu.memory_space<vmem>>) target_semaphore(%arg11 : memref<!tpu.dma_semaphore, #tpu.memory_space<semaphore_mem>>)
      %run_scoped3A = arith.constant 0 : i32
      "tpu.region"() ({
        %run_scoped3A_142 = tpu.sem_alloc : memref<!tpu.dma_semaphore, #tpu.memory_space<semaphore_mem>>
        %dma_start3A_143 = arith.constant 0 : i32
        %dma_start3A_144 = tpu.memref_slice %arg6[%run_scoped3A, %dma_start3A_143] : memref<1x128xi32, #tpu.memory_space<vmem>> -> memref<1x128xi32, #tpu.memory_space<vmem>>
        %dma_start3A_145 = tpu.memref_squeeze %dma_start3A_144 : memref<1x128xi32, #tpu.memory_space<vmem>> -> memref<128xi32, #tpu.memory_space<vmem>>
        %dma_start3A_146 = arith.constant 0 : i32
        %dma_start3A_147 = arith.constant 0 : i32
        %dma_start3A_148 = tpu.memref_slice %arg9[%dma_start3A_146, %dma_start3A_147] : memref<10008x128xf32, #tpu.memory_space<vmem_shared>> -> memref<10008x128xf32, #tpu.memory_space<vmem_shared>>
        tpu.enqueue_indirect_dma source(%arg8 : memref<128x128xf32, #tpu.memory_space<vmem>>) target(%dma_start3A_148 : memref<10008x128xf32, #tpu.memory_space<vmem_shared>>) offsets(%dma_start3A_145 : memref<128xi32, #tpu.memory_space<vmem>>) semaphore(%run_scoped3A_142 : memref<!tpu.dma_semaphore, #tpu.memory_space<semaphore_mem>>) {add = true}
        %dma_wait3A_149 = arith.constant 0 : i32
        %dma_wait3A_150 = tpu.memref_slice %arg6[%run_scoped3A, %dma_wait3A_149] : memref<1x128xi32, #tpu.memory_space<vmem>> -> memref<1x128xi32, #tpu.memory_space<vmem>>
        %dma_wait3A_151 = tpu.memref_squeeze %dma_wait3A_150 : memref<1x128xi32, #tpu.memory_space<vmem>> -> memref<128xi32, #tpu.memory_space<vmem>>
        %dma_wait3A_152 = arith.constant 0 : i32
        %dma_wait3A_153 = arith.constant 0 : i32
        %dma_wait3A_154 = tpu.memref_slice %arg9[%dma_wait3A_152, %dma_wait3A_153] : memref<10008x128xf32, #tpu.memory_space<vmem_shared>> -> memref<10008x128xf32, #tpu.memory_space<vmem_shared>>
        tpu.wait_indirect_dma semaphore(%run_scoped3A_142 : memref<!tpu.dma_semaphore, #tpu.memory_space<semaphore_mem>>) src(%arg8 : memref<128x128xf32, #tpu.memory_space<vmem>>) dst(%dma_wait3A_154 : memref<10008x128xf32, #tpu.memory_space<vmem_shared>>)
        tpu.yield
      }) : () -> ()
      %add3A_116 = arith.constant 1 : i32
      %add3A_117 = arith.addi %mul3A_78, %add3A_116 : i32
      %dma_wait3A_118 = arith.constant 0 : i32
      %dma_wait3A_119 = arith.constant 0 : i32
      %dma_wait3A_120 = arith.constant 0 : i32
      %dma_wait3A_121 = tpu.memref_slice %arg2[%add3A, %dma_wait3A_118, %dma_wait3A_119, %dma_wait3A_120] : memref<32x144x1x128xi32, #tpu.memory_space<hbm>> -> memref<1x144x1x128xi32, #tpu.memory_space<hbm>>
      %dma_wait3A_122 = tpu.memref_squeeze %dma_wait3A_121 : memref<1x144x1x128xi32, #tpu.memory_space<hbm>> -> memref<144x1x128xi32, #tpu.memory_space<hbm>>
      %dma_wait3A_123 = arith.constant 0 : i32
      %dma_wait3A_124 = arith.constant 0 : i32
      %dma_wait3A_125 = tpu.memref_slice %dma_wait3A_122[%add3A_117, %dma_wait3A_123, %dma_wait3A_124] : memref<144x1x128xi32, #tpu.memory_space<hbm>> -> memref<1x1x128xi32, #tpu.memory_space<hbm>>
      %dma_wait3A_126 = tpu.memref_squeeze %dma_wait3A_125 : memref<1x1x128xi32, #tpu.memory_space<hbm>> -> memref<1x128xi32, #tpu.memory_space<hbm>>
      %dma_wait3A_127 = arith.constant 0 : i32
      %dma_wait3A_128 = arith.constant 0 : i32
      %dma_wait3A_129 = arith.constant 0 : i32
      %dma_wait3A_130 = tpu.memref_slice %arg2[%add3A, %dma_wait3A_127, %dma_wait3A_128, %dma_wait3A_129] : memref<32x144x1x128xi32, #tpu.memory_space<hbm>> -> memref<1x144x1x128xi32, #tpu.memory_space<hbm>>
      %dma_wait3A_131 = tpu.memref_squeeze %dma_wait3A_130 : memref<1x144x1x128xi32, #tpu.memory_space<hbm>> -> memref<144x1x128xi32, #tpu.memory_space<hbm>>
      %dma_wait3A_132 = arith.constant 0 : i32
      %dma_wait3A_133 = arith.constant 0 : i32
      %dma_wait3A_134 = tpu.memref_slice %dma_wait3A_131[%add3A_117, %dma_wait3A_132, %dma_wait3A_133] : memref<144x1x128xi32, #tpu.memory_space<hbm>> -> memref<1x1x128xi32, #tpu.memory_space<hbm>>
      %dma_wait3A_135 = tpu.memref_squeeze %dma_wait3A_134 : memref<1x1x128xi32, #tpu.memory_space<hbm>> -> memref<1x128xi32, #tpu.memory_space<hbm>>
      tpu.wait_dma2 semaphore(%arg11 : memref<!tpu.dma_semaphore, #tpu.memory_space<semaphore_mem>>) src(%dma_wait3A_135 : memref<1x128xi32, #tpu.memory_space<hbm>>) dst(%arg7 : memref<1x128xi32, #tpu.memory_space<vmem>>)
      %add3A_136 = arith.constant 2 : i32
      %add3A_137 = arith.addi %mul3A_78, %add3A_136 : i32
      %lt3A = arith.cmpi slt, %add3A_137, %select_n3A : i32
      %convert_element_type3A_138 = arith.extui %lt3A : i1 to i32
      %cond3A_139 = arith.constant 0 : i32
      %cond3A_140 = arith.cmpi ne, %convert_element_type3A_138, %cond3A_139 : i32
      scf.if %cond3A_140 {
        %add3A_142 = arith.constant 2 : i32
        %add3A_143 = arith.addi %mul3A_78, %add3A_142 : i32
        %dma_start3A_144 = arith.constant 0 : i32
        %dma_start3A_145 = arith.constant 0 : i32
        %dma_start3A_146 = arith.constant 0 : i32
        %dma_start3A_147 = tpu.memref_slice %arg2[%add3A, %dma_start3A_144, %dma_start3A_145, %dma_start3A_146] : memref<32x144x1x128xi32, #tpu.memory_space<hbm>> -> memref<1x144x1x128xi32, #tpu.memory_space<hbm>>
        %dma_start3A_148 = tpu.memref_squeeze %dma_start3A_147 : memref<1x144x1x128xi32, #tpu.memory_space<hbm>> -> memref<144x1x128xi32, #tpu.memory_space<hbm>>
        %dma_start3A_149 = arith.constant 0 : i32
        %dma_start3A_150 = arith.constant 0 : i32
        %dma_start3A_151 = tpu.memref_slice %dma_start3A_148[%add3A_143, %dma_start3A_149, %dma_start3A_150] : memref<144x1x128xi32, #tpu.memory_space<hbm>> -> memref<1x1x128xi32, #tpu.memory_space<hbm>>
        %dma_start3A_152 = tpu.memref_squeeze %dma_start3A_151 : memref<1x1x128xi32, #tpu.memory_space<hbm>> -> memref<1x128xi32, #tpu.memory_space<hbm>>
        %dma_start3A_153 = arith.constant 0 : i32
        %dma_start3A_154 = arith.constant 0 : i32
        %dma_start3A_155 = arith.constant 0 : i32
        %dma_start3A_156 = tpu.memref_slice %arg2[%add3A, %dma_start3A_153, %dma_start3A_154, %dma_start3A_155] : memref<32x144x1x128xi32, #tpu.memory_space<hbm>> -> memref<1x144x1x128xi32, #tpu.memory_space<hbm>>
        %dma_start3A_157 = tpu.memref_squeeze %dma_start3A_156 : memref<1x144x1x128xi32, #tpu.memory_space<hbm>> -> memref<144x1x128xi32, #tpu.memory_space<hbm>>
        %dma_start3A_158 = arith.constant 0 : i32
        %dma_start3A_159 = arith.constant 0 : i32
        %dma_start3A_160 = tpu.memref_slice %dma_start3A_157[%add3A_143, %dma_start3A_158, %dma_start3A_159] : memref<144x1x128xi32, #tpu.memory_space<hbm>> -> memref<1x1x128xi32, #tpu.memory_space<hbm>>
        %dma_start3A_161 = tpu.memref_squeeze %dma_start3A_160 : memref<1x1x128xi32, #tpu.memory_space<hbm>> -> memref<1x128xi32, #tpu.memory_space<hbm>>
        tpu.enqueue_dma source(%dma_start3A_161 : memref<1x128xi32, #tpu.memory_space<hbm>>) target(%arg6 : memref<1x128xi32, #tpu.memory_space<vmem>>) target_semaphore(%arg10 : memref<!tpu.dma_semaphore, #tpu.memory_space<semaphore_mem>>)
      } else {
      }
      %run_scoped3A_141 = arith.constant 0 : i32
      "tpu.region"() ({
        %run_scoped3A_142 = tpu.sem_alloc : memref<!tpu.dma_semaphore, #tpu.memory_space<semaphore_mem>>
        %dma_start3A_143 = arith.constant 0 : i32
        %dma_start3A_144 = tpu.memref_slice %arg7[%run_scoped3A_141, %dma_start3A_143] : memref<1x128xi32, #tpu.memory_space<vmem>> -> memref<1x128xi32, #tpu.memory_space<vmem>>
        %dma_start3A_145 = tpu.memref_squeeze %dma_start3A_144 : memref<1x128xi32, #tpu.memory_space<vmem>> -> memref<128xi32, #tpu.memory_space<vmem>>
        %dma_start3A_146 = arith.constant 0 : i32
        %dma_start3A_147 = arith.constant 0 : i32
        %dma_start3A_148 = tpu.memref_slice %arg9[%dma_start3A_146, %dma_start3A_147] : memref<10008x128xf32, #tpu.memory_space<vmem_shared>> -> memref<10008x128xf32, #tpu.memory_space<vmem_shared>>
        tpu.enqueue_indirect_dma source(%arg8 : memref<128x128xf32, #tpu.memory_space<vmem>>) target(%dma_start3A_148 : memref<10008x128xf32, #tpu.memory_space<vmem_shared>>) offsets(%dma_start3A_145 : memref<128xi32, #tpu.memory_space<vmem>>) semaphore(%run_scoped3A_142 : memref<!tpu.dma_semaphore, #tpu.memory_space<semaphore_mem>>) {add = true}
        %dma_wait3A_149 = arith.constant 0 : i32
        %dma_wait3A_150 = tpu.memref_slice %arg7[%run_scoped3A_141, %dma_wait3A_149] : memref<1x128xi32, #tpu.memory_space<vmem>> -> memref<1x128xi32, #tpu.memory_space<vmem>>
        %dma_wait3A_151 = tpu.memref_squeeze %dma_wait3A_150 : memref<1x128xi32, #tpu.memory_space<vmem>> -> memref<128xi32, #tpu.memory_space<vmem>>
        %dma_wait3A_152 = arith.constant 0 : i32
        %dma_wait3A_153 = arith.constant 0 : i32
        %dma_wait3A_154 = tpu.memref_slice %arg9[%dma_wait3A_152, %dma_wait3A_153] : memref<10008x128xf32, #tpu.memory_space<vmem_shared>> -> memref<10008x128xf32, #tpu.memory_space<vmem_shared>>
        tpu.wait_indirect_dma semaphore(%run_scoped3A_142 : memref<!tpu.dma_semaphore, #tpu.memory_space<semaphore_mem>>) src(%arg8 : memref<128x128xf32, #tpu.memory_space<vmem>>) dst(%dma_wait3A_154 : memref<10008x128xf32, #tpu.memory_space<vmem_shared>>)
        tpu.yield
      }) : () -> ()
    }
    %while3A_63 = arith.constant 1 : i32
    scf.for %while3A_74 = %while3A_61 to %while3A_57 step %while3A_63  : i32 {
      %mul3A_75 = arith.muli %while3A_74, %while3A : i32
      %add3A_76 = arith.addi %while3A_54, %mul3A_75 : i32
      %mul3A_77 = arith.constant 2 : i32
      %mul3A_78 = arith.muli %mul3A_77, %add3A_76 : i32
      %dma_wait3A = arith.constant 0 : i32
      %dma_wait3A_79 = arith.constant 0 : i32
      %dma_wait3A_80 = arith.constant 0 : i32
      %dma_wait3A_81 = tpu.memref_slice %arg2[%add3A, %dma_wait3A, %dma_wait3A_79, %dma_wait3A_80] : memref<32x144x1x128xi32, #tpu.memory_space<hbm>> -> memref<1x144x1x128xi32, #tpu.memory_space<hbm>>
      %dma_wait3A_82 = tpu.memref_squeeze %dma_wait3A_81 : memref<1x144x1x128xi32, #tpu.memory_space<hbm>> -> memref<144x1x128xi32, #tpu.memory_space<hbm>>
      %dma_wait3A_83 = arith.constant 0 : i32
      %dma_wait3A_84 = arith.constant 0 : i32
      %dma_wait3A_85 = tpu.memref_slice %dma_wait3A_82[%mul3A_78, %dma_wait3A_83, %dma_wait3A_84] : memref<144x1x128xi32, #tpu.memory_space<hbm>> -> memref<1x1x128xi32, #tpu.memory_space<hbm>>
      %dma_wait3A_86 = tpu.memref_squeeze %dma_wait3A_85 : memref<1x1x128xi32, #tpu.memory_space<hbm>> -> memref<1x128xi32, #tpu.memory_space<hbm>>
      %dma_wait3A_87 = arith.constant 0 : i32
      %dma_wait3A_88 = arith.constant 0 : i32
      %dma_wait3A_89 = arith.constant 0 : i32
      %dma_wait3A_90 = tpu.memref_slice %arg2[%add3A, %dma_wait3A_87, %dma_wait3A_88, %dma_wait3A_89] : memref<32x144x1x128xi32, #tpu.memory_space<hbm>> -> memref<1x144x1x128xi32, #tpu.memory_space<hbm>>
      %dma_wait3A_91 = tpu.memref_squeeze %dma_wait3A_90 : memref<1x144x1x128xi32, #tpu.memory_space<hbm>> -> memref<144x1x128xi32, #tpu.memory_space<hbm>>
      %dma_wait3A_92 = arith.constant 0 : i32
      %dma_wait3A_93 = arith.constant 0 : i32
      %dma_wait3A_94 = tpu.memref_slice %dma_wait3A_91[%mul3A_78, %dma_wait3A_92, %dma_wait3A_93] : memref<144x1x128xi32, #tpu.memory_space<hbm>> -> memref<1x1x128xi32, #tpu.memory_space<hbm>>
      %dma_wait3A_95 = tpu.memref_squeeze %dma_wait3A_94 : memref<1x1x128xi32, #tpu.memory_space<hbm>> -> memref<1x128xi32, #tpu.memory_space<hbm>>
      tpu.wait_dma2 semaphore(%arg10 : memref<!tpu.dma_semaphore, #tpu.memory_space<semaphore_mem>>) src(%dma_wait3A_95 : memref<1x128xi32, #tpu.memory_space<hbm>>) dst(%arg6 : memref<1x128xi32, #tpu.memory_space<vmem>>)
      %add3A_96 = arith.constant 1 : i32
      %add3A_97 = arith.addi %mul3A_78, %add3A_96 : i32
      %dma_start3A_98 = arith.constant 0 : i32
      %dma_start3A_99 = arith.constant 0 : i32
      %dma_start3A_100 = arith.constant 0 : i32
      %dma_start3A_101 = tpu.memref_slice %arg2[%add3A, %dma_start3A_98, %dma_start3A_99, %dma_start3A_100] : memref<32x144x1x128xi32, #tpu.memory_space<hbm>> -> memref<1x144x1x128xi32, #tpu.memory_space<hbm>>
      %dma_start3A_102 = tpu.memref_squeeze %dma_start3A_101 : memref<1x144x1x128xi32, #tpu.memory_space<hbm>> -> memref<144x1x128xi32, #tpu.memory_space<hbm>>
      %dma_start3A_103 = arith.constant 0 : i32
      %dma_start3A_104 = arith.constant 0 : i32
      %dma_start3A_105 = tpu.memref_slice %dma_start3A_102[%add3A_97, %dma_start3A_103, %dma_start3A_104] : memref<144x1x128xi32, #tpu.memory_space<hbm>> -> memref<1x1x128xi32, #tpu.memory_space<hbm>>
      %dma_start3A_106 = tpu.memref_squeeze %dma_start3A_105 : memref<1x1x128xi32, #tpu.memory_space<hbm>> -> memref<1x128xi32, #tpu.memory_space<hbm>>
      %dma_start3A_107 = arith.constant 0 : i32
      %dma_start3A_108 = arith.constant 0 : i32
      %dma_start3A_109 = arith.constant 0 : i32
      %dma_start3A_110 = tpu.memref_slice %arg2[%add3A, %dma_start3A_107, %dma_start3A_108, %dma_start3A_109] : memref<32x144x1x128xi32, #tpu.memory_space<hbm>> -> memref<1x144x1x128xi32, #tpu.memory_space<hbm>>
      %dma_start3A_111 = tpu.memref_squeeze %dma_start3A_110 : memref<1x144x1x128xi32, #tpu.memory_space<hbm>> -> memref<144x1x128xi32, #tpu.memory_space<hbm>>
      %dma_start3A_112 = arith.constant 0 : i32
      %dma_start3A_113 = arith.constant 0 : i32
      %dma_start3A_114 = tpu.memref_slice %dma_start3A_111[%add3A_97, %dma_start3A_112, %dma_start3A_113] : memref<144x1x128xi32, #tpu.memory_space<hbm>> -> memref<1x1x128xi32, #tpu.memory_space<hbm>>
      %dma_start3A_115 = tpu.memref_squeeze %dma_start3A_114 : memref<1x1x128xi32, #tpu.memory_space<hbm>> -> memref<1x128xi32, #tpu.memory_space<hbm>>
      tpu.enqueue_dma source(%dma_start3A_115 : memref<1x128xi32, #tpu.memory_space<hbm>>) target(%arg7 : memref<1x128xi32, #tpu.memory_space<vmem>>) target_semaphore(%arg11 : memref<!tpu.dma_semaphore, #tpu.memory_space<semaphore_mem>>)
      %run_scoped3A = arith.constant 0 : i32
      "tpu.region"() ({
        %run_scoped3A_142 = tpu.sem_alloc : memref<!tpu.dma_semaphore, #tpu.memory_space<semaphore_mem>>
        %dma_start3A_143 = arith.constant 0 : i32
        %dma_start3A_144 = tpu.memref_slice %arg6[%run_scoped3A, %dma_start3A_143] : memref<1x128xi32, #tpu.memory_space<vmem>> -> memref<1x128xi32, #tpu.memory_space<vmem>>
        %dma_start3A_145 = tpu.memref_squeeze %dma_start3A_144 : memref<1x128xi32, #tpu.memory_space<vmem>> -> memref<128xi32, #tpu.memory_space<vmem>>
        %dma_start3A_146 = arith.constant 0 : i32
        %dma_start3A_147 = arith.constant 0 : i32
        %dma_start3A_148 = tpu.memref_slice %arg9[%dma_start3A_146, %dma_start3A_147] : memref<10008x128xf32, #tpu.memory_space<vmem_shared>> -> memref<10008x128xf32, #tpu.memory_space<vmem_shared>>
        tpu.enqueue_indirect_dma source(%arg8 : memref<128x128xf32, #tpu.memory_space<vmem>>) target(%dma_start3A_148 : memref<10008x128xf32, #tpu.memory_space<vmem_shared>>) offsets(%dma_start3A_145 : memref<128xi32, #tpu.memory_space<vmem>>) semaphore(%run_scoped3A_142 : memref<!tpu.dma_semaphore, #tpu.memory_space<semaphore_mem>>) {add = true}
        %dma_wait3A_149 = arith.constant 0 : i32
        %dma_wait3A_150 = tpu.memref_slice %arg6[%run_scoped3A, %dma_wait3A_149] : memref<1x128xi32, #tpu.memory_space<vmem>> -> memref<1x128xi32, #tpu.memory_space<vmem>>
        %dma_wait3A_151 = tpu.memref_squeeze %dma_wait3A_150 : memref<1x128xi32, #tpu.memory_space<vmem>> -> memref<128xi32, #tpu.memory_space<vmem>>
        %dma_wait3A_152 = arith.constant 0 : i32
        %dma_wait3A_153 = arith.constant 0 : i32
        %dma_wait3A_154 = tpu.memref_slice %arg9[%dma_wait3A_152, %dma_wait3A_153] : memref<10008x128xf32, #tpu.memory_space<vmem_shared>> -> memref<10008x128xf32, #tpu.memory_space<vmem_shared>>
        tpu.wait_indirect_dma semaphore(%run_scoped3A_142 : memref<!tpu.dma_semaphore, #tpu.memory_space<semaphore_mem>>) src(%arg8 : memref<128x128xf32, #tpu.memory_space<vmem>>) dst(%dma_wait3A_154 : memref<10008x128xf32, #tpu.memory_space<vmem_shared>>)
        tpu.yield
      }) : () -> ()
      %add3A_116 = arith.constant 1 : i32
      %add3A_117 = arith.addi %mul3A_78, %add3A_116 : i32
      %dma_wait3A_118 = arith.constant 0 : i32
      %dma_wait3A_119 = arith.constant 0 : i32
      %dma_wait3A_120 = arith.constant 0 : i32
      %dma_wait3A_121 = tpu.memref_slice %arg2[%add3A, %dma_wait3A_118, %dma_wait3A_119, %dma_wait3A_120] : memref<32x144x1x128xi32, #tpu.memory_space<hbm>> -> memref<1x144x1x128xi32, #tpu.memory_space<hbm>>
      %dma_wait3A_122 = tpu.memref_squeeze %dma_wait3A_121 : memref<1x144x1x128xi32, #tpu.memory_space<hbm>> -> memref<144x1x128xi32, #tpu.memory_space<hbm>>
      %dma_wait3A_123 = arith.constant 0 : i32
      %dma_wait3A_124 = arith.constant 0 : i32
      %dma_wait3A_125 = tpu.memref_slice %dma_wait3A_122[%add3A_117, %dma_wait3A_123, %dma_wait3A_124] : memref<144x1x128xi32, #tpu.memory_space<hbm>> -> memref<1x1x128xi32, #tpu.memory_space<hbm>>
      %dma_wait3A_126 = tpu.memref_squeeze %dma_wait3A_125 : memref<1x1x128xi32, #tpu.memory_space<hbm>> -> memref<1x128xi32, #tpu.memory_space<hbm>>
      %dma_wait3A_127 = arith.constant 0 : i32
      %dma_wait3A_128 = arith.constant 0 : i32
      %dma_wait3A_129 = arith.constant 0 : i32
      %dma_wait3A_130 = tpu.memref_slice %arg2[%add3A, %dma_wait3A_127, %dma_wait3A_128, %dma_wait3A_129] : memref<32x144x1x128xi32, #tpu.memory_space<hbm>> -> memref<1x144x1x128xi32, #tpu.memory_space<hbm>>
      %dma_wait3A_131 = tpu.memref_squeeze %dma_wait3A_130 : memref<1x144x1x128xi32, #tpu.memory_space<hbm>> -> memref<144x1x128xi32, #tpu.memory_space<hbm>>
      %dma_wait3A_132 = arith.constant 0 : i32
      %dma_wait3A_133 = arith.constant 0 : i32
      %dma_wait3A_134 = tpu.memref_slice %dma_wait3A_131[%add3A_117, %dma_wait3A_132, %dma_wait3A_133] : memref<144x1x128xi32, #tpu.memory_space<hbm>> -> memref<1x1x128xi32, #tpu.memory_space<hbm>>
      %dma_wait3A_135 = tpu.memref_squeeze %dma_wait3A_134 : memref<1x1x128xi32, #tpu.memory_space<hbm>> -> memref<1x128xi32, #tpu.memory_space<hbm>>
      tpu.wait_dma2 semaphore(%arg11 : memref<!tpu.dma_semaphore, #tpu.memory_space<semaphore_mem>>) src(%dma_wait3A_135 : memref<1x128xi32, #tpu.memory_space<hbm>>) dst(%arg7 : memref<1x128xi32, #tpu.memory_space<vmem>>)
      %add3A_136 = arith.constant 2 : i32
      %add3A_137 = arith.addi %mul3A_78, %add3A_136 : i32
      %lt3A = arith.cmpi slt, %add3A_137, %select_n3A : i32
      %convert_element_type3A_138 = arith.extui %lt3A : i1 to i32
      %cond3A_139 = arith.constant 0 : i32
      %cond3A_140 = arith.cmpi ne, %convert_element_type3A_138, %cond3A_139 : i32
      scf.if %cond3A_140 {
        %add3A_142 = arith.constant 2 : i32
        %add3A_143 = arith.addi %mul3A_78, %add3A_142 : i32
        %dma_start3A_144 = arith.constant 0 : i32
        %dma_start3A_145 = arith.constant 0 : i32
        %dma_start3A_146 = arith.constant 0 : i32
        %dma_start3A_147 = tpu.memref_slice %arg2[%add3A, %dma_start3A_144, %dma_start3A_145, %dma_start3A_146] : memref<32x144x1x128xi32, #tpu.memory_space<hbm>> -> memref<1x144x1x128xi32, #tpu.memory_space<hbm>>
        %dma_start3A_148 = tpu.memref_squeeze %dma_start3A_147 : memref<1x144x1x128xi32, #tpu.memory_space<hbm>> -> memref<144x1x128xi32, #tpu.memory_space<hbm>>
        %dma_start3A_149 = arith.constant 0 : i32
        %dma_start3A_150 = arith.constant 0 : i32
        %dma_start3A_151 = tpu.memref_slice %dma_start3A_148[%add3A_143, %dma_start3A_149, %dma_start3A_150] : memref<144x1x128xi32, #tpu.memory_space<hbm>> -> memref<1x1x128xi32, #tpu.memory_space<hbm>>
        %dma_start3A_152 = tpu.memref_squeeze %dma_start3A_151 : memref<1x1x128xi32, #tpu.memory_space<hbm>> -> memref<1x128xi32, #tpu.memory_space<hbm>>
        %dma_start3A_153 = arith.constant 0 : i32
        %dma_start3A_154 = arith.constant 0 : i32
        %dma_start3A_155 = arith.constant 0 : i32
        %dma_start3A_156 = tpu.memref_slice %arg2[%add3A, %dma_start3A_153, %dma_start3A_154, %dma_start3A_155] : memref<32x144x1x128xi32, #tpu.memory_space<hbm>> -> memref<1x144x1x128xi32, #tpu.memory_space<hbm>>
        %dma_start3A_157 = tpu.memref_squeeze %dma_start3A_156 : memref<1x144x1x128xi32, #tpu.memory_space<hbm>> -> memref<144x1x128xi32, #tpu.memory_space<hbm>>
        %dma_start3A_158 = arith.constant 0 : i32
        %dma_start3A_159 = arith.constant 0 : i32
        %dma_start3A_160 = tpu.memref_slice %dma_start3A_157[%add3A_143, %dma_start3A_158, %dma_start3A_159] : memref<144x1x128xi32, #tpu.memory_space<hbm>> -> memref<1x1x128xi32, #tpu.memory_space<hbm>>
        %dma_start3A_161 = tpu.memref_squeeze %dma_start3A_160 : memref<1x1x128xi32, #tpu.memory_space<hbm>> -> memref<1x128xi32, #tpu.memory_space<hbm>>
        tpu.enqueue_dma source(%dma_start3A_161 : memref<1x128xi32, #tpu.memory_space<hbm>>) target(%arg6 : memref<1x128xi32, #tpu.memory_space<vmem>>) target_semaphore(%arg10 : memref<!tpu.dma_semaphore, #tpu.memory_space<semaphore_mem>>)
      } else {
      }
      %run_scoped3A_141 = arith.constant 0 : i32
      "tpu.region"() ({
        %run_scoped3A_142 = tpu.sem_alloc : memref<!tpu.dma_semaphore, #tpu.memory_space<semaphore_mem>>
        %dma_start3A_143 = arith.constant 0 : i32
        %dma_start3A_144 = tpu.memref_slice %arg7[%run_scoped3A_141, %dma_start3A_143] : memref<1x128xi32, #tpu.memory_space<vmem>> -> memref<1x128xi32, #tpu.memory_space<vmem>>
        %dma_start3A_145 = tpu.memref_squeeze %dma_start3A_144 : memref<1x128xi32, #tpu.memory_space<vmem>> -> memref<128xi32, #tpu.memory_space<vmem>>
        %dma_start3A_146 = arith.constant 0 : i32
        %dma_start3A_147 = arith.constant 0 : i32
        %dma_start3A_148 = tpu.memref_slice %arg9[%dma_start3A_146, %dma_start3A_147] : memref<10008x128xf32, #tpu.memory_space<vmem_shared>> -> memref<10008x128xf32, #tpu.memory_space<vmem_shared>>
        tpu.enqueue_indirect_dma source(%arg8 : memref<128x128xf32, #tpu.memory_space<vmem>>) target(%dma_start3A_148 : memref<10008x128xf32, #tpu.memory_space<vmem_shared>>) offsets(%dma_start3A_145 : memref<128xi32, #tpu.memory_space<vmem>>) semaphore(%run_scoped3A_142 : memref<!tpu.dma_semaphore, #tpu.memory_space<semaphore_mem>>) {add = true}
        %dma_wait3A_149 = arith.constant 0 : i32
        %dma_wait3A_150 = tpu.memref_slice %arg7[%run_scoped3A_141, %dma_wait3A_149] : memref<1x128xi32, #tpu.memory_space<vmem>> -> memref<1x128xi32, #tpu.memory_space<vmem>>
        %dma_wait3A_151 = tpu.memref_squeeze %dma_wait3A_150 : memref<1x128xi32, #tpu.memory_space<vmem>> -> memref<128xi32, #tpu.memory_space<vmem>>
        %dma_wait3A_152 = arith.constant 0 : i32
        %dma_wait3A_153 = arith.constant 0 : i32
        %dma_wait3A_154 = tpu.memref_slice %arg9[%dma_wait3A_152, %dma_wait3A_153] : memref<10008x128xf32, #tpu.memory_space<vmem_shared>> -> memref<10008x128xf32, #tpu.memory_space<vmem_shared>>
        tpu.wait_indirect_dma semaphore(%run_scoped3A_142 : memref<!tpu.dma_semaphore, #tpu.memory_space<semaphore_mem>>) src(%arg8 : memref<128x128xf32, #tpu.memory_space<vmem>>) dst(%dma_wait3A_154 : memref<10008x128xf32, #tpu.memory_space<vmem_shared>>)
        tpu.yield
      }) : () -> ()
    }
    %barrier3A_64 = arith.constant 0 : index
    tpu.barrier barrier_id(%barrier3A_64)
    %mul3A_65 = arith.constant 624 : i32
    %mul3A_66 = arith.muli %arg1, %mul3A_65 : i32
    %mul3A_67 = arith.constant 624 : i32
    %mul3A_68 = arith.muli %arg1, %mul3A_67 : i32
    "tpu.region"() ({
      %run_scoped3A = tpu.sem_alloc : memref<!tpu.dma_semaphore, #tpu.memory_space<semaphore_mem>>
      %dma_start3A_74 = arith.constant 0 : i32
      %dma_start3A_75 = arith.constant 0 : i32
      %dma_start3A_76 = tpu.memref_slice %arg5[%arg0, %dma_start3A_74, %dma_start3A_75] : memref<2x10000x128xf32, #tpu.memory_space<hbm>> -> memref<1x10000x128xf32, #tpu.memory_space<hbm>>
      %dma_start3A_77 = tpu.memref_squeeze %dma_start3A_76 : memref<1x10000x128xf32, #tpu.memory_space<hbm>> -> memref<10000x128xf32, #tpu.memory_space<hbm>>
      %dma_start3A_78 = arith.constant 0 : i32
      %dma_start3A_79 = tpu.memref_slice %dma_start3A_77[%mul3A_68, %dma_start3A_78] : memref<10000x128xf32, #tpu.memory_space<hbm>> -> memref<624x128xf32, #tpu.memory_space<hbm>>
      %dma_start3A_80 = arith.constant 0 : i32
      %dma_start3A_81 = tpu.memref_slice %arg9[%mul3A_66, %dma_start3A_80] : memref<10008x128xf32, #tpu.memory_space<vmem_shared>> -> memref<624x128xf32, #tpu.memory_space<vmem_shared>>
      tpu.enqueue_dma source(%dma_start3A_81 : memref<624x128xf32, #tpu.memory_space<vmem_shared>>) target(%dma_start3A_79 : memref<624x128xf32, #tpu.memory_space<hbm>>) target_semaphore(%run_scoped3A : memref<!tpu.dma_semaphore, #tpu.memory_space<semaphore_mem>>)
      %dma_wait3A = arith.constant 0 : i32
      %dma_wait3A_82 = arith.constant 0 : i32
      %dma_wait3A_83 = tpu.memref_slice %arg5[%arg0, %dma_wait3A, %dma_wait3A_82] : memref<2x10000x128xf32, #tpu.memory_space<hbm>> -> memref<1x10000x128xf32, #tpu.memory_space<hbm>>
      %dma_wait3A_84 = tpu.memref_squeeze %dma_wait3A_83 : memref<1x10000x128xf32, #tpu.memory_space<hbm>> -> memref<10000x128xf32, #tpu.memory_space<hbm>>
      %dma_wait3A_85 = arith.constant 0 : i32
      %dma_wait3A_86 = tpu.memref_slice %dma_wait3A_84[%mul3A_68, %dma_wait3A_85] : memref<10000x128xf32, #tpu.memory_space<hbm>> -> memref<624x128xf32, #tpu.memory_space<hbm>>
      %dma_wait3A_87 = arith.constant 0 : i32
      %dma_wait3A_88 = tpu.memref_slice %arg9[%mul3A_66, %dma_wait3A_87] : memref<10008x128xf32, #tpu.memory_space<vmem_shared>> -> memref<624x128xf32, #tpu.memory_space<vmem_shared>>
      tpu.wait_dma2 semaphore(%run_scoped3A : memref<!tpu.dma_semaphore, #tpu.memory_space<semaphore_mem>>) src(%dma_wait3A_88 : memref<624x128xf32, #tpu.memory_space<vmem_shared>>) dst(%dma_wait3A_86 : memref<624x128xf32, #tpu.memory_space<hbm>>)
      tpu.yield
    }) : () -> ()
    %eq3A_69 = arith.constant 15 : i32
    %eq3A_70 = arith.cmpi eq, %arg1, %eq3A_69 : i32
    %convert_element_type3A_71 = arith.extui %eq3A_70 : i1 to i32
    %cond3A_72 = arith.constant 0 : i32
    %cond3A_73 = arith.cmpi ne, %convert_element_type3A_71, %cond3A_72 : i32
    scf.if %cond3A_73 {
      "tpu.region"() ({
        %run_scoped3A = tpu.sem_alloc : memref<!tpu.dma_semaphore, #tpu.memory_space<semaphore_mem>>
        %dma_start3A_74 = arith.constant 0 : i32
        %dma_start3A_75 = arith.constant 0 : i32
        %dma_start3A_76 = tpu.memref_slice %arg5[%arg0, %dma_start3A_74, %dma_start3A_75] : memref<2x10000x128xf32, #tpu.memory_space<hbm>> -> memref<1x10000x128xf32, #tpu.memory_space<hbm>>
        %dma_start3A_77 = tpu.memref_squeeze %dma_start3A_76 : memref<1x10000x128xf32, #tpu.memory_space<hbm>> -> memref<10000x128xf32, #tpu.memory_space<hbm>>
        %dma_start3A_78 = arith.constant 9984 : i32
        %dma_start3A_79 = arith.constant 0 : i32
        %dma_start3A_80 = tpu.memref_slice %dma_start3A_77[%dma_start3A_78, %dma_start3A_79] : memref<10000x128xf32, #tpu.memory_space<hbm>> -> memref<16x128xf32, #tpu.memory_space<hbm>>
        %dma_start3A_81 = arith.constant 9984 : i32
        %dma_start3A_82 = arith.constant 0 : i32
        %dma_start3A_83 = tpu.memref_slice %arg9[%dma_start3A_81, %dma_start3A_82] : memref<10008x128xf32, #tpu.memory_space<vmem_shared>> -> memref<16x128xf32, #tpu.memory_space<vmem_shared>>
        tpu.enqueue_dma source(%dma_start3A_83 : memref<16x128xf32, #tpu.memory_space<vmem_shared>>) target(%dma_start3A_80 : memref<16x128xf32, #tpu.memory_space<hbm>>) target_semaphore(%run_scoped3A : memref<!tpu.dma_semaphore, #tpu.memory_space<semaphore_mem>>)
        %dma_wait3A = arith.constant 0 : i32
        %dma_wait3A_84 = arith.constant 0 : i32
        %dma_wait3A_85 = tpu.memref_slice %arg5[%arg0, %dma_wait3A, %dma_wait3A_84] : memref<2x10000x128xf32, #tpu.memory_space<hbm>> -> memref<1x10000x128xf32, #tpu.memory_space<hbm>>
        %dma_wait3A_86 = tpu.memref_squeeze %dma_wait3A_85 : memref<1x10000x128xf32, #tpu.memory_space<hbm>> -> memref<10000x128xf32, #tpu.memory_space<hbm>>
        %dma_wait3A_87 = arith.constant 9984 : i32
        %dma_wait3A_88 = arith.constant 0 : i32
        %dma_wait3A_89 = tpu.memref_slice %dma_wait3A_86[%dma_wait3A_87, %dma_wait3A_88] : memref<10000x128xf32, #tpu.memory_space<hbm>> -> memref<16x128xf32, #tpu.memory_space<hbm>>
        %dma_wait3A_90 = arith.constant 9984 : i32
        %dma_wait3A_91 = arith.constant 0 : i32
        %dma_wait3A_92 = tpu.memref_slice %arg9[%dma_wait3A_90, %dma_wait3A_91] : memref<10008x128xf32, #tpu.memory_space<vmem_shared>> -> memref<16x128xf32, #tpu.memory_space<vmem_shared>>
        tpu.wait_dma2 semaphore(%run_scoped3A : memref<!tpu.dma_semaphore, #tpu.memory_space<semaphore_mem>>) src(%dma_wait3A_92 : memref<16x128xf32, #tpu.memory_space<vmem_shared>>) dst(%dma_wait3A_89 : memref<16x128xf32, #tpu.memory_space<hbm>>)
        tpu.yield
      }) : () -> ()
    } else {
    }
    return
  }
}

#map = affine_map<(d0, d1) -> (0, 0)>
#map1 = affine_map<(d0, d1) -> (0, 0, 0, 0)>
#map2 = affine_map<(d0, d1) -> (0, 0, 0)>
module attributes {stable_mosaic.version = 14 : i64} {
  func.func @agg_kernel(%arg0: i32, %arg1: i32, %arg2: memref<10008x128xf32, #tpu.memory_space<hbm>>, %arg3: memref<32x144x1x128xi32, #tpu.memory_space<hbm>>, %arg4: memref<32x144x1x128xi32, #tpu.memory_space<hbm>>, %arg5: memref<10008x128xf32, #tpu.memory_space<hbm>>, %arg6: memref<2x10000x128xf32, #tpu.memory_space<hbm>>, %arg7: memref<1x128xi32, #tpu.memory_space<vmem>>, %arg8: memref<1x128xi32, #tpu.memory_space<vmem>>, %arg9: memref<1x128xi32, #tpu.memory_space<vmem>>, %arg10: memref<1x128xi32, #tpu.memory_space<vmem>>, %arg11: memref<128x128xf32, #tpu.memory_space<vmem>>, %arg12: memref<128x128xf32, #tpu.memory_space<vmem>>, %arg13: memref<10008x128xf32, #tpu.memory_space<vmem_shared>>, %arg14: memref<!tpu.dma_semaphore, #tpu.memory_space<semaphore_mem>>, %arg15: memref<!tpu.dma_semaphore, #tpu.memory_space<semaphore_mem>>, %arg16: memref<!tpu.dma_semaphore, #tpu.memory_space<semaphore_mem>>, %arg17: memref<!tpu.dma_semaphore, #tpu.memory_space<semaphore_mem>>, %arg18: memref<!tpu.dma_semaphore, #tpu.memory_space<semaphore_mem>>, %arg19: memref<!tpu.dma_semaphore, #tpu.memory_space<semaphore_mem>>) attributes {dimension_semantics = [#tpu.dimension_semantics<core_parallel>, #tpu.dimension_semantics<subcore_parallel>], iteration_bounds = array<i64: 2, 16>, scalar_prefetch = 0 : i64, scratch_operands = 13 : i64, tpu.core_type = #tpu.core_type<sc_vector_subcore>, window_params = [{transform_indices = #map}, {transform_indices = #map1}, {transform_indices = #map1}, {transform_indices = #map}, {transform_indices = #map2}]} {
    %mul3A = arith.constant 16 : i32
    %mul3A_0 = arith.muli %arg0, %mul3A : i32
    %add3A = arith.addi %mul3A_0, %arg1 : i32
    %eq3A = arith.constant 0 : i32
    %eq3A_1 = arith.cmpi eq, %arg0, %eq3A : i32
    %jit3A = arith.constant 144 : i32
    %jit3A_2 = arith.constant 14 : i32
    %select_n3A = arith.select %eq3A_1, %jit3A, %jit3A_2 : i32
    %mul3A_3 = arith.constant 624 : i32
    %mul3A_4 = arith.muli %arg1, %mul3A_3 : i32
    %mul3A_5 = arith.constant 624 : i32
    %mul3A_6 = arith.muli %arg1, %mul3A_5 : i32
    "tpu.region"() ({
      %run_scoped3A = tpu.sem_alloc : memref<!tpu.dma_semaphore, #tpu.memory_space<semaphore_mem>>
      %dma_start3A_156 = arith.constant 0 : i32
      %dma_start3A_157 = tpu.memref_slice %arg13[%mul3A_6, %dma_start3A_156] : memref<10008x128xf32, #tpu.memory_space<vmem_shared>> -> memref<624x128xf32, #tpu.memory_space<vmem_shared>>
      %dma_start3A_158 = arith.constant 0 : i32
      %dma_start3A_159 = tpu.memref_slice %arg5[%mul3A_4, %dma_start3A_158] : memref<10008x128xf32, #tpu.memory_space<hbm>> -> memref<624x128xf32, #tpu.memory_space<hbm>>
      tpu.enqueue_dma source(%dma_start3A_159 : memref<624x128xf32, #tpu.memory_space<hbm>>) target(%dma_start3A_157 : memref<624x128xf32, #tpu.memory_space<vmem_shared>>) target_semaphore(%run_scoped3A : memref<!tpu.dma_semaphore, #tpu.memory_space<semaphore_mem>>)
      %dma_wait3A_160 = arith.constant 0 : i32
      %dma_wait3A_161 = tpu.memref_slice %arg13[%mul3A_6, %dma_wait3A_160] : memref<10008x128xf32, #tpu.memory_space<vmem_shared>> -> memref<624x128xf32, #tpu.memory_space<vmem_shared>>
      %dma_wait3A_162 = arith.constant 0 : i32
      %dma_wait3A_163 = tpu.memref_slice %arg5[%mul3A_4, %dma_wait3A_162] : memref<10008x128xf32, #tpu.memory_space<hbm>> -> memref<624x128xf32, #tpu.memory_space<hbm>>
      tpu.wait_dma2 semaphore(%run_scoped3A : memref<!tpu.dma_semaphore, #tpu.memory_space<semaphore_mem>>) src(%dma_wait3A_163 : memref<624x128xf32, #tpu.memory_space<hbm>>) dst(%dma_wait3A_161 : memref<624x128xf32, #tpu.memory_space<vmem_shared>>)
      tpu.yield
    }) : () -> ()
    %eq3A_7 = arith.constant 15 : i32
    %eq3A_8 = arith.cmpi eq, %arg1, %eq3A_7 : i32
    %convert_element_type3A = arith.extui %eq3A_8 : i1 to i32
    %cond3A = arith.constant 0 : i32
    %cond3A_9 = arith.cmpi ne, %convert_element_type3A, %cond3A : i32
    scf.if %cond3A_9 {
      "tpu.region"() ({
        %run_scoped3A = tpu.sem_alloc : memref<!tpu.dma_semaphore, #tpu.memory_space<semaphore_mem>>
        %dma_start3A_156 = arith.constant 9984 : i32
        %dma_start3A_157 = arith.constant 0 : i32
        %dma_start3A_158 = tpu.memref_slice %arg13[%dma_start3A_156, %dma_start3A_157] : memref<10008x128xf32, #tpu.memory_space<vmem_shared>> -> memref<24x128xf32, #tpu.memory_space<vmem_shared>>
        %dma_start3A_159 = arith.constant 9984 : i32
        %dma_start3A_160 = arith.constant 0 : i32
        %dma_start3A_161 = tpu.memref_slice %arg5[%dma_start3A_159, %dma_start3A_160] : memref<10008x128xf32, #tpu.memory_space<hbm>> -> memref<24x128xf32, #tpu.memory_space<hbm>>
        tpu.enqueue_dma source(%dma_start3A_161 : memref<24x128xf32, #tpu.memory_space<hbm>>) target(%dma_start3A_158 : memref<24x128xf32, #tpu.memory_space<vmem_shared>>) target_semaphore(%run_scoped3A : memref<!tpu.dma_semaphore, #tpu.memory_space<semaphore_mem>>)
        %dma_wait3A_162 = arith.constant 9984 : i32
        %dma_wait3A_163 = arith.constant 0 : i32
        %dma_wait3A_164 = tpu.memref_slice %arg13[%dma_wait3A_162, %dma_wait3A_163] : memref<10008x128xf32, #tpu.memory_space<vmem_shared>> -> memref<24x128xf32, #tpu.memory_space<vmem_shared>>
        %dma_wait3A_165 = arith.constant 9984 : i32
        %dma_wait3A_166 = arith.constant 0 : i32
        %dma_wait3A_167 = tpu.memref_slice %arg5[%dma_wait3A_165, %dma_wait3A_166] : memref<10008x128xf32, #tpu.memory_space<hbm>> -> memref<24x128xf32, #tpu.memory_space<hbm>>
        tpu.wait_dma2 semaphore(%run_scoped3A : memref<!tpu.dma_semaphore, #tpu.memory_space<semaphore_mem>>) src(%dma_wait3A_167 : memref<24x128xf32, #tpu.memory_space<hbm>>) dst(%dma_wait3A_164 : memref<24x128xf32, #tpu.memory_space<vmem_shared>>)
        tpu.yield
      }) : () -> ()
    } else {
    }
    %barrier3A = arith.constant 0 : index
    tpu.barrier barrier_id(%barrier3A)
    %dma_start3A = arith.constant 0 : i32
    %dma_start3A_10 = arith.constant 0 : i32
    %dma_start3A_11 = arith.constant 0 : i32
    %dma_start3A_12 = arith.constant 0 : i32
    %dma_start3A_13 = tpu.memref_slice %arg3[%add3A, %dma_start3A_10, %dma_start3A_11, %dma_start3A_12] : memref<32x144x1x128xi32, #tpu.memory_space<hbm>> -> memref<1x144x1x128xi32, #tpu.memory_space<hbm>>
    %dma_start3A_14 = tpu.memref_squeeze %dma_start3A_13 : memref<1x144x1x128xi32, #tpu.memory_space<hbm>> -> memref<144x1x128xi32, #tpu.memory_space<hbm>>
    %dma_start3A_15 = arith.constant 0 : i32
    %dma_start3A_16 = arith.constant 0 : i32
    %dma_start3A_17 = tpu.memref_slice %dma_start3A_14[%dma_start3A, %dma_start3A_15, %dma_start3A_16] : memref<144x1x128xi32, #tpu.memory_space<hbm>> -> memref<1x1x128xi32, #tpu.memory_space<hbm>>
    %dma_start3A_18 = tpu.memref_squeeze %dma_start3A_17 : memref<1x1x128xi32, #tpu.memory_space<hbm>> -> memref<1x128xi32, #tpu.memory_space<hbm>>
    %dma_start3A_19 = arith.constant 0 : i32
    %dma_start3A_20 = arith.constant 0 : i32
    %dma_start3A_21 = arith.constant 0 : i32
    %dma_start3A_22 = tpu.memref_slice %arg3[%add3A, %dma_start3A_19, %dma_start3A_20, %dma_start3A_21] : memref<32x144x1x128xi32, #tpu.memory_space<hbm>> -> memref<1x144x1x128xi32, #tpu.memory_space<hbm>>
    %dma_start3A_23 = tpu.memref_squeeze %dma_start3A_22 : memref<1x144x1x128xi32, #tpu.memory_space<hbm>> -> memref<144x1x128xi32, #tpu.memory_space<hbm>>
    %dma_start3A_24 = arith.constant 0 : i32
    %dma_start3A_25 = arith.constant 0 : i32
    %dma_start3A_26 = tpu.memref_slice %dma_start3A_23[%dma_start3A, %dma_start3A_24, %dma_start3A_25] : memref<144x1x128xi32, #tpu.memory_space<hbm>> -> memref<1x1x128xi32, #tpu.memory_space<hbm>>
    %dma_start3A_27 = tpu.memref_squeeze %dma_start3A_26 : memref<1x1x128xi32, #tpu.memory_space<hbm>> -> memref<1x128xi32, #tpu.memory_space<hbm>>
    tpu.enqueue_dma source(%dma_start3A_27 : memref<1x128xi32, #tpu.memory_space<hbm>>) target(%arg7 : memref<1x128xi32, #tpu.memory_space<vmem>>) target_semaphore(%arg14 : memref<!tpu.dma_semaphore, #tpu.memory_space<semaphore_mem>>)
    %dma_start3A_28 = arith.constant 1 : i32
    %dma_start3A_29 = arith.constant 0 : i32
    %dma_start3A_30 = arith.constant 0 : i32
    %dma_start3A_31 = arith.constant 0 : i32
    %dma_start3A_32 = tpu.memref_slice %arg3[%add3A, %dma_start3A_29, %dma_start3A_30, %dma_start3A_31] : memref<32x144x1x128xi32, #tpu.memory_space<hbm>> -> memref<1x144x1x128xi32, #tpu.memory_space<hbm>>
    %dma_start3A_33 = tpu.memref_squeeze %dma_start3A_32 : memref<1x144x1x128xi32, #tpu.memory_space<hbm>> -> memref<144x1x128xi32, #tpu.memory_space<hbm>>
    %dma_start3A_34 = arith.constant 0 : i32
    %dma_start3A_35 = arith.constant 0 : i32
    %dma_start3A_36 = tpu.memref_slice %dma_start3A_33[%dma_start3A_28, %dma_start3A_34, %dma_start3A_35] : memref<144x1x128xi32, #tpu.memory_space<hbm>> -> memref<1x1x128xi32, #tpu.memory_space<hbm>>
    %dma_start3A_37 = tpu.memref_squeeze %dma_start3A_36 : memref<1x1x128xi32, #tpu.memory_space<hbm>> -> memref<1x128xi32, #tpu.memory_space<hbm>>
    %dma_start3A_38 = arith.constant 0 : i32
    %dma_start3A_39 = arith.constant 0 : i32
    %dma_start3A_40 = arith.constant 0 : i32
    %dma_start3A_41 = tpu.memref_slice %arg3[%add3A, %dma_start3A_38, %dma_start3A_39, %dma_start3A_40] : memref<32x144x1x128xi32, #tpu.memory_space<hbm>> -> memref<1x144x1x128xi32, #tpu.memory_space<hbm>>
    %dma_start3A_42 = tpu.memref_squeeze %dma_start3A_41 : memref<1x144x1x128xi32, #tpu.memory_space<hbm>> -> memref<144x1x128xi32, #tpu.memory_space<hbm>>
    %dma_start3A_43 = arith.constant 0 : i32
    %dma_start3A_44 = arith.constant 0 : i32
    %dma_start3A_45 = tpu.memref_slice %dma_start3A_42[%dma_start3A_28, %dma_start3A_43, %dma_start3A_44] : memref<144x1x128xi32, #tpu.memory_space<hbm>> -> memref<1x1x128xi32, #tpu.memory_space<hbm>>
    %dma_start3A_46 = tpu.memref_squeeze %dma_start3A_45 : memref<1x1x128xi32, #tpu.memory_space<hbm>> -> memref<1x128xi32, #tpu.memory_space<hbm>>
    tpu.enqueue_dma source(%dma_start3A_46 : memref<1x128xi32, #tpu.memory_space<hbm>>) target(%arg8 : memref<1x128xi32, #tpu.memory_space<vmem>>) target_semaphore(%arg15 : memref<!tpu.dma_semaphore, #tpu.memory_space<semaphore_mem>>)
    %dma_start3A_47 = arith.constant 0 : i32
    %dma_start3A_48 = arith.constant 0 : i32
    %dma_start3A_49 = arith.constant 0 : i32
    %dma_start3A_50 = arith.constant 0 : i32
    %dma_start3A_51 = tpu.memref_slice %arg4[%add3A, %dma_start3A_48, %dma_start3A_49, %dma_start3A_50] : memref<32x144x1x128xi32, #tpu.memory_space<hbm>> -> memref<1x144x1x128xi32, #tpu.memory_space<hbm>>
    %dma_start3A_52 = tpu.memref_squeeze %dma_start3A_51 : memref<1x144x1x128xi32, #tpu.memory_space<hbm>> -> memref<144x1x128xi32, #tpu.memory_space<hbm>>
    %dma_start3A_53 = arith.constant 0 : i32
    %dma_start3A_54 = arith.constant 0 : i32
    %dma_start3A_55 = tpu.memref_slice %dma_start3A_52[%dma_start3A_47, %dma_start3A_53, %dma_start3A_54] : memref<144x1x128xi32, #tpu.memory_space<hbm>> -> memref<1x1x128xi32, #tpu.memory_space<hbm>>
    %dma_start3A_56 = tpu.memref_squeeze %dma_start3A_55 : memref<1x1x128xi32, #tpu.memory_space<hbm>> -> memref<1x128xi32, #tpu.memory_space<hbm>>
    %dma_start3A_57 = arith.constant 0 : i32
    %dma_start3A_58 = arith.constant 0 : i32
    %dma_start3A_59 = arith.constant 0 : i32
    %dma_start3A_60 = tpu.memref_slice %arg4[%add3A, %dma_start3A_57, %dma_start3A_58, %dma_start3A_59] : memref<32x144x1x128xi32, #tpu.memory_space<hbm>> -> memref<1x144x1x128xi32, #tpu.memory_space<hbm>>
    %dma_start3A_61 = tpu.memref_squeeze %dma_start3A_60 : memref<1x144x1x128xi32, #tpu.memory_space<hbm>> -> memref<144x1x128xi32, #tpu.memory_space<hbm>>
    %dma_start3A_62 = arith.constant 0 : i32
    %dma_start3A_63 = arith.constant 0 : i32
    %dma_start3A_64 = tpu.memref_slice %dma_start3A_61[%dma_start3A_47, %dma_start3A_62, %dma_start3A_63] : memref<144x1x128xi32, #tpu.memory_space<hbm>> -> memref<1x1x128xi32, #tpu.memory_space<hbm>>
    %dma_start3A_65 = tpu.memref_squeeze %dma_start3A_64 : memref<1x1x128xi32, #tpu.memory_space<hbm>> -> memref<1x128xi32, #tpu.memory_space<hbm>>
    tpu.enqueue_dma source(%dma_start3A_65 : memref<1x128xi32, #tpu.memory_space<hbm>>) target(%arg9 : memref<1x128xi32, #tpu.memory_space<vmem>>) target_semaphore(%arg16 : memref<!tpu.dma_semaphore, #tpu.memory_space<semaphore_mem>>)
    %dma_start3A_66 = arith.constant 1 : i32
    %dma_start3A_67 = arith.constant 0 : i32
    %dma_start3A_68 = arith.constant 0 : i32
    %dma_start3A_69 = arith.constant 0 : i32
    %dma_start3A_70 = tpu.memref_slice %arg4[%add3A, %dma_start3A_67, %dma_start3A_68, %dma_start3A_69] : memref<32x144x1x128xi32, #tpu.memory_space<hbm>> -> memref<1x144x1x128xi32, #tpu.memory_space<hbm>>
    %dma_start3A_71 = tpu.memref_squeeze %dma_start3A_70 : memref<1x144x1x128xi32, #tpu.memory_space<hbm>> -> memref<144x1x128xi32, #tpu.memory_space<hbm>>
    %dma_start3A_72 = arith.constant 0 : i32
    %dma_start3A_73 = arith.constant 0 : i32
    %dma_start3A_74 = tpu.memref_slice %dma_start3A_71[%dma_start3A_66, %dma_start3A_72, %dma_start3A_73] : memref<144x1x128xi32, #tpu.memory_space<hbm>> -> memref<1x1x128xi32, #tpu.memory_space<hbm>>
    %dma_start3A_75 = tpu.memref_squeeze %dma_start3A_74 : memref<1x1x128xi32, #tpu.memory_space<hbm>> -> memref<1x128xi32, #tpu.memory_space<hbm>>
    %dma_start3A_76 = arith.constant 0 : i32
    %dma_start3A_77 = arith.constant 0 : i32
    %dma_start3A_78 = arith.constant 0 : i32
    %dma_start3A_79 = tpu.memref_slice %arg4[%add3A, %dma_start3A_76, %dma_start3A_77, %dma_start3A_78] : memref<32x144x1x128xi32, #tpu.memory_space<hbm>> -> memref<1x144x1x128xi32, #tpu.memory_space<hbm>>
    %dma_start3A_80 = tpu.memref_squeeze %dma_start3A_79 : memref<1x144x1x128xi32, #tpu.memory_space<hbm>> -> memref<144x1x128xi32, #tpu.memory_space<hbm>>
    %dma_start3A_81 = arith.constant 0 : i32
    %dma_start3A_82 = arith.constant 0 : i32
    %dma_start3A_83 = tpu.memref_slice %dma_start3A_80[%dma_start3A_66, %dma_start3A_81, %dma_start3A_82] : memref<144x1x128xi32, #tpu.memory_space<hbm>> -> memref<1x1x128xi32, #tpu.memory_space<hbm>>
    %dma_start3A_84 = tpu.memref_squeeze %dma_start3A_83 : memref<1x1x128xi32, #tpu.memory_space<hbm>> -> memref<1x128xi32, #tpu.memory_space<hbm>>
    tpu.enqueue_dma source(%dma_start3A_84 : memref<1x128xi32, #tpu.memory_space<hbm>>) target(%arg10 : memref<1x128xi32, #tpu.memory_space<vmem>>) target_semaphore(%arg17 : memref<!tpu.dma_semaphore, #tpu.memory_space<semaphore_mem>>)
    %dma_wait3A = arith.constant 0 : i32
    %dma_wait3A_85 = arith.constant 0 : i32
    %dma_wait3A_86 = arith.constant 0 : i32
    %dma_wait3A_87 = arith.constant 0 : i32
    %dma_wait3A_88 = tpu.memref_slice %arg3[%add3A, %dma_wait3A_85, %dma_wait3A_86, %dma_wait3A_87] : memref<32x144x1x128xi32, #tpu.memory_space<hbm>> -> memref<1x144x1x128xi32, #tpu.memory_space<hbm>>
    %dma_wait3A_89 = tpu.memref_squeeze %dma_wait3A_88 : memref<1x144x1x128xi32, #tpu.memory_space<hbm>> -> memref<144x1x128xi32, #tpu.memory_space<hbm>>
    %dma_wait3A_90 = arith.constant 0 : i32
    %dma_wait3A_91 = arith.constant 0 : i32
    %dma_wait3A_92 = tpu.memref_slice %dma_wait3A_89[%dma_wait3A, %dma_wait3A_90, %dma_wait3A_91] : memref<144x1x128xi32, #tpu.memory_space<hbm>> -> memref<1x1x128xi32, #tpu.memory_space<hbm>>
    %dma_wait3A_93 = tpu.memref_squeeze %dma_wait3A_92 : memref<1x1x128xi32, #tpu.memory_space<hbm>> -> memref<1x128xi32, #tpu.memory_space<hbm>>
    %dma_wait3A_94 = arith.constant 0 : i32
    %dma_wait3A_95 = arith.constant 0 : i32
    %dma_wait3A_96 = arith.constant 0 : i32
    %dma_wait3A_97 = tpu.memref_slice %arg3[%add3A, %dma_wait3A_94, %dma_wait3A_95, %dma_wait3A_96] : memref<32x144x1x128xi32, #tpu.memory_space<hbm>> -> memref<1x144x1x128xi32, #tpu.memory_space<hbm>>
    %dma_wait3A_98 = tpu.memref_squeeze %dma_wait3A_97 : memref<1x144x1x128xi32, #tpu.memory_space<hbm>> -> memref<144x1x128xi32, #tpu.memory_space<hbm>>
    %dma_wait3A_99 = arith.constant 0 : i32
    %dma_wait3A_100 = arith.constant 0 : i32
    %dma_wait3A_101 = tpu.memref_slice %dma_wait3A_98[%dma_wait3A, %dma_wait3A_99, %dma_wait3A_100] : memref<144x1x128xi32, #tpu.memory_space<hbm>> -> memref<1x1x128xi32, #tpu.memory_space<hbm>>
    %dma_wait3A_102 = tpu.memref_squeeze %dma_wait3A_101 : memref<1x1x128xi32, #tpu.memory_space<hbm>> -> memref<1x128xi32, #tpu.memory_space<hbm>>
    tpu.wait_dma2 semaphore(%arg14 : memref<!tpu.dma_semaphore, #tpu.memory_space<semaphore_mem>>) src(%dma_wait3A_102 : memref<1x128xi32, #tpu.memory_space<hbm>>) dst(%arg7 : memref<1x128xi32, #tpu.memory_space<vmem>>)
    %dma_start3A_103 = arith.constant 0 : i32
    %dma_start3A_104 = arith.constant 0 : i32
    %dma_start3A_105 = tpu.memref_slice %arg7[%dma_start3A_103, %dma_start3A_104] : memref<1x128xi32, #tpu.memory_space<vmem>> -> memref<1x128xi32, #tpu.memory_space<vmem>>
    %dma_start3A_106 = tpu.memref_squeeze %dma_start3A_105 : memref<1x128xi32, #tpu.memory_space<vmem>> -> memref<128xi32, #tpu.memory_space<vmem>>
    %dma_start3A_107 = arith.constant 0 : i32
    %dma_start3A_108 = arith.constant 0 : i32
    %dma_start3A_109 = tpu.memref_slice %arg2[%dma_start3A_107, %dma_start3A_108] : memref<10008x128xf32, #tpu.memory_space<hbm>> -> memref<10008x128xf32, #tpu.memory_space<hbm>>
    tpu.enqueue_indirect_dma source(%dma_start3A_109 : memref<10008x128xf32, #tpu.memory_space<hbm>>) target(%arg11 : memref<128x128xf32, #tpu.memory_space<vmem>>) offsets(%dma_start3A_106 : memref<128xi32, #tpu.memory_space<vmem>>) semaphore(%arg18 : memref<!tpu.dma_semaphore, #tpu.memory_space<semaphore_mem>>)
    %jit3A_110 = arith.constant 2 : i32
    %div3A = arith.divsi %select_n3A, %jit3A_110 : i32
    %sign3A = arith.constant 0 : i32
    %sign3A_111 = arith.cmpi sgt, %select_n3A, %sign3A : i32
    %sign3A_112 = arith.extui %sign3A_111 : i1 to i32
    %sign3A_113 = arith.constant 0 : i32
    %sign3A_114 = arith.cmpi slt, %select_n3A, %sign3A_113 : i32
    %sign3A_115 = arith.extui %sign3A_114 : i1 to i32
    %sign3A_116 = arith.subi %sign3A_112, %sign3A_115 : i32
    %sign3A_117 = arith.constant 0 : i32
    %sign3A_118 = arith.cmpi sgt, %jit3A_110, %sign3A_117 : i32
    %sign3A_119 = arith.extui %sign3A_118 : i1 to i32
    %sign3A_120 = arith.constant 0 : i32
    %sign3A_121 = arith.cmpi slt, %jit3A_110, %sign3A_120 : i32
    %sign3A_122 = arith.extui %sign3A_121 : i1 to i32
    %sign3A_123 = arith.subi %sign3A_119, %sign3A_122 : i32
    %ne3A = arith.cmpi ne, %sign3A_116, %sign3A_123 : i32
    %rem3A = arith.remsi %select_n3A, %jit3A_110 : i32
    %ne3A_124 = arith.constant 0 : i32
    %ne3A_125 = arith.cmpi ne, %rem3A, %ne3A_124 : i32
    %and3A = arith.andi %ne3A, %ne3A_125 : i1
    %sub3A = arith.constant 1 : i32
    %sub3A_126 = arith.subi %div3A, %sub3A : i32
    %select_n3A_127 = arith.select %and3A, %sub3A_126, %div3A : i32
    %sub3A_128 = arith.constant 0 : i32
    %sub3A_129 = arith.subi %select_n3A_127, %sub3A_128 : i32
    %sub3A_130 = arith.constant 1 : i32
    %sub3A_131 = arith.constant 1 : i32
    %sub3A_132 = arith.subi %sub3A_130, %sub3A_131 : i32
    %add3A_133 = arith.addi %sub3A_129, %sub3A_132 : i32
    %div3A_134 = arith.constant 1 : i32
    %div3A_135 = arith.divsi %add3A_133, %div3A_134 : i32
    %while3A = arith.constant 1 : i32
    %while3A_136 = arith.constant 0 : i32
    %while3A_137 = arith.constant 0 : i32
    %while3A_138 = arith.subi %div3A_135, %while3A_137 : i32
    %while3A_139 = arith.addi %while3A_137, %while3A_138 : i32
    %while3A_140 = arith.constant 1 : i32
    %while3A_141 = arith.divsi %while3A_138, %while3A_140 : i32
    %while3A_142 = arith.muli %while3A_141, %while3A_140 : i32
    %while3A_143 = arith.addi %while3A_137, %while3A_142 : i32
    %while3A_144 = arith.constant 1 : i32
    scf.for %while3A_156 = %while3A_137 to %while3A_143 step %while3A_144  : i32 {
      %mul3A_157 = arith.muli %while3A_156, %while3A : i32
      %add3A_158 = arith.addi %while3A_136, %mul3A_157 : i32
      %mul3A_159 = arith.constant 2 : i32
      %mul3A_160 = arith.muli %mul3A_159, %add3A_158 : i32
      %add3A_161 = arith.constant 1 : i32
      %add3A_162 = arith.addi %mul3A_160, %add3A_161 : i32
      %dma_wait3A_163 = arith.constant 0 : i32
      %dma_wait3A_164 = arith.constant 0 : i32
      %dma_wait3A_165 = arith.constant 0 : i32
      %dma_wait3A_166 = tpu.memref_slice %arg3[%add3A, %dma_wait3A_163, %dma_wait3A_164, %dma_wait3A_165] : memref<32x144x1x128xi32, #tpu.memory_space<hbm>> -> memref<1x144x1x128xi32, #tpu.memory_space<hbm>>
      %dma_wait3A_167 = tpu.memref_squeeze %dma_wait3A_166 : memref<1x144x1x128xi32, #tpu.memory_space<hbm>> -> memref<144x1x128xi32, #tpu.memory_space<hbm>>
      %dma_wait3A_168 = arith.constant 0 : i32
      %dma_wait3A_169 = arith.constant 0 : i32
      %dma_wait3A_170 = tpu.memref_slice %dma_wait3A_167[%add3A_162, %dma_wait3A_168, %dma_wait3A_169] : memref<144x1x128xi32, #tpu.memory_space<hbm>> -> memref<1x1x128xi32, #tpu.memory_space<hbm>>
      %dma_wait3A_171 = tpu.memref_squeeze %dma_wait3A_170 : memref<1x1x128xi32, #tpu.memory_space<hbm>> -> memref<1x128xi32, #tpu.memory_space<hbm>>
      %dma_wait3A_172 = arith.constant 0 : i32
      %dma_wait3A_173 = arith.constant 0 : i32
      %dma_wait3A_174 = arith.constant 0 : i32
      %dma_wait3A_175 = tpu.memref_slice %arg3[%add3A, %dma_wait3A_172, %dma_wait3A_173, %dma_wait3A_174] : memref<32x144x1x128xi32, #tpu.memory_space<hbm>> -> memref<1x144x1x128xi32, #tpu.memory_space<hbm>>
      %dma_wait3A_176 = tpu.memref_squeeze %dma_wait3A_175 : memref<1x144x1x128xi32, #tpu.memory_space<hbm>> -> memref<144x1x128xi32, #tpu.memory_space<hbm>>
      %dma_wait3A_177 = arith.constant 0 : i32
      %dma_wait3A_178 = arith.constant 0 : i32
      %dma_wait3A_179 = tpu.memref_slice %dma_wait3A_176[%add3A_162, %dma_wait3A_177, %dma_wait3A_178] : memref<144x1x128xi32, #tpu.memory_space<hbm>> -> memref<1x1x128xi32, #tpu.memory_space<hbm>>
      %dma_wait3A_180 = tpu.memref_squeeze %dma_wait3A_179 : memref<1x1x128xi32, #tpu.memory_space<hbm>> -> memref<1x128xi32, #tpu.memory_space<hbm>>
      tpu.wait_dma2 semaphore(%arg15 : memref<!tpu.dma_semaphore, #tpu.memory_space<semaphore_mem>>) src(%dma_wait3A_180 : memref<1x128xi32, #tpu.memory_space<hbm>>) dst(%arg8 : memref<1x128xi32, #tpu.memory_space<vmem>>)
      %dma_start3A_181 = arith.constant 0 : i32
      %dma_start3A_182 = arith.constant 0 : i32
      %dma_start3A_183 = tpu.memref_slice %arg8[%dma_start3A_181, %dma_start3A_182] : memref<1x128xi32, #tpu.memory_space<vmem>> -> memref<1x128xi32, #tpu.memory_space<vmem>>
      %dma_start3A_184 = tpu.memref_squeeze %dma_start3A_183 : memref<1x128xi32, #tpu.memory_space<vmem>> -> memref<128xi32, #tpu.memory_space<vmem>>
      %dma_start3A_185 = arith.constant 0 : i32
      %dma_start3A_186 = arith.constant 0 : i32
      %dma_start3A_187 = tpu.memref_slice %arg2[%dma_start3A_185, %dma_start3A_186] : memref<10008x128xf32, #tpu.memory_space<hbm>> -> memref<10008x128xf32, #tpu.memory_space<hbm>>
      tpu.enqueue_indirect_dma source(%dma_start3A_187 : memref<10008x128xf32, #tpu.memory_space<hbm>>) target(%arg12 : memref<128x128xf32, #tpu.memory_space<vmem>>) offsets(%dma_start3A_184 : memref<128xi32, #tpu.memory_space<vmem>>) semaphore(%arg19 : memref<!tpu.dma_semaphore, #tpu.memory_space<semaphore_mem>>)
      %dma_wait3A_188 = arith.constant 0 : i32
      %dma_wait3A_189 = arith.constant 0 : i32
      %dma_wait3A_190 = tpu.memref_slice %arg7[%dma_wait3A_188, %dma_wait3A_189] : memref<1x128xi32, #tpu.memory_space<vmem>> -> memref<1x128xi32, #tpu.memory_space<vmem>>
      %dma_wait3A_191 = tpu.memref_squeeze %dma_wait3A_190 : memref<1x128xi32, #tpu.memory_space<vmem>> -> memref<128xi32, #tpu.memory_space<vmem>>
      %dma_wait3A_192 = arith.constant 0 : i32
      %dma_wait3A_193 = arith.constant 0 : i32
      %dma_wait3A_194 = tpu.memref_slice %arg2[%dma_wait3A_192, %dma_wait3A_193] : memref<10008x128xf32, #tpu.memory_space<hbm>> -> memref<10008x128xf32, #tpu.memory_space<hbm>>
      tpu.wait_indirect_dma semaphore(%arg18 : memref<!tpu.dma_semaphore, #tpu.memory_space<semaphore_mem>>) src(%dma_wait3A_194 : memref<10008x128xf32, #tpu.memory_space<hbm>>) dst(%arg11 : memref<128x128xf32, #tpu.memory_space<vmem>>)
      %add3A_195 = arith.constant 2 : i32
      %add3A_196 = arith.addi %mul3A_160, %add3A_195 : i32
      %lt3A = arith.cmpi slt, %add3A_196, %select_n3A : i32
      %convert_element_type3A_197 = arith.extui %lt3A : i1 to i32
      %cond3A_198 = arith.constant 0 : i32
      %cond3A_199 = arith.cmpi ne, %convert_element_type3A_197, %cond3A_198 : i32
      scf.if %cond3A_199 {
        %add3A_264 = arith.constant 2 : i32
        %add3A_265 = arith.addi %mul3A_160, %add3A_264 : i32
        %dma_start3A_266 = arith.constant 0 : i32
        %dma_start3A_267 = arith.constant 0 : i32
        %dma_start3A_268 = arith.constant 0 : i32
        %dma_start3A_269 = tpu.memref_slice %arg3[%add3A, %dma_start3A_266, %dma_start3A_267, %dma_start3A_268] : memref<32x144x1x128xi32, #tpu.memory_space<hbm>> -> memref<1x144x1x128xi32, #tpu.memory_space<hbm>>
        %dma_start3A_270 = tpu.memref_squeeze %dma_start3A_269 : memref<1x144x1x128xi32, #tpu.memory_space<hbm>> -> memref<144x1x128xi32, #tpu.memory_space<hbm>>
        %dma_start3A_271 = arith.constant 0 : i32
        %dma_start3A_272 = arith.constant 0 : i32
        %dma_start3A_273 = tpu.memref_slice %dma_start3A_270[%add3A_265, %dma_start3A_271, %dma_start3A_272] : memref<144x1x128xi32, #tpu.memory_space<hbm>> -> memref<1x1x128xi32, #tpu.memory_space<hbm>>
        %dma_start3A_274 = tpu.memref_squeeze %dma_start3A_273 : memref<1x1x128xi32, #tpu.memory_space<hbm>> -> memref<1x128xi32, #tpu.memory_space<hbm>>
        %dma_start3A_275 = arith.constant 0 : i32
        %dma_start3A_276 = arith.constant 0 : i32
        %dma_start3A_277 = arith.constant 0 : i32
        %dma_start3A_278 = tpu.memref_slice %arg3[%add3A, %dma_start3A_275, %dma_start3A_276, %dma_start3A_277] : memref<32x144x1x128xi32, #tpu.memory_space<hbm>> -> memref<1x144x1x128xi32, #tpu.memory_space<hbm>>
        %dma_start3A_279 = tpu.memref_squeeze %dma_start3A_278 : memref<1x144x1x128xi32, #tpu.memory_space<hbm>> -> memref<144x1x128xi32, #tpu.memory_space<hbm>>
        %dma_start3A_280 = arith.constant 0 : i32
        %dma_start3A_281 = arith.constant 0 : i32
        %dma_start3A_282 = tpu.memref_slice %dma_start3A_279[%add3A_265, %dma_start3A_280, %dma_start3A_281] : memref<144x1x128xi32, #tpu.memory_space<hbm>> -> memref<1x1x128xi32, #tpu.memory_space<hbm>>
        %dma_start3A_283 = tpu.memref_squeeze %dma_start3A_282 : memref<1x1x128xi32, #tpu.memory_space<hbm>> -> memref<1x128xi32, #tpu.memory_space<hbm>>
        tpu.enqueue_dma source(%dma_start3A_283 : memref<1x128xi32, #tpu.memory_space<hbm>>) target(%arg7 : memref<1x128xi32, #tpu.memory_space<vmem>>) target_semaphore(%arg14 : memref<!tpu.dma_semaphore, #tpu.memory_space<semaphore_mem>>)
      } else {
      }
      %dma_wait3A_200 = arith.constant 0 : i32
      %dma_wait3A_201 = arith.constant 0 : i32
      %dma_wait3A_202 = arith.constant 0 : i32
      %dma_wait3A_203 = tpu.memref_slice %arg4[%add3A, %dma_wait3A_200, %dma_wait3A_201, %dma_wait3A_202] : memref<32x144x1x128xi32, #tpu.memory_space<hbm>> -> memref<1x144x1x128xi32, #tpu.memory_space<hbm>>
      %dma_wait3A_204 = tpu.memref_squeeze %dma_wait3A_203 : memref<1x144x1x128xi32, #tpu.memory_space<hbm>> -> memref<144x1x128xi32, #tpu.memory_space<hbm>>
      %dma_wait3A_205 = arith.constant 0 : i32
      %dma_wait3A_206 = arith.constant 0 : i32
      %dma_wait3A_207 = tpu.memref_slice %dma_wait3A_204[%mul3A_160, %dma_wait3A_205, %dma_wait3A_206] : memref<144x1x128xi32, #tpu.memory_space<hbm>> -> memref<1x1x128xi32, #tpu.memory_space<hbm>>
      %dma_wait3A_208 = tpu.memref_squeeze %dma_wait3A_207 : memref<1x1x128xi32, #tpu.memory_space<hbm>> -> memref<1x128xi32, #tpu.memory_space<hbm>>
      %dma_wait3A_209 = arith.constant 0 : i32
      %dma_wait3A_210 = arith.constant 0 : i32
      %dma_wait3A_211 = arith.constant 0 : i32
      %dma_wait3A_212 = tpu.memref_slice %arg4[%add3A, %dma_wait3A_209, %dma_wait3A_210, %dma_wait3A_211] : memref<32x144x1x128xi32, #tpu.memory_space<hbm>> -> memref<1x144x1x128xi32, #tpu.memory_space<hbm>>
      %dma_wait3A_213 = tpu.memref_squeeze %dma_wait3A_212 : memref<1x144x1x128xi32, #tpu.memory_space<hbm>> -> memref<144x1x128xi32, #tpu.memory_space<hbm>>
      %dma_wait3A_214 = arith.constant 0 : i32
      %dma_wait3A_215 = arith.constant 0 : i32
      %dma_wait3A_216 = tpu.memref_slice %dma_wait3A_213[%mul3A_160, %dma_wait3A_214, %dma_wait3A_215] : memref<144x1x128xi32, #tpu.memory_space<hbm>> -> memref<1x1x128xi32, #tpu.memory_space<hbm>>
      %dma_wait3A_217 = tpu.memref_squeeze %dma_wait3A_216 : memref<1x1x128xi32, #tpu.memory_space<hbm>> -> memref<1x128xi32, #tpu.memory_space<hbm>>
      tpu.wait_dma2 semaphore(%arg16 : memref<!tpu.dma_semaphore, #tpu.memory_space<semaphore_mem>>) src(%dma_wait3A_217 : memref<1x128xi32, #tpu.memory_space<hbm>>) dst(%arg9 : memref<1x128xi32, #tpu.memory_space<vmem>>)
      %run_scoped3A = arith.constant 0 : i32
      "tpu.region"() ({
        %run_scoped3A_264 = tpu.sem_alloc : memref<!tpu.dma_semaphore, #tpu.memory_space<semaphore_mem>>
        %dma_start3A_265 = arith.constant 0 : i32
        %dma_start3A_266 = tpu.memref_slice %arg9[%run_scoped3A, %dma_start3A_265] : memref<1x128xi32, #tpu.memory_space<vmem>> -> memref<1x128xi32, #tpu.memory_space<vmem>>
        %dma_start3A_267 = tpu.memref_squeeze %dma_start3A_266 : memref<1x128xi32, #tpu.memory_space<vmem>> -> memref<128xi32, #tpu.memory_space<vmem>>
        %dma_start3A_268 = arith.constant 0 : i32
        %dma_start3A_269 = arith.constant 0 : i32
        %dma_start3A_270 = tpu.memref_slice %arg13[%dma_start3A_268, %dma_start3A_269] : memref<10008x128xf32, #tpu.memory_space<vmem_shared>> -> memref<10008x128xf32, #tpu.memory_space<vmem_shared>>
        tpu.enqueue_indirect_dma source(%arg11 : memref<128x128xf32, #tpu.memory_space<vmem>>) target(%dma_start3A_270 : memref<10008x128xf32, #tpu.memory_space<vmem_shared>>) offsets(%dma_start3A_267 : memref<128xi32, #tpu.memory_space<vmem>>) semaphore(%run_scoped3A_264 : memref<!tpu.dma_semaphore, #tpu.memory_space<semaphore_mem>>) {add = true}
        %dma_wait3A_271 = arith.constant 0 : i32
        %dma_wait3A_272 = tpu.memref_slice %arg9[%run_scoped3A, %dma_wait3A_271] : memref<1x128xi32, #tpu.memory_space<vmem>> -> memref<1x128xi32, #tpu.memory_space<vmem>>
        %dma_wait3A_273 = tpu.memref_squeeze %dma_wait3A_272 : memref<1x128xi32, #tpu.memory_space<vmem>> -> memref<128xi32, #tpu.memory_space<vmem>>
        %dma_wait3A_274 = arith.constant 0 : i32
        %dma_wait3A_275 = arith.constant 0 : i32
        %dma_wait3A_276 = tpu.memref_slice %arg13[%dma_wait3A_274, %dma_wait3A_275] : memref<10008x128xf32, #tpu.memory_space<vmem_shared>> -> memref<10008x128xf32, #tpu.memory_space<vmem_shared>>
        tpu.wait_indirect_dma semaphore(%run_scoped3A_264 : memref<!tpu.dma_semaphore, #tpu.memory_space<semaphore_mem>>) src(%arg11 : memref<128x128xf32, #tpu.memory_space<vmem>>) dst(%dma_wait3A_276 : memref<10008x128xf32, #tpu.memory_space<vmem_shared>>)
        tpu.yield
      }) : () -> ()
      %add3A_218 = arith.constant 2 : i32
      %add3A_219 = arith.addi %mul3A_160, %add3A_218 : i32
      %lt3A_220 = arith.cmpi slt, %add3A_219, %select_n3A : i32
      %convert_element_type3A_221 = arith.extui %lt3A_220 : i1 to i32
      %cond3A_222 = arith.constant 0 : i32
      %cond3A_223 = arith.cmpi ne, %convert_element_type3A_221, %cond3A_222 : i32
      scf.if %cond3A_223 {
        %add3A_264 = arith.constant 2 : i32
        %add3A_265 = arith.addi %mul3A_160, %add3A_264 : i32
        %dma_start3A_266 = arith.constant 0 : i32
        %dma_start3A_267 = arith.constant 0 : i32
        %dma_start3A_268 = arith.constant 0 : i32
        %dma_start3A_269 = tpu.memref_slice %arg4[%add3A, %dma_start3A_266, %dma_start3A_267, %dma_start3A_268] : memref<32x144x1x128xi32, #tpu.memory_space<hbm>> -> memref<1x144x1x128xi32, #tpu.memory_space<hbm>>
        %dma_start3A_270 = tpu.memref_squeeze %dma_start3A_269 : memref<1x144x1x128xi32, #tpu.memory_space<hbm>> -> memref<144x1x128xi32, #tpu.memory_space<hbm>>
        %dma_start3A_271 = arith.constant 0 : i32
        %dma_start3A_272 = arith.constant 0 : i32
        %dma_start3A_273 = tpu.memref_slice %dma_start3A_270[%add3A_265, %dma_start3A_271, %dma_start3A_272] : memref<144x1x128xi32, #tpu.memory_space<hbm>> -> memref<1x1x128xi32, #tpu.memory_space<hbm>>
        %dma_start3A_274 = tpu.memref_squeeze %dma_start3A_273 : memref<1x1x128xi32, #tpu.memory_space<hbm>> -> memref<1x128xi32, #tpu.memory_space<hbm>>
        %dma_start3A_275 = arith.constant 0 : i32
        %dma_start3A_276 = arith.constant 0 : i32
        %dma_start3A_277 = arith.constant 0 : i32
        %dma_start3A_278 = tpu.memref_slice %arg4[%add3A, %dma_start3A_275, %dma_start3A_276, %dma_start3A_277] : memref<32x144x1x128xi32, #tpu.memory_space<hbm>> -> memref<1x144x1x128xi32, #tpu.memory_space<hbm>>
        %dma_start3A_279 = tpu.memref_squeeze %dma_start3A_278 : memref<1x144x1x128xi32, #tpu.memory_space<hbm>> -> memref<144x1x128xi32, #tpu.memory_space<hbm>>
        %dma_start3A_280 = arith.constant 0 : i32
        %dma_start3A_281 = arith.constant 0 : i32
        %dma_start3A_282 = tpu.memref_slice %dma_start3A_279[%add3A_265, %dma_start3A_280, %dma_start3A_281] : memref<144x1x128xi32, #tpu.memory_space<hbm>> -> memref<1x1x128xi32, #tpu.memory_space<hbm>>
        %dma_start3A_283 = tpu.memref_squeeze %dma_start3A_282 : memref<1x1x128xi32, #tpu.memory_space<hbm>> -> memref<1x128xi32, #tpu.memory_space<hbm>>
        tpu.enqueue_dma source(%dma_start3A_283 : memref<1x128xi32, #tpu.memory_space<hbm>>) target(%arg9 : memref<1x128xi32, #tpu.memory_space<vmem>>) target_semaphore(%arg16 : memref<!tpu.dma_semaphore, #tpu.memory_space<semaphore_mem>>)
        %add3A_284 = arith.constant 2 : i32
        %add3A_285 = arith.addi %mul3A_160, %add3A_284 : i32
        %dma_wait3A_286 = arith.constant 0 : i32
        %dma_wait3A_287 = arith.constant 0 : i32
        %dma_wait3A_288 = arith.constant 0 : i32
        %dma_wait3A_289 = tpu.memref_slice %arg3[%add3A, %dma_wait3A_286, %dma_wait3A_287, %dma_wait3A_288] : memref<32x144x1x128xi32, #tpu.memory_space<hbm>> -> memref<1x144x1x128xi32, #tpu.memory_space<hbm>>
        %dma_wait3A_290 = tpu.memref_squeeze %dma_wait3A_289 : memref<1x144x1x128xi32, #tpu.memory_space<hbm>> -> memref<144x1x128xi32, #tpu.memory_space<hbm>>
        %dma_wait3A_291 = arith.constant 0 : i32
        %dma_wait3A_292 = arith.constant 0 : i32
        %dma_wait3A_293 = tpu.memref_slice %dma_wait3A_290[%add3A_285, %dma_wait3A_291, %dma_wait3A_292] : memref<144x1x128xi32, #tpu.memory_space<hbm>> -> memref<1x1x128xi32, #tpu.memory_space<hbm>>
        %dma_wait3A_294 = tpu.memref_squeeze %dma_wait3A_293 : memref<1x1x128xi32, #tpu.memory_space<hbm>> -> memref<1x128xi32, #tpu.memory_space<hbm>>
        %dma_wait3A_295 = arith.constant 0 : i32
        %dma_wait3A_296 = arith.constant 0 : i32
        %dma_wait3A_297 = arith.constant 0 : i32
        %dma_wait3A_298 = tpu.memref_slice %arg3[%add3A, %dma_wait3A_295, %dma_wait3A_296, %dma_wait3A_297] : memref<32x144x1x128xi32, #tpu.memory_space<hbm>> -> memref<1x144x1x128xi32, #tpu.memory_space<hbm>>
        %dma_wait3A_299 = tpu.memref_squeeze %dma_wait3A_298 : memref<1x144x1x128xi32, #tpu.memory_space<hbm>> -> memref<144x1x128xi32, #tpu.memory_space<hbm>>
        %dma_wait3A_300 = arith.constant 0 : i32
        %dma_wait3A_301 = arith.constant 0 : i32
        %dma_wait3A_302 = tpu.memref_slice %dma_wait3A_299[%add3A_285, %dma_wait3A_300, %dma_wait3A_301] : memref<144x1x128xi32, #tpu.memory_space<hbm>> -> memref<1x1x128xi32, #tpu.memory_space<hbm>>
        %dma_wait3A_303 = tpu.memref_squeeze %dma_wait3A_302 : memref<1x1x128xi32, #tpu.memory_space<hbm>> -> memref<1x128xi32, #tpu.memory_space<hbm>>
        tpu.wait_dma2 semaphore(%arg14 : memref<!tpu.dma_semaphore, #tpu.memory_space<semaphore_mem>>) src(%dma_wait3A_303 : memref<1x128xi32, #tpu.memory_space<hbm>>) dst(%arg7 : memref<1x128xi32, #tpu.memory_space<vmem>>)
        %dma_start3A_304 = arith.constant 0 : i32
        %dma_start3A_305 = arith.constant 0 : i32
        %dma_start3A_306 = tpu.memref_slice %arg7[%dma_start3A_304, %dma_start3A_305] : memref<1x128xi32, #tpu.memory_space<vmem>> -> memref<1x128xi32, #tpu.memory_space<vmem>>
        %dma_start3A_307 = tpu.memref_squeeze %dma_start3A_306 : memref<1x128xi32, #tpu.memory_space<vmem>> -> memref<128xi32, #tpu.memory_space<vmem>>
        %dma_start3A_308 = arith.constant 0 : i32
        %dma_start3A_309 = arith.constant 0 : i32
        %dma_start3A_310 = tpu.memref_slice %arg2[%dma_start3A_308, %dma_start3A_309] : memref<10008x128xf32, #tpu.memory_space<hbm>> -> memref<10008x128xf32, #tpu.memory_space<hbm>>
        tpu.enqueue_indirect_dma source(%dma_start3A_310 : memref<10008x128xf32, #tpu.memory_space<hbm>>) target(%arg11 : memref<128x128xf32, #tpu.memory_space<vmem>>) offsets(%dma_start3A_307 : memref<128xi32, #tpu.memory_space<vmem>>) semaphore(%arg18 : memref<!tpu.dma_semaphore, #tpu.memory_space<semaphore_mem>>)
      } else {
      }
      %dma_wait3A_224 = arith.constant 0 : i32
      %dma_wait3A_225 = arith.constant 0 : i32
      %dma_wait3A_226 = tpu.memref_slice %arg8[%dma_wait3A_224, %dma_wait3A_225] : memref<1x128xi32, #tpu.memory_space<vmem>> -> memref<1x128xi32, #tpu.memory_space<vmem>>
      %dma_wait3A_227 = tpu.memref_squeeze %dma_wait3A_226 : memref<1x128xi32, #tpu.memory_space<vmem>> -> memref<128xi32, #tpu.memory_space<vmem>>
      %dma_wait3A_228 = arith.constant 0 : i32
      %dma_wait3A_229 = arith.constant 0 : i32
      %dma_wait3A_230 = tpu.memref_slice %arg2[%dma_wait3A_228, %dma_wait3A_229] : memref<10008x128xf32, #tpu.memory_space<hbm>> -> memref<10008x128xf32, #tpu.memory_space<hbm>>
      tpu.wait_indirect_dma semaphore(%arg19 : memref<!tpu.dma_semaphore, #tpu.memory_space<semaphore_mem>>) src(%dma_wait3A_230 : memref<10008x128xf32, #tpu.memory_space<hbm>>) dst(%arg12 : memref<128x128xf32, #tpu.memory_space<vmem>>)
      %add3A_231 = arith.constant 3 : i32
      %add3A_232 = arith.addi %mul3A_160, %add3A_231 : i32
      %lt3A_233 = arith.cmpi slt, %add3A_232, %select_n3A : i32
      %convert_element_type3A_234 = arith.extui %lt3A_233 : i1 to i32
      %cond3A_235 = arith.constant 0 : i32
      %cond3A_236 = arith.cmpi ne, %convert_element_type3A_234, %cond3A_235 : i32
      scf.if %cond3A_236 {
        %add3A_264 = arith.constant 3 : i32
        %add3A_265 = arith.addi %mul3A_160, %add3A_264 : i32
        %dma_start3A_266 = arith.constant 0 : i32
        %dma_start3A_267 = arith.constant 0 : i32
        %dma_start3A_268 = arith.constant 0 : i32
        %dma_start3A_269 = tpu.memref_slice %arg3[%add3A, %dma_start3A_266, %dma_start3A_267, %dma_start3A_268] : memref<32x144x1x128xi32, #tpu.memory_space<hbm>> -> memref<1x144x1x128xi32, #tpu.memory_space<hbm>>
        %dma_start3A_270 = tpu.memref_squeeze %dma_start3A_269 : memref<1x144x1x128xi32, #tpu.memory_space<hbm>> -> memref<144x1x128xi32, #tpu.memory_space<hbm>>
        %dma_start3A_271 = arith.constant 0 : i32
        %dma_start3A_272 = arith.constant 0 : i32
        %dma_start3A_273 = tpu.memref_slice %dma_start3A_270[%add3A_265, %dma_start3A_271, %dma_start3A_272] : memref<144x1x128xi32, #tpu.memory_space<hbm>> -> memref<1x1x128xi32, #tpu.memory_space<hbm>>
        %dma_start3A_274 = tpu.memref_squeeze %dma_start3A_273 : memref<1x1x128xi32, #tpu.memory_space<hbm>> -> memref<1x128xi32, #tpu.memory_space<hbm>>
        %dma_start3A_275 = arith.constant 0 : i32
        %dma_start3A_276 = arith.constant 0 : i32
        %dma_start3A_277 = arith.constant 0 : i32
        %dma_start3A_278 = tpu.memref_slice %arg3[%add3A, %dma_start3A_275, %dma_start3A_276, %dma_start3A_277] : memref<32x144x1x128xi32, #tpu.memory_space<hbm>> -> memref<1x144x1x128xi32, #tpu.memory_space<hbm>>
        %dma_start3A_279 = tpu.memref_squeeze %dma_start3A_278 : memref<1x144x1x128xi32, #tpu.memory_space<hbm>> -> memref<144x1x128xi32, #tpu.memory_space<hbm>>
        %dma_start3A_280 = arith.constant 0 : i32
        %dma_start3A_281 = arith.constant 0 : i32
        %dma_start3A_282 = tpu.memref_slice %dma_start3A_279[%add3A_265, %dma_start3A_280, %dma_start3A_281] : memref<144x1x128xi32, #tpu.memory_space<hbm>> -> memref<1x1x128xi32, #tpu.memory_space<hbm>>
        %dma_start3A_283 = tpu.memref_squeeze %dma_start3A_282 : memref<1x1x128xi32, #tpu.memory_space<hbm>> -> memref<1x128xi32, #tpu.memory_space<hbm>>
        tpu.enqueue_dma source(%dma_start3A_283 : memref<1x128xi32, #tpu.memory_space<hbm>>) target(%arg8 : memref<1x128xi32, #tpu.memory_space<vmem>>) target_semaphore(%arg15 : memref<!tpu.dma_semaphore, #tpu.memory_space<semaphore_mem>>)
      } else {
      }
      %add3A_237 = arith.constant 1 : i32
      %add3A_238 = arith.addi %mul3A_160, %add3A_237 : i32
      %dma_wait3A_239 = arith.constant 0 : i32
      %dma_wait3A_240 = arith.constant 0 : i32
      %dma_wait3A_241 = arith.constant 0 : i32
      %dma_wait3A_242 = tpu.memref_slice %arg4[%add3A, %dma_wait3A_239, %dma_wait3A_240, %dma_wait3A_241] : memref<32x144x1x128xi32, #tpu.memory_space<hbm>> -> memref<1x144x1x128xi32, #tpu.memory_space<hbm>>
      %dma_wait3A_243 = tpu.memref_squeeze %dma_wait3A_242 : memref<1x144x1x128xi32, #tpu.memory_space<hbm>> -> memref<144x1x128xi32, #tpu.memory_space<hbm>>
      %dma_wait3A_244 = arith.constant 0 : i32
      %dma_wait3A_245 = arith.constant 0 : i32
      %dma_wait3A_246 = tpu.memref_slice %dma_wait3A_243[%add3A_238, %dma_wait3A_244, %dma_wait3A_245] : memref<144x1x128xi32, #tpu.memory_space<hbm>> -> memref<1x1x128xi32, #tpu.memory_space<hbm>>
      %dma_wait3A_247 = tpu.memref_squeeze %dma_wait3A_246 : memref<1x1x128xi32, #tpu.memory_space<hbm>> -> memref<1x128xi32, #tpu.memory_space<hbm>>
      %dma_wait3A_248 = arith.constant 0 : i32
      %dma_wait3A_249 = arith.constant 0 : i32
      %dma_wait3A_250 = arith.constant 0 : i32
      %dma_wait3A_251 = tpu.memref_slice %arg4[%add3A, %dma_wait3A_248, %dma_wait3A_249, %dma_wait3A_250] : memref<32x144x1x128xi32, #tpu.memory_space<hbm>> -> memref<1x144x1x128xi32, #tpu.memory_space<hbm>>
      %dma_wait3A_252 = tpu.memref_squeeze %dma_wait3A_251 : memref<1x144x1x128xi32, #tpu.memory_space<hbm>> -> memref<144x1x128xi32, #tpu.memory_space<hbm>>
      %dma_wait3A_253 = arith.constant 0 : i32
      %dma_wait3A_254 = arith.constant 0 : i32
      %dma_wait3A_255 = tpu.memref_slice %dma_wait3A_252[%add3A_238, %dma_wait3A_253, %dma_wait3A_254] : memref<144x1x128xi32, #tpu.memory_space<hbm>> -> memref<1x1x128xi32, #tpu.memory_space<hbm>>
      %dma_wait3A_256 = tpu.memref_squeeze %dma_wait3A_255 : memref<1x1x128xi32, #tpu.memory_space<hbm>> -> memref<1x128xi32, #tpu.memory_space<hbm>>
      tpu.wait_dma2 semaphore(%arg17 : memref<!tpu.dma_semaphore, #tpu.memory_space<semaphore_mem>>) src(%dma_wait3A_256 : memref<1x128xi32, #tpu.memory_space<hbm>>) dst(%arg10 : memref<1x128xi32, #tpu.memory_space<vmem>>)
      %run_scoped3A_257 = arith.constant 0 : i32
      "tpu.region"() ({
        %run_scoped3A_264 = tpu.sem_alloc : memref<!tpu.dma_semaphore, #tpu.memory_space<semaphore_mem>>
        %dma_start3A_265 = arith.constant 0 : i32
        %dma_start3A_266 = tpu.memref_slice %arg10[%run_scoped3A_257, %dma_start3A_265] : memref<1x128xi32, #tpu.memory_space<vmem>> -> memref<1x128xi32, #tpu.memory_space<vmem>>
        %dma_start3A_267 = tpu.memref_squeeze %dma_start3A_266 : memref<1x128xi32, #tpu.memory_space<vmem>> -> memref<128xi32, #tpu.memory_space<vmem>>
        %dma_start3A_268 = arith.constant 0 : i32
        %dma_start3A_269 = arith.constant 0 : i32
        %dma_start3A_270 = tpu.memref_slice %arg13[%dma_start3A_268, %dma_start3A_269] : memref<10008x128xf32, #tpu.memory_space<vmem_shared>> -> memref<10008x128xf32, #tpu.memory_space<vmem_shared>>
        tpu.enqueue_indirect_dma source(%arg12 : memref<128x128xf32, #tpu.memory_space<vmem>>) target(%dma_start3A_270 : memref<10008x128xf32, #tpu.memory_space<vmem_shared>>) offsets(%dma_start3A_267 : memref<128xi32, #tpu.memory_space<vmem>>) semaphore(%run_scoped3A_264 : memref<!tpu.dma_semaphore, #tpu.memory_space<semaphore_mem>>) {add = true}
        %dma_wait3A_271 = arith.constant 0 : i32
        %dma_wait3A_272 = tpu.memref_slice %arg10[%run_scoped3A_257, %dma_wait3A_271] : memref<1x128xi32, #tpu.memory_space<vmem>> -> memref<1x128xi32, #tpu.memory_space<vmem>>
        %dma_wait3A_273 = tpu.memref_squeeze %dma_wait3A_272 : memref<1x128xi32, #tpu.memory_space<vmem>> -> memref<128xi32, #tpu.memory_space<vmem>>
        %dma_wait3A_274 = arith.constant 0 : i32
        %dma_wait3A_275 = arith.constant 0 : i32
        %dma_wait3A_276 = tpu.memref_slice %arg13[%dma_wait3A_274, %dma_wait3A_275] : memref<10008x128xf32, #tpu.memory_space<vmem_shared>> -> memref<10008x128xf32, #tpu.memory_space<vmem_shared>>
        tpu.wait_indirect_dma semaphore(%run_scoped3A_264 : memref<!tpu.dma_semaphore, #tpu.memory_space<semaphore_mem>>) src(%arg12 : memref<128x128xf32, #tpu.memory_space<vmem>>) dst(%dma_wait3A_276 : memref<10008x128xf32, #tpu.memory_space<vmem_shared>>)
        tpu.yield
      }) : () -> ()
      %add3A_258 = arith.constant 3 : i32
      %add3A_259 = arith.addi %mul3A_160, %add3A_258 : i32
      %lt3A_260 = arith.cmpi slt, %add3A_259, %select_n3A : i32
      %convert_element_type3A_261 = arith.extui %lt3A_260 : i1 to i32
      %cond3A_262 = arith.constant 0 : i32
      %cond3A_263 = arith.cmpi ne, %convert_element_type3A_261, %cond3A_262 : i32
      scf.if %cond3A_263 {
        %add3A_264 = arith.constant 3 : i32
        %add3A_265 = arith.addi %mul3A_160, %add3A_264 : i32
        %dma_start3A_266 = arith.constant 0 : i32
        %dma_start3A_267 = arith.constant 0 : i32
        %dma_start3A_268 = arith.constant 0 : i32
        %dma_start3A_269 = tpu.memref_slice %arg4[%add3A, %dma_start3A_266, %dma_start3A_267, %dma_start3A_268] : memref<32x144x1x128xi32, #tpu.memory_space<hbm>> -> memref<1x144x1x128xi32, #tpu.memory_space<hbm>>
        %dma_start3A_270 = tpu.memref_squeeze %dma_start3A_269 : memref<1x144x1x128xi32, #tpu.memory_space<hbm>> -> memref<144x1x128xi32, #tpu.memory_space<hbm>>
        %dma_start3A_271 = arith.constant 0 : i32
        %dma_start3A_272 = arith.constant 0 : i32
        %dma_start3A_273 = tpu.memref_slice %dma_start3A_270[%add3A_265, %dma_start3A_271, %dma_start3A_272] : memref<144x1x128xi32, #tpu.memory_space<hbm>> -> memref<1x1x128xi32, #tpu.memory_space<hbm>>
        %dma_start3A_274 = tpu.memref_squeeze %dma_start3A_273 : memref<1x1x128xi32, #tpu.memory_space<hbm>> -> memref<1x128xi32, #tpu.memory_space<hbm>>
        %dma_start3A_275 = arith.constant 0 : i32
        %dma_start3A_276 = arith.constant 0 : i32
        %dma_start3A_277 = arith.constant 0 : i32
        %dma_start3A_278 = tpu.memref_slice %arg4[%add3A, %dma_start3A_275, %dma_start3A_276, %dma_start3A_277] : memref<32x144x1x128xi32, #tpu.memory_space<hbm>> -> memref<1x144x1x128xi32, #tpu.memory_space<hbm>>
        %dma_start3A_279 = tpu.memref_squeeze %dma_start3A_278 : memref<1x144x1x128xi32, #tpu.memory_space<hbm>> -> memref<144x1x128xi32, #tpu.memory_space<hbm>>
        %dma_start3A_280 = arith.constant 0 : i32
        %dma_start3A_281 = arith.constant 0 : i32
        %dma_start3A_282 = tpu.memref_slice %dma_start3A_279[%add3A_265, %dma_start3A_280, %dma_start3A_281] : memref<144x1x128xi32, #tpu.memory_space<hbm>> -> memref<1x1x128xi32, #tpu.memory_space<hbm>>
        %dma_start3A_283 = tpu.memref_squeeze %dma_start3A_282 : memref<1x1x128xi32, #tpu.memory_space<hbm>> -> memref<1x128xi32, #tpu.memory_space<hbm>>
        tpu.enqueue_dma source(%dma_start3A_283 : memref<1x128xi32, #tpu.memory_space<hbm>>) target(%arg10 : memref<1x128xi32, #tpu.memory_space<vmem>>) target_semaphore(%arg17 : memref<!tpu.dma_semaphore, #tpu.memory_space<semaphore_mem>>)
      } else {
      }
    }
    %while3A_145 = arith.constant 1 : i32
    scf.for %while3A_156 = %while3A_143 to %while3A_139 step %while3A_145  : i32 {
      %mul3A_157 = arith.muli %while3A_156, %while3A : i32
      %add3A_158 = arith.addi %while3A_136, %mul3A_157 : i32
      %mul3A_159 = arith.constant 2 : i32
      %mul3A_160 = arith.muli %mul3A_159, %add3A_158 : i32
      %add3A_161 = arith.constant 1 : i32
      %add3A_162 = arith.addi %mul3A_160, %add3A_161 : i32
      %dma_wait3A_163 = arith.constant 0 : i32
      %dma_wait3A_164 = arith.constant 0 : i32
      %dma_wait3A_165 = arith.constant 0 : i32
      %dma_wait3A_166 = tpu.memref_slice %arg3[%add3A, %dma_wait3A_163, %dma_wait3A_164, %dma_wait3A_165] : memref<32x144x1x128xi32, #tpu.memory_space<hbm>> -> memref<1x144x1x128xi32, #tpu.memory_space<hbm>>
      %dma_wait3A_167 = tpu.memref_squeeze %dma_wait3A_166 : memref<1x144x1x128xi32, #tpu.memory_space<hbm>> -> memref<144x1x128xi32, #tpu.memory_space<hbm>>
      %dma_wait3A_168 = arith.constant 0 : i32
      %dma_wait3A_169 = arith.constant 0 : i32
      %dma_wait3A_170 = tpu.memref_slice %dma_wait3A_167[%add3A_162, %dma_wait3A_168, %dma_wait3A_169] : memref<144x1x128xi32, #tpu.memory_space<hbm>> -> memref<1x1x128xi32, #tpu.memory_space<hbm>>
      %dma_wait3A_171 = tpu.memref_squeeze %dma_wait3A_170 : memref<1x1x128xi32, #tpu.memory_space<hbm>> -> memref<1x128xi32, #tpu.memory_space<hbm>>
      %dma_wait3A_172 = arith.constant 0 : i32
      %dma_wait3A_173 = arith.constant 0 : i32
      %dma_wait3A_174 = arith.constant 0 : i32
      %dma_wait3A_175 = tpu.memref_slice %arg3[%add3A, %dma_wait3A_172, %dma_wait3A_173, %dma_wait3A_174] : memref<32x144x1x128xi32, #tpu.memory_space<hbm>> -> memref<1x144x1x128xi32, #tpu.memory_space<hbm>>
      %dma_wait3A_176 = tpu.memref_squeeze %dma_wait3A_175 : memref<1x144x1x128xi32, #tpu.memory_space<hbm>> -> memref<144x1x128xi32, #tpu.memory_space<hbm>>
      %dma_wait3A_177 = arith.constant 0 : i32
      %dma_wait3A_178 = arith.constant 0 : i32
      %dma_wait3A_179 = tpu.memref_slice %dma_wait3A_176[%add3A_162, %dma_wait3A_177, %dma_wait3A_178] : memref<144x1x128xi32, #tpu.memory_space<hbm>> -> memref<1x1x128xi32, #tpu.memory_space<hbm>>
      %dma_wait3A_180 = tpu.memref_squeeze %dma_wait3A_179 : memref<1x1x128xi32, #tpu.memory_space<hbm>> -> memref<1x128xi32, #tpu.memory_space<hbm>>
      tpu.wait_dma2 semaphore(%arg15 : memref<!tpu.dma_semaphore, #tpu.memory_space<semaphore_mem>>) src(%dma_wait3A_180 : memref<1x128xi32, #tpu.memory_space<hbm>>) dst(%arg8 : memref<1x128xi32, #tpu.memory_space<vmem>>)
      %dma_start3A_181 = arith.constant 0 : i32
      %dma_start3A_182 = arith.constant 0 : i32
      %dma_start3A_183 = tpu.memref_slice %arg8[%dma_start3A_181, %dma_start3A_182] : memref<1x128xi32, #tpu.memory_space<vmem>> -> memref<1x128xi32, #tpu.memory_space<vmem>>
      %dma_start3A_184 = tpu.memref_squeeze %dma_start3A_183 : memref<1x128xi32, #tpu.memory_space<vmem>> -> memref<128xi32, #tpu.memory_space<vmem>>
      %dma_start3A_185 = arith.constant 0 : i32
      %dma_start3A_186 = arith.constant 0 : i32
      %dma_start3A_187 = tpu.memref_slice %arg2[%dma_start3A_185, %dma_start3A_186] : memref<10008x128xf32, #tpu.memory_space<hbm>> -> memref<10008x128xf32, #tpu.memory_space<hbm>>
      tpu.enqueue_indirect_dma source(%dma_start3A_187 : memref<10008x128xf32, #tpu.memory_space<hbm>>) target(%arg12 : memref<128x128xf32, #tpu.memory_space<vmem>>) offsets(%dma_start3A_184 : memref<128xi32, #tpu.memory_space<vmem>>) semaphore(%arg19 : memref<!tpu.dma_semaphore, #tpu.memory_space<semaphore_mem>>)
      %dma_wait3A_188 = arith.constant 0 : i32
      %dma_wait3A_189 = arith.constant 0 : i32
      %dma_wait3A_190 = tpu.memref_slice %arg7[%dma_wait3A_188, %dma_wait3A_189] : memref<1x128xi32, #tpu.memory_space<vmem>> -> memref<1x128xi32, #tpu.memory_space<vmem>>
      %dma_wait3A_191 = tpu.memref_squeeze %dma_wait3A_190 : memref<1x128xi32, #tpu.memory_space<vmem>> -> memref<128xi32, #tpu.memory_space<vmem>>
      %dma_wait3A_192 = arith.constant 0 : i32
      %dma_wait3A_193 = arith.constant 0 : i32
      %dma_wait3A_194 = tpu.memref_slice %arg2[%dma_wait3A_192, %dma_wait3A_193] : memref<10008x128xf32, #tpu.memory_space<hbm>> -> memref<10008x128xf32, #tpu.memory_space<hbm>>
      tpu.wait_indirect_dma semaphore(%arg18 : memref<!tpu.dma_semaphore, #tpu.memory_space<semaphore_mem>>) src(%dma_wait3A_194 : memref<10008x128xf32, #tpu.memory_space<hbm>>) dst(%arg11 : memref<128x128xf32, #tpu.memory_space<vmem>>)
      %add3A_195 = arith.constant 2 : i32
      %add3A_196 = arith.addi %mul3A_160, %add3A_195 : i32
      %lt3A = arith.cmpi slt, %add3A_196, %select_n3A : i32
      %convert_element_type3A_197 = arith.extui %lt3A : i1 to i32
      %cond3A_198 = arith.constant 0 : i32
      %cond3A_199 = arith.cmpi ne, %convert_element_type3A_197, %cond3A_198 : i32
      scf.if %cond3A_199 {
        %add3A_264 = arith.constant 2 : i32
        %add3A_265 = arith.addi %mul3A_160, %add3A_264 : i32
        %dma_start3A_266 = arith.constant 0 : i32
        %dma_start3A_267 = arith.constant 0 : i32
        %dma_start3A_268 = arith.constant 0 : i32
        %dma_start3A_269 = tpu.memref_slice %arg3[%add3A, %dma_start3A_266, %dma_start3A_267, %dma_start3A_268] : memref<32x144x1x128xi32, #tpu.memory_space<hbm>> -> memref<1x144x1x128xi32, #tpu.memory_space<hbm>>
        %dma_start3A_270 = tpu.memref_squeeze %dma_start3A_269 : memref<1x144x1x128xi32, #tpu.memory_space<hbm>> -> memref<144x1x128xi32, #tpu.memory_space<hbm>>
        %dma_start3A_271 = arith.constant 0 : i32
        %dma_start3A_272 = arith.constant 0 : i32
        %dma_start3A_273 = tpu.memref_slice %dma_start3A_270[%add3A_265, %dma_start3A_271, %dma_start3A_272] : memref<144x1x128xi32, #tpu.memory_space<hbm>> -> memref<1x1x128xi32, #tpu.memory_space<hbm>>
        %dma_start3A_274 = tpu.memref_squeeze %dma_start3A_273 : memref<1x1x128xi32, #tpu.memory_space<hbm>> -> memref<1x128xi32, #tpu.memory_space<hbm>>
        %dma_start3A_275 = arith.constant 0 : i32
        %dma_start3A_276 = arith.constant 0 : i32
        %dma_start3A_277 = arith.constant 0 : i32
        %dma_start3A_278 = tpu.memref_slice %arg3[%add3A, %dma_start3A_275, %dma_start3A_276, %dma_start3A_277] : memref<32x144x1x128xi32, #tpu.memory_space<hbm>> -> memref<1x144x1x128xi32, #tpu.memory_space<hbm>>
        %dma_start3A_279 = tpu.memref_squeeze %dma_start3A_278 : memref<1x144x1x128xi32, #tpu.memory_space<hbm>> -> memref<144x1x128xi32, #tpu.memory_space<hbm>>
        %dma_start3A_280 = arith.constant 0 : i32
        %dma_start3A_281 = arith.constant 0 : i32
        %dma_start3A_282 = tpu.memref_slice %dma_start3A_279[%add3A_265, %dma_start3A_280, %dma_start3A_281] : memref<144x1x128xi32, #tpu.memory_space<hbm>> -> memref<1x1x128xi32, #tpu.memory_space<hbm>>
        %dma_start3A_283 = tpu.memref_squeeze %dma_start3A_282 : memref<1x1x128xi32, #tpu.memory_space<hbm>> -> memref<1x128xi32, #tpu.memory_space<hbm>>
        tpu.enqueue_dma source(%dma_start3A_283 : memref<1x128xi32, #tpu.memory_space<hbm>>) target(%arg7 : memref<1x128xi32, #tpu.memory_space<vmem>>) target_semaphore(%arg14 : memref<!tpu.dma_semaphore, #tpu.memory_space<semaphore_mem>>)
      } else {
      }
      %dma_wait3A_200 = arith.constant 0 : i32
      %dma_wait3A_201 = arith.constant 0 : i32
      %dma_wait3A_202 = arith.constant 0 : i32
      %dma_wait3A_203 = tpu.memref_slice %arg4[%add3A, %dma_wait3A_200, %dma_wait3A_201, %dma_wait3A_202] : memref<32x144x1x128xi32, #tpu.memory_space<hbm>> -> memref<1x144x1x128xi32, #tpu.memory_space<hbm>>
      %dma_wait3A_204 = tpu.memref_squeeze %dma_wait3A_203 : memref<1x144x1x128xi32, #tpu.memory_space<hbm>> -> memref<144x1x128xi32, #tpu.memory_space<hbm>>
      %dma_wait3A_205 = arith.constant 0 : i32
      %dma_wait3A_206 = arith.constant 0 : i32
      %dma_wait3A_207 = tpu.memref_slice %dma_wait3A_204[%mul3A_160, %dma_wait3A_205, %dma_wait3A_206] : memref<144x1x128xi32, #tpu.memory_space<hbm>> -> memref<1x1x128xi32, #tpu.memory_space<hbm>>
      %dma_wait3A_208 = tpu.memref_squeeze %dma_wait3A_207 : memref<1x1x128xi32, #tpu.memory_space<hbm>> -> memref<1x128xi32, #tpu.memory_space<hbm>>
      %dma_wait3A_209 = arith.constant 0 : i32
      %dma_wait3A_210 = arith.constant 0 : i32
      %dma_wait3A_211 = arith.constant 0 : i32
      %dma_wait3A_212 = tpu.memref_slice %arg4[%add3A, %dma_wait3A_209, %dma_wait3A_210, %dma_wait3A_211] : memref<32x144x1x128xi32, #tpu.memory_space<hbm>> -> memref<1x144x1x128xi32, #tpu.memory_space<hbm>>
      %dma_wait3A_213 = tpu.memref_squeeze %dma_wait3A_212 : memref<1x144x1x128xi32, #tpu.memory_space<hbm>> -> memref<144x1x128xi32, #tpu.memory_space<hbm>>
      %dma_wait3A_214 = arith.constant 0 : i32
      %dma_wait3A_215 = arith.constant 0 : i32
      %dma_wait3A_216 = tpu.memref_slice %dma_wait3A_213[%mul3A_160, %dma_wait3A_214, %dma_wait3A_215] : memref<144x1x128xi32, #tpu.memory_space<hbm>> -> memref<1x1x128xi32, #tpu.memory_space<hbm>>
      %dma_wait3A_217 = tpu.memref_squeeze %dma_wait3A_216 : memref<1x1x128xi32, #tpu.memory_space<hbm>> -> memref<1x128xi32, #tpu.memory_space<hbm>>
      tpu.wait_dma2 semaphore(%arg16 : memref<!tpu.dma_semaphore, #tpu.memory_space<semaphore_mem>>) src(%dma_wait3A_217 : memref<1x128xi32, #tpu.memory_space<hbm>>) dst(%arg9 : memref<1x128xi32, #tpu.memory_space<vmem>>)
      %run_scoped3A = arith.constant 0 : i32
      "tpu.region"() ({
        %run_scoped3A_264 = tpu.sem_alloc : memref<!tpu.dma_semaphore, #tpu.memory_space<semaphore_mem>>
        %dma_start3A_265 = arith.constant 0 : i32
        %dma_start3A_266 = tpu.memref_slice %arg9[%run_scoped3A, %dma_start3A_265] : memref<1x128xi32, #tpu.memory_space<vmem>> -> memref<1x128xi32, #tpu.memory_space<vmem>>
        %dma_start3A_267 = tpu.memref_squeeze %dma_start3A_266 : memref<1x128xi32, #tpu.memory_space<vmem>> -> memref<128xi32, #tpu.memory_space<vmem>>
        %dma_start3A_268 = arith.constant 0 : i32
        %dma_start3A_269 = arith.constant 0 : i32
        %dma_start3A_270 = tpu.memref_slice %arg13[%dma_start3A_268, %dma_start3A_269] : memref<10008x128xf32, #tpu.memory_space<vmem_shared>> -> memref<10008x128xf32, #tpu.memory_space<vmem_shared>>
        tpu.enqueue_indirect_dma source(%arg11 : memref<128x128xf32, #tpu.memory_space<vmem>>) target(%dma_start3A_270 : memref<10008x128xf32, #tpu.memory_space<vmem_shared>>) offsets(%dma_start3A_267 : memref<128xi32, #tpu.memory_space<vmem>>) semaphore(%run_scoped3A_264 : memref<!tpu.dma_semaphore, #tpu.memory_space<semaphore_mem>>) {add = true}
        %dma_wait3A_271 = arith.constant 0 : i32
        %dma_wait3A_272 = tpu.memref_slice %arg9[%run_scoped3A, %dma_wait3A_271] : memref<1x128xi32, #tpu.memory_space<vmem>> -> memref<1x128xi32, #tpu.memory_space<vmem>>
        %dma_wait3A_273 = tpu.memref_squeeze %dma_wait3A_272 : memref<1x128xi32, #tpu.memory_space<vmem>> -> memref<128xi32, #tpu.memory_space<vmem>>
        %dma_wait3A_274 = arith.constant 0 : i32
        %dma_wait3A_275 = arith.constant 0 : i32
        %dma_wait3A_276 = tpu.memref_slice %arg13[%dma_wait3A_274, %dma_wait3A_275] : memref<10008x128xf32, #tpu.memory_space<vmem_shared>> -> memref<10008x128xf32, #tpu.memory_space<vmem_shared>>
        tpu.wait_indirect_dma semaphore(%run_scoped3A_264 : memref<!tpu.dma_semaphore, #tpu.memory_space<semaphore_mem>>) src(%arg11 : memref<128x128xf32, #tpu.memory_space<vmem>>) dst(%dma_wait3A_276 : memref<10008x128xf32, #tpu.memory_space<vmem_shared>>)
        tpu.yield
      }) : () -> ()
      %add3A_218 = arith.constant 2 : i32
      %add3A_219 = arith.addi %mul3A_160, %add3A_218 : i32
      %lt3A_220 = arith.cmpi slt, %add3A_219, %select_n3A : i32
      %convert_element_type3A_221 = arith.extui %lt3A_220 : i1 to i32
      %cond3A_222 = arith.constant 0 : i32
      %cond3A_223 = arith.cmpi ne, %convert_element_type3A_221, %cond3A_222 : i32
      scf.if %cond3A_223 {
        %add3A_264 = arith.constant 2 : i32
        %add3A_265 = arith.addi %mul3A_160, %add3A_264 : i32
        %dma_start3A_266 = arith.constant 0 : i32
        %dma_start3A_267 = arith.constant 0 : i32
        %dma_start3A_268 = arith.constant 0 : i32
        %dma_start3A_269 = tpu.memref_slice %arg4[%add3A, %dma_start3A_266, %dma_start3A_267, %dma_start3A_268] : memref<32x144x1x128xi32, #tpu.memory_space<hbm>> -> memref<1x144x1x128xi32, #tpu.memory_space<hbm>>
        %dma_start3A_270 = tpu.memref_squeeze %dma_start3A_269 : memref<1x144x1x128xi32, #tpu.memory_space<hbm>> -> memref<144x1x128xi32, #tpu.memory_space<hbm>>
        %dma_start3A_271 = arith.constant 0 : i32
        %dma_start3A_272 = arith.constant 0 : i32
        %dma_start3A_273 = tpu.memref_slice %dma_start3A_270[%add3A_265, %dma_start3A_271, %dma_start3A_272] : memref<144x1x128xi32, #tpu.memory_space<hbm>> -> memref<1x1x128xi32, #tpu.memory_space<hbm>>
        %dma_start3A_274 = tpu.memref_squeeze %dma_start3A_273 : memref<1x1x128xi32, #tpu.memory_space<hbm>> -> memref<1x128xi32, #tpu.memory_space<hbm>>
        %dma_start3A_275 = arith.constant 0 : i32
        %dma_start3A_276 = arith.constant 0 : i32
        %dma_start3A_277 = arith.constant 0 : i32
        %dma_start3A_278 = tpu.memref_slice %arg4[%add3A, %dma_start3A_275, %dma_start3A_276, %dma_start3A_277] : memref<32x144x1x128xi32, #tpu.memory_space<hbm>> -> memref<1x144x1x128xi32, #tpu.memory_space<hbm>>
        %dma_start3A_279 = tpu.memref_squeeze %dma_start3A_278 : memref<1x144x1x128xi32, #tpu.memory_space<hbm>> -> memref<144x1x128xi32, #tpu.memory_space<hbm>>
        %dma_start3A_280 = arith.constant 0 : i32
        %dma_start3A_281 = arith.constant 0 : i32
        %dma_start3A_282 = tpu.memref_slice %dma_start3A_279[%add3A_265, %dma_start3A_280, %dma_start3A_281] : memref<144x1x128xi32, #tpu.memory_space<hbm>> -> memref<1x1x128xi32, #tpu.memory_space<hbm>>
        %dma_start3A_283 = tpu.memref_squeeze %dma_start3A_282 : memref<1x1x128xi32, #tpu.memory_space<hbm>> -> memref<1x128xi32, #tpu.memory_space<hbm>>
        tpu.enqueue_dma source(%dma_start3A_283 : memref<1x128xi32, #tpu.memory_space<hbm>>) target(%arg9 : memref<1x128xi32, #tpu.memory_space<vmem>>) target_semaphore(%arg16 : memref<!tpu.dma_semaphore, #tpu.memory_space<semaphore_mem>>)
        %add3A_284 = arith.constant 2 : i32
        %add3A_285 = arith.addi %mul3A_160, %add3A_284 : i32
        %dma_wait3A_286 = arith.constant 0 : i32
        %dma_wait3A_287 = arith.constant 0 : i32
        %dma_wait3A_288 = arith.constant 0 : i32
        %dma_wait3A_289 = tpu.memref_slice %arg3[%add3A, %dma_wait3A_286, %dma_wait3A_287, %dma_wait3A_288] : memref<32x144x1x128xi32, #tpu.memory_space<hbm>> -> memref<1x144x1x128xi32, #tpu.memory_space<hbm>>
        %dma_wait3A_290 = tpu.memref_squeeze %dma_wait3A_289 : memref<1x144x1x128xi32, #tpu.memory_space<hbm>> -> memref<144x1x128xi32, #tpu.memory_space<hbm>>
        %dma_wait3A_291 = arith.constant 0 : i32
        %dma_wait3A_292 = arith.constant 0 : i32
        %dma_wait3A_293 = tpu.memref_slice %dma_wait3A_290[%add3A_285, %dma_wait3A_291, %dma_wait3A_292] : memref<144x1x128xi32, #tpu.memory_space<hbm>> -> memref<1x1x128xi32, #tpu.memory_space<hbm>>
        %dma_wait3A_294 = tpu.memref_squeeze %dma_wait3A_293 : memref<1x1x128xi32, #tpu.memory_space<hbm>> -> memref<1x128xi32, #tpu.memory_space<hbm>>
        %dma_wait3A_295 = arith.constant 0 : i32
        %dma_wait3A_296 = arith.constant 0 : i32
        %dma_wait3A_297 = arith.constant 0 : i32
        %dma_wait3A_298 = tpu.memref_slice %arg3[%add3A, %dma_wait3A_295, %dma_wait3A_296, %dma_wait3A_297] : memref<32x144x1x128xi32, #tpu.memory_space<hbm>> -> memref<1x144x1x128xi32, #tpu.memory_space<hbm>>
        %dma_wait3A_299 = tpu.memref_squeeze %dma_wait3A_298 : memref<1x144x1x128xi32, #tpu.memory_space<hbm>> -> memref<144x1x128xi32, #tpu.memory_space<hbm>>
        %dma_wait3A_300 = arith.constant 0 : i32
        %dma_wait3A_301 = arith.constant 0 : i32
        %dma_wait3A_302 = tpu.memref_slice %dma_wait3A_299[%add3A_285, %dma_wait3A_300, %dma_wait3A_301] : memref<144x1x128xi32, #tpu.memory_space<hbm>> -> memref<1x1x128xi32, #tpu.memory_space<hbm>>
        %dma_wait3A_303 = tpu.memref_squeeze %dma_wait3A_302 : memref<1x1x128xi32, #tpu.memory_space<hbm>> -> memref<1x128xi32, #tpu.memory_space<hbm>>
        tpu.wait_dma2 semaphore(%arg14 : memref<!tpu.dma_semaphore, #tpu.memory_space<semaphore_mem>>) src(%dma_wait3A_303 : memref<1x128xi32, #tpu.memory_space<hbm>>) dst(%arg7 : memref<1x128xi32, #tpu.memory_space<vmem>>)
        %dma_start3A_304 = arith.constant 0 : i32
        %dma_start3A_305 = arith.constant 0 : i32
        %dma_start3A_306 = tpu.memref_slice %arg7[%dma_start3A_304, %dma_start3A_305] : memref<1x128xi32, #tpu.memory_space<vmem>> -> memref<1x128xi32, #tpu.memory_space<vmem>>
        %dma_start3A_307 = tpu.memref_squeeze %dma_start3A_306 : memref<1x128xi32, #tpu.memory_space<vmem>> -> memref<128xi32, #tpu.memory_space<vmem>>
        %dma_start3A_308 = arith.constant 0 : i32
        %dma_start3A_309 = arith.constant 0 : i32
        %dma_start3A_310 = tpu.memref_slice %arg2[%dma_start3A_308, %dma_start3A_309] : memref<10008x128xf32, #tpu.memory_space<hbm>> -> memref<10008x128xf32, #tpu.memory_space<hbm>>
        tpu.enqueue_indirect_dma source(%dma_start3A_310 : memref<10008x128xf32, #tpu.memory_space<hbm>>) target(%arg11 : memref<128x128xf32, #tpu.memory_space<vmem>>) offsets(%dma_start3A_307 : memref<128xi32, #tpu.memory_space<vmem>>) semaphore(%arg18 : memref<!tpu.dma_semaphore, #tpu.memory_space<semaphore_mem>>)
      } else {
      }
      %dma_wait3A_224 = arith.constant 0 : i32
      %dma_wait3A_225 = arith.constant 0 : i32
      %dma_wait3A_226 = tpu.memref_slice %arg8[%dma_wait3A_224, %dma_wait3A_225] : memref<1x128xi32, #tpu.memory_space<vmem>> -> memref<1x128xi32, #tpu.memory_space<vmem>>
      %dma_wait3A_227 = tpu.memref_squeeze %dma_wait3A_226 : memref<1x128xi32, #tpu.memory_space<vmem>> -> memref<128xi32, #tpu.memory_space<vmem>>
      %dma_wait3A_228 = arith.constant 0 : i32
      %dma_wait3A_229 = arith.constant 0 : i32
      %dma_wait3A_230 = tpu.memref_slice %arg2[%dma_wait3A_228, %dma_wait3A_229] : memref<10008x128xf32, #tpu.memory_space<hbm>> -> memref<10008x128xf32, #tpu.memory_space<hbm>>
      tpu.wait_indirect_dma semaphore(%arg19 : memref<!tpu.dma_semaphore, #tpu.memory_space<semaphore_mem>>) src(%dma_wait3A_230 : memref<10008x128xf32, #tpu.memory_space<hbm>>) dst(%arg12 : memref<128x128xf32, #tpu.memory_space<vmem>>)
      %add3A_231 = arith.constant 3 : i32
      %add3A_232 = arith.addi %mul3A_160, %add3A_231 : i32
      %lt3A_233 = arith.cmpi slt, %add3A_232, %select_n3A : i32
      %convert_element_type3A_234 = arith.extui %lt3A_233 : i1 to i32
      %cond3A_235 = arith.constant 0 : i32
      %cond3A_236 = arith.cmpi ne, %convert_element_type3A_234, %cond3A_235 : i32
      scf.if %cond3A_236 {
        %add3A_264 = arith.constant 3 : i32
        %add3A_265 = arith.addi %mul3A_160, %add3A_264 : i32
        %dma_start3A_266 = arith.constant 0 : i32
        %dma_start3A_267 = arith.constant 0 : i32
        %dma_start3A_268 = arith.constant 0 : i32
        %dma_start3A_269 = tpu.memref_slice %arg3[%add3A, %dma_start3A_266, %dma_start3A_267, %dma_start3A_268] : memref<32x144x1x128xi32, #tpu.memory_space<hbm>> -> memref<1x144x1x128xi32, #tpu.memory_space<hbm>>
        %dma_start3A_270 = tpu.memref_squeeze %dma_start3A_269 : memref<1x144x1x128xi32, #tpu.memory_space<hbm>> -> memref<144x1x128xi32, #tpu.memory_space<hbm>>
        %dma_start3A_271 = arith.constant 0 : i32
        %dma_start3A_272 = arith.constant 0 : i32
        %dma_start3A_273 = tpu.memref_slice %dma_start3A_270[%add3A_265, %dma_start3A_271, %dma_start3A_272] : memref<144x1x128xi32, #tpu.memory_space<hbm>> -> memref<1x1x128xi32, #tpu.memory_space<hbm>>
        %dma_start3A_274 = tpu.memref_squeeze %dma_start3A_273 : memref<1x1x128xi32, #tpu.memory_space<hbm>> -> memref<1x128xi32, #tpu.memory_space<hbm>>
        %dma_start3A_275 = arith.constant 0 : i32
        %dma_start3A_276 = arith.constant 0 : i32
        %dma_start3A_277 = arith.constant 0 : i32
        %dma_start3A_278 = tpu.memref_slice %arg3[%add3A, %dma_start3A_275, %dma_start3A_276, %dma_start3A_277] : memref<32x144x1x128xi32, #tpu.memory_space<hbm>> -> memref<1x144x1x128xi32, #tpu.memory_space<hbm>>
        %dma_start3A_279 = tpu.memref_squeeze %dma_start3A_278 : memref<1x144x1x128xi32, #tpu.memory_space<hbm>> -> memref<144x1x128xi32, #tpu.memory_space<hbm>>
        %dma_start3A_280 = arith.constant 0 : i32
        %dma_start3A_281 = arith.constant 0 : i32
        %dma_start3A_282 = tpu.memref_slice %dma_start3A_279[%add3A_265, %dma_start3A_280, %dma_start3A_281] : memref<144x1x128xi32, #tpu.memory_space<hbm>> -> memref<1x1x128xi32, #tpu.memory_space<hbm>>
        %dma_start3A_283 = tpu.memref_squeeze %dma_start3A_282 : memref<1x1x128xi32, #tpu.memory_space<hbm>> -> memref<1x128xi32, #tpu.memory_space<hbm>>
        tpu.enqueue_dma source(%dma_start3A_283 : memref<1x128xi32, #tpu.memory_space<hbm>>) target(%arg8 : memref<1x128xi32, #tpu.memory_space<vmem>>) target_semaphore(%arg15 : memref<!tpu.dma_semaphore, #tpu.memory_space<semaphore_mem>>)
      } else {
      }
      %add3A_237 = arith.constant 1 : i32
      %add3A_238 = arith.addi %mul3A_160, %add3A_237 : i32
      %dma_wait3A_239 = arith.constant 0 : i32
      %dma_wait3A_240 = arith.constant 0 : i32
      %dma_wait3A_241 = arith.constant 0 : i32
      %dma_wait3A_242 = tpu.memref_slice %arg4[%add3A, %dma_wait3A_239, %dma_wait3A_240, %dma_wait3A_241] : memref<32x144x1x128xi32, #tpu.memory_space<hbm>> -> memref<1x144x1x128xi32, #tpu.memory_space<hbm>>
      %dma_wait3A_243 = tpu.memref_squeeze %dma_wait3A_242 : memref<1x144x1x128xi32, #tpu.memory_space<hbm>> -> memref<144x1x128xi32, #tpu.memory_space<hbm>>
      %dma_wait3A_244 = arith.constant 0 : i32
      %dma_wait3A_245 = arith.constant 0 : i32
      %dma_wait3A_246 = tpu.memref_slice %dma_wait3A_243[%add3A_238, %dma_wait3A_244, %dma_wait3A_245] : memref<144x1x128xi32, #tpu.memory_space<hbm>> -> memref<1x1x128xi32, #tpu.memory_space<hbm>>
      %dma_wait3A_247 = tpu.memref_squeeze %dma_wait3A_246 : memref<1x1x128xi32, #tpu.memory_space<hbm>> -> memref<1x128xi32, #tpu.memory_space<hbm>>
      %dma_wait3A_248 = arith.constant 0 : i32
      %dma_wait3A_249 = arith.constant 0 : i32
      %dma_wait3A_250 = arith.constant 0 : i32
      %dma_wait3A_251 = tpu.memref_slice %arg4[%add3A, %dma_wait3A_248, %dma_wait3A_249, %dma_wait3A_250] : memref<32x144x1x128xi32, #tpu.memory_space<hbm>> -> memref<1x144x1x128xi32, #tpu.memory_space<hbm>>
      %dma_wait3A_252 = tpu.memref_squeeze %dma_wait3A_251 : memref<1x144x1x128xi32, #tpu.memory_space<hbm>> -> memref<144x1x128xi32, #tpu.memory_space<hbm>>
      %dma_wait3A_253 = arith.constant 0 : i32
      %dma_wait3A_254 = arith.constant 0 : i32
      %dma_wait3A_255 = tpu.memref_slice %dma_wait3A_252[%add3A_238, %dma_wait3A_253, %dma_wait3A_254] : memref<144x1x128xi32, #tpu.memory_space<hbm>> -> memref<1x1x128xi32, #tpu.memory_space<hbm>>
      %dma_wait3A_256 = tpu.memref_squeeze %dma_wait3A_255 : memref<1x1x128xi32, #tpu.memory_space<hbm>> -> memref<1x128xi32, #tpu.memory_space<hbm>>
      tpu.wait_dma2 semaphore(%arg17 : memref<!tpu.dma_semaphore, #tpu.memory_space<semaphore_mem>>) src(%dma_wait3A_256 : memref<1x128xi32, #tpu.memory_space<hbm>>) dst(%arg10 : memref<1x128xi32, #tpu.memory_space<vmem>>)
      %run_scoped3A_257 = arith.constant 0 : i32
      "tpu.region"() ({
        %run_scoped3A_264 = tpu.sem_alloc : memref<!tpu.dma_semaphore, #tpu.memory_space<semaphore_mem>>
        %dma_start3A_265 = arith.constant 0 : i32
        %dma_start3A_266 = tpu.memref_slice %arg10[%run_scoped3A_257, %dma_start3A_265] : memref<1x128xi32, #tpu.memory_space<vmem>> -> memref<1x128xi32, #tpu.memory_space<vmem>>
        %dma_start3A_267 = tpu.memref_squeeze %dma_start3A_266 : memref<1x128xi32, #tpu.memory_space<vmem>> -> memref<128xi32, #tpu.memory_space<vmem>>
        %dma_start3A_268 = arith.constant 0 : i32
        %dma_start3A_269 = arith.constant 0 : i32
        %dma_start3A_270 = tpu.memref_slice %arg13[%dma_start3A_268, %dma_start3A_269] : memref<10008x128xf32, #tpu.memory_space<vmem_shared>> -> memref<10008x128xf32, #tpu.memory_space<vmem_shared>>
        tpu.enqueue_indirect_dma source(%arg12 : memref<128x128xf32, #tpu.memory_space<vmem>>) target(%dma_start3A_270 : memref<10008x128xf32, #tpu.memory_space<vmem_shared>>) offsets(%dma_start3A_267 : memref<128xi32, #tpu.memory_space<vmem>>) semaphore(%run_scoped3A_264 : memref<!tpu.dma_semaphore, #tpu.memory_space<semaphore_mem>>) {add = true}
        %dma_wait3A_271 = arith.constant 0 : i32
        %dma_wait3A_272 = tpu.memref_slice %arg10[%run_scoped3A_257, %dma_wait3A_271] : memref<1x128xi32, #tpu.memory_space<vmem>> -> memref<1x128xi32, #tpu.memory_space<vmem>>
        %dma_wait3A_273 = tpu.memref_squeeze %dma_wait3A_272 : memref<1x128xi32, #tpu.memory_space<vmem>> -> memref<128xi32, #tpu.memory_space<vmem>>
        %dma_wait3A_274 = arith.constant 0 : i32
        %dma_wait3A_275 = arith.constant 0 : i32
        %dma_wait3A_276 = tpu.memref_slice %arg13[%dma_wait3A_274, %dma_wait3A_275] : memref<10008x128xf32, #tpu.memory_space<vmem_shared>> -> memref<10008x128xf32, #tpu.memory_space<vmem_shared>>
        tpu.wait_indirect_dma semaphore(%run_scoped3A_264 : memref<!tpu.dma_semaphore, #tpu.memory_space<semaphore_mem>>) src(%arg12 : memref<128x128xf32, #tpu.memory_space<vmem>>) dst(%dma_wait3A_276 : memref<10008x128xf32, #tpu.memory_space<vmem_shared>>)
        tpu.yield
      }) : () -> ()
      %add3A_258 = arith.constant 3 : i32
      %add3A_259 = arith.addi %mul3A_160, %add3A_258 : i32
      %lt3A_260 = arith.cmpi slt, %add3A_259, %select_n3A : i32
      %convert_element_type3A_261 = arith.extui %lt3A_260 : i1 to i32
      %cond3A_262 = arith.constant 0 : i32
      %cond3A_263 = arith.cmpi ne, %convert_element_type3A_261, %cond3A_262 : i32
      scf.if %cond3A_263 {
        %add3A_264 = arith.constant 3 : i32
        %add3A_265 = arith.addi %mul3A_160, %add3A_264 : i32
        %dma_start3A_266 = arith.constant 0 : i32
        %dma_start3A_267 = arith.constant 0 : i32
        %dma_start3A_268 = arith.constant 0 : i32
        %dma_start3A_269 = tpu.memref_slice %arg4[%add3A, %dma_start3A_266, %dma_start3A_267, %dma_start3A_268] : memref<32x144x1x128xi32, #tpu.memory_space<hbm>> -> memref<1x144x1x128xi32, #tpu.memory_space<hbm>>
        %dma_start3A_270 = tpu.memref_squeeze %dma_start3A_269 : memref<1x144x1x128xi32, #tpu.memory_space<hbm>> -> memref<144x1x128xi32, #tpu.memory_space<hbm>>
        %dma_start3A_271 = arith.constant 0 : i32
        %dma_start3A_272 = arith.constant 0 : i32
        %dma_start3A_273 = tpu.memref_slice %dma_start3A_270[%add3A_265, %dma_start3A_271, %dma_start3A_272] : memref<144x1x128xi32, #tpu.memory_space<hbm>> -> memref<1x1x128xi32, #tpu.memory_space<hbm>>
        %dma_start3A_274 = tpu.memref_squeeze %dma_start3A_273 : memref<1x1x128xi32, #tpu.memory_space<hbm>> -> memref<1x128xi32, #tpu.memory_space<hbm>>
        %dma_start3A_275 = arith.constant 0 : i32
        %dma_start3A_276 = arith.constant 0 : i32
        %dma_start3A_277 = arith.constant 0 : i32
        %dma_start3A_278 = tpu.memref_slice %arg4[%add3A, %dma_start3A_275, %dma_start3A_276, %dma_start3A_277] : memref<32x144x1x128xi32, #tpu.memory_space<hbm>> -> memref<1x144x1x128xi32, #tpu.memory_space<hbm>>
        %dma_start3A_279 = tpu.memref_squeeze %dma_start3A_278 : memref<1x144x1x128xi32, #tpu.memory_space<hbm>> -> memref<144x1x128xi32, #tpu.memory_space<hbm>>
        %dma_start3A_280 = arith.constant 0 : i32
        %dma_start3A_281 = arith.constant 0 : i32
        %dma_start3A_282 = tpu.memref_slice %dma_start3A_279[%add3A_265, %dma_start3A_280, %dma_start3A_281] : memref<144x1x128xi32, #tpu.memory_space<hbm>> -> memref<1x1x128xi32, #tpu.memory_space<hbm>>
        %dma_start3A_283 = tpu.memref_squeeze %dma_start3A_282 : memref<1x1x128xi32, #tpu.memory_space<hbm>> -> memref<1x128xi32, #tpu.memory_space<hbm>>
        tpu.enqueue_dma source(%dma_start3A_283 : memref<1x128xi32, #tpu.memory_space<hbm>>) target(%arg10 : memref<1x128xi32, #tpu.memory_space<vmem>>) target_semaphore(%arg17 : memref<!tpu.dma_semaphore, #tpu.memory_space<semaphore_mem>>)
      } else {
      }
    }
    %barrier3A_146 = arith.constant 0 : index
    tpu.barrier barrier_id(%barrier3A_146)
    %mul3A_147 = arith.constant 624 : i32
    %mul3A_148 = arith.muli %arg1, %mul3A_147 : i32
    %mul3A_149 = arith.constant 624 : i32
    %mul3A_150 = arith.muli %arg1, %mul3A_149 : i32
    "tpu.region"() ({
      %run_scoped3A = tpu.sem_alloc : memref<!tpu.dma_semaphore, #tpu.memory_space<semaphore_mem>>
      %dma_start3A_156 = arith.constant 0 : i32
      %dma_start3A_157 = arith.constant 0 : i32
      %dma_start3A_158 = tpu.memref_slice %arg6[%arg0, %dma_start3A_156, %dma_start3A_157] : memref<2x10000x128xf32, #tpu.memory_space<hbm>> -> memref<1x10000x128xf32, #tpu.memory_space<hbm>>
      %dma_start3A_159 = tpu.memref_squeeze %dma_start3A_158 : memref<1x10000x128xf32, #tpu.memory_space<hbm>> -> memref<10000x128xf32, #tpu.memory_space<hbm>>
      %dma_start3A_160 = arith.constant 0 : i32
      %dma_start3A_161 = tpu.memref_slice %dma_start3A_159[%mul3A_150, %dma_start3A_160] : memref<10000x128xf32, #tpu.memory_space<hbm>> -> memref<624x128xf32, #tpu.memory_space<hbm>>
      %dma_start3A_162 = arith.constant 0 : i32
      %dma_start3A_163 = tpu.memref_slice %arg13[%mul3A_148, %dma_start3A_162] : memref<10008x128xf32, #tpu.memory_space<vmem_shared>> -> memref<624x128xf32, #tpu.memory_space<vmem_shared>>
      tpu.enqueue_dma source(%dma_start3A_163 : memref<624x128xf32, #tpu.memory_space<vmem_shared>>) target(%dma_start3A_161 : memref<624x128xf32, #tpu.memory_space<hbm>>) target_semaphore(%run_scoped3A : memref<!tpu.dma_semaphore, #tpu.memory_space<semaphore_mem>>)
      %dma_wait3A_164 = arith.constant 0 : i32
      %dma_wait3A_165 = arith.constant 0 : i32
      %dma_wait3A_166 = tpu.memref_slice %arg6[%arg0, %dma_wait3A_164, %dma_wait3A_165] : memref<2x10000x128xf32, #tpu.memory_space<hbm>> -> memref<1x10000x128xf32, #tpu.memory_space<hbm>>
      %dma_wait3A_167 = tpu.memref_squeeze %dma_wait3A_166 : memref<1x10000x128xf32, #tpu.memory_space<hbm>> -> memref<10000x128xf32, #tpu.memory_space<hbm>>
      %dma_wait3A_168 = arith.constant 0 : i32
      %dma_wait3A_169 = tpu.memref_slice %dma_wait3A_167[%mul3A_150, %dma_wait3A_168] : memref<10000x128xf32, #tpu.memory_space<hbm>> -> memref<624x128xf32, #tpu.memory_space<hbm>>
      %dma_wait3A_170 = arith.constant 0 : i32
      %dma_wait3A_171 = tpu.memref_slice %arg13[%mul3A_148, %dma_wait3A_170] : memref<10008x128xf32, #tpu.memory_space<vmem_shared>> -> memref<624x128xf32, #tpu.memory_space<vmem_shared>>
      tpu.wait_dma2 semaphore(%run_scoped3A : memref<!tpu.dma_semaphore, #tpu.memory_space<semaphore_mem>>) src(%dma_wait3A_171 : memref<624x128xf32, #tpu.memory_space<vmem_shared>>) dst(%dma_wait3A_169 : memref<624x128xf32, #tpu.memory_space<hbm>>)
      tpu.yield
    }) : () -> ()
    %eq3A_151 = arith.constant 15 : i32
    %eq3A_152 = arith.cmpi eq, %arg1, %eq3A_151 : i32
    %convert_element_type3A_153 = arith.extui %eq3A_152 : i1 to i32
    %cond3A_154 = arith.constant 0 : i32
    %cond3A_155 = arith.cmpi ne, %convert_element_type3A_153, %cond3A_154 : i32
    scf.if %cond3A_155 {
      "tpu.region"() ({
        %run_scoped3A = tpu.sem_alloc : memref<!tpu.dma_semaphore, #tpu.memory_space<semaphore_mem>>
        %dma_start3A_156 = arith.constant 0 : i32
        %dma_start3A_157 = arith.constant 0 : i32
        %dma_start3A_158 = tpu.memref_slice %arg6[%arg0, %dma_start3A_156, %dma_start3A_157] : memref<2x10000x128xf32, #tpu.memory_space<hbm>> -> memref<1x10000x128xf32, #tpu.memory_space<hbm>>
        %dma_start3A_159 = tpu.memref_squeeze %dma_start3A_158 : memref<1x10000x128xf32, #tpu.memory_space<hbm>> -> memref<10000x128xf32, #tpu.memory_space<hbm>>
        %dma_start3A_160 = arith.constant 9984 : i32
        %dma_start3A_161 = arith.constant 0 : i32
        %dma_start3A_162 = tpu.memref_slice %dma_start3A_159[%dma_start3A_160, %dma_start3A_161] : memref<10000x128xf32, #tpu.memory_space<hbm>> -> memref<16x128xf32, #tpu.memory_space<hbm>>
        %dma_start3A_163 = arith.constant 9984 : i32
        %dma_start3A_164 = arith.constant 0 : i32
        %dma_start3A_165 = tpu.memref_slice %arg13[%dma_start3A_163, %dma_start3A_164] : memref<10008x128xf32, #tpu.memory_space<vmem_shared>> -> memref<16x128xf32, #tpu.memory_space<vmem_shared>>
        tpu.enqueue_dma source(%dma_start3A_165 : memref<16x128xf32, #tpu.memory_space<vmem_shared>>) target(%dma_start3A_162 : memref<16x128xf32, #tpu.memory_space<hbm>>) target_semaphore(%run_scoped3A : memref<!tpu.dma_semaphore, #tpu.memory_space<semaphore_mem>>)
        %dma_wait3A_166 = arith.constant 0 : i32
        %dma_wait3A_167 = arith.constant 0 : i32
        %dma_wait3A_168 = tpu.memref_slice %arg6[%arg0, %dma_wait3A_166, %dma_wait3A_167] : memref<2x10000x128xf32, #tpu.memory_space<hbm>> -> memref<1x10000x128xf32, #tpu.memory_space<hbm>>
        %dma_wait3A_169 = tpu.memref_squeeze %dma_wait3A_168 : memref<1x10000x128xf32, #tpu.memory_space<hbm>> -> memref<10000x128xf32, #tpu.memory_space<hbm>>
        %dma_wait3A_170 = arith.constant 9984 : i32
        %dma_wait3A_171 = arith.constant 0 : i32
        %dma_wait3A_172 = tpu.memref_slice %dma_wait3A_169[%dma_wait3A_170, %dma_wait3A_171] : memref<10000x128xf32, #tpu.memory_space<hbm>> -> memref<16x128xf32, #tpu.memory_space<hbm>>
        %dma_wait3A_173 = arith.constant 9984 : i32
        %dma_wait3A_174 = arith.constant 0 : i32
        %dma_wait3A_175 = tpu.memref_slice %arg13[%dma_wait3A_173, %dma_wait3A_174] : memref<10008x128xf32, #tpu.memory_space<vmem_shared>> -> memref<16x128xf32, #tpu.memory_space<vmem_shared>>
        tpu.wait_dma2 semaphore(%run_scoped3A : memref<!tpu.dma_semaphore, #tpu.memory_space<semaphore_mem>>) src(%dma_wait3A_175 : memref<16x128xf32, #tpu.memory_space<vmem_shared>>) dst(%dma_wait3A_172 : memref<16x128xf32, #tpu.memory_space<hbm>>)
        tpu.yield
      }) : () -> ()
    } else {
    }
    return
  }
}

module attributes {stable_mosaic.version = 14 : i64} {
  func.func @_prep_body(%arg0: i32, %arg1: memref<2x1000x128xf32, #tpu.memory_space<vmem>>, %arg2: memref<1000x128xf32, #tpu.memory_space<vmem>>, %arg3: memref<128x128xf32, #tpu.memory_space<vmem>>, %arg4: memref<1000x1xf32, #tpu.memory_space<vmem>>, %arg5: memref<1000x128xf32, #tpu.memory_space<vmem>>) attributes {dimension_semantics = [#tpu.dimension_semantics<arbitrary>], iteration_bounds = array<i64: 10>, scalar_prefetch = 0 : i64, scratch_operands = 0 : i64, tpu.core_type = #tpu.core_type<tc>, window_params = [{transform_indices = @transform_0, window_bounds = array<i64: 2, 1000, 128>}, {transform_indices = @transform_1, window_bounds = array<i64: 1000, 128>}, {pipeline_mode = #tpu.pipeline_mode<synchronous>, transform_indices = @transform_2, window_bounds = array<i64: 128, 128>}, {transform_indices = @transform_3, window_bounds = array<i64: 1000, 1>}, {transform_indices = @transform_4, window_bounds = array<i64: 1000, 128>}]} {
    %get3A = arith.constant 0 : index
    %get3A_0 = arith.constant 0 : index
    %get3A_1 = arith.constant 0 : index
    %get3A_2 = vector.load %arg1[%get3A, %get3A_0, %get3A_1] : memref<2x1000x128xf32, #tpu.memory_space<vmem>>, vector<1x1000x1xf32>
    %get3A_3 = vector.shape_cast %get3A_2 : vector<1x1000x1xf32> to vector<1000x1xf32>
    %get3A_4 = arith.constant 1 : index
    %get3A_5 = arith.constant 0 : index
    %get3A_6 = arith.constant 0 : index
    %get3A_7 = vector.load %arg1[%get3A_4, %get3A_5, %get3A_6] : memref<2x1000x128xf32, #tpu.memory_space<vmem>>, vector<1x1000x1xf32>
    %get3A_8 = vector.shape_cast %get3A_7 : vector<1x1000x1xf32> to vector<1000x1xf32>
    %add3A = arith.addf %get3A_3, %get3A_8 : vector<1000x1xf32>
    %add3A_9 = arith.constant 1.000000e+00 : f32
    %add3A_10 = vector.broadcast %add3A_9 : f32 to vector<1000x1xf32>
    %add3A_11 = arith.addf %add3A, %add3A_10 : vector<1000x1xf32>
    %rsqrt3A = math.rsqrt %add3A_11 : vector<1000x1xf32>
    %swap3A = arith.constant 0 : index
    %swap3A_12 = arith.constant 0 : index
    %swap3A_13 = vector.load %arg4[%swap3A, %swap3A_12] : memref<1000x1xf32, #tpu.memory_space<vmem>>, vector<1000x1xf32>
    tpu.vector_store %arg4[%swap3A, %swap3A_12], %rsqrt3A {strides = array<i32>} : memref<1000x1xf32, #tpu.memory_space<vmem>>, vector<1000x1xf32>,
    %get3A_14 = arith.constant 0 : index
    %get3A_15 = arith.constant 0 : index
    %get3A_16 = vector.load %arg2[%get3A_14, %get3A_15] : memref<1000x128xf32, #tpu.memory_space<vmem>>, vector<1000x128xf32>
    %get3A_17 = arith.constant 0 : index
    %get3A_18 = arith.constant 0 : index
    %get3A_19 = vector.load %arg3[%get3A_17, %get3A_18] : memref<128x128xf32, #tpu.memory_space<vmem>>, vector<128x128xf32>
    %dot_general3A = arith.constant dense<0.000000e+00> : vector<1000x128xf32>
    %dot_general3A_20 = tpu.matmul %get3A_16, %get3A_19, %dot_general3A {dimension_numbers = #tpu.dot_dimension_numbers<[1], [0], [0], [1], [0, 0, 1, 1], [], []>, transpose_lhs_hint = false} : vector<1000x128xf32>, vector<128x128xf32>, vector<1000x128xf32> -> vector<1000x128xf32>
    %mul3A = vector.broadcast %rsqrt3A : vector<1000x1xf32> to vector<1000x128xf32>
    %mul3A_21 = arith.mulf %dot_general3A_20, %mul3A : vector<1000x128xf32>
    %swap3A_22 = arith.constant 0 : index
    %swap3A_23 = arith.constant 0 : index
    %swap3A_24 = vector.load %arg5[%swap3A_22, %swap3A_23] : memref<1000x128xf32, #tpu.memory_space<vmem>>, vector<1000x128xf32>
    tpu.vector_store %arg5[%swap3A_22, %swap3A_23], %mul3A_21 {strides = array<i32>} : memref<1000x128xf32, #tpu.memory_space<vmem>>, vector<1000x128xf32>,
    return
  }
  func.func @transform_0(%arg0: i32) -> (i32, i32, i32) {
    %c0_i32 = arith.constant 0 : i32
    %c0_i32_0 = arith.constant 0 : i32
    %c0_i32_1 = arith.constant 0 : i32
    return %c0_i32, %arg0, %c0_i32_0 : i32, i32, i32
  }
  func.func @transform_1(%arg0: i32) -> (i32, i32) {
    %c0_i32 = arith.constant 0 : i32
    %c0_i32_0 = arith.constant 0 : i32
    return %arg0, %c0_i32 : i32, i32
  }
  func.func @transform_2(%arg0: i32) -> (i32, i32) {
    %c0_i32 = arith.constant 0 : i32
    %c0_i32_0 = arith.constant 0 : i32
    %c0_i32_1 = arith.constant 0 : i32
    return %c0_i32, %c0_i32_0 : i32, i32
  }
  func.func @transform_3(%arg0: i32) -> (i32, i32) {
    %c0_i32 = arith.constant 0 : i32
    %c0_i32_0 = arith.constant 0 : i32
    return %arg0, %c0_i32 : i32, i32
  }
  func.func @transform_4(%arg0: i32) -> (i32, i32) {
    %c0_i32 = arith.constant 0 : i32
    %c0_i32_0 = arith.constant 0 : i32
    return %arg0, %c0_i32 : i32, i32
  }
}

module attributes {stable_mosaic.version = 14 : i64} {
  func.func @_combine_body(%arg0: i32, %arg1: memref<2x1000x128xf32, #tpu.memory_space<vmem>>, %arg2: memref<1000x128xf32, #tpu.memory_space<vmem>>, %arg3: memref<1000x1xf32, #tpu.memory_space<vmem>>, %arg4: memref<1x128xf32, #tpu.memory_space<vmem>>, %arg5: memref<128x128xf32, #tpu.memory_space<vmem>>, %arg6: memref<1000x128xf32, #tpu.memory_space<vmem>>, %arg7: memref<1000x128xf32, #tpu.memory_space<vmem>>, %arg8: memref<1000x128xf32, #tpu.memory_space<vmem>>) attributes {dimension_semantics = [#tpu.dimension_semantics<arbitrary>], iteration_bounds = array<i64: 10>, scalar_prefetch = 0 : i64, scratch_operands = 0 : i64, tpu.core_type = #tpu.core_type<tc>, window_params = [{transform_indices = @transform_0, window_bounds = array<i64: 2, 1000, 128>}, {transform_indices = @transform_1, window_bounds = array<i64: 1000, 128>}, {transform_indices = @transform_2, window_bounds = array<i64: 1000, 1>}, {pipeline_mode = #tpu.pipeline_mode<synchronous>, transform_indices = @transform_3, window_bounds = array<i64: 1, 128>}, {pipeline_mode = #tpu.pipeline_mode<synchronous>, transform_indices = @transform_4, window_bounds = array<i64: 128, 128>}, {transform_indices = @transform_5, window_bounds = array<i64: 1000, 128>}, {transform_indices = @transform_6, window_bounds = array<i64: 1000, 128>}, {transform_indices = @transform_7, window_bounds = array<i64: 1000, 128>}]} {
    %get3A = arith.constant 0 : index
    %get3A_0 = arith.constant 0 : index
    %get3A_1 = vector.load %arg3[%get3A, %get3A_0] : memref<1000x1xf32, #tpu.memory_space<vmem>>, vector<1000x1xf32>
    %get3A_2 = arith.constant 0 : index
    %get3A_3 = arith.constant 0 : index
    %get3A_4 = arith.constant 0 : index
    %get3A_5 = vector.load %arg1[%get3A_2, %get3A_3, %get3A_4] : memref<2x1000x128xf32, #tpu.memory_space<vmem>>, vector<1x1000x128xf32>
    %get3A_6 = vector.shape_cast %get3A_5 : vector<1x1000x128xf32> to vector<1000x128xf32>
    %get3A_7 = arith.constant 1 : index
    %get3A_8 = arith.constant 0 : index
    %get3A_9 = arith.constant 0 : index
    %get3A_10 = vector.load %arg1[%get3A_7, %get3A_8, %get3A_9] : memref<2x1000x128xf32, #tpu.memory_space<vmem>>, vector<1x1000x128xf32>
    %get3A_11 = vector.shape_cast %get3A_10 : vector<1x1000x128xf32> to vector<1000x128xf32>
    %add3A = arith.addf %get3A_6, %get3A_11 : vector<1000x128xf32>
    %get3A_12 = arith.constant 0 : index
    %get3A_13 = arith.constant 0 : index
    %get3A_14 = vector.load %arg2[%get3A_12, %get3A_13] : memref<1000x128xf32, #tpu.memory_space<vmem>>, vector<1000x128xf32>
    %add3A_15 = arith.addf %add3A, %get3A_14 : vector<1000x128xf32>
    %mul3A = vector.broadcast %get3A_1 : vector<1000x1xf32> to vector<1000x128xf32>
    %mul3A_16 = arith.mulf %mul3A, %add3A_15 : vector<1000x128xf32>
    %get3A_17 = arith.constant 0 : index
    %get3A_18 = arith.constant 0 : index
    %get3A_19 = vector.load %arg4[%get3A_17, %get3A_18] : memref<1x128xf32, #tpu.memory_space<vmem>>, vector<1x128xf32>
    %add3A_20 = vector.broadcast %get3A_19 : vector<1x128xf32> to vector<1000x128xf32>
    %add3A_21 = arith.addf %mul3A_16, %add3A_20 : vector<1000x128xf32>
    %swap3A = arith.constant 0 : index
    %swap3A_22 = arith.constant 0 : index
    %swap3A_23 = vector.load %arg6[%swap3A, %swap3A_22] : memref<1000x128xf32, #tpu.memory_space<vmem>>, vector<1000x128xf32>
    tpu.vector_store %arg6[%swap3A, %swap3A_22], %add3A_21 {strides = array<i32>} : memref<1000x128xf32, #tpu.memory_space<vmem>>, vector<1000x128xf32>,
    %max3A = arith.constant 0.000000e+00 : f32
    %max3A_24 = vector.broadcast %max3A : f32 to vector<1000x128xf32>
    %max3A_25 = arith.maximumf %add3A_21, %max3A_24 : vector<1000x128xf32>
    %swap3A_26 = arith.constant 0 : index
    %swap3A_27 = arith.constant 0 : index
    %swap3A_28 = vector.load %arg7[%swap3A_26, %swap3A_27] : memref<1000x128xf32, #tpu.memory_space<vmem>>, vector<1000x128xf32>
    tpu.vector_store %arg7[%swap3A_26, %swap3A_27], %max3A_25 {strides = array<i32>} : memref<1000x128xf32, #tpu.memory_space<vmem>>, vector<1000x128xf32>,
    %get3A_29 = arith.constant 0 : index
    %get3A_30 = arith.constant 0 : index
    %get3A_31 = vector.load %arg5[%get3A_29, %get3A_30] : memref<128x128xf32, #tpu.memory_space<vmem>>, vector<128x128xf32>
    %dot_general3A = arith.constant dense<0.000000e+00> : vector<1000x128xf32>
    %dot_general3A_32 = tpu.matmul %max3A_25, %get3A_31, %dot_general3A {dimension_numbers = #tpu.dot_dimension_numbers<[1], [0], [0], [1], [0, 0, 1, 1], [], []>, transpose_lhs_hint = false} : vector<1000x128xf32>, vector<128x128xf32>, vector<1000x128xf32> -> vector<1000x128xf32>
    %mul3A_33 = vector.broadcast %get3A_1 : vector<1000x1xf32> to vector<1000x128xf32>
    %mul3A_34 = arith.mulf %mul3A_33, %dot_general3A_32 : vector<1000x128xf32>
    %swap3A_35 = arith.constant 0 : index
    %swap3A_36 = arith.constant 0 : index
    %swap3A_37 = vector.load %arg8[%swap3A_35, %swap3A_36] : memref<1000x128xf32, #tpu.memory_space<vmem>>, vector<1000x128xf32>
    tpu.vector_store %arg8[%swap3A_35, %swap3A_36], %mul3A_34 {strides = array<i32>} : memref<1000x128xf32, #tpu.memory_space<vmem>>, vector<1000x128xf32>,
    return
  }
  func.func @transform_0(%arg0: i32) -> (i32, i32, i32) {
    %c0_i32 = arith.constant 0 : i32
    %c0_i32_0 = arith.constant 0 : i32
    %c0_i32_1 = arith.constant 0 : i32
    return %c0_i32, %arg0, %c0_i32_0 : i32, i32, i32
  }
  func.func @transform_1(%arg0: i32) -> (i32, i32) {
    %c0_i32 = arith.constant 0 : i32
    %c0_i32_0 = arith.constant 0 : i32
    return %arg0, %c0_i32 : i32, i32
  }
  func.func @transform_2(%arg0: i32) -> (i32, i32) {
    %c0_i32 = arith.constant 0 : i32
    %c0_i32_0 = arith.constant 0 : i32
    return %arg0, %c0_i32 : i32, i32
  }
  func.func @transform_3(%arg0: i32) -> (i32, i32) {
    %c0_i32 = arith.constant 0 : i32
    %c0_i32_0 = arith.constant 0 : i32
    %c0_i32_1 = arith.constant 0 : i32
    return %c0_i32, %c0_i32_0 : i32, i32
  }
  func.func @transform_4(%arg0: i32) -> (i32, i32) {
    %c0_i32 = arith.constant 0 : i32
    %c0_i32_0 = arith.constant 0 : i32
    %c0_i32_1 = arith.constant 0 : i32
    return %c0_i32, %c0_i32_0 : i32, i32
  }
  func.func @transform_5(%arg0: i32) -> (i32, i32) {
    %c0_i32 = arith.constant 0 : i32
    %c0_i32_0 = arith.constant 0 : i32
    return %arg0, %c0_i32 : i32, i32
  }
  func.func @transform_6(%arg0: i32) -> (i32, i32) {
    %c0_i32 = arith.constant 0 : i32
    %c0_i32_0 = arith.constant 0 : i32
    return %arg0, %c0_i32 : i32, i32
  }
  func.func @transform_7(%arg0: i32) -> (i32, i32) {
    %c0_i32 = arith.constant 0 : i32
    %c0_i32_0 = arith.constant 0 : i32
    return %arg0, %c0_i32 : i32, i32
  }
}

module attributes {stable_mosaic.version = 14 : i64} {
  func.func @body(%arg0: i32, %arg1: memref<2x1000x128xf32, #tpu.memory_space<vmem>>, %arg2: memref<1000x128xf32, #tpu.memory_space<vmem>>, %arg3: memref<1000x1xf32, #tpu.memory_space<vmem>>, %arg4: memref<1x128xf32, #tpu.memory_space<vmem>>, %arg5: memref<1x1x1000xi32, #tpu.memory_space<vmem>>, %arg6: memref<1000x128xf32, #tpu.memory_space<vmem>>, %arg7: memref<64x128xf32, #tpu.memory_space<vmem>>, %arg8: memref<64x128xf32, #tpu.memory_space<vmem>>, %arg9: memref<64x128xf32, #tpu.memory_space<vmem>>, %arg10: memref<64x1xf32, #tpu.memory_space<vmem>>) attributes {dimension_semantics = [#tpu.dimension_semantics<arbitrary>], iteration_bounds = array<i64: 10>, scalar_prefetch = 0 : i64, scratch_operands = 2 : i64, tpu.core_type = #tpu.core_type<tc>, window_params = [{transform_indices = @transform_0, window_bounds = array<i64: 2, 1000, 128>}, {transform_indices = @transform_1, window_bounds = array<i64: 1000, 128>}, {transform_indices = @transform_2, window_bounds = array<i64: 1000, 1>}, {pipeline_mode = #tpu.pipeline_mode<synchronous>, transform_indices = @transform_3, window_bounds = array<i64: 1, 128>}, {transform_indices = @transform_4, window_bounds = array<i64: 1, 1, 1000>}, {transform_indices = @transform_5, window_bounds = array<i64: 1000, 128>}, {pipeline_mode = #tpu.pipeline_mode<synchronous>, transform_indices = @transform_6, window_bounds = array<i64: 64, 128>}, {pipeline_mode = #tpu.pipeline_mode<synchronous>, transform_indices = @transform_7, window_bounds = array<i64: 64, 128>}]} {
    %get3A = arith.constant 0 : index
    %get3A_0 = arith.constant 0 : index
    %get3A_1 = arith.constant 0 : index
    %get3A_2 = vector.load %arg1[%get3A, %get3A_0, %get3A_1] : memref<2x1000x128xf32, #tpu.memory_space<vmem>>, vector<1x1000x128xf32>
    %get3A_3 = vector.shape_cast %get3A_2 : vector<1x1000x128xf32> to vector<1000x128xf32>
    %get3A_4 = arith.constant 1 : index
    %get3A_5 = arith.constant 0 : index
    %get3A_6 = arith.constant 0 : index
    %get3A_7 = vector.load %arg1[%get3A_4, %get3A_5, %get3A_6] : memref<2x1000x128xf32, #tpu.memory_space<vmem>>, vector<1x1000x128xf32>
    %get3A_8 = vector.shape_cast %get3A_7 : vector<1x1000x128xf32> to vector<1000x128xf32>
    %add3A = arith.addf %get3A_3, %get3A_8 : vector<1000x128xf32>
    %get3A_9 = arith.constant 0 : index
    %get3A_10 = arith.constant 0 : index
    %get3A_11 = vector.load %arg2[%get3A_9, %get3A_10] : memref<1000x128xf32, #tpu.memory_space<vmem>>, vector<1000x128xf32>
    %add3A_12 = arith.addf %add3A, %get3A_11 : vector<1000x128xf32>
    %get3A_13 = arith.constant 0 : index
    %get3A_14 = arith.constant 0 : index
    %get3A_15 = vector.load %arg3[%get3A_13, %get3A_14] : memref<1000x1xf32, #tpu.memory_space<vmem>>, vector<1000x1xf32>
    %mul3A = vector.broadcast %get3A_15 : vector<1000x1xf32> to vector<1000x128xf32>
    %mul3A_16 = arith.mulf %mul3A, %add3A_12 : vector<1000x128xf32>
    %get3A_17 = arith.constant 0 : index
    %get3A_18 = arith.constant 0 : index
    %get3A_19 = vector.load %arg4[%get3A_17, %get3A_18] : memref<1x128xf32, #tpu.memory_space<vmem>>, vector<1x128xf32>
    %add3A_20 = vector.broadcast %get3A_19 : vector<1x128xf32> to vector<1000x128xf32>
    %add3A_21 = arith.addf %mul3A_16, %add3A_20 : vector<1000x128xf32>
    %swap3A = arith.constant 0 : index
    %swap3A_22 = arith.constant 0 : index
    %swap3A_23 = vector.load %arg6[%swap3A, %swap3A_22] : memref<1000x128xf32, #tpu.memory_space<vmem>>, vector<1000x128xf32>
    tpu.vector_store %arg6[%swap3A, %swap3A_22], %add3A_21 {strides = array<i32>} : memref<1000x128xf32, #tpu.memory_space<vmem>>, vector<1000x128xf32>,
    %get3A_24 = arith.constant 0 : index
    %get3A_25 = arith.constant 0 : index
    %get3A_26 = arith.constant 0 : index
    %get3A_27 = vector.load %arg5[%get3A_24, %get3A_25, %get3A_26] : memref<1x1x1000xi32, #tpu.memory_space<vmem>>, vector<1x1x1000xi32>
    %get3A_28 = vector.shape_cast %get3A_27 : vector<1x1x1000xi32> to vector<1x1000xi32>
    %iota3A = tpu.iota {dimensions = array<i32: 0>} : vector<64x1000xi32>
    %eq3A = vector.broadcast %get3A_28 : vector<1x1000xi32> to vector<64x1000xi32>
    %eq3A_29 = arith.cmpi eq, %iota3A, %eq3A : vector<64x1000xi32>
    %convert_element_type3A = arith.extui %eq3A_29 : vector<64x1000xi1> to vector<64x1000xi32>
    %convert_element_type3A_30 = arith.sitofp %convert_element_type3A : vector<64x1000xi32> to vector<64x1000xf32>
    %eq3A_31 = arith.constant 0 : i32
    %eq3A_32 = arith.cmpi eq, %arg0, %eq3A_31 : i32
    %convert_element_type3A_33 = arith.extui %eq3A_32 : i1 to i32
    %cond3A = arith.constant 0 : i32
    %cond3A_34 = arith.cmpi ne, %convert_element_type3A_33, %cond3A : i32
    scf.if %cond3A_34 {
      %broadcast_in_dim3A_56 = arith.constant 0.000000e+00 : f32
      %broadcast_in_dim3A_57 = vector.broadcast %broadcast_in_dim3A_56 : f32 to vector<64x128xf32>
      %swap3A_58 = arith.constant 0 : index
      %swap3A_59 = arith.constant 0 : index
      %swap3A_60 = vector.load %arg9[%swap3A_58, %swap3A_59] : memref<64x128xf32, #tpu.memory_space<vmem>>, vector<64x128xf32>
      tpu.vector_store %arg9[%swap3A_58, %swap3A_59], %broadcast_in_dim3A_57 {strides = array<i32>} : memref<64x128xf32, #tpu.memory_space<vmem>>, vector<64x128xf32>,
      %broadcast_in_dim3A_61 = arith.constant 0.000000e+00 : f32
      %broadcast_in_dim3A_62 = vector.broadcast %broadcast_in_dim3A_61 : f32 to vector<64x1xf32>
      %swap3A_63 = arith.constant 0 : index
      %swap3A_64 = arith.constant 0 : index
      %swap3A_65 = vector.load %arg10[%swap3A_63, %swap3A_64] : memref<64x1xf32, #tpu.memory_space<vmem>>, vector<64x1xf32>
      tpu.vector_store %arg10[%swap3A_63, %swap3A_64], %broadcast_in_dim3A_62 {strides = array<i32>} : memref<64x1xf32, #tpu.memory_space<vmem>>, vector<64x1xf32>,
    } else {
    }
    %get3A_35 = arith.constant 0 : index
    %get3A_36 = arith.constant 0 : index
    %get3A_37 = vector.load %arg9[%get3A_35, %get3A_36] : memref<64x128xf32, #tpu.memory_space<vmem>>, vector<64x128xf32>
    %dot_general3A = arith.constant dense<0.000000e+00> : vector<64x128xf32>
    %dot_general3A_38 = tpu.matmul %convert_element_type3A_30, %add3A_21, %dot_general3A {dimension_numbers = #tpu.dot_dimension_numbers<[1], [0], [0], [1], [0, 0, 1, 1], [], []>, transpose_lhs_hint = false} : vector<64x1000xf32>, vector<1000x128xf32>, vector<64x128xf32> -> vector<64x128xf32>
    %add3A_39 = arith.addf %get3A_37, %dot_general3A_38 : vector<64x128xf32>
    %swap3A_40 = arith.constant 0 : index
    %swap3A_41 = arith.constant 0 : index
    %swap3A_42 = vector.load %arg9[%swap3A_40, %swap3A_41] : memref<64x128xf32, #tpu.memory_space<vmem>>, vector<64x128xf32>
    tpu.vector_store %arg9[%swap3A_40, %swap3A_41], %add3A_39 {strides = array<i32>} : memref<64x128xf32, #tpu.memory_space<vmem>>, vector<64x128xf32>,
    %get3A_43 = arith.constant 0 : index
    %get3A_44 = arith.constant 0 : index
    %get3A_45 = vector.load %arg10[%get3A_43, %get3A_44] : memref<64x1xf32, #tpu.memory_space<vmem>>, vector<64x1xf32>
    %reduce_sum3A = arith.constant dense<0.000000e+00> : vector<64xf32>
    %reduce_sum3A_46 = vector.multi_reduction <add>, %convert_element_type3A_30, %reduce_sum3A [1] : vector<64x1000xf32> to vector<64xf32>
    %broadcast_in_dim3A = vector.shape_cast %reduce_sum3A_46 : vector<64xf32> to vector<64x1xf32>
    %add3A_47 = arith.addf %get3A_45, %broadcast_in_dim3A : vector<64x1xf32>
    %swap3A_48 = arith.constant 0 : index
    %swap3A_49 = arith.constant 0 : index
    %swap3A_50 = vector.load %arg10[%swap3A_48, %swap3A_49] : memref<64x1xf32, #tpu.memory_space<vmem>>, vector<64x1xf32>
    tpu.vector_store %arg10[%swap3A_48, %swap3A_49], %add3A_47 {strides = array<i32>} : memref<64x1xf32, #tpu.memory_space<vmem>>, vector<64x1xf32>,
    %eq3A_51 = arith.constant 9 : i32
    %eq3A_52 = arith.cmpi eq, %arg0, %eq3A_51 : i32
    %convert_element_type3A_53 = arith.extui %eq3A_52 : i1 to i32
    %cond3A_54 = arith.constant 0 : i32
    %cond3A_55 = arith.cmpi ne, %convert_element_type3A_53, %cond3A_54 : i32
    scf.if %cond3A_55 {
      %get3A_56 = arith.constant 0 : index
      %get3A_57 = arith.constant 0 : index
      %get3A_58 = vector.load %arg9[%get3A_56, %get3A_57] : memref<64x128xf32, #tpu.memory_space<vmem>>, vector<64x128xf32>
      %get3A_59 = arith.constant 0 : index
      %get3A_60 = arith.constant 0 : index
      %get3A_61 = vector.load %arg10[%get3A_59, %get3A_60] : memref<64x1xf32, #tpu.memory_space<vmem>>, vector<64x1xf32>
      %max3A = arith.constant 1.000000e+00 : f32
      %max3A_62 = vector.broadcast %max3A : f32 to vector<64x1xf32>
      %max3A_63 = arith.maximumf %get3A_61, %max3A_62 : vector<64x1xf32>
      %div3A = vector.broadcast %max3A_63 : vector<64x1xf32> to vector<64x128xf32>
      %div3A_64 = arith.divf %get3A_58, %div3A : vector<64x128xf32>
      %swap3A_65 = arith.constant 0 : index
      %swap3A_66 = arith.constant 0 : index
      %swap3A_67 = vector.load %arg7[%swap3A_65, %swap3A_66] : memref<64x128xf32, #tpu.memory_space<vmem>>, vector<64x128xf32>
      tpu.vector_store %arg7[%swap3A_65, %swap3A_66], %div3A_64 {strides = array<i32>} : memref<64x128xf32, #tpu.memory_space<vmem>>, vector<64x128xf32>,
      %reduce_max3A = arith.constant dense<0xFF800000> : vector<64xf32>
      %reduce_max3A_68 = vector.multi_reduction <maximumf>, %div3A_64, %reduce_max3A [1] : vector<64x128xf32> to vector<64xf32>
      %broadcast_in_dim3A_69 = vector.shape_cast %reduce_max3A_68 : vector<64xf32> to vector<64x1xf32>
      %sub3A = vector.broadcast %broadcast_in_dim3A_69 : vector<64x1xf32> to vector<64x128xf32>
      %sub3A_70 = arith.subf %div3A_64, %sub3A : vector<64x128xf32>
      %exp3A = math.exp %sub3A_70 : vector<64x128xf32>
      %reduce_sum3A_71 = arith.constant dense<0.000000e+00> : vector<64xf32>
      %reduce_sum3A_72 = vector.multi_reduction <add>, %exp3A, %reduce_sum3A_71 [1] : vector<64x128xf32> to vector<64xf32>
      %broadcast_in_dim3A_73 = vector.shape_cast %reduce_sum3A_72 : vector<64xf32> to vector<64x1xf32>
      %div3A_74 = vector.broadcast %broadcast_in_dim3A_73 : vector<64x1xf32> to vector<64x128xf32>
      %div3A_75 = arith.divf %exp3A, %div3A_74 : vector<64x128xf32>
      %swap3A_76 = arith.constant 0 : index
      %swap3A_77 = arith.constant 0 : index
      %swap3A_78 = vector.load %arg8[%swap3A_76, %swap3A_77] : memref<64x128xf32, #tpu.memory_space<vmem>>, vector<64x128xf32>
      tpu.vector_store %arg8[%swap3A_76, %swap3A_77], %div3A_75 {strides = array<i32>} : memref<64x128xf32, #tpu.memory_space<vmem>>, vector<64x128xf32>,
    } else {
    }
    return
  }
  func.func @transform_0(%arg0: i32) -> (i32, i32, i32) {
    %c0_i32 = arith.constant 0 : i32
    %c0_i32_0 = arith.constant 0 : i32
    %c0_i32_1 = arith.constant 0 : i32
    return %c0_i32, %arg0, %c0_i32_0 : i32, i32, i32
  }
  func.func @transform_1(%arg0: i32) -> (i32, i32) {
    %c0_i32 = arith.constant 0 : i32
    %c0_i32_0 = arith.constant 0 : i32
    return %arg0, %c0_i32 : i32, i32
  }
  func.func @transform_2(%arg0: i32) -> (i32, i32) {
    %c0_i32 = arith.constant 0 : i32
    %c0_i32_0 = arith.constant 0 : i32
    return %arg0, %c0_i32 : i32, i32
  }
  func.func @transform_3(%arg0: i32) -> (i32, i32) {
    %c0_i32 = arith.constant 0 : i32
    %c0_i32_0 = arith.constant 0 : i32
    %c0_i32_1 = arith.constant 0 : i32
    return %c0_i32, %c0_i32_0 : i32, i32
  }
  func.func @transform_4(%arg0: i32) -> (i32, i32, i32) {
    %c0_i32 = arith.constant 0 : i32
    %c0_i32_0 = arith.constant 0 : i32
    %c0_i32_1 = arith.constant 0 : i32
    return %arg0, %c0_i32, %c0_i32_0 : i32, i32, i32
  }
  func.func @transform_5(%arg0: i32) -> (i32, i32) {
    %c0_i32 = arith.constant 0 : i32
    %c0_i32_0 = arith.constant 0 : i32
    return %arg0, %c0_i32 : i32, i32
  }
  func.func @transform_6(%arg0: i32) -> (i32, i32) {
    %c0_i32 = arith.constant 0 : i32
    %c0_i32_0 = arith.constant 0 : i32
    %c0_i32_1 = arith.constant 0 : i32
    return %c0_i32, %c0_i32_0 : i32, i32
  }
  func.func @transform_7(%arg0: i32) -> (i32, i32) {
    %c0_i32 = arith.constant 0 : i32
    %c0_i32_0 = arith.constant 0 : i32
    %c0_i32_1 = arith.constant 0 : i32
    return %c0_i32, %c0_i32_0 : i32, i32
  }
}

</mosaic_0001>

<sc_bundles>
// kernel: kernel.10.cloned.1.call-start
scs
__scs_entry_jumppad:
0x0: {  	(pc) =	sbr.rel $0x88, $3  }
0x1: {  	(tag) =	ssettag $0x0;
	lr =	simm.s32 $0x1  }
0x2: {  	[smem:$0x3F98] =	sst lr;
	_ =	strace $0xD0000000  }
0x3: {  	_ = 	snop  }
0x4: {  	_ = 	snop  }
0x5: {  	_ = 	snop  }
0x6: {  	_ = 	snop  }
0x7: {  	_ = 	snop  }
__scs_overlays_trampoline_lowered:
0x8: {  	[smem:$0x3FA7] =	sst s0  }
0x9: {  	[smem:$0x3FA8] =	sst s1  }
0xa: {  	[smem:$0x3FA9] =	sst s2  }
0xb: {  	[smem:$0x3FAA] =	sst s3  }
0xc: {  	[smem:$0x3FAB] =	sst s4  }
0xd: {  	[smem:$0x3FAC] =	sst s5  }
0xe: {  	[smem:$0x3FAD] =	sst s6  }
0xf: {  	[smem:$0x3FAE] =	sst s7  }
0x10: {  	[smem:$0x3FAF] =	sst s8  }
0x11: {  	[smem:$0x3FB0] =	sst s9;
	s0 =	simm.s32 @!p0 $0x0  }
0x12: {  	s1 =	sld [smem:$0x3F96];
	s0 =	simm.s32 @p0 $0x1  }
0x13: {  	[smem:$0x3FB1] =	sst s0;
	s0 =	simm.s32 @!p1 $0x0  }
0x14: {  	s2 =	sld [smem:$0x3F95];
	s0 =	simm.s32 @p1 $0x1  }
0x15: {  	[smem:$0x3FB2] =	sst s0;
	s0 =	simm.s32 @!p2 $0x0  }
0x16: {  	s3 =	sld [smem:$0x3FDB];
	s0 =	simm.s32 @p2 $0x1  }
0x17: {  	s4 =	simm.s32 $0x1BF5;
	[smem:$0x3FB4] =	sst s0  }
0x18: {  	s0 =	sld [smem:$0x3F97];
	_ =	swait.ge [sflag:s4], $0x0  }
0x19: {  	s7 =	sld [smem:$0x3F98]  }
0x1a: {  	s8 =	sadd.s32 $0xFFFFE003, lr  }
0x1b: {  	s9 =	sadd.s32 $0xFFFFFEF7, lr;
	s5 =	simm.s32 $0xFFFFFFFF;
	p2 =	slt.u32 s8, $0xFFFFF086  }
0x1c: {  	p1 =	slt.u32 s9, $0xF7A;
	s5 =	simm.s32 @!p2 $0x0  }
0x1d: {  	s5 =	simm.s32 @p1 $0x1;
	p0 =	seq.s32 s7, s2  }
0x1e: {  	s7 =	smul.u32 @!p0 $0xF7A, s2;
	p2 =	seq.s32 @!p0 s5, $0x0  }
0x1f: {  	s9 =	smul.u32 $0xF7A, s1;
	s8 =	simm.s32 @!p0 $0x1BF5;
	p2 =	por !p2, p0  }
0x20: {  	[sflag:s8] =	ssyncset.s32 @!p0 $0xFFFFF086;
	s6 =	sadd.s32 @!p0 s3, s7;
	s7 =	simm.s32 @!p0 $0x108  }
0x21: {  	s3 =	sadd.s32 s3, s9;
	s6 =	sadd.s32 @!p0 $0x88, s6;
	s7 =	simm.s32 @p2 $0x1082  }
0x22: {  	[simem:s7], [sflag:s8] =	dma.local @!p0 [hbm:s6], $0xF7A  }
0x23: {  	s9 =	sor.u32 $0xD0000000, s2;
	s6 =	simm.s32 $0x108;
	_ =	swait.ge @!p0 [sflag:s8], $0x0  }
0x24: {  	s3 =	sadd.s32 $0x88, s3;
	s6 =	simm.s32 @!p1 $0x1082;
	[sflag:s4] =	ssyncset.s32 $0xFFFFF086  }
0x25: {  	[simem:s6], [sflag:s4] =	dma.local [hbm:s3], $0xF7A  }
0x26: {  	[smem:$0x3F98] =	sst s1;
	(tag) =	ssettag s2;
	_ =	strace s9  }
0x27: {  	s1 =	sld [smem:$0x3FA8]  }
0x28: {  	s2 =	sld [smem:$0x3FA9]  }
0x29: {  	s4 =	sld [smem:$0x3FAB]  }
0x2a: {  	p0 =	seq.s32 s5, $0x0;
	s5 =	sld [smem:$0x3FAC]  }
0x2b: {  	s6 =	sld [smem:$0x3FAD]  }
0x2c: {  	s7 =	sld [smem:$0x3FAE]  }
0x2d: {  	s3 =	simm.s32 $0x108;
	s8 =	sld [smem:$0x3FAF]  }
0x2e: {  	s3 =	simm.s32 @!p0 $0x1082;
	s9 =	sld [smem:$0x3FB0]  }
0x2f: {  	lr =	sadd.s32 s0, s3;
	s0 =	sld [smem:$0x3FA7]  }
0x30: {  	s3 =	sld [smem:$0x3FAA]  }
0x31: {  	[smem:$0x3FB3] =	sst s10  }
0x32: {  	s10 =	sld [smem:$0x3FB1];
	_ =	sdelay $0x3  }
0x33: {  	p0 =	seq.s32 s10, $0x1;
	s10 =	sld [smem:$0x3FB3];
	_ =	sdelay $0x3  }
0x34: {  	[smem:$0x3FB3] =	sst s10  }
0x35: {  	s10 =	sld [smem:$0x3FB2];
	_ =	sdelay $0x3  }
0x36: {  	p1 =	seq.s32 s10, $0x1;
	s10 =	sld [smem:$0x3FB3];
	_ =	sdelay $0x3  }
0x37: {  	[smem:$0x3FB3] =	sst s10  }
0x38: {  	s10 =	sld [smem:$0x3FB4]  }
0x39: {  	_ = 	snop;
	(pc) =	sbr.ind lr, $3  }
0x3a: {  	_ = 	snop  }
0x3b: {  	_ = 	snop  }
0x3c: {  	p2 =	seq.s32 s10, $0x1;
	s10 =	sld [smem:$0x3FB3]  }
0x3d: {  	_ =	shalt  }
0x3e: {  	_ =	shalt  }
0x3f: {  	_ =	shalt  }
0x40: {  	_ =	shalt  }
0x41: {  	_ =	shalt  }
0x42: {  	_ =	shalt  }
0x43: {  	_ =	shalt  }
0x44: {  	_ =	shalt  }
0x45: {  	_ =	shalt  }
0x46: {  	_ =	shalt  }
0x47: {  	_ =	shalt  }
0x48: {  	_ =	shalt  }
0x49: {  	_ =	shalt  }
0x4a: {  	_ =	shalt  }
0x4b: {  	_ =	shalt  }
0x4c: {  	_ =	shalt  }
0x4d: {  	_ =	shalt  }
0x4e: {  	_ =	shalt  }
0x4f: {  	_ =	shalt  }
0x50: {  	_ =	shalt  }
0x51: {  	_ =	shalt  }
0x52: {  	_ =	shalt  }
0x53: {  	_ =	shalt  }
0x54: {  	_ =	shalt  }
0x55: {  	_ =	shalt  }
0x56: {  	_ =	shalt  }
0x57: {  	_ =	shalt  }
0x58: {  	_ =	shalt  }
0x59: {  	_ =	shalt  }
0x5a: {  	_ =	shalt  }
0x5b: {  	_ =	shalt  }
0x5c: {  	_ =	shalt  }
0x5d: {  	_ =	shalt  }
0x5e: {  	_ =	shalt  }
0x5f: {  	_ =	shalt  }
0x60: {  	_ =	shalt  }
0x61: {  	_ =	shalt  }
0x62: {  	_ =	shalt  }
0x63: {  	_ =	shalt  }
0x64: {  	_ =	shalt  }
0x65: {  	_ =	shalt  }
0x66: {  	_ =	shalt  }
0x67: {  	_ =	shalt  }
0x68: {  	_ =	shalt  }
0x69: {  	_ =	shalt  }
0x6a: {  	_ =	shalt  }
0x6b: {  	_ =	shalt  }
0x6c: {  	_ =	shalt  }
0x6d: {  	_ =	shalt  }
0x6e: {  	_ =	shalt  }
0x6f: {  	_ =	shalt  }
0x70: {  	_ =	shalt  }
0x71: {  	_ =	shalt  }
0x72: {  	_ =	shalt  }
0x73: {  	_ =	shalt  }
0x74: {  	_ =	shalt  }
0x75: {  	_ =	shalt  }
0x76: {  	_ =	shalt  }
0x77: {  	_ =	shalt  }
0x78: {  	_ =	shalt  }
0x79: {  	_ =	shalt  }
0x7a: {  	_ =	shalt  }
0x7b: {  	_ =	shalt  }
0x7c: {  	_ =	shalt  }
0x7d: {  	_ =	shalt  }
0x7e: {  	_ =	shalt  }
0x7f: {  	_ =	shalt  }
0x80: {  	_ =	shalt  }
0x81: {  	_ =	shalt  }
0x82: {  	_ =	shalt  }
0x83: {  	_ =	shalt  }
0x84: {  	_ =	shalt  }
0x85: {  	_ =	shalt  }
0x86: {  	_ =	shalt  }
0x87: {  	_ =	shalt  }
.Lfunc_end0:
.L_simem_size_0:
called_computation_lowered:
.L_overlay_start_0:
0x88: {  	s2 =	sld [smem:$0x3FD9]  }
0x89: {  	s3 =	sld [smem:$0x3FFE];
	_ =	sdelay $0x1  }
0x8a: {  	s1 =	srdreg.scid  }
0x8b: {  	s0 =	sand.u32 $0x1, s1  }
0x8c: {  	s14 =	sshll.u32 s0, $0xA;
	s2 =	sadd.s32 s3, s2  }
0x8d: {  	s2 =	sadd.s32 s2, s14  }
0x8e: {  	[smem:$0x3FBF] =	sst s2  }
0x8f: {  	_ = 	snop  }
0x90: {  	s2 =	sld [smem:$0x3FD0];
	_ =	sdelay $0x2  }
0x91: {  	s15 =	simm.s32 $0xA;
	s4 =	simm.s32 $0x10  }
0x92: {  	[smem:s4], [sflag:s15] =	dma.local [hbm:s2], $0x1  }
0x93: {  	_ =	swait.eq [sflag:s15], $0x1  }
0x94: {  	[sflag:s15] =	ssyncset.done $0x0  }
0x95: {  	[sflag:s15] =	ssyncadd.s32 $0xFFFFFFFF  }
0x96: {  	s16 =	sld [smem:$0x14];
	(tm) =	ssettm $0x1  }
0x97: {  	s17 =	sld [smem:$0x3FFB];
	_ =	sdelay $0x3  }
0x98: {  	_ =	strace s17  }
0x99: {  	s3 =	sld [smem:$0x3FFC];
	_ =	sdelay $0x3  }
0x9a: {  	_ =	strace s3  }
0x9b: {  	s3 =	sld [smem:$0x3FFD];
	_ =	sdelay $0x3  }
0x9c: {  	_ =	strace s3  }
0x9d: {  	_ =	strace $0x8FFFFFFF  }
0x9e: {  	s18 =	sld [smem:$0x3FDB];
	_ =	sdelay $0x1  }
0x9f: {  	s19 =	simm.s32 $_scs_section_size  }
0xa0: {  	s5 =	simm.s32 $_size__tile_overlayer_lowered;
	s6 =	simm.s32 $_tile_overlayer_lowered  }
0xa1: {  	s22 =	simm.s32 $0x1BFF;
	s21 =	sshll.u32 s6, $0x1;
	s3 =	sadd.s32 s19, s18  }
0xa2: {  	s7 =	simm.s32 $0x0;
	s20 =	sshll.u32 s5, $0x1;
	s5 =	sadd.s32 s21, s3  }
0xa3: {  	[timem:s7], [sflag:s22] =	dma.local [hbm:s5], s20  }
0xa4: {  	_ =	swait.ge [sflag:s22], s20  }
0xa5: {  	s4 =	ssub.s32 $0x0, s20;
	[sflag:s22] =	ssyncset.done $0x0  }
0xa6: {  	[sflag:s22] =	ssyncadd.s32 s4;
	_ =	sdelay $0x1  }
0xa7: {  	s23 =	simm.s32 $0x1B8B  }
0xa8: {  	_ =	swait.ge [sflag:s23], $0x1  }
0xa9: {  	[sflag:s23] =	ssyncset.done $0x0  }
0xaa: {  	s25 =	simm.s32 $0x1B8E;
	s24 =	sld [smem:$0x3FFE];
	[sflag:s23] =	ssyncadd.s32 $0xFFFFFFFF  }
0xab: {  	s26 =	simm.s32 $execute0_lowered;
	[smem:$0x3FD2] =	sst s25  }
0xac: {  	s5 =	sshll.u32 s26, $0x1;
	_ =	strace $0x80000046;
	[dreg:$0x1] =	wrdreg $0xFFFFFFFF  }
0xad: {  	s28 =	simm.s32 $_size_execute0_lowered;
	s3 =	sadd.s32 s3, s5;
	[dreg:$0x0] =	wrdreg $0x0  }
0xae: {  	s5 =	sshll.u32 s28, $0x1;
	[dreg:$0x2] =	wrdreg s3  }
0xaf: {  	[dreg:$0x3] =	wrdreg s5  }
0xb0: {  	[dreg:$0x4] =	wrdreg $0xC0  }
0xb1: {  	_ =	task [dreg:s7], $0x5FFFF  }
0xb2: {  	[dreg:$0x1] =	wrdreg $0xFFFFFFFF  }
0xb3: {  	[dreg:$0x0] =	wrdreg $0x60  }
0xb4: {  	[dreg:$0x2] =	wrdreg s24  }
0xb5: {  	[dreg:$0x3] =	wrdreg s16  }
0xb6: {  	[dreg:$0x4] =	wrdreg $0x41000  }
0xb7: {  	[dreg:$0x5] =	wrdreg $0x9  }
0xb8: {  	_ =	task.clear_ibuf [dreg:s7], $0x6FFFF;
	_ =	strace $0x90000046  }
0xb9: {  	s29 =	simm.s32 $0x9;
	_ =	strace $0x80000048  }
0xba: {  	_ =	swait.ge [sflag:s29], $0x1  }
0xbb: {  	[sflag:s29] =	ssyncadd.s32 $0xFFFFFFFF  }
0xbc: {  	_ =	strace $0x90000048  }
0xbd: {  	_ =	sfence  }
0xbe: {  	s30 =	sld [smem:$0x0];
	_ =	sdelay $0x2  }
0xbf: {  	s31 =	sshll.u32 s1, $0xD;
	s1 =	sshrl.u32 s1, $0x2  }
0xc0: {  	s3 =	sand.u32 $0x4000, s31;
	s1 =	sadd.s32 s1, s30  }
0xc1: {  	s0 =	sor.u32 s3, s0;
	s1 =	sshll.u32 s1, $0x11  }
0xc2: {  	s0 =	sor.u32 s1, s0  }
0xc3: {  	s0 =	sadd.s32 $0x8F2B, s0  }
0xc4: {  	[sflag:s0] =	ssyncadd.remote.s32 $0x1  }
0xc5: {  	_ =	sfence.sel $0xFFFF  }
0xc6: {  	[dreg:$0x0] =	wrdreg $0xFFFFFFFF;
	(pc) =	sbr.abs _section_cstart, $3  }
0xc7: {  	[dreg:$0x1] =	wrdreg $0xFFFFFFFF  }
0xc8: {  	_ =	task.clear_ibuf [dreg:s7], $0x2FFFF;
	_ =	strace $0x9FFFFFFF  }
0xc9: {  	(tm) =	ssettm $0x7FFFFFFF  }
tec
execute0_lowered:
.L_overlay_start_1:
0x0: {  	(tag) =	ssettag $0x1  }
0x1: {  	s7 =	rddreg [dreg:$0x0]  }
0x2: {  	s2 =	rddreg [dreg:$0x1]  }
0x3: {  	s0 =	srdreg.scid;
	s3 =	rddreg [dreg:$0x2];
	s4 =	simm.s32 $0x0  }
0x4: {  	s13 =	simm.s32 $0x3;
	s18 =	simm.s32 $0x1;
	s19 =	simm.s32 $0x80  }
0x5: {  	s20 =	simm.s32 $0x2;
	s5 =	sand.u32 $0x1, s0;
	s0 =	stileid.u32  }
0x6: {  	s22 =	simm.s32 $0x0;
	[smem:$0x7FF] =	sst s4;
	s21 =	smul.u32 $0x2700, s0  }
0x7: {  	s16 =	sadd.s32 $0x138000, s3;
	s1 =	sshll.u32 s5, $0x4;
	s8 =	smul.u32 $0x27100, s5  }
0x8: {  	s30 =	ssub.s32 $0x2, s5;
	s11 =	smul.u32 $0x4E000, s0;
	p0 =	seq.s32 s5, $0x0  }
0x9: {  	s5 =	simm.s32 $0x90;
	s14 =	sshll.u32 s0, $0x6;
	s1 =	sor.u32 s0, s1  }
0xa: {  	s12 =	sshrl.u32 s30, $0x1;
	s5 =	simm.s32 @!p0 $0xE;
	p0 =	sne.s32 s0, $0xF  }
0xb: {  	s14 =	sor.u32 $0x1C03, s14;
	s6 =	smul.u32 $0x900, s1;
	s1 =	rddreg [dreg:$0x3]  }
0xc: {  	_ =	strace $0x80000047;
	s29 =	sadd.s32 s21, s7;
	s10 =	sadd.s32 s8, s7  }
0xd: {  	s12 =	ssub.s32 s30, s12;
	s31 =	sshrl.u32 s11, $0x2;
	s16 =	sshrl.u32 @!p0 s16, $0x3  }
0xe: {  	s15 =	sadd.s32 s31, s3;
	s10 =	sadd.s32 $0x3D600, s10;
	s11 =	smax.u32 s12, $0x1  }
0xf: {  	s12 =	simm.s32 $0x100;
	s9 =	sadd.s32 s6, s7;
	s6 =	sadd.s32 $0x16400, s29  }
0x10: {  	s7 =	sadd.s32 $0x3D400, s7;
	s15 =	sshrl.u32 s15, $0x3;
	s8 =	sadd.s32 $0x4400, s9  }
0x11: {  	s21 =	sadd.s32 s21, s10;
	s9 =	sshrl.u32 s5, $0x1;
	s17 =	sadd.s32 $0x10, s8  }
.LBB2_1:
0x12: {  	[tilespmem:s12], [sflag:$0x3] =	stream.linear.gather [hbm4b:s2+s4], $0x4000, $0x38;
	[tilespmem:$0x179C0] =	vst v63  }
0x13: {  	_ =	swait.ge [sflag:s13], $0x4000  }
0x14: {  	[sflag:s13] =	ssyncset.done $0x0  }
0x15: {  	[sflag:s13] =	ssyncadd.s32 $0xFFFFC000  }
0x16: {  	[spmem:s15], [sflag:s14] =	dma.local [hbm:s6], $0x2700  }
0x17: {  	_ =	swait.ge [sflag:s13], $0x2700  }
0x18: {  	[sflag:s13] =	ssyncset.done $0x0  }
0x19: {  	s23 =	simm.s32 @!p0 $0x3;
	[sflag:s13] =	ssyncadd.s32 $0xFFFFD900  }
0x1a: {  	[spmem:s16], [sflag:s14] =	dma.local @!p0 [hbm:s7], $0x180  }
0x1b: {  	_ =	swait.ge @!p0 [sflag:s23], $0x180  }
0x1c: {  	[sflag:s23] =	ssyncset.done @!p0 $0x0  }
0x1d: {  	[sflag:s23] =	ssyncadd.s32 @!p0 $0xFFFFFE80  }
0x1e: {  	[bflag:$0x0] =	sbarrier.arrive $0xFFFF  }
0x1f: {  	[tilespmem:s4], [sflag:$0x1] =	stream.linear.gather [hbm4b:s8+s4], $0x80, $0x38;
	[tilespmem:$0x179C0] =	vst v63  }
0x20: {  	_ =	swait.ge [sflag:s18], $0x80  }
0x21: {  	[sflag:s18] =	ssyncset.done $0x0  }
0x22: {  	[sflag:s18] =	ssyncadd.s32 $0xFFFFFF80  }
0x23: {  	[tilespmem:s19], [sflag:$0x2] =	stream.linear.gather [hbm4b:s17+s4], $0x80, $0x38;
	[tilespmem:$0x179C0] =	vst v63  }
0x24: {  	_ = 	snop  }
0x25: {  	[spmem:s3] =	stream.indirect.scatter.add.f32 [tilespmem:s12], [sflag:$0x3], $0x80, s4, s19, $0xb8;
	[tilespmem:$0x179C0] =	vst v63  }
0x26: {  	_ =	swait.ge [sflag:s13], $0x4000  }
0x27: {  	[sflag:s13] =	ssyncset.done $0x0  }
0x28: {  	[sflag:s13] =	ssyncadd.s32 $0xFFFFC000  }
0x29: {  	_ =	swait.ge [sflag:s20], $0x80  }
0x2a: {  	p1 =	sle.u32 s5, $0x2;
	[sflag:s20] =	ssyncset.done $0x0  }
0x2b: {  	s24 =	sadd.s32 @!p1 $0x10, s17;
	s25 =	simm.s32 @!p1 $0x0;
	[sflag:s20] =	ssyncadd.s32 $0xFFFFFF80  }
0x2c: {  	[tilespmem:s25], [sflag:$0x1] =	stream.linear.gather @!p1 [hbm4b:s24+s25], $0x80, $0x38;
	[tilespmem:$0x179C0] =	vst v63  }
0x2d: {  	s24 =	sadd.s32 $0xFFFFFFFF, s9  }
0x2e: {  	p1 =	sne.s32 s24, $0x0  }
.Ltmp0:
0x2f: {  	_ = 	snop;
	(pc) =	sbr.rel @!p1 .LBB2_3-.Ltmp0, $4  }
0x30: {  	_ = 	snop  }
0x31: {  	[spmem:s3] =	stream.indirect.scatter.add.f32 [tilespmem:s12], [sflag:$0x3], $0x80, s19, s19, $0xb8;
	[tilespmem:$0x179C0] =	vst v63  }
0x32: {  	_ =	swait.ge [sflag:s13], $0x4000  }
0x33: {  	s26 =	smov.u32 s17;
	s25 =	simm.s32 $0x4;
	[sflag:s13] =	ssyncset.done $0x0  }
.LBB2_2:
0x34: {  	s24 =	sadd.s32 $0xFFFFFFFF, s24;
	[sflag:s13] =	ssyncadd.s32 $0xFFFFC000;
	s26 =	sadd.s32 $0x20, s26  }
0x35: {  	p1 =	sne.s32 s24, $0x0  }
0x36: {  	_ =	swait.ge [sflag:s18], $0x80  }
0x37: {  	[sflag:s18] =	ssyncset.done $0x0  }
0x38: {  	[sflag:s18] =	ssyncadd.s32 $0xFFFFFF80  }
0x39: {  	[tilespmem:s19], [sflag:$0x2] =	stream.linear.gather [hbm4b:s26+s4], $0x80, $0x38;
	[tilespmem:$0x179C0] =	vst v63  }
0x3a: {  	_ = 	snop  }
0x3b: {  	[spmem:s3] =	stream.indirect.scatter.add.f32 [tilespmem:s12], [sflag:$0x3], $0x80, s4, s19, $0xb8;
	[tilespmem:$0x179C0] =	vst v63  }
0x3c: {  	_ =	swait.ge [sflag:s13], $0x4000  }
0x3d: {  	[sflag:s13] =	ssyncset.done $0x0  }
0x3e: {  	[sflag:s13] =	ssyncadd.s32 $0xFFFFC000  }
0x3f: {  	_ =	swait.ge [sflag:s20], $0x80  }
0x40: {  	p2 =	sge.u32 s25, s5;
	[sflag:s20] =	ssyncset.done $0x0  }
0x41: {  	s28 =	sadd.s32 @!p2 $0x10, s26;
	s29 =	simm.s32 @!p2 $0x0;
	[sflag:s20] =	ssyncadd.s32 $0xFFFFFF80  }
0x42: {  	[tilespmem:s29], [sflag:$0x1] =	stream.linear.gather @!p2 [hbm4b:s28+s29], $0x80, $0x38;
	[tilespmem:$0x179C0] =	vst v63  }
.Ltmp1:
0x43: {  	_ = 	snop;
	(pc) =	sbr.rel @p1 .LBB2_2-.Ltmp1, $4  }
0x44: {  	_ = 	snop  }
0x45: {  	[spmem:s3] =	stream.indirect.scatter.add.f32 [tilespmem:s12], [sflag:$0x3], $0x80, s19, s19, $0xb8;
	[tilespmem:$0x179C0] =	vst v63  }
0x46: {  	_ =	swait.ge [sflag:s13], $0x4000  }
0x47: {  	s25 =	sadd.s32 $0x2, s25;
	[sflag:s13] =	ssyncset.done $0x0  }
.LBB2_3:
0x48: {  	[sflag:s13] =	ssyncadd.s32 $0xFFFFC000  }
0x49: {  	[bflag:$0x0] =	sbarrier.arrive $0xFFFF  }
0x4a: {  	[hbm:s21], [sflag:s14] =	dma.local [spmem:s15], $0x2700  }
0x4b: {  	s22 =	sadd.s32 $0x1, s22;
	_ =	swait.ge [sflag:s13], $0x2700  }
0x4c: {  	p1 =	sne.s32 s22, s11;
	[sflag:s13] =	ssyncset.done $0x0  }
.Ltmp2:
0x4d: {  	s24 =	sadd.s32 @!p0 $0x27000, s10;
	[sflag:s13] =	ssyncadd.s32 $0xFFFFD900;
	(pc) =	sbr.rel @p1 .LBB2_1-.Ltmp2, $4  }
0x4e: {  	[hbm:s24], [sflag:s14] =	dma.local @!p0 [spmem:s16], $0x100  }
0x4f: {  	_ =	swait.ge @!p0 [sflag:s23], $0x100  }
0x50: {  	[sflag:s23] =	ssyncset.done @!p0 $0x0  }
0x51: {  	[sflag:s23] =	ssyncadd.s32 @!p0 $0xFFFFFF00  }
0x52: {  	_ =	sfence.sel $0x180000  }
0x53: {  	[bflag:$0x0] =	sbarrier.arrive $0xFFFF  }
0x54: {  	p0 =	sne.s32 s0, $0x0;
	_ =	strace $0x90000047  }
0x55: {  	s0 =	sadd.s32 @!p0 $0x100000, s1;
	[bflag:$0x2] =	sbarrier.arrive $0xFFFF  }
0x56: {  	[sflag:s0] =	ssyncadd.tile.s32 @!p0 $0x1;
	_ =	shalt  }
.Lfunc_end2:
_tile_overlayer_lowered:
.L_overlay_start_2:
0x57: {  	(tag) =	ssettag $0x2  }
0x58: {  	s0 =	rddreg [dreg:$0x0];
	s2 =	stileid.u32  }
0x59: {  	s1 =	rddreg [dreg:$0x1];
	p0 =	sne.s32 s2, $0x0  }
0x5a: {  	s3 =	rddreg [dreg:$0x2];
	[bflag:$0x3] =	sbarrier.arrive $0xFFFF;
	s2 =	simm.s32 @!p0 $0x1C03  }
0x5b: {  	[timem:s3], [sflag:s2] =	dma.local @!p0 [hbm:s0], s1  }
0x5c: {  	s0 =	simm.s32 @!p0 $0x3  }
0x5d: {  	_ =	swait.ge @!p0 [sflag:s0], s1  }
0x5e: {  	s1 =	ssub.s32 @!p0 $0x0, s1;
	[sflag:s0] =	ssyncset.done @!p0 $0x0  }
0x5f: {  	[sflag:s0] =	ssyncadd.s32 @!p0 s1  }
0x60: {  	[bflag:$0x3] =	sbarrier.arrive $0xFFFF  }
0x61: {  	_ =	shalt  }

// kernel: kernel.13.cloned.1.call-start
scs
__scs_entry_jumppad:
0x0: {  	(pc) =	sbr.rel $0x88, $3  }
0x1: {  	(tag) =	ssettag $0x0;
	lr =	simm.s32 $0x1  }
0x2: {  	[smem:$0x3F98] =	sst lr;
	_ =	strace $0xD0000000  }
0x3: {  	_ = 	snop  }
0x4: {  	_ = 	snop  }
0x5: {  	_ = 	snop  }
0x6: {  	_ = 	snop  }
0x7: {  	_ = 	snop  }
__scs_overlays_trampoline_lowered:
0x8: {  	[smem:$0x3FA7] =	sst s0  }
0x9: {  	[smem:$0x3FA8] =	sst s1  }
0xa: {  	[smem:$0x3FA9] =	sst s2  }
0xb: {  	[smem:$0x3FAA] =	sst s3  }
0xc: {  	[smem:$0x3FAB] =	sst s4  }
0xd: {  	[smem:$0x3FAC] =	sst s5  }
0xe: {  	[smem:$0x3FAD] =	sst s6  }
0xf: {  	[smem:$0x3FAE] =	sst s7  }
0x10: {  	[smem:$0x3FAF] =	sst s8  }
0x11: {  	[smem:$0x3FB0] =	sst s9;
	s0 =	simm.s32 @!p0 $0x0  }
0x12: {  	s1 =	sld [smem:$0x3F96];
	s0 =	simm.s32 @p0 $0x1  }
0x13: {  	[smem:$0x3FB1] =	sst s0;
	s0 =	simm.s32 @!p1 $0x0  }
0x14: {  	s2 =	sld [smem:$0x3F95];
	s0 =	simm.s32 @p1 $0x1  }
0x15: {  	[smem:$0x3FB2] =	sst s0;
	s0 =	simm.s32 @!p2 $0x0  }
0x16: {  	s3 =	sld [smem:$0x3FDB];
	s0 =	simm.s32 @p2 $0x1  }
0x17: {  	s4 =	simm.s32 $0x1BF5;
	[smem:$0x3FB4] =	sst s0  }
0x18: {  	s0 =	sld [smem:$0x3F97];
	_ =	swait.ge [sflag:s4], $0x0  }
0x19: {  	s7 =	sld [smem:$0x3F98]  }
0x1a: {  	s8 =	sadd.s32 $0xFFFFE003, lr  }
0x1b: {  	s9 =	sadd.s32 $0xFFFFFEF7, lr;
	s5 =	simm.s32 $0xFFFFFFFF;
	p2 =	slt.u32 s8, $0xFFFFF086  }
0x1c: {  	p1 =	slt.u32 s9, $0xF7A;
	s5 =	simm.s32 @!p2 $0x0  }
0x1d: {  	s5 =	simm.s32 @p1 $0x1;
	p0 =	seq.s32 s7, s2  }
0x1e: {  	s7 =	smul.u32 @!p0 $0xF7A, s2;
	p2 =	seq.s32 @!p0 s5, $0x0  }
0x1f: {  	s9 =	smul.u32 $0xF7A, s1;
	s8 =	simm.s32 @!p0 $0x1BF5;
	p2 =	por !p2, p0  }
0x20: {  	[sflag:s8] =	ssyncset.s32 @!p0 $0xFFFFF086;
	s6 =	sadd.s32 @!p0 s3, s7;
	s7 =	simm.s32 @!p0 $0x108  }
0x21: {  	s3 =	sadd.s32 s3, s9;
	s6 =	sadd.s32 @!p0 $0x88, s6;
	s7 =	simm.s32 @p2 $0x1082  }
0x22: {  	[simem:s7], [sflag:s8] =	dma.local @!p0 [hbm:s6], $0xF7A  }
0x23: {  	s9 =	sor.u32 $0xD0000000, s2;
	s6 =	simm.s32 $0x108;
	_ =	swait.ge @!p0 [sflag:s8], $0x0  }
0x24: {  	s3 =	sadd.s32 $0x88, s3;
	s6 =	simm.s32 @!p1 $0x1082;
	[sflag:s4] =	ssyncset.s32 $0xFFFFF086  }
0x25: {  	[simem:s6], [sflag:s4] =	dma.local [hbm:s3], $0xF7A  }
0x26: {  	[smem:$0x3F98] =	sst s1;
	(tag) =	ssettag s2;
	_ =	strace s9  }
0x27: {  	s1 =	sld [smem:$0x3FA8]  }
0x28: {  	s2 =	sld [smem:$0x3FA9]  }
0x29: {  	s4 =	sld [smem:$0x3FAB]  }
0x2a: {  	p0 =	seq.s32 s5, $0x0;
	s5 =	sld [smem:$0x3FAC]  }
0x2b: {  	s6 =	sld [smem:$0x3FAD]  }
0x2c: {  	s7 =	sld [smem:$0x3FAE]  }
0x2d: {  	s3 =	simm.s32 $0x108;
	s8 =	sld [smem:$0x3FAF]  }
0x2e: {  	s3 =	simm.s32 @!p0 $0x1082;
	s9 =	sld [smem:$0x3FB0]  }
0x2f: {  	lr =	sadd.s32 s0, s3;
	s0 =	sld [smem:$0x3FA7]  }
0x30: {  	s3 =	sld [smem:$0x3FAA]  }
0x31: {  	[smem:$0x3FB3] =	sst s10  }
0x32: {  	s10 =	sld [smem:$0x3FB1];
	_ =	sdelay $0x3  }
0x33: {  	p0 =	seq.s32 s10, $0x1;
	s10 =	sld [smem:$0x3FB3];
	_ =	sdelay $0x3  }
0x34: {  	[smem:$0x3FB3] =	sst s10  }
0x35: {  	s10 =	sld [smem:$0x3FB2];
	_ =	sdelay $0x3  }
0x36: {  	p1 =	seq.s32 s10, $0x1;
	s10 =	sld [smem:$0x3FB3];
	_ =	sdelay $0x3  }
0x37: {  	[smem:$0x3FB3] =	sst s10  }
0x38: {  	s10 =	sld [smem:$0x3FB4]  }
0x39: {  	_ = 	snop;
	(pc) =	sbr.ind lr, $3  }
0x3a: {  	_ = 	snop  }
0x3b: {  	_ = 	snop  }
0x3c: {  	p2 =	seq.s32 s10, $0x1;
	s10 =	sld [smem:$0x3FB3]  }
0x3d: {  	_ =	shalt  }
0x3e: {  	_ =	shalt  }
0x3f: {  	_ =	shalt  }
0x40: {  	_ =	shalt  }
0x41: {  	_ =	shalt  }
0x42: {  	_ =	shalt  }
0x43: {  	_ =	shalt  }
0x44: {  	_ =	shalt  }
0x45: {  	_ =	shalt  }
0x46: {  	_ =	shalt  }
0x47: {  	_ =	shalt  }
0x48: {  	_ =	shalt  }
0x49: {  	_ =	shalt  }
0x4a: {  	_ =	shalt  }
0x4b: {  	_ =	shalt  }
0x4c: {  	_ =	shalt  }
0x4d: {  	_ =	shalt  }
0x4e: {  	_ =	shalt  }
0x4f: {  	_ =	shalt  }
0x50: {  	_ =	shalt  }
0x51: {  	_ =	shalt  }
0x52: {  	_ =	shalt  }
0x53: {  	_ =	shalt  }
0x54: {  	_ =	shalt  }
0x55: {  	_ =	shalt  }
0x56: {  	_ =	shalt  }
0x57: {  	_ =	shalt  }
0x58: {  	_ =	shalt  }
0x59: {  	_ =	shalt  }
0x5a: {  	_ =	shalt  }
0x5b: {  	_ =	shalt  }
0x5c: {  	_ =	shalt  }
0x5d: {  	_ =	shalt  }
0x5e: {  	_ =	shalt  }
0x5f: {  	_ =	shalt  }
0x60: {  	_ =	shalt  }
0x61: {  	_ =	shalt  }
0x62: {  	_ =	shalt  }
0x63: {  	_ =	shalt  }
0x64: {  	_ =	shalt  }
0x65: {  	_ =	shalt  }
0x66: {  	_ =	shalt  }
0x67: {  	_ =	shalt  }
0x68: {  	_ =	shalt  }
0x69: {  	_ =	shalt  }
0x6a: {  	_ =	shalt  }
0x6b: {  	_ =	shalt  }
0x6c: {  	_ =	shalt  }
0x6d: {  	_ =	shalt  }
0x6e: {  	_ =	shalt  }
0x6f: {  	_ =	shalt  }
0x70: {  	_ =	shalt  }
0x71: {  	_ =	shalt  }
0x72: {  	_ =	shalt  }
0x73: {  	_ =	shalt  }
0x74: {  	_ =	shalt  }
0x75: {  	_ =	shalt  }
0x76: {  	_ =	shalt  }
0x77: {  	_ =	shalt  }
0x78: {  	_ =	shalt  }
0x79: {  	_ =	shalt  }
0x7a: {  	_ =	shalt  }
0x7b: {  	_ =	shalt  }
0x7c: {  	_ =	shalt  }
0x7d: {  	_ =	shalt  }
0x7e: {  	_ =	shalt  }
0x7f: {  	_ =	shalt  }
0x80: {  	_ =	shalt  }
0x81: {  	_ =	shalt  }
0x82: {  	_ =	shalt  }
0x83: {  	_ =	shalt  }
0x84: {  	_ =	shalt  }
0x85: {  	_ =	shalt  }
0x86: {  	_ =	shalt  }
0x87: {  	_ =	shalt  }
.Lfunc_end0:
.L_simem_size_0:
called_computation.1_lowered:
.L_overlay_start_0:
0x88: {  	s2 =	sld [smem:$0x3FD9]  }
0x89: {  	s3 =	sld [smem:$0x3FFE];
	_ =	sdelay $0x1  }
0x8a: {  	s1 =	srdreg.scid  }
0x8b: {  	s0 =	sand.u32 $0x1, s1  }
0x8c: {  	s14 =	sshll.u32 s0, $0xA;
	s2 =	sadd.s32 s3, s2  }
0x8d: {  	s2 =	sadd.s32 s2, s14  }
0x8e: {  	[smem:$0x3FBF] =	sst s2  }
0x8f: {  	_ = 	snop  }
0x90: {  	s2 =	sld [smem:$0x3FD0];
	_ =	sdelay $0x2  }
0x91: {  	s15 =	simm.s32 $0xA;
	s4 =	simm.s32 $0x10  }
0x92: {  	[smem:s4], [sflag:s15] =	dma.local [hbm:s2], $0x1  }
0x93: {  	_ =	swait.eq [sflag:s15], $0x1  }
0x94: {  	[sflag:s15] =	ssyncset.done $0x0  }
0x95: {  	[sflag:s15] =	ssyncadd.s32 $0xFFFFFFFF  }
0x96: {  	s16 =	sld [smem:$0x15];
	(tm) =	ssettm $0x1  }
0x97: {  	s17 =	sld [smem:$0x3FFB];
	_ =	sdelay $0x3  }
0x98: {  	_ =	strace s17  }
0x99: {  	s3 =	sld [smem:$0x3FFC];
	_ =	sdelay $0x3  }
0x9a: {  	_ =	strace s3  }
0x9b: {  	s3 =	sld [smem:$0x3FFD];
	_ =	sdelay $0x3  }
0x9c: {  	_ =	strace s3  }
0x9d: {  	_ =	strace $0x8FFFFFFF  }
0x9e: {  	s18 =	sld [smem:$0x3FDB];
	_ =	sdelay $0x1  }
0x9f: {  	s19 =	simm.s32 $_scs_section_size  }
0xa0: {  	s5 =	simm.s32 $_size__tile_overlayer_lowered;
	s6 =	simm.s32 $_tile_overlayer_lowered  }
0xa1: {  	s22 =	simm.s32 $0x1BFF;
	s21 =	sshll.u32 s6, $0x1;
	s3 =	sadd.s32 s19, s18  }
0xa2: {  	s7 =	simm.s32 $0x0;
	s20 =	sshll.u32 s5, $0x1;
	s5 =	sadd.s32 s21, s3  }
0xa3: {  	[timem:s7], [sflag:s22] =	dma.local [hbm:s5], s20  }
0xa4: {  	_ =	swait.ge [sflag:s22], s20  }
0xa5: {  	s4 =	ssub.s32 $0x0, s20;
	[sflag:s22] =	ssyncset.done $0x0  }
0xa6: {  	[sflag:s22] =	ssyncadd.s32 s4;
	_ =	sdelay $0x1  }
0xa7: {  	s23 =	simm.s32 $0x1B8B  }
0xa8: {  	_ =	swait.ge [sflag:s23], $0x1  }
0xa9: {  	[sflag:s23] =	ssyncset.done $0x0  }
0xaa: {  	s25 =	simm.s32 $0x1B8E;
	s24 =	sld [smem:$0x3FFE];
	[sflag:s23] =	ssyncadd.s32 $0xFFFFFFFF  }
0xab: {  	s26 =	simm.s32 $execute0_lowered;
	[smem:$0x3FD2] =	sst s25  }
0xac: {  	s5 =	sshll.u32 s26, $0x1;
	_ =	strace $0x80000049;
	[dreg:$0x1] =	wrdreg $0xFFFFFFFF  }
0xad: {  	s28 =	simm.s32 $_size_execute0_lowered;
	s3 =	sadd.s32 s3, s5;
	[dreg:$0x0] =	wrdreg $0x0  }
0xae: {  	s5 =	sshll.u32 s28, $0x1;
	[dreg:$0x2] =	wrdreg s3  }
0xaf: {  	[dreg:$0x3] =	wrdreg s5  }
0xb0: {  	[dreg:$0x4] =	wrdreg $0xC0  }
0xb1: {  	_ =	task [dreg:s7], $0x5FFFF  }
0xb2: {  	[dreg:$0x1] =	wrdreg $0xFFFFFFFF  }
0xb3: {  	[dreg:$0x0] =	wrdreg $0x60  }
0xb4: {  	[dreg:$0x2] =	wrdreg s24  }
0xb5: {  	[dreg:$0x3] =	wrdreg s16  }
0xb6: {  	[dreg:$0x4] =	wrdreg $0x82000  }
0xb7: {  	[dreg:$0x5] =	wrdreg $0x9  }
0xb8: {  	_ =	task.clear_ibuf [dreg:s7], $0x6FFFF;
	_ =	strace $0x90000049  }
0xb9: {  	s29 =	simm.s32 $0x9;
	_ =	strace $0x8000004B  }
0xba: {  	_ =	swait.ge [sflag:s29], $0x1  }
0xbb: {  	[sflag:s29] =	ssyncadd.s32 $0xFFFFFFFF  }
0xbc: {  	_ =	strace $0x9000004B  }
0xbd: {  	_ =	sfence  }
0xbe: {  	s30 =	sld [smem:$0x0];
	_ =	sdelay $0x2  }
0xbf: {  	s31 =	sshll.u32 s1, $0xD;
	s1 =	sshrl.u32 s1, $0x2  }
0xc0: {  	s3 =	sand.u32 $0x4000, s31;
	s1 =	sadd.s32 s1, s30  }
0xc1: {  	s0 =	sor.u32 s3, s0;
	s1 =	sshll.u32 s1, $0x11  }
0xc2: {  	s0 =	sor.u32 s1, s0  }
0xc3: {  	s0 =	sadd.s32 $0x8F2B, s0  }
0xc4: {  	[sflag:s0] =	ssyncadd.remote.s32 $0x1  }
0xc5: {  	_ =	sfence.sel $0xFFFF  }
0xc6: {  	[dreg:$0x0] =	wrdreg $0xFFFFFFFF;
	(pc) =	sbr.abs _section_cstart, $3  }
0xc7: {  	[dreg:$0x1] =	wrdreg $0xFFFFFFFF  }
0xc8: {  	_ =	task.clear_ibuf [dreg:s7], $0x2FFFF;
	_ =	strace $0x9FFFFFFF  }
0xc9: {  	(tm) =	ssettm $0x7FFFFFFF  }
tec
execute0_lowered:
.L_overlay_start_1:
0x0: {  	(tag) =	ssettag $0x1  }
0x1: {  	s0 =	srdreg.scid;
	s1 =	rddreg [dreg:$0x0]  }
0x2: {  	s4 =	rddreg [dreg:$0x1];
	s12 =	stileid.u32  }
0x3: {  	s2 =	rddreg [dreg:$0x2];
	s16 =	simm.s32 $0x7;
	s19 =	simm.s32 $0x80  }
0x4: {  	s23 =	simm.s32 $0x1;
	s31 =	simm.s32 $0x4200;
	s28 =	simm.s32 $0x6  }
0x5: {  	s29 =	simm.s32 $0x0;
	s0 =	sand.u32 $0x1, s0;
	s7 =	smul.u32 $0x2700, s12  }
0x6: {  	s9 =	smul.u32 $0x4E000, s12;
	s26 =	sshll.u32 s12, $0x6;
	s17 =	sadd.s32 $0x138000, s2  }
0x7: {  	s3 =	sshll.u32 s0, $0x4;
	s6 =	smul.u32 $0x27100, s0;
	s8 =	ssub.s32 $0x2, s0  }
0x8: {  	p0 =	seq.s32 s0, $0x0;
	s5 =	sor.u32 s12, s3;
	s3 =	simm.s32 $0x0  }
0x9: {  	s24 =	sshrl.u32 s8, $0x1;
	s25 =	sshrl.u32 s9, $0x2;
	s10 =	smul.u32 $0x900, s5  }
0xa: {  	[smem:$0x7FF] =	sst s3;
	s5 =	sadd.s32 $0x3D600, s1;
	s13 =	sadd.s32 s6, s1  }
0xb: {  	s14 =	ssub.s32 s8, s24;
	s6 =	simm.s32 $0x90;
	s0 =	sadd.s32 s25, s2  }
0xc: {  	s8 =	sor.u32 $0x1C07, s26;
	s25 =	simm.s32 $0x2;
	s26 =	simm.s32 $0x5  }
0xd: {  	_ =	strace $0x8000004A;
	[dreg:$0x5] =	wrdreg s7;
	s7 =	sadd.s32 s7, s1  }
0xe: {  	s6 =	simm.s32 @!p0 $0xE;
	s13 =	sadd.s32 $0x64800, s13;
	s14 =	smax.u32 s14, $0x1  }
0xf: {  	p0 =	sne.s32 s12, $0xF;
	s15 =	sshrl.u32 s0, $0x3;
	[dreg:$0x4] =	wrdreg s31  }
0x10: {  	s11 =	sadd.s32 s10, s1;
	s7 =	sadd.s32 $0x16400, s7;
	s1 =	sadd.s32 $0x3D400, s1  }
0x11: {  	s10 =	sadd.s32 s4, s10;
	s30 =	sshrl.u32 s6, $0x1;
	[dreg:$0x6] =	wrdreg s7  }
0x12: {  	s17 =	sshrl.u32 @!p0 s17, $0x3;
	[dreg:$0x7] =	wrdreg s1;
	s11 =	sadd.s32 $0x4400, s11  }
0x13: {  	[dreg:$0x8] =	wrdreg s30;
	s18 =	sadd.s32 $0x10, s10;
	s21 =	sadd.s32 $0x10, s11  }
.LBB2_1:
0x14: {  	s0 =	rddreg [dreg:$0x6]  }
0x15: {  	[spmem:s15], [sflag:s8] =	dma.local [hbm:s0], $0x2700  }
0x16: {  	_ =	swait.ge [sflag:s16], $0x2700  }
0x17: {  	[sflag:s16] =	ssyncset.done $0x0  }
0x18: {  	s30 =	simm.s32 @!p0 $0x7;
	s0 =	rddreg [dreg:$0x7];
	[sflag:s16] =	ssyncadd.s32 $0xFFFFD900  }
0x19: {  	[spmem:s17], [sflag:s8] =	dma.local @!p0 [hbm:s0], $0x180  }
0x1a: {  	_ =	swait.ge @!p0 [sflag:s30], $0x180  }
0x1b: {  	[sflag:s30] =	ssyncset.done @!p0 $0x0  }
0x1c: {  	[sflag:s30] =	ssyncadd.s32 @!p0 $0xFFFFFE80  }
0x1d: {  	[bflag:$0x0] =	sbarrier.arrive $0xFFFF  }
0x1e: {  	[tilespmem:s3], [sflag:$0x1] =	stream.linear.gather [hbm4b:s10+s3], $0x80, $0x38;
	[tilespmem:$0x1BAC0] =	vst v63  }
0x1f: {  	_ = 	snop  }
0x20: {  	[tilespmem:s19], [sflag:$0x2] =	stream.linear.gather [hbm4b:s18+s3], $0x80, $0x38;
	[tilespmem:$0x1BAC0] =	vst v63  }
0x21: {  	s7 =	simm.s32 $0x100  }
0x22: {  	[tilespmem:s7], [sflag:$0x3] =	stream.linear.gather [hbm4b:s11+s3], $0x80, $0x38;
	[tilespmem:$0x1BAC0] =	vst v63  }
0x23: {  	s9 =	simm.s32 $0x180  }
0x24: {  	[tilespmem:s9], [sflag:$0x4] =	stream.linear.gather [hbm4b:s21+s3], $0x80, $0x38;
	[tilespmem:$0x1BAC0] =	vst v63  }
0x25: {  	_ =	swait.ge [sflag:s23], $0x80  }
0x26: {  	[sflag:s23] =	ssyncset.done $0x0  }
0x27: {  	s12 =	simm.s32 $0x200;
	[sflag:s23] =	ssyncadd.s32 $0xFFFFFF80  }
0x28: {  	[tilespmem:s12], [sflag:$0x5] =	stream.indirect.gather [hbm4b:s5+s19], $0x80, s3, s19, $0xb8;
	[tilespmem:$0x1BAC0] =	vst v63  }
0x29: {  	_ =	swait.ge [sflag:s25], $0x80  }
0x2a: {  	[sflag:s25] =	ssyncset.done $0x0  }
0x2b: {  	s20 =	rddreg [dreg:$0x4];
	[sflag:s25] =	ssyncadd.s32 $0xFFFFFF80  }
0x2c: {  	[tilespmem:s20], [sflag:$0x6] =	stream.indirect.gather [hbm4b:s5+s19], $0x80, s19, s19, $0xb8;
	[tilespmem:$0x1BAC0] =	vst v63  }
0x2d: {  	_ =	swait.ge [sflag:s26], $0x4000  }
0x2e: {  	p1 =	sle.u32 s6, $0x2;
	[sflag:s26] =	ssyncset.done $0x0  }
0x2f: {  	s0 =	simm.s32 @p1 $0x3;
	[sflag:s26] =	ssyncadd.s32 $0xFFFFC000  }
0x30: {  	_ =	swait.ge @p1 [sflag:s0], $0x80  }
0x31: {  	s1 =	simm.s32 @p1 $0x200;
	s4 =	simm.s32 @p1 $0x7;
	[sflag:s0] =	ssyncset.done @p1 $0x0  }
0x32: {  	s20 =	simm.s32 @p1 $0x100;
	[sflag:s0] =	ssyncadd.s32 @p1 $0xFFFFFF80;
	s0 =	simm.s32 @p1 $0x80  }
0x33: {  	[spmem:s2] =	stream.indirect.scatter.add.f32 @p1 [tilespmem:s1], [sflag:$0x7], $0x80, s20, s0, $0xb8;
	[tilespmem:$0x1BAC0] =	vst v63  }
0x34: {  	_ =	swait.ge @p1 [sflag:s4], $0x4000  }
0x35: {  	s20 =	sadd.s32 $0x20, s10;
	[sflag:s4] =	ssyncset.done @p1 $0x0  }
0x36: {  	s0 =	simm.s32 @!p1 $0x0;
	s1 =	simm.s32 @!p1 $0x3;
	[sflag:s4] =	ssyncadd.s32 @p1 $0xFFFFC000  }
0x37: {  	[tilespmem:s0], [sflag:$0x1] =	stream.linear.gather @!p1 [hbm4b:s20+s0], $0x80, $0x38;
	[tilespmem:$0x1BAC0] =	vst v63  }
0x38: {  	_ =	swait.ge @!p1 [sflag:s1], $0x80  }
0x39: {  	s22 =	simm.s32 @!p1 $0x7;
	s24 =	simm.s32 @!p1 $0x100;
	[sflag:s1] =	ssyncset.done @!p1 $0x0  }
0x3a: {  	s4 =	simm.s32 @!p1 $0x200;
	[sflag:s1] =	ssyncadd.s32 @!p1 $0xFFFFFF80;
	s1 =	simm.s32 @!p1 $0x80  }
0x3b: {  	[spmem:s2] =	stream.indirect.scatter.add.f32 @!p1 [tilespmem:s4], [sflag:$0x7], $0x80, s24, s1, $0xb8;
	[tilespmem:$0x1BAC0] =	vst v63  }
0x3c: {  	_ =	swait.ge @!p1 [sflag:s22], $0x4000  }
0x3d: {  	[sflag:s22] =	ssyncset.done @!p1 $0x0  }
0x3e: {  	s7 =	sadd.s32 $0x20, s11;
	[sflag:s22] =	ssyncadd.s32 @!p1 $0xFFFFC000;
	s22 =	simm.s32 @!p1 $0x1  }
0x3f: {  	[tilespmem:s24], [sflag:$0x3] =	stream.linear.gather @!p1 [hbm4b:s7+s0], $0x80, $0x38;
	[tilespmem:$0x1BAC0] =	vst v63  }
0x40: {  	_ =	swait.ge @!p1 [sflag:s22], $0x80  }
0x41: {  	[sflag:s22] =	ssyncset.done @!p1 $0x0  }
0x42: {  	[sflag:s22] =	ssyncadd.s32 @!p1 $0xFFFFFF80  }
0x43: {  	[tilespmem:s4], [sflag:$0x5] =	stream.indirect.gather @!p1 [hbm4b:s5+s1], $0x80, s0, s1, $0xb8;
	[tilespmem:$0x1BAC0] =	vst v63  }
0x44: {  	_ =	swait.ge [sflag:s28], $0x4000  }
0x45: {  	p2 =	sle.u32 s6, $0x3;
	[sflag:s28] =	ssyncset.done $0x0  }
0x46: {  	s0 =	simm.s32 @p2 $0x4;
	[sflag:s28] =	ssyncadd.s32 $0xFFFFC000  }
0x47: {  	_ =	swait.ge @p2 [sflag:s0], $0x80  }
0x48: {  	s22 =	simm.s32 @p2 $0x180;
	s1 =	simm.s32 @p2 $0x4200;
	[sflag:s0] =	ssyncset.done @p2 $0x0  }
0x49: {  	s4 =	simm.s32 @p2 $0x7;
	[sflag:s0] =	ssyncadd.s32 @p2 $0xFFFFFF80;
	s0 =	simm.s32 @p2 $0x80  }
0x4a: {  	[spmem:s2] =	stream.indirect.scatter.add.f32 @p2 [tilespmem:s1], [sflag:$0x7], $0x80, s22, s0, $0xb8;
	[tilespmem:$0x1BAC0] =	vst v63  }
0x4b: {  	_ =	swait.ge @p2 [sflag:s4], $0x4000  }
0x4c: {  	s24 =	simm.s32 @!p2 $0x0;
	s0 =	simm.s32 @!p2 $0x80;
	[sflag:s4] =	ssyncset.done @p2 $0x0  }
0x4d: {  	s1 =	simm.s32 @!p2 $0x4;
	[sflag:s4] =	ssyncadd.s32 @p2 $0xFFFFC000;
	s4 =	sadd.s32 @!p2 $0x10, s20  }
0x4e: {  	[tilespmem:s0], [sflag:$0x2] =	stream.linear.gather @!p2 [hbm4b:s4+s24], $0x80, $0x38;
	[tilespmem:$0x1BAC0] =	vst v63  }
0x4f: {  	_ =	swait.ge @!p2 [sflag:s1], $0x80  }
0x50: {  	s9 =	simm.s32 @!p2 $0x7;
	[sflag:s1] =	ssyncset.done @!p2 $0x0  }
0x51: {  	s22 =	simm.s32 @!p2 $0x4200;
	s4 =	simm.s32 @!p2 $0x180;
	[sflag:s1] =	ssyncadd.s32 @!p2 $0xFFFFFF80  }
0x52: {  	[spmem:s2] =	stream.indirect.scatter.add.f32 @!p2 [tilespmem:s22], [sflag:$0x7], $0x80, s4, s0, $0xb8;
	[tilespmem:$0x1BAC0] =	vst v63  }
0x53: {  	_ =	swait.ge @!p2 [sflag:s9], $0x4000  }
0x54: {  	s22 =	rddreg [dreg:$0x8]  }
0x55: {  	s31 =	sadd.s32 $0xFFFFFFFF, s22  }
0x56: {  	p1 =	sne.s32 s31, $0x0  }
.Ltmp0:
0x57: {  	_ = 	snop;
	(pc) =	sbr.rel @!p1 .LBB2_3-.Ltmp0, $3  }
0x58: {  	_ =	sdelay $0x1  }
0x59: {  	s20 =	sadd.s32 $0x20, s20;
	s1 =	sadd.s32 $0x20, s7;
	[sflag:s9] =	ssyncset.done @!p2 $0x0  }
0x5a: {  	s0 =	simm.s32 $0x4;
	[sflag:s9] =	ssyncadd.s32 @!p2 $0xFFFFC000;
	s22 =	sadd.s32 @!p2 $0x10, s7  }
.LBB2_2:
0x5b: {  	[tilespmem:s4], [sflag:$0x4] =	stream.linear.gather @!p2 [hbm4b:s22+s24], $0x80, $0x38;
	[tilespmem:$0x1BAC0] =	vst v63  }
0x5c: {  	_ =	swait.ge [sflag:s25], $0x80  }
0x5d: {  	[sflag:s25] =	ssyncset.done $0x0  }
0x5e: {  	s12 =	rddreg [dreg:$0x4];
	[sflag:s25] =	ssyncadd.s32 $0xFFFFFF80  }
0x5f: {  	[tilespmem:s12], [sflag:$0x6] =	stream.indirect.gather [hbm4b:s5+s19], $0x80, s19, s19, $0xb8;
	[tilespmem:$0x1BAC0] =	vst v63  }
0x60: {  	_ =	swait.ge [sflag:s26], $0x4000  }
0x61: {  	p2 =	sge.u32 s0, s6;
	[sflag:s26] =	ssyncset.done $0x0  }
0x62: {  	s4 =	simm.s32 @p2 $0x3;
	[sflag:s26] =	ssyncadd.s32 $0xFFFFC000  }
0x63: {  	_ =	swait.ge @p2 [sflag:s4], $0x80  }
0x64: {  	s7 =	simm.s32 @p2 $0x200;
	s9 =	simm.s32 @p2 $0x7;
	[sflag:s4] =	ssyncset.done @p2 $0x0  }
0x65: {  	s24 =	simm.s32 @p2 $0x100;
	[sflag:s4] =	ssyncadd.s32 @p2 $0xFFFFFF80;
	s4 =	simm.s32 @p2 $0x80  }
0x66: {  	[spmem:s2] =	stream.indirect.scatter.add.f32 @p2 [tilespmem:s7], [sflag:$0x7], $0x80, s24, s4, $0xb8;
	[tilespmem:$0x1BAC0] =	vst v63  }
0x67: {  	_ =	swait.ge @p2 [sflag:s9], $0x4000  }
0x68: {  	[sflag:s9] =	ssyncset.done @p2 $0x0  }
0x69: {  	s4 =	simm.s32 @!p2 $0x0;
	s7 =	simm.s32 @!p2 $0x3;
	[sflag:s9] =	ssyncadd.s32 @p2 $0xFFFFC000  }
0x6a: {  	[tilespmem:s4], [sflag:$0x1] =	stream.linear.gather @!p2 [hbm4b:s20+s4], $0x80, $0x38;
	[tilespmem:$0x1BAC0] =	vst v63  }
0x6b: {  	_ =	swait.ge @!p2 [sflag:s7], $0x80  }
0x6c: {  	s12 =	simm.s32 @!p2 $0x100;
	s24 =	simm.s32 @!p2 $0x7;
	[sflag:s7] =	ssyncset.done @!p2 $0x0  }
0x6d: {  	s9 =	simm.s32 @!p2 $0x200;
	[sflag:s7] =	ssyncadd.s32 @!p2 $0xFFFFFF80;
	s7 =	simm.s32 @!p2 $0x80  }
0x6e: {  	[spmem:s2] =	stream.indirect.scatter.add.f32 @!p2 [tilespmem:s9], [sflag:$0x7], $0x80, s12, s7, $0xb8;
	[tilespmem:$0x1BAC0] =	vst v63  }
0x6f: {  	_ =	swait.ge @!p2 [sflag:s24], $0x4000  }
0x70: {  	[sflag:s24] =	ssyncset.done @!p2 $0x0  }
0x71: {  	[sflag:s24] =	ssyncadd.s32 @!p2 $0xFFFFC000;
	s24 =	simm.s32 @!p2 $0x1  }
0x72: {  	[tilespmem:s12], [sflag:$0x3] =	stream.linear.gather @!p2 [hbm4b:s1+s4], $0x80, $0x38;
	[tilespmem:$0x1BAC0] =	vst v63  }
0x73: {  	_ =	swait.ge @!p2 [sflag:s24], $0x80  }
0x74: {  	[sflag:s24] =	ssyncset.done @!p2 $0x0  }
0x75: {  	[sflag:s24] =	ssyncadd.s32 @!p2 $0xFFFFFF80  }
0x76: {  	[tilespmem:s9], [sflag:$0x5] =	stream.indirect.gather @!p2 [hbm4b:s5+s7], $0x80, s4, s7, $0xb8;
	[tilespmem:$0x1BAC0] =	vst v63  }
0x77: {  	s24 =	sadd.s32 $0x1, s0;
	_ =	swait.ge [sflag:s28], $0x4000  }
0x78: {  	p2 =	sge.u32 s24, s6;
	[sflag:s28] =	ssyncset.done $0x0  }
0x79: {  	s4 =	simm.s32 @p2 $0x4;
	[sflag:s28] =	ssyncadd.s32 $0xFFFFC000  }
0x7a: {  	_ =	swait.ge @p2 [sflag:s4], $0x80  }
0x7b: {  	s7 =	simm.s32 @p2 $0x4200;
	s9 =	simm.s32 @p2 $0x7;
	[sflag:s4] =	ssyncset.done @p2 $0x0  }
0x7c: {  	s12 =	simm.s32 @p2 $0x180;
	[sflag:s4] =	ssyncadd.s32 @p2 $0xFFFFFF80;
	s4 =	simm.s32 @p2 $0x80  }
0x7d: {  	[spmem:s2] =	stream.indirect.scatter.add.f32 @p2 [tilespmem:s7], [sflag:$0x7], $0x80, s12, s4, $0xb8;
	[tilespmem:$0x1BAC0] =	vst v63  }
0x7e: {  	s31 =	sadd.s32 $0xFFFFFFFF, s31;
	_ =	swait.ge @p2 [sflag:s9], $0x4000  }
0x7f: {  	s24 =	simm.s32 @!p2 $0x0;
	s7 =	simm.s32 @!p2 $0x80;
	[sflag:s9] =	ssyncset.done @p2 $0x0  }
0x80: {  	s4 =	simm.s32 @!p2 $0x4;
	[sflag:s9] =	ssyncadd.s32 @p2 $0xFFFFC000;
	s9 =	sadd.s32 @!p2 $0x10, s20  }
0x81: {  	[tilespmem:s7], [sflag:$0x2] =	stream.linear.gather @!p2 [hbm4b:s9+s24], $0x80, $0x38;
	[tilespmem:$0x1BAC0] =	vst v63  }
0x82: {  	p1 =	sne.s32 s31, $0x0;
	_ =	swait.ge @!p2 [sflag:s4], $0x80  }
0x83: {  	s12 =	simm.s32 @!p2 $0x7;
	s9 =	simm.s32 @!p2 $0x4200;
	[sflag:s4] =	ssyncset.done @!p2 $0x0  }
.Ltmp1:
0x84: {  	[sflag:s4] =	ssyncadd.s32 @!p2 $0xFFFFFF80;
	s4 =	simm.s32 @!p2 $0x180;
	(pc) =	sbr.rel @p1 .LBB2_2-.Ltmp1, $4  }
0x85: {  	[spmem:s2] =	stream.indirect.scatter.add.f32 @!p2 [tilespmem:s9], [sflag:$0x7], $0x80, s4, s7, $0xb8;
	[tilespmem:$0x1BAC0] =	vst v63  }
0x86: {  	s22 =	smov.u32 s1;
	_ =	swait.ge @!p2 [sflag:s12], $0x4000  }
0x87: {  	s1 =	sadd.s32 $0x20, s1;
	s0 =	sadd.s32 $0x2, s0;
	[sflag:s12] =	ssyncset.done @!p2 $0x0  }
0x88: {  	s22 =	sadd.s32 @!p2 $0x10, s22;
	s20 =	sadd.s32 $0x20, s20;
	[sflag:s12] =	ssyncadd.s32 @!p2 $0xFFFFC000  }
.LBB2_3:
0x89: {  	[tilespmem:s4], [sflag:$0x4] =	stream.linear.gather @!p2 [hbm4b:s22+s24], $0x80, $0x38;
	[tilespmem:$0x1BAC0] =	vst v63  }
0x8a: {  	[bflag:$0x0] =	sbarrier.arrive $0xFFFF  }
0x8b: {  	s0 =	rddreg [dreg:$0x5]  }
0x8c: {  	s0 =	sadd.s32 s0, s13  }
0x8d: {  	[hbm:s0], [sflag:s8] =	dma.local [spmem:s15], $0x2700  }
0x8e: {  	s29 =	sadd.s32 $0x1, s29;
	_ =	swait.ge [sflag:s16], $0x2700  }
0x8f: {  	p1 =	sne.s32 s29, s14;
	[sflag:s16] =	ssyncset.done $0x0  }
.Ltmp2:
0x90: {  	s0 =	sadd.s32 @!p0 $0x27000, s13;
	[sflag:s16] =	ssyncadd.s32 $0xFFFFD900;
	(pc) =	sbr.rel @p1 .LBB2_1-.Ltmp2, $4  }
0x91: {  	[hbm:s0], [sflag:s8] =	dma.local @!p0 [spmem:s17], $0x100  }
0x92: {  	_ =	swait.ge @!p0 [sflag:s30], $0x100  }
0x93: {  	[sflag:s30] =	ssyncset.done @!p0 $0x0  }
0x94: {  	[sflag:s30] =	ssyncadd.s32 @!p0 $0xFFFFFF00  }
0x95: {  	_ =	sfence.sel $0x180000  }
0x96: {  	[bflag:$0x0] =	sbarrier.arrive $0xFFFF  }
0x97: {  	_ =	strace $0x9000004A  }
0x98: {  	s0 =	stileid.u32;
	[bflag:$0x2] =	sbarrier.arrive $0xFFFF  }
0x99: {  	p0 =	sne.s32 s0, $0x0;
	s0 =	rddreg [dreg:$0x3]  }
0x9a: {  	s0 =	sadd.s32 @!p0 $0x100000, s0  }
0x9b: {  	[sflag:s0] =	ssyncadd.tile.s32 @!p0 $0x1;
	_ =	shalt  }
.Lfunc_end2:
_tile_overlayer_lowered:
.L_overlay_start_2:
0x9c: {  	(tag) =	ssettag $0x2  }
0x9d: {  	s0 =	rddreg [dreg:$0x0];
	s2 =	stileid.u32  }
0x9e: {  	s1 =	rddreg [dreg:$0x1];
	p0 =	sne.s32 s2, $0x0  }
0x9f: {  	s3 =	rddreg [dreg:$0x2];
	[bflag:$0x3] =	sbarrier.arrive $0xFFFF;
	s2 =	simm.s32 @!p0 $0x1C07  }
0xa0: {  	[timem:s3], [sflag:s2] =	dma.local @!p0 [hbm:s0], s1  }
0xa1: {  	s0 =	simm.s32 @!p0 $0x7  }
0xa2: {  	_ =	swait.ge @!p0 [sflag:s0], s1  }
0xa3: {  	s1 =	ssub.s32 @!p0 $0x0, s1;
	[sflag:s0] =	ssyncset.done @!p0 $0x0  }
0xa4: {  	[sflag:s0] =	ssyncadd.s32 @!p0 s1  }
0xa5: {  	[bflag:$0x3] =	sbarrier.arrive $0xFFFF  }
0xa6: {  	_ =	shalt  }

// kernel: kernel.16.cloned.1.call-start
scs
__scs_entry_jumppad:
0x0: {  	(pc) =	sbr.rel $0x88, $3  }
0x1: {  	(tag) =	ssettag $0x0;
	lr =	simm.s32 $0x1  }
0x2: {  	[smem:$0x3F98] =	sst lr;
	_ =	strace $0xD0000000  }
0x3: {  	_ = 	snop  }
0x4: {  	_ = 	snop  }
0x5: {  	_ = 	snop  }
0x6: {  	_ = 	snop  }
0x7: {  	_ = 	snop  }
__scs_overlays_trampoline_lowered:
0x8: {  	[smem:$0x3FA7] =	sst s0  }
0x9: {  	[smem:$0x3FA8] =	sst s1  }
0xa: {  	[smem:$0x3FA9] =	sst s2  }
0xb: {  	[smem:$0x3FAA] =	sst s3  }
0xc: {  	[smem:$0x3FAB] =	sst s4  }
0xd: {  	[smem:$0x3FAC] =	sst s5  }
0xe: {  	[smem:$0x3FAD] =	sst s6  }
0xf: {  	[smem:$0x3FAE] =	sst s7  }
0x10: {  	[smem:$0x3FAF] =	sst s8  }
0x11: {  	[smem:$0x3FB0] =	sst s9;
	s0 =	simm.s32 @!p0 $0x0  }
0x12: {  	s1 =	sld [smem:$0x3F96];
	s0 =	simm.s32 @p0 $0x1  }
0x13: {  	[smem:$0x3FB1] =	sst s0;
	s0 =	simm.s32 @!p1 $0x0  }
0x14: {  	s2 =	sld [smem:$0x3F95];
	s0 =	simm.s32 @p1 $0x1  }
0x15: {  	[smem:$0x3FB2] =	sst s0;
	s0 =	simm.s32 @!p2 $0x0  }
0x16: {  	s3 =	sld [smem:$0x3FDB];
	s0 =	simm.s32 @p2 $0x1  }
0x17: {  	s4 =	simm.s32 $0x1BF5;
	[smem:$0x3FB4] =	sst s0  }
0x18: {  	s0 =	sld [smem:$0x3F97];
	_ =	swait.ge [sflag:s4], $0x0  }
0x19: {  	s7 =	sld [smem:$0x3F98]  }
0x1a: {  	s8 =	sadd.s32 $0xFFFFE003, lr  }
0x1b: {  	s9 =	sadd.s32 $0xFFFFFEF7, lr;
	s5 =	simm.s32 $0xFFFFFFFF;
	p2 =	slt.u32 s8, $0xFFFFF086  }
0x1c: {  	p1 =	slt.u32 s9, $0xF7A;
	s5 =	simm.s32 @!p2 $0x0  }
0x1d: {  	s5 =	simm.s32 @p1 $0x1;
	p0 =	seq.s32 s7, s2  }
0x1e: {  	s7 =	smul.u32 @!p0 $0xF7A, s2;
	p2 =	seq.s32 @!p0 s5, $0x0  }
0x1f: {  	s9 =	smul.u32 $0xF7A, s1;
	s8 =	simm.s32 @!p0 $0x1BF5;
	p2 =	por !p2, p0  }
0x20: {  	[sflag:s8] =	ssyncset.s32 @!p0 $0xFFFFF086;
	s6 =	sadd.s32 @!p0 s3, s7;
	s7 =	simm.s32 @!p0 $0x108  }
0x21: {  	s3 =	sadd.s32 s3, s9;
	s6 =	sadd.s32 @!p0 $0x88, s6;
	s7 =	simm.s32 @p2 $0x1082  }
0x22: {  	[simem:s7], [sflag:s8] =	dma.local @!p0 [hbm:s6], $0xF7A  }
0x23: {  	s9 =	sor.u32 $0xD0000000, s2;
	s6 =	simm.s32 $0x108;
	_ =	swait.ge @!p0 [sflag:s8], $0x0  }
0x24: {  	s3 =	sadd.s32 $0x88, s3;
	s6 =	simm.s32 @!p1 $0x1082;
	[sflag:s4] =	ssyncset.s32 $0xFFFFF086  }
0x25: {  	[simem:s6], [sflag:s4] =	dma.local [hbm:s3], $0xF7A  }
0x26: {  	[smem:$0x3F98] =	sst s1;
	(tag) =	ssettag s2;
	_ =	strace s9  }
0x27: {  	s1 =	sld [smem:$0x3FA8]  }
0x28: {  	s2 =	sld [smem:$0x3FA9]  }
0x29: {  	s4 =	sld [smem:$0x3FAB]  }
0x2a: {  	p0 =	seq.s32 s5, $0x0;
	s5 =	sld [smem:$0x3FAC]  }
0x2b: {  	s6 =	sld [smem:$0x3FAD]  }
0x2c: {  	s7 =	sld [smem:$0x3FAE]  }
0x2d: {  	s3 =	simm.s32 $0x108;
	s8 =	sld [smem:$0x3FAF]  }
0x2e: {  	s3 =	simm.s32 @!p0 $0x1082;
	s9 =	sld [smem:$0x3FB0]  }
0x2f: {  	lr =	sadd.s32 s0, s3;
	s0 =	sld [smem:$0x3FA7]  }
0x30: {  	s3 =	sld [smem:$0x3FAA]  }
0x31: {  	[smem:$0x3FB3] =	sst s10  }
0x32: {  	s10 =	sld [smem:$0x3FB1];
	_ =	sdelay $0x3  }
0x33: {  	p0 =	seq.s32 s10, $0x1;
	s10 =	sld [smem:$0x3FB3];
	_ =	sdelay $0x3  }
0x34: {  	[smem:$0x3FB3] =	sst s10  }
0x35: {  	s10 =	sld [smem:$0x3FB2];
	_ =	sdelay $0x3  }
0x36: {  	p1 =	seq.s32 s10, $0x1;
	s10 =	sld [smem:$0x3FB3];
	_ =	sdelay $0x3  }
0x37: {  	[smem:$0x3FB3] =	sst s10  }
0x38: {  	s10 =	sld [smem:$0x3FB4]  }
0x39: {  	_ = 	snop;
	(pc) =	sbr.ind lr, $3  }
0x3a: {  	_ = 	snop  }
0x3b: {  	_ = 	snop  }
0x3c: {  	p2 =	seq.s32 s10, $0x1;
	s10 =	sld [smem:$0x3FB3]  }
0x3d: {  	_ =	shalt  }
0x3e: {  	_ =	shalt  }
0x3f: {  	_ =	shalt  }
0x40: {  	_ =	shalt  }
0x41: {  	_ =	shalt  }
0x42: {  	_ =	shalt  }
0x43: {  	_ =	shalt  }
0x44: {  	_ =	shalt  }
0x45: {  	_ =	shalt  }
0x46: {  	_ =	shalt  }
0x47: {  	_ =	shalt  }
0x48: {  	_ =	shalt  }
0x49: {  	_ =	shalt  }
0x4a: {  	_ =	shalt  }
0x4b: {  	_ =	shalt  }
0x4c: {  	_ =	shalt  }
0x4d: {  	_ =	shalt  }
0x4e: {  	_ =	shalt  }
0x4f: {  	_ =	shalt  }
0x50: {  	_ =	shalt  }
0x51: {  	_ =	shalt  }
0x52: {  	_ =	shalt  }
0x53: {  	_ =	shalt  }
0x54: {  	_ =	shalt  }
0x55: {  	_ =	shalt  }
0x56: {  	_ =	shalt  }
0x57: {  	_ =	shalt  }
0x58: {  	_ =	shalt  }
0x59: {  	_ =	shalt  }
0x5a: {  	_ =	shalt  }
0x5b: {  	_ =	shalt  }
0x5c: {  	_ =	shalt  }
0x5d: {  	_ =	shalt  }
0x5e: {  	_ =	shalt  }
0x5f: {  	_ =	shalt  }
0x60: {  	_ =	shalt  }
0x61: {  	_ =	shalt  }
0x62: {  	_ =	shalt  }
0x63: {  	_ =	shalt  }
0x64: {  	_ =	shalt  }
0x65: {  	_ =	shalt  }
0x66: {  	_ =	shalt  }
0x67: {  	_ =	shalt  }
0x68: {  	_ =	shalt  }
0x69: {  	_ =	shalt  }
0x6a: {  	_ =	shalt  }
0x6b: {  	_ =	shalt  }
0x6c: {  	_ =	shalt  }
0x6d: {  	_ =	shalt  }
0x6e: {  	_ =	shalt  }
0x6f: {  	_ =	shalt  }
0x70: {  	_ =	shalt  }
0x71: {  	_ =	shalt  }
0x72: {  	_ =	shalt  }
0x73: {  	_ =	shalt  }
0x74: {  	_ =	shalt  }
0x75: {  	_ =	shalt  }
0x76: {  	_ =	shalt  }
0x77: {  	_ =	shalt  }
0x78: {  	_ =	shalt  }
0x79: {  	_ =	shalt  }
0x7a: {  	_ =	shalt  }
0x7b: {  	_ =	shalt  }
0x7c: {  	_ =	shalt  }
0x7d: {  	_ =	shalt  }
0x7e: {  	_ =	shalt  }
0x7f: {  	_ =	shalt  }
0x80: {  	_ =	shalt  }
0x81: {  	_ =	shalt  }
0x82: {  	_ =	shalt  }
0x83: {  	_ =	shalt  }
0x84: {  	_ =	shalt  }
0x85: {  	_ =	shalt  }
0x86: {  	_ =	shalt  }
0x87: {  	_ =	shalt  }
.Lfunc_end0:
.L_simem_size_0:
called_computation.2_lowered:
.L_overlay_start_0:
0x88: {  	s2 =	sld [smem:$0x3FD9]  }
0x89: {  	s3 =	sld [smem:$0x3FFE];
	_ =	sdelay $0x1  }
0x8a: {  	s1 =	srdreg.scid  }
0x8b: {  	s0 =	sand.u32 $0x1, s1  }
0x8c: {  	s14 =	sshll.u32 s0, $0xA;
	s2 =	sadd.s32 s3, s2  }
0x8d: {  	s2 =	sadd.s32 s2, s14  }
0x8e: {  	[smem:$0x3FBF] =	sst s2  }
0x8f: {  	_ = 	snop  }
0x90: {  	s2 =	sld [smem:$0x3FD0];
	_ =	sdelay $0x2  }
0x91: {  	s15 =	simm.s32 $0xA;
	s4 =	simm.s32 $0x10  }
0x92: {  	[smem:s4], [sflag:s15] =	dma.local [hbm:s2], $0x1  }
0x93: {  	_ =	swait.eq [sflag:s15], $0x1  }
0x94: {  	[sflag:s15] =	ssyncset.done $0x0  }
0x95: {  	[sflag:s15] =	ssyncadd.s32 $0xFFFFFFFF  }
0x96: {  	s16 =	sld [smem:$0x15];
	(tm) =	ssettm $0x1  }
0x97: {  	s17 =	sld [smem:$0x3FFB];
	_ =	sdelay $0x3  }
0x98: {  	_ =	strace s17  }
0x99: {  	s3 =	sld [smem:$0x3FFC];
	_ =	sdelay $0x3  }
0x9a: {  	_ =	strace s3  }
0x9b: {  	s3 =	sld [smem:$0x3FFD];
	_ =	sdelay $0x3  }
0x9c: {  	_ =	strace s3  }
0x9d: {  	_ =	strace $0x8FFFFFFF  }
0x9e: {  	s18 =	sld [smem:$0x3FDB];
	_ =	sdelay $0x1  }
0x9f: {  	s19 =	simm.s32 $_scs_section_size  }
0xa0: {  	s5 =	simm.s32 $_size__tile_overlayer_lowered;
	s6 =	simm.s32 $_tile_overlayer_lowered  }
0xa1: {  	s22 =	simm.s32 $0x1BFF;
	s21 =	sshll.u32 s6, $0x1;
	s3 =	sadd.s32 s19, s18  }
0xa2: {  	s7 =	simm.s32 $0x0;
	s20 =	sshll.u32 s5, $0x1;
	s5 =	sadd.s32 s21, s3  }
0xa3: {  	[timem:s7], [sflag:s22] =	dma.local [hbm:s5], s20  }
0xa4: {  	_ =	swait.ge [sflag:s22], s20  }
0xa5: {  	s4 =	ssub.s32 $0x0, s20;
	[sflag:s22] =	ssyncset.done $0x0  }
0xa6: {  	[sflag:s22] =	ssyncadd.s32 s4;
	_ =	sdelay $0x1  }
0xa7: {  	s23 =	simm.s32 $0x1B8B  }
0xa8: {  	_ =	swait.ge [sflag:s23], $0x1  }
0xa9: {  	[sflag:s23] =	ssyncset.done $0x0  }
0xaa: {  	s25 =	simm.s32 $0x1B8E;
	s24 =	sld [smem:$0x3FFE];
	[sflag:s23] =	ssyncadd.s32 $0xFFFFFFFF  }
0xab: {  	s26 =	simm.s32 $execute0_lowered;
	[smem:$0x3FD2] =	sst s25  }
0xac: {  	s5 =	sshll.u32 s26, $0x1;
	_ =	strace $0x8000004C;
	[dreg:$0x1] =	wrdreg $0xFFFFFFFF  }
0xad: {  	s28 =	simm.s32 $_size_execute0_lowered;
	s3 =	sadd.s32 s3, s5;
	[dreg:$0x0] =	wrdreg $0x0  }
0xae: {  	s5 =	sshll.u32 s28, $0x1;
	[dreg:$0x2] =	wrdreg s3  }
0xaf: {  	[dreg:$0x3] =	wrdreg s5  }
0xb0: {  	[dreg:$0x4] =	wrdreg $0xC0  }
0xb1: {  	_ =	task [dreg:s7], $0x5FFFF  }
0xb2: {  	[dreg:$0x1] =	wrdreg $0xFFFFFFFF  }
0xb3: {  	[dreg:$0x0] =	wrdreg $0x60  }
0xb4: {  	[dreg:$0x2] =	wrdreg s24  }
0xb5: {  	[dreg:$0x3] =	wrdreg s16  }
0xb6: {  	[dreg:$0x4] =	wrdreg $0x82000  }
0xb7: {  	[dreg:$0x5] =	wrdreg $0x9  }
0xb8: {  	_ =	task.clear_ibuf [dreg:s7], $0x6FFFF;
	_ =	strace $0x9000004C  }
0xb9: {  	s29 =	simm.s32 $0x9;
	_ =	strace $0x8000004E  }
0xba: {  	_ =	swait.ge [sflag:s29], $0x1  }
0xbb: {  	[sflag:s29] =	ssyncadd.s32 $0xFFFFFFFF  }
0xbc: {  	_ =	strace $0x9000004E  }
0xbd: {  	_ =	sfence  }
0xbe: {  	s30 =	sld [smem:$0x0];
	_ =	sdelay $0x2  }
0xbf: {  	s31 =	sshll.u32 s1, $0xD;
	s1 =	sshrl.u32 s1, $0x2  }
0xc0: {  	s3 =	sand.u32 $0x4000, s31;
	s1 =	sadd.s32 s1, s30  }
0xc1: {  	s0 =	sor.u32 s3, s0;
	s1 =	sshll.u32 s1, $0x11  }
0xc2: {  	s0 =	sor.u32 s1, s0  }
0xc3: {  	s0 =	sadd.s32 $0x8F2B, s0  }
0xc4: {  	[sflag:s0] =	ssyncadd.remote.s32 $0x1  }
0xc5: {  	_ =	sfence.sel $0xFFFF  }
0xc6: {  	[dreg:$0x0] =	wrdreg $0xFFFFFFFF;
	(pc) =	sbr.abs _section_cstart, $3  }
0xc7: {  	[dreg:$0x1] =	wrdreg $0xFFFFFFFF  }
0xc8: {  	_ =	task.clear_ibuf [dreg:s7], $0x2FFFF;
	_ =	strace $0x9FFFFFFF  }
0xc9: {  	(tm) =	ssettm $0x7FFFFFFF  }
tec
execute0_lowered:
.L_overlay_start_1:
0x0: {  	(tag) =	ssettag $0x1  }
0x1: {  	s0 =	srdreg.scid;
	s1 =	rddreg [dreg:$0x0]  }
0x2: {  	s4 =	rddreg [dreg:$0x1];
	s12 =	stileid.u32  }
0x3: {  	s2 =	rddreg [dreg:$0x2];
	s16 =	simm.s32 $0x7;
	s19 =	simm.s32 $0x80  }
0x4: {  	s23 =	simm.s32 $0x1;
	s31 =	simm.s32 $0x4200;
	s28 =	simm.s32 $0x6  }
0x5: {  	s29 =	simm.s32 $0x0;
	s0 =	sand.u32 $0x1, s0;
	s7 =	smul.u32 $0x2700, s12  }
0x6: {  	s9 =	smul.u32 $0x4E000, s12;
	s26 =	sshll.u32 s12, $0x6;
	s17 =	sadd.s32 $0x138000, s2  }
0x7: {  	s3 =	sshll.u32 s0, $0x4;
	s6 =	smul.u32 $0x27100, s0;
	s8 =	ssub.s32 $0x2, s0  }
0x8: {  	p0 =	seq.s32 s0, $0x0;
	s5 =	sor.u32 s12, s3;
	s3 =	simm.s32 $0x0  }
0x9: {  	s24 =	sshrl.u32 s8, $0x1;
	s25 =	sshrl.u32 s9, $0x2;
	s10 =	smul.u32 $0x900, s5  }
0xa: {  	[smem:$0x7FF] =	sst s3;
	s5 =	sadd.s32 $0x3D600, s1;
	s13 =	sadd.s32 s6, s1  }
0xb: {  	s14 =	ssub.s32 s8, s24;
	s6 =	simm.s32 $0x90;
	s0 =	sadd.s32 s25, s2  }
0xc: {  	s8 =	sor.u32 $0x1C07, s26;
	s25 =	simm.s32 $0x2;
	s26 =	simm.s32 $0x5  }
0xd: {  	_ =	strace $0x8000004D;
	[dreg:$0x5] =	wrdreg s7;
	s7 =	sadd.s32 s7, s1  }
0xe: {  	s6 =	simm.s32 @!p0 $0xE;
	s13 =	sadd.s32 $0x64800, s13;
	s14 =	smax.u32 s14, $0x1  }
0xf: {  	p0 =	sne.s32 s12, $0xF;
	s15 =	sshrl.u32 s0, $0x3;
	[dreg:$0x4] =	wrdreg s31  }
0x10: {  	s11 =	sadd.s32 s10, s1;
	s7 =	sadd.s32 $0x16400, s7;
	s1 =	sadd.s32 $0x3D400, s1  }
0x11: {  	s10 =	sadd.s32 s4, s10;
	s30 =	sshrl.u32 s6, $0x1;
	[dreg:$0x6] =	wrdreg s7  }
0x12: {  	s17 =	sshrl.u32 @!p0 s17, $0x3;
	[dreg:$0x7] =	wrdreg s1;
	s11 =	sadd.s32 $0x4400, s11  }
0x13: {  	[dreg:$0x8] =	wrdreg s30;
	s18 =	sadd.s32 $0x10, s10;
	s21 =	sadd.s32 $0x10, s11  }
.LBB2_1:
0x14: {  	s0 =	rddreg [dreg:$0x6]  }
0x15: {  	[spmem:s15], [sflag:s8] =	dma.local [hbm:s0], $0x2700  }
0x16: {  	_ =	swait.ge [sflag:s16], $0x2700  }
0x17: {  	[sflag:s16] =	ssyncset.done $0x0  }
0x18: {  	s30 =	simm.s32 @!p0 $0x7;
	s0 =	rddreg [dreg:$0x7];
	[sflag:s16] =	ssyncadd.s32 $0xFFFFD900  }
0x19: {  	[spmem:s17], [sflag:s8] =	dma.local @!p0 [hbm:s0], $0x180  }
0x1a: {  	_ =	swait.ge @!p0 [sflag:s30], $0x180  }
0x1b: {  	[sflag:s30] =	ssyncset.done @!p0 $0x0  }
0x1c: {  	[sflag:s30] =	ssyncadd.s32 @!p0 $0xFFFFFE80  }
0x1d: {  	[bflag:$0x0] =	sbarrier.arrive $0xFFFF  }
0x1e: {  	[tilespmem:s3], [sflag:$0x1] =	stream.linear.gather [hbm4b:s10+s3], $0x80, $0x38;
	[tilespmem:$0x1BAC0] =	vst v63  }
0x1f: {  	_ = 	snop  }
0x20: {  	[tilespmem:s19], [sflag:$0x2] =	stream.linear.gather [hbm4b:s18+s3], $0x80, $0x38;
	[tilespmem:$0x1BAC0] =	vst v63  }
0x21: {  	s7 =	simm.s32 $0x100  }
0x22: {  	[tilespmem:s7], [sflag:$0x3] =	stream.linear.gather [hbm4b:s11+s3], $0x80, $0x38;
	[tilespmem:$0x1BAC0] =	vst v63  }
0x23: {  	s9 =	simm.s32 $0x180  }
0x24: {  	[tilespmem:s9], [sflag:$0x4] =	stream.linear.gather [hbm4b:s21+s3], $0x80, $0x38;
	[tilespmem:$0x1BAC0] =	vst v63  }
0x25: {  	_ =	swait.ge [sflag:s23], $0x80  }
0x26: {  	[sflag:s23] =	ssyncset.done $0x0  }
0x27: {  	s12 =	simm.s32 $0x200;
	[sflag:s23] =	ssyncadd.s32 $0xFFFFFF80  }
0x28: {  	[tilespmem:s12], [sflag:$0x5] =	stream.indirect.gather [hbm4b:s5+s19], $0x80, s3, s19, $0xb8;
	[tilespmem:$0x1BAC0] =	vst v63  }
0x29: {  	_ =	swait.ge [sflag:s25], $0x80  }
0x2a: {  	[sflag:s25] =	ssyncset.done $0x0  }
0x2b: {  	s20 =	rddreg [dreg:$0x4];
	[sflag:s25] =	ssyncadd.s32 $0xFFFFFF80  }
0x2c: {  	[tilespmem:s20], [sflag:$0x6] =	stream.indirect.gather [hbm4b:s5+s19], $0x80, s19, s19, $0xb8;
	[tilespmem:$0x1BAC0] =	vst v63  }
0x2d: {  	_ =	swait.ge [sflag:s26], $0x4000  }
0x2e: {  	p1 =	sle.u32 s6, $0x2;
	[sflag:s26] =	ssyncset.done $0x0  }
0x2f: {  	s0 =	simm.s32 @p1 $0x3;
	[sflag:s26] =	ssyncadd.s32 $0xFFFFC000  }
0x30: {  	_ =	swait.ge @p1 [sflag:s0], $0x80  }
0x31: {  	s1 =	simm.s32 @p1 $0x200;
	s4 =	simm.s32 @p1 $0x7;
	[sflag:s0] =	ssyncset.done @p1 $0x0  }
0x32: {  	s20 =	simm.s32 @p1 $0x100;
	[sflag:s0] =	ssyncadd.s32 @p1 $0xFFFFFF80;
	s0 =	simm.s32 @p1 $0x80  }
0x33: {  	[spmem:s2] =	stream.indirect.scatter.add.f32 @p1 [tilespmem:s1], [sflag:$0x7], $0x80, s20, s0, $0xb8;
	[tilespmem:$0x1BAC0] =	vst v63  }
0x34: {  	_ =	swait.ge @p1 [sflag:s4], $0x4000  }
0x35: {  	s20 =	sadd.s32 $0x20, s10;
	[sflag:s4] =	ssyncset.done @p1 $0x0  }
0x36: {  	s0 =	simm.s32 @!p1 $0x0;
	s1 =	simm.s32 @!p1 $0x3;
	[sflag:s4] =	ssyncadd.s32 @p1 $0xFFFFC000  }
0x37: {  	[tilespmem:s0], [sflag:$0x1] =	stream.linear.gather @!p1 [hbm4b:s20+s0], $0x80, $0x38;
	[tilespmem:$0x1BAC0] =	vst v63  }
0x38: {  	_ =	swait.ge @!p1 [sflag:s1], $0x80  }
0x39: {  	s22 =	simm.s32 @!p1 $0x7;
	s24 =	simm.s32 @!p1 $0x100;
	[sflag:s1] =	ssyncset.done @!p1 $0x0  }
0x3a: {  	s4 =	simm.s32 @!p1 $0x200;
	[sflag:s1] =	ssyncadd.s32 @!p1 $0xFFFFFF80;
	s1 =	simm.s32 @!p1 $0x80  }
0x3b: {  	[spmem:s2] =	stream.indirect.scatter.add.f32 @!p1 [tilespmem:s4], [sflag:$0x7], $0x80, s24, s1, $0xb8;
	[tilespmem:$0x1BAC0] =	vst v63  }
0x3c: {  	_ =	swait.ge @!p1 [sflag:s22], $0x4000  }
0x3d: {  	[sflag:s22] =	ssyncset.done @!p1 $0x0  }
0x3e: {  	s7 =	sadd.s32 $0x20, s11;
	[sflag:s22] =	ssyncadd.s32 @!p1 $0xFFFFC000;
	s22 =	simm.s32 @!p1 $0x1  }
0x3f: {  	[tilespmem:s24], [sflag:$0x3] =	stream.linear.gather @!p1 [hbm4b:s7+s0], $0x80, $0x38;
	[tilespmem:$0x1BAC0] =	vst v63  }
0x40: {  	_ =	swait.ge @!p1 [sflag:s22], $0x80  }
0x41: {  	[sflag:s22] =	ssyncset.done @!p1 $0x0  }
0x42: {  	[sflag:s22] =	ssyncadd.s32 @!p1 $0xFFFFFF80  }
0x43: {  	[tilespmem:s4], [sflag:$0x5] =	stream.indirect.gather @!p1 [hbm4b:s5+s1], $0x80, s0, s1, $0xb8;
	[tilespmem:$0x1BAC0] =	vst v63  }
0x44: {  	_ =	swait.ge [sflag:s28], $0x4000  }
0x45: {  	p2 =	sle.u32 s6, $0x3;
	[sflag:s28] =	ssyncset.done $0x0  }
0x46: {  	s0 =	simm.s32 @p2 $0x4;
	[sflag:s28] =	ssyncadd.s32 $0xFFFFC000  }
0x47: {  	_ =	swait.ge @p2 [sflag:s0], $0x80  }
0x48: {  	s22 =	simm.s32 @p2 $0x180;
	s1 =	simm.s32 @p2 $0x4200;
	[sflag:s0] =	ssyncset.done @p2 $0x0  }
0x49: {  	s4 =	simm.s32 @p2 $0x7;
	[sflag:s0] =	ssyncadd.s32 @p2 $0xFFFFFF80;
	s0 =	simm.s32 @p2 $0x80  }
0x4a: {  	[spmem:s2] =	stream.indirect.scatter.add.f32 @p2 [tilespmem:s1], [sflag:$0x7], $0x80, s22, s0, $0xb8;
	[tilespmem:$0x1BAC0] =	vst v63  }
0x4b: {  	_ =	swait.ge @p2 [sflag:s4], $0x4000  }
0x4c: {  	s24 =	simm.s32 @!p2 $0x0;
	s0 =	simm.s32 @!p2 $0x80;
	[sflag:s4] =	ssyncset.done @p2 $0x0  }
0x4d: {  	s1 =	simm.s32 @!p2 $0x4;
	[sflag:s4] =	ssyncadd.s32 @p2 $0xFFFFC000;
	s4 =	sadd.s32 @!p2 $0x10, s20  }
0x4e: {  	[tilespmem:s0], [sflag:$0x2] =	stream.linear.gather @!p2 [hbm4b:s4+s24], $0x80, $0x38;
	[tilespmem:$0x1BAC0] =	vst v63  }
0x4f: {  	_ =	swait.ge @!p2 [sflag:s1], $0x80  }
0x50: {  	s9 =	simm.s32 @!p2 $0x7;
	[sflag:s1] =	ssyncset.done @!p2 $0x0  }
0x51: {  	s22 =	simm.s32 @!p2 $0x4200;
	s4 =	simm.s32 @!p2 $0x180;
	[sflag:s1] =	ssyncadd.s32 @!p2 $0xFFFFFF80  }
0x52: {  	[spmem:s2] =	stream.indirect.scatter.add.f32 @!p2 [tilespmem:s22], [sflag:$0x7], $0x80, s4, s0, $0xb8;
	[tilespmem:$0x1BAC0] =	vst v63  }
0x53: {  	_ =	swait.ge @!p2 [sflag:s9], $0x4000  }
0x54: {  	s22 =	rddreg [dreg:$0x8]  }
0x55: {  	s31 =	sadd.s32 $0xFFFFFFFF, s22  }
0x56: {  	p1 =	sne.s32 s31, $0x0  }
.Ltmp0:
0x57: {  	_ = 	snop;
	(pc) =	sbr.rel @!p1 .LBB2_3-.Ltmp0, $3  }
0x58: {  	_ =	sdelay $0x1  }
0x59: {  	s20 =	sadd.s32 $0x20, s20;
	s1 =	sadd.s32 $0x20, s7;
	[sflag:s9] =	ssyncset.done @!p2 $0x0  }
0x5a: {  	s0 =	simm.s32 $0x4;
	[sflag:s9] =	ssyncadd.s32 @!p2 $0xFFFFC000;
	s22 =	sadd.s32 @!p2 $0x10, s7  }
.LBB2_2:
0x5b: {  	[tilespmem:s4], [sflag:$0x4] =	stream.linear.gather @!p2 [hbm4b:s22+s24], $0x80, $0x38;
	[tilespmem:$0x1BAC0] =	vst v63  }
0x5c: {  	_ =	swait.ge [sflag:s25], $0x80  }
0x5d: {  	[sflag:s25] =	ssyncset.done $0x0  }
0x5e: {  	s12 =	rddreg [dreg:$0x4];
	[sflag:s25] =	ssyncadd.s32 $0xFFFFFF80  }
0x5f: {  	[tilespmem:s12], [sflag:$0x6] =	stream.indirect.gather [hbm4b:s5+s19], $0x80, s19, s19, $0xb8;
	[tilespmem:$0x1BAC0] =	vst v63  }
0x60: {  	_ =	swait.ge [sflag:s26], $0x4000  }
0x61: {  	p2 =	sge.u32 s0, s6;
	[sflag:s26] =	ssyncset.done $0x0  }
0x62: {  	s4 =	simm.s32 @p2 $0x3;
	[sflag:s26] =	ssyncadd.s32 $0xFFFFC000  }
0x63: {  	_ =	swait.ge @p2 [sflag:s4], $0x80  }
0x64: {  	s7 =	simm.s32 @p2 $0x200;
	s9 =	simm.s32 @p2 $0x7;
	[sflag:s4] =	ssyncset.done @p2 $0x0  }
0x65: {  	s24 =	simm.s32 @p2 $0x100;
	[sflag:s4] =	ssyncadd.s32 @p2 $0xFFFFFF80;
	s4 =	simm.s32 @p2 $0x80  }
0x66: {  	[spmem:s2] =	stream.indirect.scatter.add.f32 @p2 [tilespmem:s7], [sflag:$0x7], $0x80, s24, s4, $0xb8;
	[tilespmem:$0x1BAC0] =	vst v63  }
0x67: {  	_ =	swait.ge @p2 [sflag:s9], $0x4000  }
0x68: {  	[sflag:s9] =	ssyncset.done @p2 $0x0  }
0x69: {  	s4 =	simm.s32 @!p2 $0x0;
	s7 =	simm.s32 @!p2 $0x3;
	[sflag:s9] =	ssyncadd.s32 @p2 $0xFFFFC000  }
0x6a: {  	[tilespmem:s4], [sflag:$0x1] =	stream.linear.gather @!p2 [hbm4b:s20+s4], $0x80, $0x38;
	[tilespmem:$0x1BAC0] =	vst v63  }
0x6b: {  	_ =	swait.ge @!p2 [sflag:s7], $0x80  }
0x6c: {  	s12 =	simm.s32 @!p2 $0x100;
	s24 =	simm.s32 @!p2 $0x7;
	[sflag:s7] =	ssyncset.done @!p2 $0x0  }
0x6d: {  	s9 =	simm.s32 @!p2 $0x200;
	[sflag:s7] =	ssyncadd.s32 @!p2 $0xFFFFFF80;
	s7 =	simm.s32 @!p2 $0x80  }
0x6e: {  	[spmem:s2] =	stream.indirect.scatter.add.f32 @!p2 [tilespmem:s9], [sflag:$0x7], $0x80, s12, s7, $0xb8;
	[tilespmem:$0x1BAC0] =	vst v63  }
0x6f: {  	_ =	swait.ge @!p2 [sflag:s24], $0x4000  }
0x70: {  	[sflag:s24] =	ssyncset.done @!p2 $0x0  }
0x71: {  	[sflag:s24] =	ssyncadd.s32 @!p2 $0xFFFFC000;
	s24 =	simm.s32 @!p2 $0x1  }
0x72: {  	[tilespmem:s12], [sflag:$0x3] =	stream.linear.gather @!p2 [hbm4b:s1+s4], $0x80, $0x38;
	[tilespmem:$0x1BAC0] =	vst v63  }
0x73: {  	_ =	swait.ge @!p2 [sflag:s24], $0x80  }
0x74: {  	[sflag:s24] =	ssyncset.done @!p2 $0x0  }
0x75: {  	[sflag:s24] =	ssyncadd.s32 @!p2 $0xFFFFFF80  }
0x76: {  	[tilespmem:s9], [sflag:$0x5] =	stream.indirect.gather @!p2 [hbm4b:s5+s7], $0x80, s4, s7, $0xb8;
	[tilespmem:$0x1BAC0] =	vst v63  }
0x77: {  	s24 =	sadd.s32 $0x1, s0;
	_ =	swait.ge [sflag:s28], $0x4000  }
0x78: {  	p2 =	sge.u32 s24, s6;
	[sflag:s28] =	ssyncset.done $0x0  }
0x79: {  	s4 =	simm.s32 @p2 $0x4;
	[sflag:s28] =	ssyncadd.s32 $0xFFFFC000  }
0x7a: {  	_ =	swait.ge @p2 [sflag:s4], $0x80  }
0x7b: {  	s7 =	simm.s32 @p2 $0x4200;
	s9 =	simm.s32 @p2 $0x7;
	[sflag:s4] =	ssyncset.done @p2 $0x0  }
0x7c: {  	s12 =	simm.s32 @p2 $0x180;
	[sflag:s4] =	ssyncadd.s32 @p2 $0xFFFFFF80;
	s4 =	simm.s32 @p2 $0x80  }
0x7d: {  	[spmem:s2] =	stream.indirect.scatter.add.f32 @p2 [tilespmem:s7], [sflag:$0x7], $0x80, s12, s4, $0xb8;
	[tilespmem:$0x1BAC0] =	vst v63  }
0x7e: {  	s31 =	sadd.s32 $0xFFFFFFFF, s31;
	_ =	swait.ge @p2 [sflag:s9], $0x4000  }
0x7f: {  	s24 =	simm.s32 @!p2 $0x0;
	s7 =	simm.s32 @!p2 $0x80;
	[sflag:s9] =	ssyncset.done @p2 $0x0  }
0x80: {  	s4 =	simm.s32 @!p2 $0x4;
	[sflag:s9] =	ssyncadd.s32 @p2 $0xFFFFC000;
	s9 =	sadd.s32 @!p2 $0x10, s20  }
0x81: {  	[tilespmem:s7], [sflag:$0x2] =	stream.linear.gather @!p2 [hbm4b:s9+s24], $0x80, $0x38;
	[tilespmem:$0x1BAC0] =	vst v63  }
0x82: {  	p1 =	sne.s32 s31, $0x0;
	_ =	swait.ge @!p2 [sflag:s4], $0x80  }
0x83: {  	s12 =	simm.s32 @!p2 $0x7;
	s9 =	simm.s32 @!p2 $0x4200;
	[sflag:s4] =	ssyncset.done @!p2 $0x0  }
.Ltmp1:
0x84: {  	[sflag:s4] =	ssyncadd.s32 @!p2 $0xFFFFFF80;
	s4 =	simm.s32 @!p2 $0x180;
	(pc) =	sbr.rel @p1 .LBB2_2-.Ltmp1, $4  }
0x85: {  	[spmem:s2] =	stream.indirect.scatter.add.f32 @!p2 [tilespmem:s9], [sflag:$0x7], $0x80, s4, s7, $0xb8;
	[tilespmem:$0x1BAC0] =	vst v63  }
0x86: {  	s22 =	smov.u32 s1;
	_ =	swait.ge @!p2 [sflag:s12], $0x4000  }
0x87: {  	s1 =	sadd.s32 $0x20, s1;
	s0 =	sadd.s32 $0x2, s0;
	[sflag:s12] =	ssyncset.done @!p2 $0x0  }
0x88: {  	s22 =	sadd.s32 @!p2 $0x10, s22;
	s20 =	sadd.s32 $0x20, s20;
	[sflag:s12] =	ssyncadd.s32 @!p2 $0xFFFFC000  }
.LBB2_3:
0x89: {  	[tilespmem:s4], [sflag:$0x4] =	stream.linear.gather @!p2 [hbm4b:s22+s24], $0x80, $0x38;
	[tilespmem:$0x1BAC0] =	vst v63  }
0x8a: {  	[bflag:$0x0] =	sbarrier.arrive $0xFFFF  }
0x8b: {  	s0 =	rddreg [dreg:$0x5]  }
0x8c: {  	s0 =	sadd.s32 s0, s13  }
0x8d: {  	[hbm:s0], [sflag:s8] =	dma.local [spmem:s15], $0x2700  }
0x8e: {  	s29 =	sadd.s32 $0x1, s29;
	_ =	swait.ge [sflag:s16], $0x2700  }
0x8f: {  	p1 =	sne.s32 s29, s14;
	[sflag:s16] =	ssyncset.done $0x0  }
.Ltmp2:
0x90: {  	s0 =	sadd.s32 @!p0 $0x27000, s13;
	[sflag:s16] =	ssyncadd.s32 $0xFFFFD900;
	(pc) =	sbr.rel @p1 .LBB2_1-.Ltmp2, $4  }
0x91: {  	[hbm:s0], [sflag:s8] =	dma.local @!p0 [spmem:s17], $0x100  }
0x92: {  	_ =	swait.ge @!p0 [sflag:s30], $0x100  }
0x93: {  	[sflag:s30] =	ssyncset.done @!p0 $0x0  }
0x94: {  	[sflag:s30] =	ssyncadd.s32 @!p0 $0xFFFFFF00  }
0x95: {  	_ =	sfence.sel $0x180000  }
0x96: {  	[bflag:$0x0] =	sbarrier.arrive $0xFFFF  }
0x97: {  	_ =	strace $0x9000004D  }
0x98: {  	s0 =	stileid.u32;
	[bflag:$0x2] =	sbarrier.arrive $0xFFFF  }
0x99: {  	p0 =	sne.s32 s0, $0x0;
	s0 =	rddreg [dreg:$0x3]  }
0x9a: {  	s0 =	sadd.s32 @!p0 $0x100000, s0  }
0x9b: {  	[sflag:s0] =	ssyncadd.tile.s32 @!p0 $0x1;
	_ =	shalt  }
.Lfunc_end2:
_tile_overlayer_lowered:
.L_overlay_start_2:
0x9c: {  	(tag) =	ssettag $0x2  }
0x9d: {  	s0 =	rddreg [dreg:$0x0];
	s2 =	stileid.u32  }
0x9e: {  	s1 =	rddreg [dreg:$0x1];
	p0 =	sne.s32 s2, $0x0  }
0x9f: {  	s3 =	rddreg [dreg:$0x2];
	[bflag:$0x3] =	sbarrier.arrive $0xFFFF;
	s2 =	simm.s32 @!p0 $0x1C07  }
0xa0: {  	[timem:s3], [sflag:s2] =	dma.local @!p0 [hbm:s0], s1  }
0xa1: {  	s0 =	simm.s32 @!p0 $0x7  }
0xa2: {  	_ =	swait.ge @!p0 [sflag:s0], s1  }
0xa3: {  	s1 =	ssub.s32 @!p0 $0x0, s1;
	[sflag:s0] =	ssyncset.done @!p0 $0x0  }
0xa4: {  	[sflag:s0] =	ssyncadd.s32 @!p0 s1  }
0xa5: {  	[bflag:$0x3] =	sbarrier.arrive $0xFFFF  }
0xa6: {  	_ =	shalt  }

// kernel: kernel.19.cloned.1.call-start
scs
__scs_entry_jumppad:
0x0: {  	(pc) =	sbr.rel $0x88, $3  }
0x1: {  	(tag) =	ssettag $0x0;
	lr =	simm.s32 $0x1  }
0x2: {  	[smem:$0x3F98] =	sst lr;
	_ =	strace $0xD0000000  }
0x3: {  	_ = 	snop  }
0x4: {  	_ = 	snop  }
0x5: {  	_ = 	snop  }
0x6: {  	_ = 	snop  }
0x7: {  	_ = 	snop  }
__scs_overlays_trampoline_lowered:
0x8: {  	[smem:$0x3FA7] =	sst s0  }
0x9: {  	[smem:$0x3FA8] =	sst s1  }
0xa: {  	[smem:$0x3FA9] =	sst s2  }
0xb: {  	[smem:$0x3FAA] =	sst s3  }
0xc: {  	[smem:$0x3FAB] =	sst s4  }
0xd: {  	[smem:$0x3FAC] =	sst s5  }
0xe: {  	[smem:$0x3FAD] =	sst s6  }
0xf: {  	[smem:$0x3FAE] =	sst s7  }
0x10: {  	[smem:$0x3FAF] =	sst s8  }
0x11: {  	[smem:$0x3FB0] =	sst s9;
	s0 =	simm.s32 @!p0 $0x0  }
0x12: {  	s1 =	sld [smem:$0x3F96];
	s0 =	simm.s32 @p0 $0x1  }
0x13: {  	[smem:$0x3FB1] =	sst s0;
	s0 =	simm.s32 @!p1 $0x0  }
0x14: {  	s2 =	sld [smem:$0x3F95];
	s0 =	simm.s32 @p1 $0x1  }
0x15: {  	[smem:$0x3FB2] =	sst s0;
	s0 =	simm.s32 @!p2 $0x0  }
0x16: {  	s3 =	sld [smem:$0x3FDB];
	s0 =	simm.s32 @p2 $0x1  }
0x17: {  	s4 =	simm.s32 $0x1BF5;
	[smem:$0x3FB4] =	sst s0  }
0x18: {  	s0 =	sld [smem:$0x3F97];
	_ =	swait.ge [sflag:s4], $0x0  }
0x19: {  	s7 =	sld [smem:$0x3F98]  }
0x1a: {  	s8 =	sadd.s32 $0xFFFFE003, lr  }
0x1b: {  	s9 =	sadd.s32 $0xFFFFFEF7, lr;
	s5 =	simm.s32 $0xFFFFFFFF;
	p2 =	slt.u32 s8, $0xFFFFF086  }
0x1c: {  	p1 =	slt.u32 s9, $0xF7A;
	s5 =	simm.s32 @!p2 $0x0  }
0x1d: {  	s5 =	simm.s32 @p1 $0x1;
	p0 =	seq.s32 s7, s2  }
0x1e: {  	s7 =	smul.u32 @!p0 $0xF7A, s2;
	p2 =	seq.s32 @!p0 s5, $0x0  }
0x1f: {  	s9 =	smul.u32 $0xF7A, s1;
	s8 =	simm.s32 @!p0 $0x1BF5;
	p2 =	por !p2, p0  }
0x20: {  	[sflag:s8] =	ssyncset.s32 @!p0 $0xFFFFF086;
	s6 =	sadd.s32 @!p0 s3, s7;
	s7 =	simm.s32 @!p0 $0x108  }
0x21: {  	s3 =	sadd.s32 s3, s9;
	s6 =	sadd.s32 @!p0 $0x88, s6;
	s7 =	simm.s32 @p2 $0x1082  }
0x22: {  	[simem:s7], [sflag:s8] =	dma.local @!p0 [hbm:s6], $0xF7A  }
0x23: {  	s9 =	sor.u32 $0xD0000000, s2;
	s6 =	simm.s32 $0x108;
	_ =	swait.ge @!p0 [sflag:s8], $0x0  }
0x24: {  	s3 =	sadd.s32 $0x88, s3;
	s6 =	simm.s32 @!p1 $0x1082;
	[sflag:s4] =	ssyncset.s32 $0xFFFFF086  }
0x25: {  	[simem:s6], [sflag:s4] =	dma.local [hbm:s3], $0xF7A  }
0x26: {  	[smem:$0x3F98] =	sst s1;
	(tag) =	ssettag s2;
	_ =	strace s9  }
0x27: {  	s1 =	sld [smem:$0x3FA8]  }
0x28: {  	s2 =	sld [smem:$0x3FA9]  }
0x29: {  	s4 =	sld [smem:$0x3FAB]  }
0x2a: {  	p0 =	seq.s32 s5, $0x0;
	s5 =	sld [smem:$0x3FAC]  }
0x2b: {  	s6 =	sld [smem:$0x3FAD]  }
0x2c: {  	s7 =	sld [smem:$0x3FAE]  }
0x2d: {  	s3 =	simm.s32 $0x108;
	s8 =	sld [smem:$0x3FAF]  }
0x2e: {  	s3 =	simm.s32 @!p0 $0x1082;
	s9 =	sld [smem:$0x3FB0]  }
0x2f: {  	lr =	sadd.s32 s0, s3;
	s0 =	sld [smem:$0x3FA7]  }
0x30: {  	s3 =	sld [smem:$0x3FAA]  }
0x31: {  	[smem:$0x3FB3] =	sst s10  }
0x32: {  	s10 =	sld [smem:$0x3FB1];
	_ =	sdelay $0x3  }
0x33: {  	p0 =	seq.s32 s10, $0x1;
	s10 =	sld [smem:$0x3FB3];
	_ =	sdelay $0x3  }
0x34: {  	[smem:$0x3FB3] =	sst s10  }
0x35: {  	s10 =	sld [smem:$0x3FB2];
	_ =	sdelay $0x3  }
0x36: {  	p1 =	seq.s32 s10, $0x1;
	s10 =	sld [smem:$0x3FB3];
	_ =	sdelay $0x3  }
0x37: {  	[smem:$0x3FB3] =	sst s10  }
0x38: {  	s10 =	sld [smem:$0x3FB4]  }
0x39: {  	_ = 	snop;
	(pc) =	sbr.ind lr, $3  }
0x3a: {  	_ = 	snop  }
0x3b: {  	_ = 	snop  }
0x3c: {  	p2 =	seq.s32 s10, $0x1;
	s10 =	sld [smem:$0x3FB3]  }
0x3d: {  	_ =	shalt  }
0x3e: {  	_ =	shalt  }
0x3f: {  	_ =	shalt  }
0x40: {  	_ =	shalt  }
0x41: {  	_ =	shalt  }
0x42: {  	_ =	shalt  }
0x43: {  	_ =	shalt  }
0x44: {  	_ =	shalt  }
0x45: {  	_ =	shalt  }
0x46: {  	_ =	shalt  }
0x47: {  	_ =	shalt  }
0x48: {  	_ =	shalt  }
0x49: {  	_ =	shalt  }
0x4a: {  	_ =	shalt  }
0x4b: {  	_ =	shalt  }
0x4c: {  	_ =	shalt  }
0x4d: {  	_ =	shalt  }
0x4e: {  	_ =	shalt  }
0x4f: {  	_ =	shalt  }
0x50: {  	_ =	shalt  }
0x51: {  	_ =	shalt  }
0x52: {  	_ =	shalt  }
0x53: {  	_ =	shalt  }
0x54: {  	_ =	shalt  }
0x55: {  	_ =	shalt  }
0x56: {  	_ =	shalt  }
0x57: {  	_ =	shalt  }
0x58: {  	_ =	shalt  }
0x59: {  	_ =	shalt  }
0x5a: {  	_ =	shalt  }
0x5b: {  	_ =	shalt  }
0x5c: {  	_ =	shalt  }
0x5d: {  	_ =	shalt  }
0x5e: {  	_ =	shalt  }
0x5f: {  	_ =	shalt  }
0x60: {  	_ =	shalt  }
0x61: {  	_ =	shalt  }
0x62: {  	_ =	shalt  }
0x63: {  	_ =	shalt  }
0x64: {  	_ =	shalt  }
0x65: {  	_ =	shalt  }
0x66: {  	_ =	shalt  }
0x67: {  	_ =	shalt  }
0x68: {  	_ =	shalt  }
0x69: {  	_ =	shalt  }
0x6a: {  	_ =	shalt  }
0x6b: {  	_ =	shalt  }
0x6c: {  	_ =	shalt  }
0x6d: {  	_ =	shalt  }
0x6e: {  	_ =	shalt  }
0x6f: {  	_ =	shalt  }
0x70: {  	_ =	shalt  }
0x71: {  	_ =	shalt  }
0x72: {  	_ =	shalt  }
0x73: {  	_ =	shalt  }
0x74: {  	_ =	shalt  }
0x75: {  	_ =	shalt  }
0x76: {  	_ =	shalt  }
0x77: {  	_ =	shalt  }
0x78: {  	_ =	shalt  }
0x79: {  	_ =	shalt  }
0x7a: {  	_ =	shalt  }
0x7b: {  	_ =	shalt  }
0x7c: {  	_ =	shalt  }
0x7d: {  	_ =	shalt  }
0x7e: {  	_ =	shalt  }
0x7f: {  	_ =	shalt  }
0x80: {  	_ =	shalt  }
0x81: {  	_ =	shalt  }
0x82: {  	_ =	shalt  }
0x83: {  	_ =	shalt  }
0x84: {  	_ =	shalt  }
0x85: {  	_ =	shalt  }
0x86: {  	_ =	shalt  }
0x87: {  	_ =	shalt  }
.Lfunc_end0:
.L_simem_size_0:
called_computation.3_lowered:
.L_overlay_start_0:
0x88: {  	s2 =	sld [smem:$0x3FD9]  }
0x89: {  	s3 =	sld [smem:$0x3FFE];
	_ =	sdelay $0x1  }
0x8a: {  	s1 =	srdreg.scid  }
0x8b: {  	s0 =	sand.u32 $0x1, s1  }
0x8c: {  	s14 =	sshll.u32 s0, $0xA;
	s2 =	sadd.s32 s3, s2  }
0x8d: {  	s2 =	sadd.s32 s2, s14  }
0x8e: {  	[smem:$0x3FBF] =	sst s2  }
0x8f: {  	_ = 	snop  }
0x90: {  	s2 =	sld [smem:$0x3FD0];
	_ =	sdelay $0x2  }
0x91: {  	s15 =	simm.s32 $0xA;
	s4 =	simm.s32 $0x10  }
0x92: {  	[smem:s4], [sflag:s15] =	dma.local [hbm:s2], $0x1  }
0x93: {  	_ =	swait.eq [sflag:s15], $0x1  }
0x94: {  	[sflag:s15] =	ssyncset.done $0x0  }
0x95: {  	[sflag:s15] =	ssyncadd.s32 $0xFFFFFFFF  }
0x96: {  	s16 =	sld [smem:$0x15];
	(tm) =	ssettm $0x1  }
0x97: {  	s17 =	sld [smem:$0x3FFB];
	_ =	sdelay $0x3  }
0x98: {  	_ =	strace s17  }
0x99: {  	s3 =	sld [smem:$0x3FFC];
	_ =	sdelay $0x3  }
0x9a: {  	_ =	strace s3  }
0x9b: {  	s3 =	sld [smem:$0x3FFD];
	_ =	sdelay $0x3  }
0x9c: {  	_ =	strace s3  }
0x9d: {  	_ =	strace $0x8FFFFFFF  }
0x9e: {  	s18 =	sld [smem:$0x3FDB];
	_ =	sdelay $0x1  }
0x9f: {  	s19 =	simm.s32 $_scs_section_size  }
0xa0: {  	s5 =	simm.s32 $_size__tile_overlayer_lowered;
	s6 =	simm.s32 $_tile_overlayer_lowered  }
0xa1: {  	s22 =	simm.s32 $0x1BFF;
	s21 =	sshll.u32 s6, $0x1;
	s3 =	sadd.s32 s19, s18  }
0xa2: {  	s7 =	simm.s32 $0x0;
	s20 =	sshll.u32 s5, $0x1;
	s5 =	sadd.s32 s21, s3  }
0xa3: {  	[timem:s7], [sflag:s22] =	dma.local [hbm:s5], s20  }
0xa4: {  	_ =	swait.ge [sflag:s22], s20  }
0xa5: {  	s4 =	ssub.s32 $0x0, s20;
	[sflag:s22] =	ssyncset.done $0x0  }
0xa6: {  	[sflag:s22] =	ssyncadd.s32 s4;
	_ =	sdelay $0x1  }
0xa7: {  	s23 =	simm.s32 $0x1B8B  }
0xa8: {  	_ =	swait.ge [sflag:s23], $0x1  }
0xa9: {  	[sflag:s23] =	ssyncset.done $0x0  }
0xaa: {  	s25 =	simm.s32 $0x1B8E;
	s24 =	sld [smem:$0x3FFE];
	[sflag:s23] =	ssyncadd.s32 $0xFFFFFFFF  }
0xab: {  	s26 =	simm.s32 $execute0_lowered;
	[smem:$0x3FD2] =	sst s25  }
0xac: {  	s5 =	sshll.u32 s26, $0x1;
	_ =	strace $0x8000004F;
	[dreg:$0x1] =	wrdreg $0xFFFFFFFF  }
0xad: {  	s28 =	simm.s32 $_size_execute0_lowered;
	s3 =	sadd.s32 s3, s5;
	[dreg:$0x0] =	wrdreg $0x0  }
0xae: {  	s5 =	sshll.u32 s28, $0x1;
	[dreg:$0x2] =	wrdreg s3  }
0xaf: {  	[dreg:$0x3] =	wrdreg s5  }
0xb0: {  	[dreg:$0x4] =	wrdreg $0xC0  }
0xb1: {  	_ =	task [dreg:s7], $0x5FFFF  }
0xb2: {  	[dreg:$0x1] =	wrdreg $0xFFFFFFFF  }
0xb3: {  	[dreg:$0x0] =	wrdreg $0x60  }
0xb4: {  	[dreg:$0x2] =	wrdreg s24  }
0xb5: {  	[dreg:$0x3] =	wrdreg s16  }
0xb6: {  	[dreg:$0x4] =	wrdreg $0x82000  }
0xb7: {  	[dreg:$0x5] =	wrdreg $0x9  }
0xb8: {  	_ =	task.clear_ibuf [dreg:s7], $0x6FFFF;
	_ =	strace $0x9000004F  }
0xb9: {  	s29 =	simm.s32 $0x9;
	_ =	strace $0x80000051  }
0xba: {  	_ =	swait.ge [sflag:s29], $0x1  }
0xbb: {  	[sflag:s29] =	ssyncadd.s32 $0xFFFFFFFF  }
0xbc: {  	_ =	strace $0x90000051  }
0xbd: {  	_ =	sfence  }
0xbe: {  	s30 =	sld [smem:$0x0];
	_ =	sdelay $0x2  }
0xbf: {  	s31 =	sshll.u32 s1, $0xD;
	s1 =	sshrl.u32 s1, $0x2  }
0xc0: {  	s3 =	sand.u32 $0x4000, s31;
	s1 =	sadd.s32 s1, s30  }
0xc1: {  	s0 =	sor.u32 s3, s0;
	s1 =	sshll.u32 s1, $0x11  }
0xc2: {  	s0 =	sor.u32 s1, s0  }
0xc3: {  	s0 =	sadd.s32 $0x8F2B, s0  }
0xc4: {  	[sflag:s0] =	ssyncadd.remote.s32 $0x1  }
0xc5: {  	_ =	sfence.sel $0xFFFF  }
0xc6: {  	[dreg:$0x0] =	wrdreg $0xFFFFFFFF;
	(pc) =	sbr.abs _section_cstart, $3  }
0xc7: {  	[dreg:$0x1] =	wrdreg $0xFFFFFFFF  }
0xc8: {  	_ =	task.clear_ibuf [dreg:s7], $0x2FFFF;
	_ =	strace $0x9FFFFFFF  }
0xc9: {  	(tm) =	ssettm $0x7FFFFFFF  }
tec
execute0_lowered:
.L_overlay_start_1:
0x0: {  	(tag) =	ssettag $0x1  }
0x1: {  	s0 =	srdreg.scid;
	s1 =	rddreg [dreg:$0x0]  }
0x2: {  	s4 =	rddreg [dreg:$0x1];
	s12 =	stileid.u32  }
0x3: {  	s2 =	rddreg [dreg:$0x2];
	s16 =	simm.s32 $0x7;
	s19 =	simm.s32 $0x80  }
0x4: {  	s23 =	simm.s32 $0x1;
	s31 =	simm.s32 $0x4200;
	s28 =	simm.s32 $0x6  }
0x5: {  	s29 =	simm.s32 $0x0;
	s0 =	sand.u32 $0x1, s0;
	s7 =	smul.u32 $0x2700, s12  }
0x6: {  	s9 =	smul.u32 $0x4E000, s12;
	s26 =	sshll.u32 s12, $0x6;
	s17 =	sadd.s32 $0x138000, s2  }
0x7: {  	s3 =	sshll.u32 s0, $0x4;
	s6 =	smul.u32 $0x27100, s0;
	s8 =	ssub.s32 $0x2, s0  }
0x8: {  	p0 =	seq.s32 s0, $0x0;
	s5 =	sor.u32 s12, s3;
	s3 =	simm.s32 $0x0  }
0x9: {  	s24 =	sshrl.u32 s8, $0x1;
	s25 =	sshrl.u32 s9, $0x2;
	s10 =	smul.u32 $0x900, s5  }
0xa: {  	[smem:$0x7FF] =	sst s3;
	s5 =	sadd.s32 $0x3D600, s1;
	s13 =	sadd.s32 s6, s1  }
0xb: {  	s14 =	ssub.s32 s8, s24;
	s6 =	simm.s32 $0x90;
	s0 =	sadd.s32 s25, s2  }
0xc: {  	s8 =	sor.u32 $0x1C07, s26;
	s25 =	simm.s32 $0x2;
	s26 =	simm.s32 $0x5  }
0xd: {  	_ =	strace $0x80000050;
	[dreg:$0x5] =	wrdreg s7;
	s7 =	sadd.s32 s7, s1  }
0xe: {  	s6 =	simm.s32 @!p0 $0xE;
	s13 =	sadd.s32 $0x64800, s13;
	s14 =	smax.u32 s14, $0x1  }
0xf: {  	p0 =	sne.s32 s12, $0xF;
	s15 =	sshrl.u32 s0, $0x3;
	[dreg:$0x4] =	wrdreg s31  }
0x10: {  	s11 =	sadd.s32 s10, s1;
	s7 =	sadd.s32 $0x16400, s7;
	s1 =	sadd.s32 $0x3D400, s1  }
0x11: {  	s10 =	sadd.s32 s4, s10;
	s30 =	sshrl.u32 s6, $0x1;
	[dreg:$0x6] =	wrdreg s7  }
0x12: {  	s17 =	sshrl.u32 @!p0 s17, $0x3;
	[dreg:$0x7] =	wrdreg s1;
	s11 =	sadd.s32 $0x4400, s11  }
0x13: {  	[dreg:$0x8] =	wrdreg s30;
	s18 =	sadd.s32 $0x10, s10;
	s21 =	sadd.s32 $0x10, s11  }
.LBB2_1:
0x14: {  	s0 =	rddreg [dreg:$0x6]  }
0x15: {  	[spmem:s15], [sflag:s8] =	dma.local [hbm:s0], $0x2700  }
0x16: {  	_ =	swait.ge [sflag:s16], $0x2700  }
0x17: {  	[sflag:s16] =	ssyncset.done $0x0  }
0x18: {  	s30 =	simm.s32 @!p0 $0x7;
	s0 =	rddreg [dreg:$0x7];
	[sflag:s16] =	ssyncadd.s32 $0xFFFFD900  }
0x19: {  	[spmem:s17], [sflag:s8] =	dma.local @!p0 [hbm:s0], $0x180  }
0x1a: {  	_ =	swait.ge @!p0 [sflag:s30], $0x180  }
0x1b: {  	[sflag:s30] =	ssyncset.done @!p0 $0x0  }
0x1c: {  	[sflag:s30] =	ssyncadd.s32 @!p0 $0xFFFFFE80  }
0x1d: {  	[bflag:$0x0] =	sbarrier.arrive $0xFFFF  }
0x1e: {  	[tilespmem:s3], [sflag:$0x1] =	stream.linear.gather [hbm4b:s10+s3], $0x80, $0x38;
	[tilespmem:$0x1BAC0] =	vst v63  }
0x1f: {  	_ = 	snop  }
0x20: {  	[tilespmem:s19], [sflag:$0x2] =	stream.linear.gather [hbm4b:s18+s3], $0x80, $0x38;
	[tilespmem:$0x1BAC0] =	vst v63  }
0x21: {  	s7 =	simm.s32 $0x100  }
0x22: {  	[tilespmem:s7], [sflag:$0x3] =	stream.linear.gather [hbm4b:s11+s3], $0x80, $0x38;
	[tilespmem:$0x1BAC0] =	vst v63  }
0x23: {  	s9 =	simm.s32 $0x180  }
0x24: {  	[tilespmem:s9], [sflag:$0x4] =	stream.linear.gather [hbm4b:s21+s3], $0x80, $0x38;
	[tilespmem:$0x1BAC0] =	vst v63  }
0x25: {  	_ =	swait.ge [sflag:s23], $0x80  }
0x26: {  	[sflag:s23] =	ssyncset.done $0x0  }
0x27: {  	s12 =	simm.s32 $0x200;
	[sflag:s23] =	ssyncadd.s32 $0xFFFFFF80  }
0x28: {  	[tilespmem:s12], [sflag:$0x5] =	stream.indirect.gather [hbm4b:s5+s19], $0x80, s3, s19, $0xb8;
	[tilespmem:$0x1BAC0] =	vst v63  }
0x29: {  	_ =	swait.ge [sflag:s25], $0x80  }
0x2a: {  	[sflag:s25] =	ssyncset.done $0x0  }
0x2b: {  	s20 =	rddreg [dreg:$0x4];
	[sflag:s25] =	ssyncadd.s32 $0xFFFFFF80  }
0x2c: {  	[tilespmem:s20], [sflag:$0x6] =	stream.indirect.gather [hbm4b:s5+s19], $0x80, s19, s19, $0xb8;
	[tilespmem:$0x1BAC0] =	vst v63  }
0x2d: {  	_ =	swait.ge [sflag:s26], $0x4000  }
0x2e: {  	p1 =	sle.u32 s6, $0x2;
	[sflag:s26] =	ssyncset.done $0x0  }
0x2f: {  	s0 =	simm.s32 @p1 $0x3;
	[sflag:s26] =	ssyncadd.s32 $0xFFFFC000  }
0x30: {  	_ =	swait.ge @p1 [sflag:s0], $0x80  }
0x31: {  	s1 =	simm.s32 @p1 $0x200;
	s4 =	simm.s32 @p1 $0x7;
	[sflag:s0] =	ssyncset.done @p1 $0x0  }
0x32: {  	s20 =	simm.s32 @p1 $0x100;
	[sflag:s0] =	ssyncadd.s32 @p1 $0xFFFFFF80;
	s0 =	simm.s32 @p1 $0x80  }
0x33: {  	[spmem:s2] =	stream.indirect.scatter.add.f32 @p1 [tilespmem:s1], [sflag:$0x7], $0x80, s20, s0, $0xb8;
	[tilespmem:$0x1BAC0] =	vst v63  }
0x34: {  	_ =	swait.ge @p1 [sflag:s4], $0x4000  }
0x35: {  	s20 =	sadd.s32 $0x20, s10;
	[sflag:s4] =	ssyncset.done @p1 $0x0  }
0x36: {  	s0 =	simm.s32 @!p1 $0x0;
	s1 =	simm.s32 @!p1 $0x3;
	[sflag:s4] =	ssyncadd.s32 @p1 $0xFFFFC000  }
0x37: {  	[tilespmem:s0], [sflag:$0x1] =	stream.linear.gather @!p1 [hbm4b:s20+s0], $0x80, $0x38;
	[tilespmem:$0x1BAC0] =	vst v63  }
0x38: {  	_ =	swait.ge @!p1 [sflag:s1], $0x80  }
0x39: {  	s22 =	simm.s32 @!p1 $0x7;
	s24 =	simm.s32 @!p1 $0x100;
	[sflag:s1] =	ssyncset.done @!p1 $0x0  }
0x3a: {  	s4 =	simm.s32 @!p1 $0x200;
	[sflag:s1] =	ssyncadd.s32 @!p1 $0xFFFFFF80;
	s1 =	simm.s32 @!p1 $0x80  }
0x3b: {  	[spmem:s2] =	stream.indirect.scatter.add.f32 @!p1 [tilespmem:s4], [sflag:$0x7], $0x80, s24, s1, $0xb8;
	[tilespmem:$0x1BAC0] =	vst v63  }
0x3c: {  	_ =	swait.ge @!p1 [sflag:s22], $0x4000  }
0x3d: {  	[sflag:s22] =	ssyncset.done @!p1 $0x0  }
0x3e: {  	s7 =	sadd.s32 $0x20, s11;
	[sflag:s22] =	ssyncadd.s32 @!p1 $0xFFFFC000;
	s22 =	simm.s32 @!p1 $0x1  }
0x3f: {  	[tilespmem:s24], [sflag:$0x3] =	stream.linear.gather @!p1 [hbm4b:s7+s0], $0x80, $0x38;
	[tilespmem:$0x1BAC0] =	vst v63  }
0x40: {  	_ =	swait.ge @!p1 [sflag:s22], $0x80  }
0x41: {  	[sflag:s22] =	ssyncset.done @!p1 $0x0  }
0x42: {  	[sflag:s22] =	ssyncadd.s32 @!p1 $0xFFFFFF80  }
0x43: {  	[tilespmem:s4], [sflag:$0x5] =	stream.indirect.gather @!p1 [hbm4b:s5+s1], $0x80, s0, s1, $0xb8;
	[tilespmem:$0x1BAC0] =	vst v63  }
0x44: {  	_ =	swait.ge [sflag:s28], $0x4000  }
0x45: {  	p2 =	sle.u32 s6, $0x3;
	[sflag:s28] =	ssyncset.done $0x0  }
0x46: {  	s0 =	simm.s32 @p2 $0x4;
	[sflag:s28] =	ssyncadd.s32 $0xFFFFC000  }
0x47: {  	_ =	swait.ge @p2 [sflag:s0], $0x80  }
0x48: {  	s22 =	simm.s32 @p2 $0x180;
	s1 =	simm.s32 @p2 $0x4200;
	[sflag:s0] =	ssyncset.done @p2 $0x0  }
0x49: {  	s4 =	simm.s32 @p2 $0x7;
	[sflag:s0] =	ssyncadd.s32 @p2 $0xFFFFFF80;
	s0 =	simm.s32 @p2 $0x80  }
0x4a: {  	[spmem:s2] =	stream.indirect.scatter.add.f32 @p2 [tilespmem:s1], [sflag:$0x7], $0x80, s22, s0, $0xb8;
	[tilespmem:$0x1BAC0] =	vst v63  }
0x4b: {  	_ =	swait.ge @p2 [sflag:s4], $0x4000  }
0x4c: {  	s24 =	simm.s32 @!p2 $0x0;
	s0 =	simm.s32 @!p2 $0x80;
	[sflag:s4] =	ssyncset.done @p2 $0x0  }
0x4d: {  	s1 =	simm.s32 @!p2 $0x4;
	[sflag:s4] =	ssyncadd.s32 @p2 $0xFFFFC000;
	s4 =	sadd.s32 @!p2 $0x10, s20  }
0x4e: {  	[tilespmem:s0], [sflag:$0x2] =	stream.linear.gather @!p2 [hbm4b:s4+s24], $0x80, $0x38;
	[tilespmem:$0x1BAC0] =	vst v63  }
0x4f: {  	_ =	swait.ge @!p2 [sflag:s1], $0x80  }
0x50: {  	s9 =	simm.s32 @!p2 $0x7;
	[sflag:s1] =	ssyncset.done @!p2 $0x0  }
0x51: {  	s22 =	simm.s32 @!p2 $0x4200;
	s4 =	simm.s32 @!p2 $0x180;
	[sflag:s1] =	ssyncadd.s32 @!p2 $0xFFFFFF80  }
0x52: {  	[spmem:s2] =	stream.indirect.scatter.add.f32 @!p2 [tilespmem:s22], [sflag:$0x7], $0x80, s4, s0, $0xb8;
	[tilespmem:$0x1BAC0] =	vst v63  }
0x53: {  	_ =	swait.ge @!p2 [sflag:s9], $0x4000  }
0x54: {  	s22 =	rddreg [dreg:$0x8]  }
0x55: {  	s31 =	sadd.s32 $0xFFFFFFFF, s22  }
0x56: {  	p1 =	sne.s32 s31, $0x0  }
.Ltmp0:
0x57: {  	_ = 	snop;
	(pc) =	sbr.rel @!p1 .LBB2_3-.Ltmp0, $3  }
0x58: {  	_ =	sdelay $0x1  }
0x59: {  	s20 =	sadd.s32 $0x20, s20;
	s1 =	sadd.s32 $0x20, s7;
	[sflag:s9] =	ssyncset.done @!p2 $0x0  }
0x5a: {  	s0 =	simm.s32 $0x4;
	[sflag:s9] =	ssyncadd.s32 @!p2 $0xFFFFC000;
	s22 =	sadd.s32 @!p2 $0x10, s7  }
.LBB2_2:
0x5b: {  	[tilespmem:s4], [sflag:$0x4] =	stream.linear.gather @!p2 [hbm4b:s22+s24], $0x80, $0x38;
	[tilespmem:$0x1BAC0] =	vst v63  }
0x5c: {  	_ =	swait.ge [sflag:s25], $0x80  }
0x5d: {  	[sflag:s25] =	ssyncset.done $0x0  }
0x5e: {  	s12 =	rddreg [dreg:$0x4];
	[sflag:s25] =	ssyncadd.s32 $0xFFFFFF80  }
0x5f: {  	[tilespmem:s12], [sflag:$0x6] =	stream.indirect.gather [hbm4b:s5+s19], $0x80, s19, s19, $0xb8;
	[tilespmem:$0x1BAC0] =	vst v63  }
0x60: {  	_ =	swait.ge [sflag:s26], $0x4000  }
0x61: {  	p2 =	sge.u32 s0, s6;
	[sflag:s26] =	ssyncset.done $0x0  }
0x62: {  	s4 =	simm.s32 @p2 $0x3;
	[sflag:s26] =	ssyncadd.s32 $0xFFFFC000  }
0x63: {  	_ =	swait.ge @p2 [sflag:s4], $0x80  }
0x64: {  	s7 =	simm.s32 @p2 $0x200;
	s9 =	simm.s32 @p2 $0x7;
	[sflag:s4] =	ssyncset.done @p2 $0x0  }
0x65: {  	s24 =	simm.s32 @p2 $0x100;
	[sflag:s4] =	ssyncadd.s32 @p2 $0xFFFFFF80;
	s4 =	simm.s32 @p2 $0x80  }
0x66: {  	[spmem:s2] =	stream.indirect.scatter.add.f32 @p2 [tilespmem:s7], [sflag:$0x7], $0x80, s24, s4, $0xb8;
	[tilespmem:$0x1BAC0] =	vst v63  }
0x67: {  	_ =	swait.ge @p2 [sflag:s9], $0x4000  }
0x68: {  	[sflag:s9] =	ssyncset.done @p2 $0x0  }
0x69: {  	s4 =	simm.s32 @!p2 $0x0;
	s7 =	simm.s32 @!p2 $0x3;
	[sflag:s9] =	ssyncadd.s32 @p2 $0xFFFFC000  }
0x6a: {  	[tilespmem:s4], [sflag:$0x1] =	stream.linear.gather @!p2 [hbm4b:s20+s4], $0x80, $0x38;
	[tilespmem:$0x1BAC0] =	vst v63  }
0x6b: {  	_ =	swait.ge @!p2 [sflag:s7], $0x80  }
0x6c: {  	s12 =	simm.s32 @!p2 $0x100;
	s24 =	simm.s32 @!p2 $0x7;
	[sflag:s7] =	ssyncset.done @!p2 $0x0  }
0x6d: {  	s9 =	simm.s32 @!p2 $0x200;
	[sflag:s7] =	ssyncadd.s32 @!p2 $0xFFFFFF80;
	s7 =	simm.s32 @!p2 $0x80  }
0x6e: {  	[spmem:s2] =	stream.indirect.scatter.add.f32 @!p2 [tilespmem:s9], [sflag:$0x7], $0x80, s12, s7, $0xb8;
	[tilespmem:$0x1BAC0] =	vst v63  }
0x6f: {  	_ =	swait.ge @!p2 [sflag:s24], $0x4000  }
0x70: {  	[sflag:s24] =	ssyncset.done @!p2 $0x0  }
0x71: {  	[sflag:s24] =	ssyncadd.s32 @!p2 $0xFFFFC000;
	s24 =	simm.s32 @!p2 $0x1  }
0x72: {  	[tilespmem:s12], [sflag:$0x3] =	stream.linear.gather @!p2 [hbm4b:s1+s4], $0x80, $0x38;
	[tilespmem:$0x1BAC0] =	vst v63  }
0x73: {  	_ =	swait.ge @!p2 [sflag:s24], $0x80  }
0x74: {  	[sflag:s24] =	ssyncset.done @!p2 $0x0  }
0x75: {  	[sflag:s24] =	ssyncadd.s32 @!p2 $0xFFFFFF80  }
0x76: {  	[tilespmem:s9], [sflag:$0x5] =	stream.indirect.gather @!p2 [hbm4b:s5+s7], $0x80, s4, s7, $0xb8;
	[tilespmem:$0x1BAC0] =	vst v63  }
0x77: {  	s24 =	sadd.s32 $0x1, s0;
	_ =	swait.ge [sflag:s28], $0x4000  }
0x78: {  	p2 =	sge.u32 s24, s6;
	[sflag:s28] =	ssyncset.done $0x0  }
0x79: {  	s4 =	simm.s32 @p2 $0x4;
	[sflag:s28] =	ssyncadd.s32 $0xFFFFC000  }
0x7a: {  	_ =	swait.ge @p2 [sflag:s4], $0x80  }
0x7b: {  	s7 =	simm.s32 @p2 $0x4200;
	s9 =	simm.s32 @p2 $0x7;
	[sflag:s4] =	ssyncset.done @p2 $0x0  }
0x7c: {  	s12 =	simm.s32 @p2 $0x180;
	[sflag:s4] =	ssyncadd.s32 @p2 $0xFFFFFF80;
	s4 =	simm.s32 @p2 $0x80  }
0x7d: {  	[spmem:s2] =	stream.indirect.scatter.add.f32 @p2 [tilespmem:s7], [sflag:$0x7], $0x80, s12, s4, $0xb8;
	[tilespmem:$0x1BAC0] =	vst v63  }
0x7e: {  	s31 =	sadd.s32 $0xFFFFFFFF, s31;
	_ =	swait.ge @p2 [sflag:s9], $0x4000  }
0x7f: {  	s24 =	simm.s32 @!p2 $0x0;
	s7 =	simm.s32 @!p2 $0x80;
	[sflag:s9] =	ssyncset.done @p2 $0x0  }
0x80: {  	s4 =	simm.s32 @!p2 $0x4;
	[sflag:s9] =	ssyncadd.s32 @p2 $0xFFFFC000;
	s9 =	sadd.s32 @!p2 $0x10, s20  }
0x81: {  	[tilespmem:s7], [sflag:$0x2] =	stream.linear.gather @!p2 [hbm4b:s9+s24], $0x80, $0x38;
	[tilespmem:$0x1BAC0] =	vst v63  }
0x82: {  	p1 =	sne.s32 s31, $0x0;
	_ =	swait.ge @!p2 [sflag:s4], $0x80  }
0x83: {  	s12 =	simm.s32 @!p2 $0x7;
	s9 =	simm.s32 @!p2 $0x4200;
	[sflag:s4] =	ssyncset.done @!p2 $0x0  }
.Ltmp1:
0x84: {  	[sflag:s4] =	ssyncadd.s32 @!p2 $0xFFFFFF80;
	s4 =	simm.s32 @!p2 $0x180;
	(pc) =	sbr.rel @p1 .LBB2_2-.Ltmp1, $4  }
0x85: {  	[spmem:s2] =	stream.indirect.scatter.add.f32 @!p2 [tilespmem:s9], [sflag:$0x7], $0x80, s4, s7, $0xb8;
	[tilespmem:$0x1BAC0] =	vst v63  }
0x86: {  	s22 =	smov.u32 s1;
	_ =	swait.ge @!p2 [sflag:s12], $0x4000  }
0x87: {  	s1 =	sadd.s32 $0x20, s1;
	s0 =	sadd.s32 $0x2, s0;
	[sflag:s12] =	ssyncset.done @!p2 $0x0  }
0x88: {  	s22 =	sadd.s32 @!p2 $0x10, s22;
	s20 =	sadd.s32 $0x20, s20;
	[sflag:s12] =	ssyncadd.s32 @!p2 $0xFFFFC000  }
.LBB2_3:
0x89: {  	[tilespmem:s4], [sflag:$0x4] =	stream.linear.gather @!p2 [hbm4b:s22+s24], $0x80, $0x38;
	[tilespmem:$0x1BAC0] =	vst v63  }
0x8a: {  	[bflag:$0x0] =	sbarrier.arrive $0xFFFF  }
0x8b: {  	s0 =	rddreg [dreg:$0x5]  }
0x8c: {  	s0 =	sadd.s32 s0, s13  }
0x8d: {  	[hbm:s0], [sflag:s8] =	dma.local [spmem:s15], $0x2700  }
0x8e: {  	s29 =	sadd.s32 $0x1, s29;
	_ =	swait.ge [sflag:s16], $0x2700  }
0x8f: {  	p1 =	sne.s32 s29, s14;
	[sflag:s16] =	ssyncset.done $0x0  }
.Ltmp2:
0x90: {  	s0 =	sadd.s32 @!p0 $0x27000, s13;
	[sflag:s16] =	ssyncadd.s32 $0xFFFFD900;
	(pc) =	sbr.rel @p1 .LBB2_1-.Ltmp2, $4  }
0x91: {  	[hbm:s0], [sflag:s8] =	dma.local @!p0 [spmem:s17], $0x100  }
0x92: {  	_ =	swait.ge @!p0 [sflag:s30], $0x100  }
0x93: {  	[sflag:s30] =	ssyncset.done @!p0 $0x0  }
0x94: {  	[sflag:s30] =	ssyncadd.s32 @!p0 $0xFFFFFF00  }
0x95: {  	_ =	sfence.sel $0x180000  }
0x96: {  	[bflag:$0x0] =	sbarrier.arrive $0xFFFF  }
0x97: {  	_ =	strace $0x90000050  }
0x98: {  	s0 =	stileid.u32;
	[bflag:$0x2] =	sbarrier.arrive $0xFFFF  }
0x99: {  	p0 =	sne.s32 s0, $0x0;
	s0 =	rddreg [dreg:$0x3]  }
0x9a: {  	s0 =	sadd.s32 @!p0 $0x100000, s0  }
0x9b: {  	[sflag:s0] =	ssyncadd.tile.s32 @!p0 $0x1;
	_ =	shalt  }
.Lfunc_end2:
_tile_overlayer_lowered:
.L_overlay_start_2:
0x9c: {  	(tag) =	ssettag $0x2  }
0x9d: {  	s0 =	rddreg [dreg:$0x0];
	s2 =	stileid.u32  }
0x9e: {  	s1 =	rddreg [dreg:$0x1];
	p0 =	sne.s32 s2, $0x0  }
0x9f: {  	s3 =	rddreg [dreg:$0x2];
	[bflag:$0x3] =	sbarrier.arrive $0xFFFF;
	s2 =	simm.s32 @!p0 $0x1C07  }
0xa0: {  	[timem:s3], [sflag:s2] =	dma.local @!p0 [hbm:s0], s1  }
0xa1: {  	s0 =	simm.s32 @!p0 $0x7  }
0xa2: {  	_ =	swait.ge @!p0 [sflag:s0], s1  }
0xa3: {  	s1 =	ssub.s32 @!p0 $0x0, s1;
	[sflag:s0] =	ssyncset.done @!p0 $0x0  }
0xa4: {  	[sflag:s0] =	ssyncadd.s32 @!p0 s1  }
0xa5: {  	[bflag:$0x3] =	sbarrier.arrive $0xFFFF  }
0xa6: {  	_ =	shalt  }

</sc_bundles>
